<compile_context>
chip_gen: v7x
topology: tpu7x:2x2x1
jax: 0.10.2.dev20260603
libtpu: 0.0.44.dev20260713+nightly
codegen_flags: <defaults>
</compile_context>

<pallas_src>
import functools

import jax
import jax.numpy as jnp
from jax import lax
from jax.experimental import pallas as pl
from jax.experimental.pallas import tpu as pltpu
from jax.experimental.pallas import tpu_sc as plsc

_N = 10000
_E = 320000
_H = 128
_G = 128
_C = 10

_NC = 2
_NS = 16
_EPC = _E // _NC
_EPW = _E // (_NC * _NS)
_CHUNK = 104
_RPW = 624
_RTAIL = _N - _NS * _RPW
_NW = _NC * _NS
_EPW2 = 9984
_NCH = _EPW2 // _CHUNK
_NBUF = 3
_XBASE = _NW * _EPW2
_XCH = 64

_BN = 2000


def _sc_aggregate(xin, edge_flat):
    mesh = plsc.VectorSubcoreMesh(core_axis_name="c", subcore_axis_name="s")

    @functools.partial(
        pl.kernel,
        out_type=jax.ShapeDtypeStruct((_NC * _N, _H), jnp.float32),
        mesh=mesh,
        scratch_types=[
            pltpu.VMEM((_EPW2,), jnp.int32),
            pltpu.VMEM((_NBUF, _CHUNK), jnp.int32),
            pltpu.VMEM((_NBUF, _CHUNK, _H), jnp.float32),
            pltpu.VMEM((_XCH,), jnp.int32),
            pltpu.VMEM((_XCH,), jnp.int32),
            pltpu.VMEM_SHARED((_N, _H), jnp.float32),
            pltpu.SemaphoreType.DMA,
            pltpu.SemaphoreType.DMA((_NBUF,)),
            pltpu.SemaphoreType.DMA((_NBUF,)),
            pltpu.SemaphoreType.DMA((_NBUF,)),
        ],
    )
    def agg(x_hbm, edge_hbm, out_hbm,
            srcs_v, dring, rows, srcx_v, dstx_v, acc_sh,
            sem_s, gsem, dsem, ssem):
        c = lax.axis_index("c")
        s = lax.axis_index("s")
        w = c * _NS + s
        ebase = w * _EPW2

        def fire_chunk(j, b):
            pltpu.async_copy(edge_hbm.at[pl.ds(_E + ebase + j * _CHUNK, _CHUNK)],
                             dring.at[b], dsem.at[b])
            pltpu.async_copy(x_hbm.at[srcs_v.at[pl.ds(j * _CHUNK, 48)]],
                             rows.at[b].at[pl.ds(0, 48)], gsem.at[b])
            pltpu.async_copy(x_hbm.at[srcs_v.at[pl.ds(j * _CHUNK + 48, 56)]],
                             rows.at[b].at[pl.ds(48, 56)], gsem.at[b])

        def wait_gather(j, b):
            pltpu.make_async_copy(
                x_hbm.at[srcs_v.at[pl.ds(j * _CHUNK, _CHUNK)]],
                rows.at[b], gsem.at[b]).wait()
            pltpu.make_async_copy(
                edge_hbm.at[pl.ds(_E + ebase + j * _CHUNK, _CHUNK)],
                dring.at[b], dsem.at[b]).wait()

        def wait_scatter(b):
            pltpu.make_async_copy(rows.at[b], acc_sh.at[dring.at[b]],
                                  ssem.at[b]).wait()


        stage = pltpu.async_copy(edge_hbm.at[pl.ds(ebase, _EPW2)], srcs_v, sem_s)

        def zero_body(i, _):
            for j in range(_H // 16):
                rows[2, i, pl.ds(j * 16, 16)] = jnp.zeros((16,), jnp.float32)
            return 0
        lax.fori_loop(0, _CHUNK, zero_body, 0)
        stage.wait()
        for b in range(_NBUF - 1):
            fire_chunk(b, b)
        r0 = s * _RPW
        for k in range(_RPW // _CHUNK):
            pltpu.async_copy(rows.at[2].at[pl.ds(0, _CHUNK)],
                            acc_sh.at[pl.ds(r0 + k * _CHUNK, _CHUNK)], ssem.at[2])

        @pl.when(s == _NS - 1)
        def _():
            pltpu.async_copy(rows.at[2].at[pl.ds(0, _RTAIL)],
                            acc_sh.at[pl.ds(_NS * _RPW, _RTAIL)], ssem.at[2])
        for k in range(_RPW // _CHUNK):
            pltpu.make_async_copy(rows.at[2].at[pl.ds(0, _CHUNK)],
                                  acc_sh.at[pl.ds(r0 + k * _CHUNK, _CHUNK)],
                                  ssem.at[2]).wait()

        @pl.when(s == _NS - 1)
        def _():
            pltpu.make_async_copy(rows.at[2].at[pl.ds(0, _RTAIL)],
                                  acc_sh.at[pl.ds(_NS * _RPW, _RTAIL)],
                                  ssem.at[2]).wait()
        plsc.subcore_barrier()

        def body(t, _):
            for b in range(_NBUF):
                j = t * _NBUF + b
                wait_gather(j, b)
                pltpu.async_copy(rows.at[b], acc_sh.at[dring.at[b]],
                                 ssem.at[b], add=True)
                b2 = (b + _NBUF - 1) % _NBUF

                @pl.when(j >= 1)
                def _():
                    wait_scatter(b2)

                @pl.when(j + 2 < _NCH)
                def _():
                    fire_chunk(j + 2, b2)
            return 0
        lax.fori_loop(0, _NCH // _NBUF, body, 0)

        wait_scatter((_NCH - 1) % _NBUF)

        @pl.when(w < 8)
        def _():
            e0 = _XBASE + w * _XCH
            pltpu.sync_copy(edge_hbm.at[pl.ds(e0, _XCH)], srcx_v)
            pltpu.sync_copy(edge_hbm.at[pl.ds(_E + e0, _XCH)], dstx_v)
            pltpu.async_copy(x_hbm.at[srcx_v],
                             rows.at[0].at[pl.ds(0, _XCH)], gsem.at[0]).wait()
            pltpu.sync_copy(rows.at[0].at[pl.ds(0, _XCH)],
                            acc_sh.at[dstx_v], add=True)

        plsc.subcore_barrier()
        pltpu.sync_copy(acc_sh.at[pl.ds(r0, _RPW)],
                        out_hbm.at[pl.ds(c * _N + r0, _RPW)])

        @pl.when(s == _NS - 1)
        def _():
            pltpu.sync_copy(acc_sh.at[pl.ds(_NS * _RPW, _RTAIL)],
                            out_hbm.at[pl.ds(c * _N + _NS * _RPW, _RTAIL)])

    return agg(xin, edge_flat)


def _gin_dense(z, agg0, agg1, wm, bias_row, eps_ref):
    return jnp.maximum(
        lax.dot_general((1.0 + eps_ref[0, 0]) * z + agg0 + agg1, wm,
                        (((1,), (1,)), ((), ())),
                        preferred_element_type=jnp.float32) + bias_row, 0.0)


def _tc_layer1(xin, parts, W, mask, b, eps):
    def body(eps_ref, x_ref, p0_ref, p1_ref, w_ref, m_ref, b_ref, o_ref):
        wm = w_ref[...] * m_ref[...]
        o_ref[...] = _gin_dense(x_ref[...], p0_ref[...], p1_ref[...], wm,
                                b_ref[...], eps_ref)

    nb = _N // _BN
    return pl.pallas_call(
        body,
        grid=(nb,),
        in_specs=[
            pl.BlockSpec(memory_space=pltpu.SMEM),
            pl.BlockSpec((_BN, _H), lambda i: (i, 0)),
            pl.BlockSpec((_BN, _H), lambda i: (i, 0)),
            pl.BlockSpec((_BN, _H), lambda i: (i + nb, 0)),
            pl.BlockSpec((_H, _H), lambda i: (0, 0)),
            pl.BlockSpec((_H, _H), lambda i: (0, 0)),
            pl.BlockSpec((1, _H), lambda i: (0, 0)),
        ],
        out_specs=pl.BlockSpec((_BN, _H), lambda i: (i, 0)),
        out_shape=jax.ShapeDtypeStruct((_N, _H), jnp.float32),
    )(eps.reshape(1, 1), xin, parts, parts, W, mask, b.reshape(1, _H))


def _tc_layer2_pool(zin, parts, W, mask, b, eps, batch_col, Wp, bp):
    nb = _N // _BN

    def body(eps_ref, z_ref, p0_ref, p1_ref, w_ref, m_ref, b_ref,
             bt_ref, wp_ref, bp_ref, o_ref, pool_acc, cnt_acc):
        i = pl.program_id(0)
        wm = w_ref[...] * m_ref[...]
        z2 = _gin_dense(z_ref[...], p0_ref[...], p1_ref[...], wm,
                        b_ref[...], eps_ref)
        gid = lax.broadcasted_iota(jnp.int32, (_BN, _G), 1)
        onehot = (bt_ref[...] == gid).astype(jnp.float32)

        @pl.when(i == 0)
        def _():
            pool_acc[...] = jnp.zeros_like(pool_acc)
            cnt_acc[...] = jnp.zeros_like(cnt_acc)

        dn = (((0,), (0,)), ((), ()))
        pool_acc[...] += lax.dot_general(onehot, z2, dn,
                                         preferred_element_type=jnp.float32)
        cnt_acc[...] += lax.dot_general(onehot, jnp.ones((_BN, _H), jnp.float32),
                                        dn, preferred_element_type=jnp.float32)

        @pl.when(i == nb - 1)
        def _():
            mean = pool_acc[...] / jnp.maximum(cnt_acc[...], 1.0)
            y = lax.dot_general(mean, wp_ref[...], (((1,), (1,)), ((), ())),
                                preferred_element_type=jnp.float32) + bp_ref[...]
            o_ref[...] = jax.nn.sigmoid(y)

    return pl.pallas_call(
        body,
        grid=(nb,),
        in_specs=[
            pl.BlockSpec(memory_space=pltpu.SMEM),
            pl.BlockSpec((_BN, _H), lambda i: (i, 0)),
            pl.BlockSpec((_BN, _H), lambda i: (i, 0)),
            pl.BlockSpec((_BN, _H), lambda i: (i + nb, 0)),
            pl.BlockSpec((_H, _H), lambda i: (0, 0)),
            pl.BlockSpec((_H, _H), lambda i: (0, 0)),
            pl.BlockSpec((1, _H), lambda i: (0, 0)),
            pl.BlockSpec((_BN, 1), lambda i: (i, 0)),
            pl.BlockSpec((_C, _H), lambda i: (0, 0)),
            pl.BlockSpec((1, _C), lambda i: (0, 0)),
        ],
        out_specs=pl.BlockSpec((_G, _C), lambda i: (0, 0)),
        out_shape=jax.ShapeDtypeStruct((_G, _C), jnp.float32),
        scratch_shapes=[
            pltpu.VMEM((_G, _H), jnp.float32),
            pltpu.VMEM((_G, _H), jnp.float32),
        ],
    )(eps.reshape(1, 1), zin, parts, parts, W, mask, b.reshape(1, _H),
      batch_col, Wp, bp.reshape(1, _C))


def kernel(x, edge_index, batch, weights, W1, b1, eps1, W2, b2, eps2, Wp, bp):
    edge_flat = edge_index.reshape(2 * _E)
    batch_col = batch.reshape(_N, 1)
    parts1 = _sc_aggregate(x, edge_flat)
    z1 = _tc_layer1(x, parts1, W1, weights, b1, eps1)
    parts2 = _sc_aggregate(z1, edge_flat)
    return _tc_layer2_pool(z1, parts2, W2, weights, b2, eps2,
                           batch_col, Wp, bp)

# --- scband reference (transcript-rebuilt; emitter-appended) ---
"""Pipeline reference for scband-molhiv-predictor-83700322664608 (READ-ONLY COPY).

The authoritative reference and input builder live on the scoring server;
editing this copy changes nothing except your own understanding.
"""

import jax, jax.numpy as jnp
import numpy as np

N = 10000
E = 320000
D = 128
H = 128
G = 128
C = 10


def setup_inputs(seed: int = 0) -> dict:
    key = jax.random.key(seed)
    ks = jax.random.split(key, 12)
    x = jax.random.normal(ks[0], (N, D), dtype=jnp.float32)
    edge_index = jax.random.randint(ks[1], (2, E), 0, N, dtype=jnp.int32)
    batch = jnp.sort(jax.random.randint(ks[2], (N,), 0, G, dtype=jnp.int32))
    weights = jax.random.uniform(ks[3], (H, D), dtype=jnp.float32)
    # GIN layer 1 params (nn.Linear(D, H))
    W1 = jax.random.normal(ks[4], (H, D), dtype=jnp.float32) * (1.0 / np.sqrt(D))
    b1 = jnp.zeros((H,), dtype=jnp.float32)
    eps1 = jnp.zeros((), dtype=jnp.float32)
    # GIN layer 2 params (nn.Linear(H, H))
    W2 = jax.random.normal(ks[5], (H, H), dtype=jnp.float32) * (1.0 / np.sqrt(H))
    b2 = jnp.zeros((H,), dtype=jnp.float32)
    eps2 = jnp.zeros((), dtype=jnp.float32)
    # predictor Linear(H, C)
    Wp = jax.random.normal(ks[6], (C, H), dtype=jnp.float32) * (1.0 / np.sqrt(H))
    bp = jnp.zeros((C,), dtype=jnp.float32)
    return {"x": x, "edge_index": edge_index, "batch": batch, "weights": weights,
            "W1": W1, "b1": b1, "eps1": eps1, "W2": W2, "b2": b2, "eps2": eps2,
            "Wp": Wp, "bp": bp}


def _gin_conv(x, edge_index, W, b, eps, mask):
    # mask.set_mask(weights, gin): elementwise mask on the Linear weight
    Wm = W * mask
    src = edge_index[0]
    dst = edge_index[1]
    msgs = jnp.take(x, src, axis=0)                      # gather  [E, d]
    agg = jax.ops.segment_sum(msgs, dst, num_segments=N)  # scatter-add [N, d]
    h = (1.0 + eps) * x + agg
    return h @ Wm.T + b


def reference(x, edge_index, batch, weights, W1, b1, eps1, W2, b2, eps2, Wp, bp):
    z = jax.nn.relu(_gin_conv(x, edge_index, W1, b1, eps1, weights))
    z = jax.nn.relu(_gin_conv(z, edge_index, W2, b2, eps2, weights))
    # global_mean_pool over graph ids
    sums = jax.ops.segment_sum(z, batch, num_segments=G)
    counts = jax.ops.segment_sum(jnp.ones((N,), dtype=jnp.float32), batch, num_segments=G)
    global_z = sums / jnp.maximum(counts, 1.0)[:, None]
    logits = jax.nn.sigmoid(global_z @ Wp.T + bp)
    return logits

if __name__ == "__main__":
    import jax
    _d = setup_inputs()
    print(jax.jit(kernel)(*tuple(_d.values())))

</pallas_src>

<mosaic_0001>
#map = affine_map<(d0, d1) -> (0, 0)>
#map1 = affine_map<(d0, d1) -> (0)>
module attributes {stable_mosaic.version = 14 : i64} {
  func.func @agg(%arg0: i32, %arg1: i32, %arg2: memref<10000x128xf32, #tpu.memory_space<hbm>>, %arg3: memref<640000xi32, #tpu.memory_space<hbm>>, %arg4: memref<20000x128xf32, #tpu.memory_space<hbm>>, %arg5: memref<9984xi32, #tpu.memory_space<vmem>>, %arg6: memref<3x104xi32, #tpu.memory_space<vmem>>, %arg7: memref<3x104x128xf32, #tpu.memory_space<vmem>>, %arg8: memref<64xi32, #tpu.memory_space<vmem>>, %arg9: memref<64xi32, #tpu.memory_space<vmem>>, %arg10: memref<10000x128xf32, #tpu.memory_space<vmem_shared>>, %arg11: memref<!tpu.dma_semaphore, #tpu.memory_space<semaphore_mem>>, %arg12: memref<3x!tpu.dma_semaphore, #tpu.memory_space<semaphore_mem>>, %arg13: memref<3x!tpu.dma_semaphore, #tpu.memory_space<semaphore_mem>>, %arg14: memref<3x!tpu.dma_semaphore, #tpu.memory_space<semaphore_mem>>) attributes {dimension_semantics = [#tpu.dimension_semantics<core_parallel>, #tpu.dimension_semantics<subcore_parallel>], iteration_bounds = array<i64: 2, 16>, scalar_prefetch = 0 : i64, scratch_operands = 10 : i64, tpu.core_type = #tpu.core_type<sc_vector_subcore>, window_params = [{transform_indices = #map}, {transform_indices = #map1}, {transform_indices = #map}]} {
    %mul3A = arith.constant 16 : i32
    %mul3A_0 = arith.muli %arg0, %mul3A : i32
    %add3A = arith.addi %mul3A_0, %arg1 : i32
    %mul3A_1 = arith.constant 9984 : i32
    %mul3A_2 = arith.muli %add3A, %mul3A_1 : i32
    %dma_start3A = tpu.memref_slice %arg3[%mul3A_2] : memref<640000xi32, #tpu.memory_space<hbm>> -> memref<9984xi32, #tpu.memory_space<hbm>>
    %dma_start3A_3 = tpu.memref_slice %arg3[%mul3A_2] : memref<640000xi32, #tpu.memory_space<hbm>> -> memref<9984xi32, #tpu.memory_space<hbm>>
    tpu.enqueue_dma source(%dma_start3A_3 : memref<9984xi32, #tpu.memory_space<hbm>>) target(%arg5 : memref<9984xi32, #tpu.memory_space<vmem>>) target_semaphore(%arg11 : memref<!tpu.dma_semaphore, #tpu.memory_space<semaphore_mem>>)
    %scan3A = arith.constant 0 : i32
    %scan3A_4 = arith.constant 0 : i32
    %scan3A_5 = arith.constant 104 : i32
    %scan3A_6 = arith.addi %scan3A_4, %scan3A_5 : i32
    %scan3A_7 = arith.constant 1 : i32
    %scan3A_8 = scf.for %scan3A_439 = %scan3A_4 to %scan3A_6 step %scan3A_7 iter_args(%scan3A_440 = %scan3A) -> (i32)  : i32 {
      %broadcast_in_dim3A = arith.constant 0.000000e+00 : f32
      %broadcast_in_dim3A_441 = vector.broadcast %broadcast_in_dim3A : f32 to vector<16xf32>
      %swap3A = arith.constant 2 : i32
      %swap3A_442 = arith.index_cast %swap3A : i32 to index
      %swap3A_443 = arith.index_cast %scan3A_439 : i32 to index
      %swap3A_444 = arith.constant 0 : index
      %swap3A_445 = tpu.vector_load %arg7[%swap3A_442, %swap3A_443, %swap3A_444] {strides = array<i32>} : memref<3x104x128xf32, #tpu.memory_space<vmem>>, vector<1x1x16xf32>,
      %swap3A_446 = vector.shape_cast %swap3A_445 : vector<1x1x16xf32> to vector<16xf32>
      %swap3A_447 = vector.shape_cast %broadcast_in_dim3A_441 : vector<16xf32> to vector<1x1x16xf32>
      tpu.vector_store %arg7[%swap3A_442, %swap3A_443, %swap3A_444], %swap3A_447 {strides = array<i32>} : memref<3x104x128xf32, #tpu.memory_space<vmem>>, vector<1x1x16xf32>,
      %broadcast_in_dim3A_448 = arith.constant 0.000000e+00 : f32
      %broadcast_in_dim3A_449 = vector.broadcast %broadcast_in_dim3A_448 : f32 to vector<16xf32>
      %swap3A_450 = arith.constant 2 : i32
      %swap3A_451 = arith.index_cast %swap3A_450 : i32 to index
      %swap3A_452 = arith.index_cast %scan3A_439 : i32 to index
      %swap3A_453 = arith.constant 16 : index
      %swap3A_454 = tpu.vector_load %arg7[%swap3A_451, %swap3A_452, %swap3A_453] {strides = array<i32>} : memref<3x104x128xf32, #tpu.memory_space<vmem>>, vector<1x1x16xf32>,
      %swap3A_455 = vector.shape_cast %swap3A_454 : vector<1x1x16xf32> to vector<16xf32>
      %swap3A_456 = vector.shape_cast %broadcast_in_dim3A_449 : vector<16xf32> to vector<1x1x16xf32>
      tpu.vector_store %arg7[%swap3A_451, %swap3A_452, %swap3A_453], %swap3A_456 {strides = array<i32>} : memref<3x104x128xf32, #tpu.memory_space<vmem>>, vector<1x1x16xf32>,
      %broadcast_in_dim3A_457 = arith.constant 0.000000e+00 : f32
      %broadcast_in_dim3A_458 = vector.broadcast %broadcast_in_dim3A_457 : f32 to vector<16xf32>
      %swap3A_459 = arith.constant 2 : i32
      %swap3A_460 = arith.index_cast %swap3A_459 : i32 to index
      %swap3A_461 = arith.index_cast %scan3A_439 : i32 to index
      %swap3A_462 = arith.constant 32 : index
      %swap3A_463 = tpu.vector_load %arg7[%swap3A_460, %swap3A_461, %swap3A_462] {strides = array<i32>} : memref<3x104x128xf32, #tpu.memory_space<vmem>>, vector<1x1x16xf32>,
      %swap3A_464 = vector.shape_cast %swap3A_463 : vector<1x1x16xf32> to vector<16xf32>
      %swap3A_465 = vector.shape_cast %broadcast_in_dim3A_458 : vector<16xf32> to vector<1x1x16xf32>
      tpu.vector_store %arg7[%swap3A_460, %swap3A_461, %swap3A_462], %swap3A_465 {strides = array<i32>} : memref<3x104x128xf32, #tpu.memory_space<vmem>>, vector<1x1x16xf32>,
      %broadcast_in_dim3A_466 = arith.constant 0.000000e+00 : f32
      %broadcast_in_dim3A_467 = vector.broadcast %broadcast_in_dim3A_466 : f32 to vector<16xf32>
      %swap3A_468 = arith.constant 2 : i32
      %swap3A_469 = arith.index_cast %swap3A_468 : i32 to index
      %swap3A_470 = arith.index_cast %scan3A_439 : i32 to index
      %swap3A_471 = arith.constant 48 : index
      %swap3A_472 = tpu.vector_load %arg7[%swap3A_469, %swap3A_470, %swap3A_471] {strides = array<i32>} : memref<3x104x128xf32, #tpu.memory_space<vmem>>, vector<1x1x16xf32>,
      %swap3A_473 = vector.shape_cast %swap3A_472 : vector<1x1x16xf32> to vector<16xf32>
      %swap3A_474 = vector.shape_cast %broadcast_in_dim3A_467 : vector<16xf32> to vector<1x1x16xf32>
      tpu.vector_store %arg7[%swap3A_469, %swap3A_470, %swap3A_471], %swap3A_474 {strides = array<i32>} : memref<3x104x128xf32, #tpu.memory_space<vmem>>, vector<1x1x16xf32>,
      %broadcast_in_dim3A_475 = arith.constant 0.000000e+00 : f32
      %broadcast_in_dim3A_476 = vector.broadcast %broadcast_in_dim3A_475 : f32 to vector<16xf32>
      %swap3A_477 = arith.constant 2 : i32
      %swap3A_478 = arith.index_cast %swap3A_477 : i32 to index
      %swap3A_479 = arith.index_cast %scan3A_439 : i32 to index
      %swap3A_480 = arith.constant 64 : index
      %swap3A_481 = tpu.vector_load %arg7[%swap3A_478, %swap3A_479, %swap3A_480] {strides = array<i32>} : memref<3x104x128xf32, #tpu.memory_space<vmem>>, vector<1x1x16xf32>,
      %swap3A_482 = vector.shape_cast %swap3A_481 : vector<1x1x16xf32> to vector<16xf32>
      %swap3A_483 = vector.shape_cast %broadcast_in_dim3A_476 : vector<16xf32> to vector<1x1x16xf32>
      tpu.vector_store %arg7[%swap3A_478, %swap3A_479, %swap3A_480], %swap3A_483 {strides = array<i32>} : memref<3x104x128xf32, #tpu.memory_space<vmem>>, vector<1x1x16xf32>,
      %broadcast_in_dim3A_484 = arith.constant 0.000000e+00 : f32
      %broadcast_in_dim3A_485 = vector.broadcast %broadcast_in_dim3A_484 : f32 to vector<16xf32>
      %swap3A_486 = arith.constant 2 : i32
      %swap3A_487 = arith.index_cast %swap3A_486 : i32 to index
      %swap3A_488 = arith.index_cast %scan3A_439 : i32 to index
      %swap3A_489 = arith.constant 80 : index
      %swap3A_490 = tpu.vector_load %arg7[%swap3A_487, %swap3A_488, %swap3A_489] {strides = array<i32>} : memref<3x104x128xf32, #tpu.memory_space<vmem>>, vector<1x1x16xf32>,
      %swap3A_491 = vector.shape_cast %swap3A_490 : vector<1x1x16xf32> to vector<16xf32>
      %swap3A_492 = vector.shape_cast %broadcast_in_dim3A_485 : vector<16xf32> to vector<1x1x16xf32>
      tpu.vector_store %arg7[%swap3A_487, %swap3A_488, %swap3A_489], %swap3A_492 {strides = array<i32>} : memref<3x104x128xf32, #tpu.memory_space<vmem>>, vector<1x1x16xf32>,
      %broadcast_in_dim3A_493 = arith.constant 0.000000e+00 : f32
      %broadcast_in_dim3A_494 = vector.broadcast %broadcast_in_dim3A_493 : f32 to vector<16xf32>
      %swap3A_495 = arith.constant 2 : i32
      %swap3A_496 = arith.index_cast %swap3A_495 : i32 to index
      %swap3A_497 = arith.index_cast %scan3A_439 : i32 to index
      %swap3A_498 = arith.constant 96 : index
      %swap3A_499 = tpu.vector_load %arg7[%swap3A_496, %swap3A_497, %swap3A_498] {strides = array<i32>} : memref<3x104x128xf32, #tpu.memory_space<vmem>>, vector<1x1x16xf32>,
      %swap3A_500 = vector.shape_cast %swap3A_499 : vector<1x1x16xf32> to vector<16xf32>
      %swap3A_501 = vector.shape_cast %broadcast_in_dim3A_494 : vector<16xf32> to vector<1x1x16xf32>
      tpu.vector_store %arg7[%swap3A_496, %swap3A_497, %swap3A_498], %swap3A_501 {strides = array<i32>} : memref<3x104x128xf32, #tpu.memory_space<vmem>>, vector<1x1x16xf32>,
      %broadcast_in_dim3A_502 = arith.constant 0.000000e+00 : f32
      %broadcast_in_dim3A_503 = vector.broadcast %broadcast_in_dim3A_502 : f32 to vector<16xf32>
      %swap3A_504 = arith.constant 2 : i32
      %swap3A_505 = arith.index_cast %swap3A_504 : i32 to index
      %swap3A_506 = arith.index_cast %scan3A_439 : i32 to index
      %swap3A_507 = arith.constant 112 : index
      %swap3A_508 = tpu.vector_load %arg7[%swap3A_505, %swap3A_506, %swap3A_507] {strides = array<i32>} : memref<3x104x128xf32, #tpu.memory_space<vmem>>, vector<1x1x16xf32>,
      %swap3A_509 = vector.shape_cast %swap3A_508 : vector<1x1x16xf32> to vector<16xf32>
      %swap3A_510 = vector.shape_cast %broadcast_in_dim3A_503 : vector<16xf32> to vector<1x1x16xf32>
      tpu.vector_store %arg7[%swap3A_505, %swap3A_506, %swap3A_507], %swap3A_510 {strides = array<i32>} : memref<3x104x128xf32, #tpu.memory_space<vmem>>, vector<1x1x16xf32>,
      %scan3A_511 = arith.constant 0 : i32
      scf.yield %scan3A_511 : i32
    }
    %scan3A_9 = arith.constant 104 : i32
    %dma_wait3A = tpu.memref_slice %arg3[%mul3A_2] : memref<640000xi32, #tpu.memory_space<hbm>> -> memref<9984xi32, #tpu.memory_space<hbm>>
    %dma_wait3A_10 = tpu.memref_slice %arg3[%mul3A_2] : memref<640000xi32, #tpu.memory_space<hbm>> -> memref<9984xi32, #tpu.memory_space<hbm>>
    tpu.wait_dma2 semaphore(%arg11 : memref<!tpu.dma_semaphore, #tpu.memory_space<semaphore_mem>>) src(%dma_wait3A_10 : memref<9984xi32, #tpu.memory_space<hbm>>) dst(%arg5 : memref<9984xi32, #tpu.memory_space<vmem>>)
    %add3A_11 = arith.constant 320000 : i32
    %add3A_12 = arith.addi %add3A_11, %mul3A_2 : i32
    %add3A_13 = arith.constant 0 : i32
    %add3A_14 = arith.addi %add3A_12, %add3A_13 : i32
    %dma_start3A_15 = arith.constant 0 : i32
    %dma_start3A_16 = arith.constant 0 : i32
    %dma_start3A_17 = arith.constant 0 : i32
    %dma_start3A_18 = tpu.memref_slice %arg6[%dma_start3A_15, %dma_start3A_17] : memref<3x104xi32, #tpu.memory_space<vmem>> -> memref<1x104xi32, #tpu.memory_space<vmem>>
    %dma_start3A_19 = tpu.memref_squeeze %dma_start3A_18 : memref<1x104xi32, #tpu.memory_space<vmem>> -> memref<104xi32, #tpu.memory_space<vmem>>
    %dma_start3A_20 = tpu.memref_slice %arg3[%add3A_14] : memref<640000xi32, #tpu.memory_space<hbm>> -> memref<104xi32, #tpu.memory_space<hbm>>
    %dma_start3A_21 = tpu.memref_slice %arg13[%dma_start3A_16] : memref<3x!tpu.dma_semaphore, #tpu.memory_space<semaphore_mem>> -> memref<1x!tpu.dma_semaphore, #tpu.memory_space<semaphore_mem>>
    %dma_start3A_22 = tpu.memref_squeeze %dma_start3A_21 : memref<1x!tpu.dma_semaphore, #tpu.memory_space<semaphore_mem>> -> memref<!tpu.dma_semaphore, #tpu.memory_space<semaphore_mem>>
    %dma_start3A_23 = arith.constant 0 : i32
    %dma_start3A_24 = tpu.memref_slice %arg6[%dma_start3A_15, %dma_start3A_23] : memref<3x104xi32, #tpu.memory_space<vmem>> -> memref<1x104xi32, #tpu.memory_space<vmem>>
    %dma_start3A_25 = tpu.memref_squeeze %dma_start3A_24 : memref<1x104xi32, #tpu.memory_space<vmem>> -> memref<104xi32, #tpu.memory_space<vmem>>
    %dma_start3A_26 = tpu.memref_slice %arg3[%add3A_14] : memref<640000xi32, #tpu.memory_space<hbm>> -> memref<104xi32, #tpu.memory_space<hbm>>
    tpu.enqueue_dma source(%dma_start3A_26 : memref<104xi32, #tpu.memory_space<hbm>>) target(%dma_start3A_25 : memref<104xi32, #tpu.memory_space<vmem>>) target_semaphore(%dma_start3A_22 : memref<!tpu.dma_semaphore, #tpu.memory_space<semaphore_mem>>)
    %dma_start3A_27 = arith.constant 0 : i32
    %dma_start3A_28 = arith.constant 0 : i32
    %dma_start3A_29 = arith.constant 0 : i32
    %dma_start3A_30 = arith.constant 0 : i32
    %dma_start3A_31 = tpu.memref_slice %arg7[%dma_start3A_27, %dma_start3A_29, %dma_start3A_30] : memref<3x104x128xf32, #tpu.memory_space<vmem>> -> memref<1x104x128xf32, #tpu.memory_space<vmem>>
    %dma_start3A_32 = tpu.memref_squeeze %dma_start3A_31 : memref<1x104x128xf32, #tpu.memory_space<vmem>> -> memref<104x128xf32, #tpu.memory_space<vmem>>
    %dma_start3A_33 = arith.constant 0 : i32
    %dma_start3A_34 = arith.constant 0 : i32
    %dma_start3A_35 = tpu.memref_slice %dma_start3A_32[%dma_start3A_33, %dma_start3A_34] : memref<104x128xf32, #tpu.memory_space<vmem>> -> memref<48x128xf32, #tpu.memory_space<vmem>>
    %dma_start3A_36 = arith.constant 0 : i32
    %dma_start3A_37 = tpu.memref_slice %arg5[%dma_start3A_36] : memref<9984xi32, #tpu.memory_space<vmem>> -> memref<48xi32, #tpu.memory_space<vmem>>
    %dma_start3A_38 = arith.constant 0 : i32
    %dma_start3A_39 = arith.constant 0 : i32
    %dma_start3A_40 = tpu.memref_slice %arg2[%dma_start3A_38, %dma_start3A_39] : memref<10000x128xf32, #tpu.memory_space<hbm>> -> memref<10000x128xf32, #tpu.memory_space<hbm>>
    %dma_start3A_41 = tpu.memref_slice %arg12[%dma_start3A_28] : memref<3x!tpu.dma_semaphore, #tpu.memory_space<semaphore_mem>> -> memref<1x!tpu.dma_semaphore, #tpu.memory_space<semaphore_mem>>
    %dma_start3A_42 = tpu.memref_squeeze %dma_start3A_41 : memref<1x!tpu.dma_semaphore, #tpu.memory_space<semaphore_mem>> -> memref<!tpu.dma_semaphore, #tpu.memory_space<semaphore_mem>>
    tpu.enqueue_indirect_dma source(%dma_start3A_40 : memref<10000x128xf32, #tpu.memory_space<hbm>>) target(%dma_start3A_35 : memref<48x128xf32, #tpu.memory_space<vmem>>) offsets(%dma_start3A_37 : memref<48xi32, #tpu.memory_space<vmem>>) semaphore(%dma_start3A_42 : memref<!tpu.dma_semaphore, #tpu.memory_space<semaphore_mem>>)
    %dma_start3A_43 = arith.constant 0 : i32
    %dma_start3A_44 = arith.constant 0 : i32
    %dma_start3A_45 = arith.constant 0 : i32
    %dma_start3A_46 = arith.constant 0 : i32
    %dma_start3A_47 = tpu.memref_slice %arg7[%dma_start3A_43, %dma_start3A_45, %dma_start3A_46] : memref<3x104x128xf32, #tpu.memory_space<vmem>> -> memref<1x104x128xf32, #tpu.memory_space<vmem>>
    %dma_start3A_48 = tpu.memref_squeeze %dma_start3A_47 : memref<1x104x128xf32, #tpu.memory_space<vmem>> -> memref<104x128xf32, #tpu.memory_space<vmem>>
    %dma_start3A_49 = arith.constant 48 : i32
    %dma_start3A_50 = arith.constant 0 : i32
    %dma_start3A_51 = tpu.memref_slice %dma_start3A_48[%dma_start3A_49, %dma_start3A_50] : memref<104x128xf32, #tpu.memory_space<vmem>> -> memref<56x128xf32, #tpu.memory_space<vmem>>
    %dma_start3A_52 = arith.constant 48 : i32
    %dma_start3A_53 = tpu.memref_slice %arg5[%dma_start3A_52] : memref<9984xi32, #tpu.memory_space<vmem>> -> memref<56xi32, #tpu.memory_space<vmem>>
    %dma_start3A_54 = arith.constant 0 : i32
    %dma_start3A_55 = arith.constant 0 : i32
    %dma_start3A_56 = tpu.memref_slice %arg2[%dma_start3A_54, %dma_start3A_55] : memref<10000x128xf32, #tpu.memory_space<hbm>> -> memref<10000x128xf32, #tpu.memory_space<hbm>>
    %dma_start3A_57 = tpu.memref_slice %arg12[%dma_start3A_44] : memref<3x!tpu.dma_semaphore, #tpu.memory_space<semaphore_mem>> -> memref<1x!tpu.dma_semaphore, #tpu.memory_space<semaphore_mem>>
    %dma_start3A_58 = tpu.memref_squeeze %dma_start3A_57 : memref<1x!tpu.dma_semaphore, #tpu.memory_space<semaphore_mem>> -> memref<!tpu.dma_semaphore, #tpu.memory_space<semaphore_mem>>
    tpu.enqueue_indirect_dma source(%dma_start3A_56 : memref<10000x128xf32, #tpu.memory_space<hbm>>) target(%dma_start3A_51 : memref<56x128xf32, #tpu.memory_space<vmem>>) offsets(%dma_start3A_53 : memref<56xi32, #tpu.memory_space<vmem>>) semaphore(%dma_start3A_58 : memref<!tpu.dma_semaphore, #tpu.memory_space<semaphore_mem>>)
    %add3A_59 = arith.constant 320000 : i32
    %add3A_60 = arith.addi %add3A_59, %mul3A_2 : i32
    %add3A_61 = arith.constant 104 : i32
    %add3A_62 = arith.addi %add3A_60, %add3A_61 : i32
    %dma_start3A_63 = arith.constant 1 : i32
    %dma_start3A_64 = arith.constant 1 : i32
    %dma_start3A_65 = arith.constant 0 : i32
    %dma_start3A_66 = tpu.memref_slice %arg6[%dma_start3A_63, %dma_start3A_65] : memref<3x104xi32, #tpu.memory_space<vmem>> -> memref<1x104xi32, #tpu.memory_space<vmem>>
    %dma_start3A_67 = tpu.memref_squeeze %dma_start3A_66 : memref<1x104xi32, #tpu.memory_space<vmem>> -> memref<104xi32, #tpu.memory_space<vmem>>
    %dma_start3A_68 = tpu.memref_slice %arg3[%add3A_62] : memref<640000xi32, #tpu.memory_space<hbm>> -> memref<104xi32, #tpu.memory_space<hbm>>
    %dma_start3A_69 = tpu.memref_slice %arg13[%dma_start3A_64] : memref<3x!tpu.dma_semaphore, #tpu.memory_space<semaphore_mem>> -> memref<1x!tpu.dma_semaphore, #tpu.memory_space<semaphore_mem>>
    %dma_start3A_70 = tpu.memref_squeeze %dma_start3A_69 : memref<1x!tpu.dma_semaphore, #tpu.memory_space<semaphore_mem>> -> memref<!tpu.dma_semaphore, #tpu.memory_space<semaphore_mem>>
    %dma_start3A_71 = arith.constant 0 : i32
    %dma_start3A_72 = tpu.memref_slice %arg6[%dma_start3A_63, %dma_start3A_71] : memref<3x104xi32, #tpu.memory_space<vmem>> -> memref<1x104xi32, #tpu.memory_space<vmem>>
    %dma_start3A_73 = tpu.memref_squeeze %dma_start3A_72 : memref<1x104xi32, #tpu.memory_space<vmem>> -> memref<104xi32, #tpu.memory_space<vmem>>
    %dma_start3A_74 = tpu.memref_slice %arg3[%add3A_62] : memref<640000xi32, #tpu.memory_space<hbm>> -> memref<104xi32, #tpu.memory_space<hbm>>
    tpu.enqueue_dma source(%dma_start3A_74 : memref<104xi32, #tpu.memory_space<hbm>>) target(%dma_start3A_73 : memref<104xi32, #tpu.memory_space<vmem>>) target_semaphore(%dma_start3A_70 : memref<!tpu.dma_semaphore, #tpu.memory_space<semaphore_mem>>)
    %dma_start3A_75 = arith.constant 1 : i32
    %dma_start3A_76 = arith.constant 1 : i32
    %dma_start3A_77 = arith.constant 0 : i32
    %dma_start3A_78 = arith.constant 0 : i32
    %dma_start3A_79 = tpu.memref_slice %arg7[%dma_start3A_75, %dma_start3A_77, %dma_start3A_78] : memref<3x104x128xf32, #tpu.memory_space<vmem>> -> memref<1x104x128xf32, #tpu.memory_space<vmem>>
    %dma_start3A_80 = tpu.memref_squeeze %dma_start3A_79 : memref<1x104x128xf32, #tpu.memory_space<vmem>> -> memref<104x128xf32, #tpu.memory_space<vmem>>
    %dma_start3A_81 = arith.constant 0 : i32
    %dma_start3A_82 = arith.constant 0 : i32
    %dma_start3A_83 = tpu.memref_slice %dma_start3A_80[%dma_start3A_81, %dma_start3A_82] : memref<104x128xf32, #tpu.memory_space<vmem>> -> memref<48x128xf32, #tpu.memory_space<vmem>>
    %dma_start3A_84 = arith.constant 104 : i32
    %dma_start3A_85 = tpu.memref_slice %arg5[%dma_start3A_84] : memref<9984xi32, #tpu.memory_space<vmem>> -> memref<48xi32, #tpu.memory_space<vmem>>
    %dma_start3A_86 = arith.constant 0 : i32
    %dma_start3A_87 = arith.constant 0 : i32
    %dma_start3A_88 = tpu.memref_slice %arg2[%dma_start3A_86, %dma_start3A_87] : memref<10000x128xf32, #tpu.memory_space<hbm>> -> memref<10000x128xf32, #tpu.memory_space<hbm>>
    %dma_start3A_89 = tpu.memref_slice %arg12[%dma_start3A_76] : memref<3x!tpu.dma_semaphore, #tpu.memory_space<semaphore_mem>> -> memref<1x!tpu.dma_semaphore, #tpu.memory_space<semaphore_mem>>
    %dma_start3A_90 = tpu.memref_squeeze %dma_start3A_89 : memref<1x!tpu.dma_semaphore, #tpu.memory_space<semaphore_mem>> -> memref<!tpu.dma_semaphore, #tpu.memory_space<semaphore_mem>>
    tpu.enqueue_indirect_dma source(%dma_start3A_88 : memref<10000x128xf32, #tpu.memory_space<hbm>>) target(%dma_start3A_83 : memref<48x128xf32, #tpu.memory_space<vmem>>) offsets(%dma_start3A_85 : memref<48xi32, #tpu.memory_space<vmem>>) semaphore(%dma_start3A_90 : memref<!tpu.dma_semaphore, #tpu.memory_space<semaphore_mem>>)
    %dma_start3A_91 = arith.constant 1 : i32
    %dma_start3A_92 = arith.constant 1 : i32
    %dma_start3A_93 = arith.constant 0 : i32
    %dma_start3A_94 = arith.constant 0 : i32
    %dma_start3A_95 = tpu.memref_slice %arg7[%dma_start3A_91, %dma_start3A_93, %dma_start3A_94] : memref<3x104x128xf32, #tpu.memory_space<vmem>> -> memref<1x104x128xf32, #tpu.memory_space<vmem>>
    %dma_start3A_96 = tpu.memref_squeeze %dma_start3A_95 : memref<1x104x128xf32, #tpu.memory_space<vmem>> -> memref<104x128xf32, #tpu.memory_space<vmem>>
    %dma_start3A_97 = arith.constant 48 : i32
    %dma_start3A_98 = arith.constant 0 : i32
    %dma_start3A_99 = tpu.memref_slice %dma_start3A_96[%dma_start3A_97, %dma_start3A_98] : memref<104x128xf32, #tpu.memory_space<vmem>> -> memref<56x128xf32, #tpu.memory_space<vmem>>
    %dma_start3A_100 = arith.constant 152 : i32
    %dma_start3A_101 = tpu.memref_slice %arg5[%dma_start3A_100] : memref<9984xi32, #tpu.memory_space<vmem>> -> memref<56xi32, #tpu.memory_space<vmem>>
    %dma_start3A_102 = arith.constant 0 : i32
    %dma_start3A_103 = arith.constant 0 : i32
    %dma_start3A_104 = tpu.memref_slice %arg2[%dma_start3A_102, %dma_start3A_103] : memref<10000x128xf32, #tpu.memory_space<hbm>> -> memref<10000x128xf32, #tpu.memory_space<hbm>>
    %dma_start3A_105 = tpu.memref_slice %arg12[%dma_start3A_92] : memref<3x!tpu.dma_semaphore, #tpu.memory_space<semaphore_mem>> -> memref<1x!tpu.dma_semaphore, #tpu.memory_space<semaphore_mem>>
    %dma_start3A_106 = tpu.memref_squeeze %dma_start3A_105 : memref<1x!tpu.dma_semaphore, #tpu.memory_space<semaphore_mem>> -> memref<!tpu.dma_semaphore, #tpu.memory_space<semaphore_mem>>
    tpu.enqueue_indirect_dma source(%dma_start3A_104 : memref<10000x128xf32, #tpu.memory_space<hbm>>) target(%dma_start3A_99 : memref<56x128xf32, #tpu.memory_space<vmem>>) offsets(%dma_start3A_101 : memref<56xi32, #tpu.memory_space<vmem>>) semaphore(%dma_start3A_106 : memref<!tpu.dma_semaphore, #tpu.memory_space<semaphore_mem>>)
    %mul3A_107 = arith.constant 624 : i32
    %mul3A_108 = arith.muli %arg1, %mul3A_107 : i32
    %add3A_109 = arith.constant 0 : i32
    %add3A_110 = arith.addi %mul3A_108, %add3A_109 : i32
    %dma_start3A_111 = arith.constant 2 : i32
    %dma_start3A_112 = arith.constant 2 : i32
    %dma_start3A_113 = arith.constant 0 : i32
    %dma_start3A_114 = arith.constant 0 : i32
    %dma_start3A_115 = tpu.memref_slice %arg7[%dma_start3A_111, %dma_start3A_113, %dma_start3A_114] : memref<3x104x128xf32, #tpu.memory_space<vmem>> -> memref<1x104x128xf32, #tpu.memory_space<vmem>>
    %dma_start3A_116 = tpu.memref_squeeze %dma_start3A_115 : memref<1x104x128xf32, #tpu.memory_space<vmem>> -> memref<104x128xf32, #tpu.memory_space<vmem>>
    %dma_start3A_117 = arith.constant 0 : i32
    %dma_start3A_118 = arith.constant 0 : i32
    %dma_start3A_119 = tpu.memref_slice %dma_start3A_116[%dma_start3A_117, %dma_start3A_118] : memref<104x128xf32, #tpu.memory_space<vmem>> -> memref<104x128xf32, #tpu.memory_space<vmem>>
    %dma_start3A_120 = arith.constant 0 : i32
    %dma_start3A_121 = tpu.memref_slice %arg10[%add3A_110, %dma_start3A_120] : memref<10000x128xf32, #tpu.memory_space<vmem_shared>> -> memref<104x128xf32, #tpu.memory_space<vmem_shared>>
    %dma_start3A_122 = tpu.memref_slice %arg14[%dma_start3A_112] : memref<3x!tpu.dma_semaphore, #tpu.memory_space<semaphore_mem>> -> memref<1x!tpu.dma_semaphore, #tpu.memory_space<semaphore_mem>>
    %dma_start3A_123 = tpu.memref_squeeze %dma_start3A_122 : memref<1x!tpu.dma_semaphore, #tpu.memory_space<semaphore_mem>> -> memref<!tpu.dma_semaphore, #tpu.memory_space<semaphore_mem>>
    %dma_start3A_124 = arith.constant 0 : i32
    %dma_start3A_125 = tpu.memref_slice %arg10[%add3A_110, %dma_start3A_124] : memref<10000x128xf32, #tpu.memory_space<vmem_shared>> -> memref<104x128xf32, #tpu.memory_space<vmem_shared>>
    %dma_start3A_126 = arith.constant 0 : i32
    %dma_start3A_127 = arith.constant 0 : i32
    %dma_start3A_128 = tpu.memref_slice %arg7[%dma_start3A_111, %dma_start3A_126, %dma_start3A_127] : memref<3x104x128xf32, #tpu.memory_space<vmem>> -> memref<1x104x128xf32, #tpu.memory_space<vmem>>
    %dma_start3A_129 = tpu.memref_squeeze %dma_start3A_128 : memref<1x104x128xf32, #tpu.memory_space<vmem>> -> memref<104x128xf32, #tpu.memory_space<vmem>>
    %dma_start3A_130 = arith.constant 0 : i32
    %dma_start3A_131 = arith.constant 0 : i32
    %dma_start3A_132 = tpu.memref_slice %dma_start3A_129[%dma_start3A_130, %dma_start3A_131] : memref<104x128xf32, #tpu.memory_space<vmem>> -> memref<104x128xf32, #tpu.memory_space<vmem>>
    tpu.enqueue_dma source(%dma_start3A_132 : memref<104x128xf32, #tpu.memory_space<vmem>>) target(%dma_start3A_125 : memref<104x128xf32, #tpu.memory_space<vmem_shared>>) target_semaphore(%dma_start3A_123 : memref<!tpu.dma_semaphore, #tpu.memory_space<semaphore_mem>>)
    %add3A_133 = arith.constant 104 : i32
    %add3A_134 = arith.addi %mul3A_108, %add3A_133 : i32
    %dma_start3A_135 = arith.constant 2 : i32
    %dma_start3A_136 = arith.constant 2 : i32
    %dma_start3A_137 = arith.constant 0 : i32
    %dma_start3A_138 = arith.constant 0 : i32
    %dma_start3A_139 = tpu.memref_slice %arg7[%dma_start3A_135, %dma_start3A_137, %dma_start3A_138] : memref<3x104x128xf32, #tpu.memory_space<vmem>> -> memref<1x104x128xf32, #tpu.memory_space<vmem>>
    %dma_start3A_140 = tpu.memref_squeeze %dma_start3A_139 : memref<1x104x128xf32, #tpu.memory_space<vmem>> -> memref<104x128xf32, #tpu.memory_space<vmem>>
    %dma_start3A_141 = arith.constant 0 : i32
    %dma_start3A_142 = arith.constant 0 : i32
    %dma_start3A_143 = tpu.memref_slice %dma_start3A_140[%dma_start3A_141, %dma_start3A_142] : memref<104x128xf32, #tpu.memory_space<vmem>> -> memref<104x128xf32, #tpu.memory_space<vmem>>
    %dma_start3A_144 = arith.constant 0 : i32
    %dma_start3A_145 = tpu.memref_slice %arg10[%add3A_134, %dma_start3A_144] : memref<10000x128xf32, #tpu.memory_space<vmem_shared>> -> memref<104x128xf32, #tpu.memory_space<vmem_shared>>
    %dma_start3A_146 = tpu.memref_slice %arg14[%dma_start3A_136] : memref<3x!tpu.dma_semaphore, #tpu.memory_space<semaphore_mem>> -> memref<1x!tpu.dma_semaphore, #tpu.memory_space<semaphore_mem>>
    %dma_start3A_147 = tpu.memref_squeeze %dma_start3A_146 : memref<1x!tpu.dma_semaphore, #tpu.memory_space<semaphore_mem>> -> memref<!tpu.dma_semaphore, #tpu.memory_space<semaphore_mem>>
    %dma_start3A_148 = arith.constant 0 : i32
    %dma_start3A_149 = tpu.memref_slice %arg10[%add3A_134, %dma_start3A_148] : memref<10000x128xf32, #tpu.memory_space<vmem_shared>> -> memref<104x128xf32, #tpu.memory_space<vmem_shared>>
    %dma_start3A_150 = arith.constant 0 : i32
    %dma_start3A_151 = arith.constant 0 : i32
    %dma_start3A_152 = tpu.memref_slice %arg7[%dma_start3A_135, %dma_start3A_150, %dma_start3A_151] : memref<3x104x128xf32, #tpu.memory_space<vmem>> -> memref<1x104x128xf32, #tpu.memory_space<vmem>>
    %dma_start3A_153 = tpu.memref_squeeze %dma_start3A_152 : memref<1x104x128xf32, #tpu.memory_space<vmem>> -> memref<104x128xf32, #tpu.memory_space<vmem>>
    %dma_start3A_154 = arith.constant 0 : i32
    %dma_start3A_155 = arith.constant 0 : i32
    %dma_start3A_156 = tpu.memref_slice %dma_start3A_153[%dma_start3A_154, %dma_start3A_155] : memref<104x128xf32, #tpu.memory_space<vmem>> -> memref<104x128xf32, #tpu.memory_space<vmem>>
    tpu.enqueue_dma source(%dma_start3A_156 : memref<104x128xf32, #tpu.memory_space<vmem>>) target(%dma_start3A_149 : memref<104x128xf32, #tpu.memory_space<vmem_shared>>) target_semaphore(%dma_start3A_147 : memref<!tpu.dma_semaphore, #tpu.memory_space<semaphore_mem>>)
    %add3A_157 = arith.constant 208 : i32
    %add3A_158 = arith.addi %mul3A_108, %add3A_157 : i32
    %dma_start3A_159 = arith.constant 2 : i32
    %dma_start3A_160 = arith.constant 2 : i32
    %dma_start3A_161 = arith.constant 0 : i32
    %dma_start3A_162 = arith.constant 0 : i32
    %dma_start3A_163 = tpu.memref_slice %arg7[%dma_start3A_159, %dma_start3A_161, %dma_start3A_162] : memref<3x104x128xf32, #tpu.memory_space<vmem>> -> memref<1x104x128xf32, #tpu.memory_space<vmem>>
    %dma_start3A_164 = tpu.memref_squeeze %dma_start3A_163 : memref<1x104x128xf32, #tpu.memory_space<vmem>> -> memref<104x128xf32, #tpu.memory_space<vmem>>
    %dma_start3A_165 = arith.constant 0 : i32
    %dma_start3A_166 = arith.constant 0 : i32
    %dma_start3A_167 = tpu.memref_slice %dma_start3A_164[%dma_start3A_165, %dma_start3A_166] : memref<104x128xf32, #tpu.memory_space<vmem>> -> memref<104x128xf32, #tpu.memory_space<vmem>>
    %dma_start3A_168 = arith.constant 0 : i32
    %dma_start3A_169 = tpu.memref_slice %arg10[%add3A_158, %dma_start3A_168] : memref<10000x128xf32, #tpu.memory_space<vmem_shared>> -> memref<104x128xf32, #tpu.memory_space<vmem_shared>>
    %dma_start3A_170 = tpu.memref_slice %arg14[%dma_start3A_160] : memref<3x!tpu.dma_semaphore, #tpu.memory_space<semaphore_mem>> -> memref<1x!tpu.dma_semaphore, #tpu.memory_space<semaphore_mem>>
    %dma_start3A_171 = tpu.memref_squeeze %dma_start3A_170 : memref<1x!tpu.dma_semaphore, #tpu.memory_space<semaphore_mem>> -> memref<!tpu.dma_semaphore, #tpu.memory_space<semaphore_mem>>
    %dma_start3A_172 = arith.constant 0 : i32
    %dma_start3A_173 = tpu.memref_slice %arg10[%add3A_158, %dma_start3A_172] : memref<10000x128xf32, #tpu.memory_space<vmem_shared>> -> memref<104x128xf32, #tpu.memory_space<vmem_shared>>
    %dma_start3A_174 = arith.constant 0 : i32
    %dma_start3A_175 = arith.constant 0 : i32
    %dma_start3A_176 = tpu.memref_slice %arg7[%dma_start3A_159, %dma_start3A_174, %dma_start3A_175] : memref<3x104x128xf32, #tpu.memory_space<vmem>> -> memref<1x104x128xf32, #tpu.memory_space<vmem>>
    %dma_start3A_177 = tpu.memref_squeeze %dma_start3A_176 : memref<1x104x128xf32, #tpu.memory_space<vmem>> -> memref<104x128xf32, #tpu.memory_space<vmem>>
    %dma_start3A_178 = arith.constant 0 : i32
    %dma_start3A_179 = arith.constant 0 : i32
    %dma_start3A_180 = tpu.memref_slice %dma_start3A_177[%dma_start3A_178, %dma_start3A_179] : memref<104x128xf32, #tpu.memory_space<vmem>> -> memref<104x128xf32, #tpu.memory_space<vmem>>
    tpu.enqueue_dma source(%dma_start3A_180 : memref<104x128xf32, #tpu.memory_space<vmem>>) target(%dma_start3A_173 : memref<104x128xf32, #tpu.memory_space<vmem_shared>>) target_semaphore(%dma_start3A_171 : memref<!tpu.dma_semaphore, #tpu.memory_space<semaphore_mem>>)
    %add3A_181 = arith.constant 312 : i32
    %add3A_182 = arith.addi %mul3A_108, %add3A_181 : i32
    %dma_start3A_183 = arith.constant 2 : i32
    %dma_start3A_184 = arith.constant 2 : i32
    %dma_start3A_185 = arith.constant 0 : i32
    %dma_start3A_186 = arith.constant 0 : i32
    %dma_start3A_187 = tpu.memref_slice %arg7[%dma_start3A_183, %dma_start3A_185, %dma_start3A_186] : memref<3x104x128xf32, #tpu.memory_space<vmem>> -> memref<1x104x128xf32, #tpu.memory_space<vmem>>
    %dma_start3A_188 = tpu.memref_squeeze %dma_start3A_187 : memref<1x104x128xf32, #tpu.memory_space<vmem>> -> memref<104x128xf32, #tpu.memory_space<vmem>>
    %dma_start3A_189 = arith.constant 0 : i32
    %dma_start3A_190 = arith.constant 0 : i32
    %dma_start3A_191 = tpu.memref_slice %dma_start3A_188[%dma_start3A_189, %dma_start3A_190] : memref<104x128xf32, #tpu.memory_space<vmem>> -> memref<104x128xf32, #tpu.memory_space<vmem>>
    %dma_start3A_192 = arith.constant 0 : i32
    %dma_start3A_193 = tpu.memref_slice %arg10[%add3A_182, %dma_start3A_192] : memref<10000x128xf32, #tpu.memory_space<vmem_shared>> -> memref<104x128xf32, #tpu.memory_space<vmem_shared>>
    %dma_start3A_194 = tpu.memref_slice %arg14[%dma_start3A_184] : memref<3x!tpu.dma_semaphore, #tpu.memory_space<semaphore_mem>> -> memref<1x!tpu.dma_semaphore, #tpu.memory_space<semaphore_mem>>
    %dma_start3A_195 = tpu.memref_squeeze %dma_start3A_194 : memref<1x!tpu.dma_semaphore, #tpu.memory_space<semaphore_mem>> -> memref<!tpu.dma_semaphore, #tpu.memory_space<semaphore_mem>>
    %dma_start3A_196 = arith.constant 0 : i32
    %dma_start3A_197 = tpu.memref_slice %arg10[%add3A_182, %dma_start3A_196] : memref<10000x128xf32, #tpu.memory_space<vmem_shared>> -> memref<104x128xf32, #tpu.memory_space<vmem_shared>>
    %dma_start3A_198 = arith.constant 0 : i32
    %dma_start3A_199 = arith.constant 0 : i32
    %dma_start3A_200 = tpu.memref_slice %arg7[%dma_start3A_183, %dma_start3A_198, %dma_start3A_199] : memref<3x104x128xf32, #tpu.memory_space<vmem>> -> memref<1x104x128xf32, #tpu.memory_space<vmem>>
    %dma_start3A_201 = tpu.memref_squeeze %dma_start3A_200 : memref<1x104x128xf32, #tpu.memory_space<vmem>> -> memref<104x128xf32, #tpu.memory_space<vmem>>
    %dma_start3A_202 = arith.constant 0 : i32
    %dma_start3A_203 = arith.constant 0 : i32
    %dma_start3A_204 = tpu.memref_slice %dma_start3A_201[%dma_start3A_202, %dma_start3A_203] : memref<104x128xf32, #tpu.memory_space<vmem>> -> memref<104x128xf32, #tpu.memory_space<vmem>>
    tpu.enqueue_dma source(%dma_start3A_204 : memref<104x128xf32, #tpu.memory_space<vmem>>) target(%dma_start3A_197 : memref<104x128xf32, #tpu.memory_space<vmem_shared>>) target_semaphore(%dma_start3A_195 : memref<!tpu.dma_semaphore, #tpu.memory_space<semaphore_mem>>)
    %add3A_205 = arith.constant 416 : i32
    %add3A_206 = arith.addi %mul3A_108, %add3A_205 : i32
    %dma_start3A_207 = arith.constant 2 : i32
    %dma_start3A_208 = arith.constant 2 : i32
    %dma_start3A_209 = arith.constant 0 : i32
    %dma_start3A_210 = arith.constant 0 : i32
    %dma_start3A_211 = tpu.memref_slice %arg7[%dma_start3A_207, %dma_start3A_209, %dma_start3A_210] : memref<3x104x128xf32, #tpu.memory_space<vmem>> -> memref<1x104x128xf32, #tpu.memory_space<vmem>>
    %dma_start3A_212 = tpu.memref_squeeze %dma_start3A_211 : memref<1x104x128xf32, #tpu.memory_space<vmem>> -> memref<104x128xf32, #tpu.memory_space<vmem>>
    %dma_start3A_213 = arith.constant 0 : i32
    %dma_start3A_214 = arith.constant 0 : i32
    %dma_start3A_215 = tpu.memref_slice %dma_start3A_212[%dma_start3A_213, %dma_start3A_214] : memref<104x128xf32, #tpu.memory_space<vmem>> -> memref<104x128xf32, #tpu.memory_space<vmem>>
    %dma_start3A_216 = arith.constant 0 : i32
    %dma_start3A_217 = tpu.memref_slice %arg10[%add3A_206, %dma_start3A_216] : memref<10000x128xf32, #tpu.memory_space<vmem_shared>> -> memref<104x128xf32, #tpu.memory_space<vmem_shared>>
    %dma_start3A_218 = tpu.memref_slice %arg14[%dma_start3A_208] : memref<3x!tpu.dma_semaphore, #tpu.memory_space<semaphore_mem>> -> memref<1x!tpu.dma_semaphore, #tpu.memory_space<semaphore_mem>>
    %dma_start3A_219 = tpu.memref_squeeze %dma_start3A_218 : memref<1x!tpu.dma_semaphore, #tpu.memory_space<semaphore_mem>> -> memref<!tpu.dma_semaphore, #tpu.memory_space<semaphore_mem>>
    %dma_start3A_220 = arith.constant 0 : i32
    %dma_start3A_221 = tpu.memref_slice %arg10[%add3A_206, %dma_start3A_220] : memref<10000x128xf32, #tpu.memory_space<vmem_shared>> -> memref<104x128xf32, #tpu.memory_space<vmem_shared>>
    %dma_start3A_222 = arith.constant 0 : i32
    %dma_start3A_223 = arith.constant 0 : i32
    %dma_start3A_224 = tpu.memref_slice %arg7[%dma_start3A_207, %dma_start3A_222, %dma_start3A_223] : memref<3x104x128xf32, #tpu.memory_space<vmem>> -> memref<1x104x128xf32, #tpu.memory_space<vmem>>
    %dma_start3A_225 = tpu.memref_squeeze %dma_start3A_224 : memref<1x104x128xf32, #tpu.memory_space<vmem>> -> memref<104x128xf32, #tpu.memory_space<vmem>>
    %dma_start3A_226 = arith.constant 0 : i32
    %dma_start3A_227 = arith.constant 0 : i32
    %dma_start3A_228 = tpu.memref_slice %dma_start3A_225[%dma_start3A_226, %dma_start3A_227] : memref<104x128xf32, #tpu.memory_space<vmem>> -> memref<104x128xf32, #tpu.memory_space<vmem>>
    tpu.enqueue_dma source(%dma_start3A_228 : memref<104x128xf32, #tpu.memory_space<vmem>>) target(%dma_start3A_221 : memref<104x128xf32, #tpu.memory_space<vmem_shared>>) target_semaphore(%dma_start3A_219 : memref<!tpu.dma_semaphore, #tpu.memory_space<semaphore_mem>>)
    %add3A_229 = arith.constant 520 : i32
    %add3A_230 = arith.addi %mul3A_108, %add3A_229 : i32
    %dma_start3A_231 = arith.constant 2 : i32
    %dma_start3A_232 = arith.constant 2 : i32
    %dma_start3A_233 = arith.constant 0 : i32
    %dma_start3A_234 = arith.constant 0 : i32
    %dma_start3A_235 = tpu.memref_slice %arg7[%dma_start3A_231, %dma_start3A_233, %dma_start3A_234] : memref<3x104x128xf32, #tpu.memory_space<vmem>> -> memref<1x104x128xf32, #tpu.memory_space<vmem>>
    %dma_start3A_236 = tpu.memref_squeeze %dma_start3A_235 : memref<1x104x128xf32, #tpu.memory_space<vmem>> -> memref<104x128xf32, #tpu.memory_space<vmem>>
    %dma_start3A_237 = arith.constant 0 : i32
    %dma_start3A_238 = arith.constant 0 : i32
    %dma_start3A_239 = tpu.memref_slice %dma_start3A_236[%dma_start3A_237, %dma_start3A_238] : memref<104x128xf32, #tpu.memory_space<vmem>> -> memref<104x128xf32, #tpu.memory_space<vmem>>
    %dma_start3A_240 = arith.constant 0 : i32
    %dma_start3A_241 = tpu.memref_slice %arg10[%add3A_230, %dma_start3A_240] : memref<10000x128xf32, #tpu.memory_space<vmem_shared>> -> memref<104x128xf32, #tpu.memory_space<vmem_shared>>
    %dma_start3A_242 = tpu.memref_slice %arg14[%dma_start3A_232] : memref<3x!tpu.dma_semaphore, #tpu.memory_space<semaphore_mem>> -> memref<1x!tpu.dma_semaphore, #tpu.memory_space<semaphore_mem>>
    %dma_start3A_243 = tpu.memref_squeeze %dma_start3A_242 : memref<1x!tpu.dma_semaphore, #tpu.memory_space<semaphore_mem>> -> memref<!tpu.dma_semaphore, #tpu.memory_space<semaphore_mem>>
    %dma_start3A_244 = arith.constant 0 : i32
    %dma_start3A_245 = tpu.memref_slice %arg10[%add3A_230, %dma_start3A_244] : memref<10000x128xf32, #tpu.memory_space<vmem_shared>> -> memref<104x128xf32, #tpu.memory_space<vmem_shared>>
    %dma_start3A_246 = arith.constant 0 : i32
    %dma_start3A_247 = arith.constant 0 : i32
    %dma_start3A_248 = tpu.memref_slice %arg7[%dma_start3A_231, %dma_start3A_246, %dma_start3A_247] : memref<3x104x128xf32, #tpu.memory_space<vmem>> -> memref<1x104x128xf32, #tpu.memory_space<vmem>>
    %dma_start3A_249 = tpu.memref_squeeze %dma_start3A_248 : memref<1x104x128xf32, #tpu.memory_space<vmem>> -> memref<104x128xf32, #tpu.memory_space<vmem>>
    %dma_start3A_250 = arith.constant 0 : i32
    %dma_start3A_251 = arith.constant 0 : i32
    %dma_start3A_252 = tpu.memref_slice %dma_start3A_249[%dma_start3A_250, %dma_start3A_251] : memref<104x128xf32, #tpu.memory_space<vmem>> -> memref<104x128xf32, #tpu.memory_space<vmem>>
    tpu.enqueue_dma source(%dma_start3A_252 : memref<104x128xf32, #tpu.memory_space<vmem>>) target(%dma_start3A_245 : memref<104x128xf32, #tpu.memory_space<vmem_shared>>) target_semaphore(%dma_start3A_243 : memref<!tpu.dma_semaphore, #tpu.memory_space<semaphore_mem>>)
    %eq3A = arith.constant 15 : i32
    %eq3A_253 = arith.cmpi eq, %arg1, %eq3A : i32
    %convert_element_type3A = arith.extui %eq3A_253 : i1 to i32
    %cond3A = arith.constant 0 : i32
    %cond3A_254 = arith.cmpi ne, %convert_element_type3A, %cond3A : i32
    scf.if %cond3A_254 {
      %dma_start3A_439 = arith.constant 2 : i32
      %dma_start3A_440 = arith.constant 2 : i32
      %dma_start3A_441 = arith.constant 0 : i32
      %dma_start3A_442 = arith.constant 0 : i32
      %dma_start3A_443 = tpu.memref_slice %arg7[%dma_start3A_439, %dma_start3A_441, %dma_start3A_442] : memref<3x104x128xf32, #tpu.memory_space<vmem>> -> memref<1x104x128xf32, #tpu.memory_space<vmem>>
      %dma_start3A_444 = tpu.memref_squeeze %dma_start3A_443 : memref<1x104x128xf32, #tpu.memory_space<vmem>> -> memref<104x128xf32, #tpu.memory_space<vmem>>
      %dma_start3A_445 = arith.constant 0 : i32
      %dma_start3A_446 = arith.constant 0 : i32
      %dma_start3A_447 = tpu.memref_slice %dma_start3A_444[%dma_start3A_445, %dma_start3A_446] : memref<104x128xf32, #tpu.memory_space<vmem>> -> memref<16x128xf32, #tpu.memory_space<vmem>>
      %dma_start3A_448 = arith.constant 9984 : i32
      %dma_start3A_449 = arith.constant 0 : i32
      %dma_start3A_450 = tpu.memref_slice %arg10[%dma_start3A_448, %dma_start3A_449] : memref<10000x128xf32, #tpu.memory_space<vmem_shared>> -> memref<16x128xf32, #tpu.memory_space<vmem_shared>>
      %dma_start3A_451 = tpu.memref_slice %arg14[%dma_start3A_440] : memref<3x!tpu.dma_semaphore, #tpu.memory_space<semaphore_mem>> -> memref<1x!tpu.dma_semaphore, #tpu.memory_space<semaphore_mem>>
      %dma_start3A_452 = tpu.memref_squeeze %dma_start3A_451 : memref<1x!tpu.dma_semaphore, #tpu.memory_space<semaphore_mem>> -> memref<!tpu.dma_semaphore, #tpu.memory_space<semaphore_mem>>
      %dma_start3A_453 = arith.constant 9984 : i32
      %dma_start3A_454 = arith.constant 0 : i32
      %dma_start3A_455 = tpu.memref_slice %arg10[%dma_start3A_453, %dma_start3A_454] : memref<10000x128xf32, #tpu.memory_space<vmem_shared>> -> memref<16x128xf32, #tpu.memory_space<vmem_shared>>
      %dma_start3A_456 = arith.constant 0 : i32
      %dma_start3A_457 = arith.constant 0 : i32
      %dma_start3A_458 = tpu.memref_slice %arg7[%dma_start3A_439, %dma_start3A_456, %dma_start3A_457] : memref<3x104x128xf32, #tpu.memory_space<vmem>> -> memref<1x104x128xf32, #tpu.memory_space<vmem>>
      %dma_start3A_459 = tpu.memref_squeeze %dma_start3A_458 : memref<1x104x128xf32, #tpu.memory_space<vmem>> -> memref<104x128xf32, #tpu.memory_space<vmem>>
      %dma_start3A_460 = arith.constant 0 : i32
      %dma_start3A_461 = arith.constant 0 : i32
      %dma_start3A_462 = tpu.memref_slice %dma_start3A_459[%dma_start3A_460, %dma_start3A_461] : memref<104x128xf32, #tpu.memory_space<vmem>> -> memref<16x128xf32, #tpu.memory_space<vmem>>
      tpu.enqueue_dma source(%dma_start3A_462 : memref<16x128xf32, #tpu.memory_space<vmem>>) target(%dma_start3A_455 : memref<16x128xf32, #tpu.memory_space<vmem_shared>>) target_semaphore(%dma_start3A_452 : memref<!tpu.dma_semaphore, #tpu.memory_space<semaphore_mem>>)
    } else {
    }
    %add3A_255 = arith.constant 0 : i32
    %add3A_256 = arith.addi %mul3A_108, %add3A_255 : i32
    %dma_wait3A_257 = arith.constant 2 : i32
    %dma_wait3A_258 = arith.constant 2 : i32
    %dma_wait3A_259 = arith.constant 0 : i32
    %dma_wait3A_260 = arith.constant 0 : i32
    %dma_wait3A_261 = tpu.memref_slice %arg7[%dma_wait3A_257, %dma_wait3A_259, %dma_wait3A_260] : memref<3x104x128xf32, #tpu.memory_space<vmem>> -> memref<1x104x128xf32, #tpu.memory_space<vmem>>
    %dma_wait3A_262 = tpu.memref_squeeze %dma_wait3A_261 : memref<1x104x128xf32, #tpu.memory_space<vmem>> -> memref<104x128xf32, #tpu.memory_space<vmem>>
    %dma_wait3A_263 = arith.constant 0 : i32
    %dma_wait3A_264 = arith.constant 0 : i32
    %dma_wait3A_265 = tpu.memref_slice %dma_wait3A_262[%dma_wait3A_263, %dma_wait3A_264] : memref<104x128xf32, #tpu.memory_space<vmem>> -> memref<104x128xf32, #tpu.memory_space<vmem>>
    %dma_wait3A_266 = arith.constant 0 : i32
    %dma_wait3A_267 = tpu.memref_slice %arg10[%add3A_256, %dma_wait3A_266] : memref<10000x128xf32, #tpu.memory_space<vmem_shared>> -> memref<104x128xf32, #tpu.memory_space<vmem_shared>>
    %dma_wait3A_268 = tpu.memref_slice %arg14[%dma_wait3A_258] : memref<3x!tpu.dma_semaphore, #tpu.memory_space<semaphore_mem>> -> memref<1x!tpu.dma_semaphore, #tpu.memory_space<semaphore_mem>>
    %dma_wait3A_269 = tpu.memref_squeeze %dma_wait3A_268 : memref<1x!tpu.dma_semaphore, #tpu.memory_space<semaphore_mem>> -> memref<!tpu.dma_semaphore, #tpu.memory_space<semaphore_mem>>
    %dma_wait3A_270 = arith.constant 0 : i32
    %dma_wait3A_271 = tpu.memref_slice %arg10[%add3A_256, %dma_wait3A_270] : memref<10000x128xf32, #tpu.memory_space<vmem_shared>> -> memref<104x128xf32, #tpu.memory_space<vmem_shared>>
    %dma_wait3A_272 = arith.constant 0 : i32
    %dma_wait3A_273 = arith.constant 0 : i32
    %dma_wait3A_274 = tpu.memref_slice %arg7[%dma_wait3A_257, %dma_wait3A_272, %dma_wait3A_273] : memref<3x104x128xf32, #tpu.memory_space<vmem>> -> memref<1x104x128xf32, #tpu.memory_space<vmem>>
    %dma_wait3A_275 = tpu.memref_squeeze %dma_wait3A_274 : memref<1x104x128xf32, #tpu.memory_space<vmem>> -> memref<104x128xf32, #tpu.memory_space<vmem>>
    %dma_wait3A_276 = arith.constant 0 : i32
    %dma_wait3A_277 = arith.constant 0 : i32
    %dma_wait3A_278 = tpu.memref_slice %dma_wait3A_275[%dma_wait3A_276, %dma_wait3A_277] : memref<104x128xf32, #tpu.memory_space<vmem>> -> memref<104x128xf32, #tpu.memory_space<vmem>>
    tpu.wait_dma2 semaphore(%dma_wait3A_269 : memref<!tpu.dma_semaphore, #tpu.memory_space<semaphore_mem>>) src(%dma_wait3A_278 : memref<104x128xf32, #tpu.memory_space<vmem>>) dst(%dma_wait3A_271 : memref<104x128xf32, #tpu.memory_space<vmem_shared>>)
    %add3A_279 = arith.constant 104 : i32
    %add3A_280 = arith.addi %mul3A_108, %add3A_279 : i32
    %dma_wait3A_281 = arith.constant 2 : i32
    %dma_wait3A_282 = arith.constant 2 : i32
    %dma_wait3A_283 = arith.constant 0 : i32
    %dma_wait3A_284 = arith.constant 0 : i32
    %dma_wait3A_285 = tpu.memref_slice %arg7[%dma_wait3A_281, %dma_wait3A_283, %dma_wait3A_284] : memref<3x104x128xf32, #tpu.memory_space<vmem>> -> memref<1x104x128xf32, #tpu.memory_space<vmem>>
    %dma_wait3A_286 = tpu.memref_squeeze %dma_wait3A_285 : memref<1x104x128xf32, #tpu.memory_space<vmem>> -> memref<104x128xf32, #tpu.memory_space<vmem>>
    %dma_wait3A_287 = arith.constant 0 : i32
    %dma_wait3A_288 = arith.constant 0 : i32
    %dma_wait3A_289 = tpu.memref_slice %dma_wait3A_286[%dma_wait3A_287, %dma_wait3A_288] : memref<104x128xf32, #tpu.memory_space<vmem>> -> memref<104x128xf32, #tpu.memory_space<vmem>>
    %dma_wait3A_290 = arith.constant 0 : i32
    %dma_wait3A_291 = tpu.memref_slice %arg10[%add3A_280, %dma_wait3A_290] : memref<10000x128xf32, #tpu.memory_space<vmem_shared>> -> memref<104x128xf32, #tpu.memory_space<vmem_shared>>
    %dma_wait3A_292 = tpu.memref_slice %arg14[%dma_wait3A_282] : memref<3x!tpu.dma_semaphore, #tpu.memory_space<semaphore_mem>> -> memref<1x!tpu.dma_semaphore, #tpu.memory_space<semaphore_mem>>
    %dma_wait3A_293 = tpu.memref_squeeze %dma_wait3A_292 : memref<1x!tpu.dma_semaphore, #tpu.memory_space<semaphore_mem>> -> memref<!tpu.dma_semaphore, #tpu.memory_space<semaphore_mem>>
    %dma_wait3A_294 = arith.constant 0 : i32
    %dma_wait3A_295 = tpu.memref_slice %arg10[%add3A_280, %dma_wait3A_294] : memref<10000x128xf32, #tpu.memory_space<vmem_shared>> -> memref<104x128xf32, #tpu.memory_space<vmem_shared>>
    %dma_wait3A_296 = arith.constant 0 : i32
    %dma_wait3A_297 = arith.constant 0 : i32
    %dma_wait3A_298 = tpu.memref_slice %arg7[%dma_wait3A_281, %dma_wait3A_296, %dma_wait3A_297] : memref<3x104x128xf32, #tpu.memory_space<vmem>> -> memref<1x104x128xf32, #tpu.memory_space<vmem>>
    %dma_wait3A_299 = tpu.memref_squeeze %dma_wait3A_298 : memref<1x104x128xf32, #tpu.memory_space<vmem>> -> memref<104x128xf32, #tpu.memory_space<vmem>>
    %dma_wait3A_300 = arith.constant 0 : i32
    %dma_wait3A_301 = arith.constant 0 : i32
    %dma_wait3A_302 = tpu.memref_slice %dma_wait3A_299[%dma_wait3A_300, %dma_wait3A_301] : memref<104x128xf32, #tpu.memory_space<vmem>> -> memref<104x128xf32, #tpu.memory_space<vmem>>
    tpu.wait_dma2 semaphore(%dma_wait3A_293 : memref<!tpu.dma_semaphore, #tpu.memory_space<semaphore_mem>>) src(%dma_wait3A_302 : memref<104x128xf32, #tpu.memory_space<vmem>>) dst(%dma_wait3A_295 : memref<104x128xf32, #tpu.memory_space<vmem_shared>>)
    %add3A_303 = arith.constant 208 : i32
    %add3A_304 = arith.addi %mul3A_108, %add3A_303 : i32
    %dma_wait3A_305 = arith.constant 2 : i32
    %dma_wait3A_306 = arith.constant 2 : i32
    %dma_wait3A_307 = arith.constant 0 : i32
    %dma_wait3A_308 = arith.constant 0 : i32
    %dma_wait3A_309 = tpu.memref_slice %arg7[%dma_wait3A_305, %dma_wait3A_307, %dma_wait3A_308] : memref<3x104x128xf32, #tpu.memory_space<vmem>> -> memref<1x104x128xf32, #tpu.memory_space<vmem>>
    %dma_wait3A_310 = tpu.memref_squeeze %dma_wait3A_309 : memref<1x104x128xf32, #tpu.memory_space<vmem>> -> memref<104x128xf32, #tpu.memory_space<vmem>>
    %dma_wait3A_311 = arith.constant 0 : i32
    %dma_wait3A_312 = arith.constant 0 : i32
    %dma_wait3A_313 = tpu.memref_slice %dma_wait3A_310[%dma_wait3A_311, %dma_wait3A_312] : memref<104x128xf32, #tpu.memory_space<vmem>> -> memref<104x128xf32, #tpu.memory_space<vmem>>
    %dma_wait3A_314 = arith.constant 0 : i32
    %dma_wait3A_315 = tpu.memref_slice %arg10[%add3A_304, %dma_wait3A_314] : memref<10000x128xf32, #tpu.memory_space<vmem_shared>> -> memref<104x128xf32, #tpu.memory_space<vmem_shared>>
    %dma_wait3A_316 = tpu.memref_slice %arg14[%dma_wait3A_306] : memref<3x!tpu.dma_semaphore, #tpu.memory_space<semaphore_mem>> -> memref<1x!tpu.dma_semaphore, #tpu.memory_space<semaphore_mem>>
    %dma_wait3A_317 = tpu.memref_squeeze %dma_wait3A_316 : memref<1x!tpu.dma_semaphore, #tpu.memory_space<semaphore_mem>> -> memref<!tpu.dma_semaphore, #tpu.memory_space<semaphore_mem>>
    %dma_wait3A_318 = arith.constant 0 : i32
    %dma_wait3A_319 = tpu.memref_slice %arg10[%add3A_304, %dma_wait3A_318] : memref<10000x128xf32, #tpu.memory_space<vmem_shared>> -> memref<104x128xf32, #tpu.memory_space<vmem_shared>>
    %dma_wait3A_320 = arith.constant 0 : i32
    %dma_wait3A_321 = arith.constant 0 : i32
    %dma_wait3A_322 = tpu.memref_slice %arg7[%dma_wait3A_305, %dma_wait3A_320, %dma_wait3A_321] : memref<3x104x128xf32, #tpu.memory_space<vmem>> -> memref<1x104x128xf32, #tpu.memory_space<vmem>>
    %dma_wait3A_323 = tpu.memref_squeeze %dma_wait3A_322 : memref<1x104x128xf32, #tpu.memory_space<vmem>> -> memref<104x128xf32, #tpu.memory_space<vmem>>
    %dma_wait3A_324 = arith.constant 0 : i32
    %dma_wait3A_325 = arith.constant 0 : i32
    %dma_wait3A_326 = tpu.memref_slice %dma_wait3A_323[%dma_wait3A_324, %dma_wait3A_325] : memref<104x128xf32, #tpu.memory_space<vmem>> -> memref<104x128xf32, #tpu.memory_space<vmem>>
    tpu.wait_dma2 semaphore(%dma_wait3A_317 : memref<!tpu.dma_semaphore, #tpu.memory_space<semaphore_mem>>) src(%dma_wait3A_326 : memref<104x128xf32, #tpu.memory_space<vmem>>) dst(%dma_wait3A_319 : memref<104x128xf32, #tpu.memory_space<vmem_shared>>)
    %add3A_327 = arith.constant 312 : i32
    %add3A_328 = arith.addi %mul3A_108, %add3A_327 : i32
    %dma_wait3A_329 = arith.constant 2 : i32
    %dma_wait3A_330 = arith.constant 2 : i32
    %dma_wait3A_331 = arith.constant 0 : i32
    %dma_wait3A_332 = arith.constant 0 : i32
    %dma_wait3A_333 = tpu.memref_slice %arg7[%dma_wait3A_329, %dma_wait3A_331, %dma_wait3A_332] : memref<3x104x128xf32, #tpu.memory_space<vmem>> -> memref<1x104x128xf32, #tpu.memory_space<vmem>>
    %dma_wait3A_334 = tpu.memref_squeeze %dma_wait3A_333 : memref<1x104x128xf32, #tpu.memory_space<vmem>> -> memref<104x128xf32, #tpu.memory_space<vmem>>
    %dma_wait3A_335 = arith.constant 0 : i32
    %dma_wait3A_336 = arith.constant 0 : i32
    %dma_wait3A_337 = tpu.memref_slice %dma_wait3A_334[%dma_wait3A_335, %dma_wait3A_336] : memref<104x128xf32, #tpu.memory_space<vmem>> -> memref<104x128xf32, #tpu.memory_space<vmem>>
    %dma_wait3A_338 = arith.constant 0 : i32
    %dma_wait3A_339 = tpu.memref_slice %arg10[%add3A_328, %dma_wait3A_338] : memref<10000x128xf32, #tpu.memory_space<vmem_shared>> -> memref<104x128xf32, #tpu.memory_space<vmem_shared>>
    %dma_wait3A_340 = tpu.memref_slice %arg14[%dma_wait3A_330] : memref<3x!tpu.dma_semaphore, #tpu.memory_space<semaphore_mem>> -> memref<1x!tpu.dma_semaphore, #tpu.memory_space<semaphore_mem>>
    %dma_wait3A_341 = tpu.memref_squeeze %dma_wait3A_340 : memref<1x!tpu.dma_semaphore, #tpu.memory_space<semaphore_mem>> -> memref<!tpu.dma_semaphore, #tpu.memory_space<semaphore_mem>>
    %dma_wait3A_342 = arith.constant 0 : i32
    %dma_wait3A_343 = tpu.memref_slice %arg10[%add3A_328, %dma_wait3A_342] : memref<10000x128xf32, #tpu.memory_space<vmem_shared>> -> memref<104x128xf32, #tpu.memory_space<vmem_shared>>
    %dma_wait3A_344 = arith.constant 0 : i32
    %dma_wait3A_345 = arith.constant 0 : i32
    %dma_wait3A_346 = tpu.memref_slice %arg7[%dma_wait3A_329, %dma_wait3A_344, %dma_wait3A_345] : memref<3x104x128xf32, #tpu.memory_space<vmem>> -> memref<1x104x128xf32, #tpu.memory_space<vmem>>
    %dma_wait3A_347 = tpu.memref_squeeze %dma_wait3A_346 : memref<1x104x128xf32, #tpu.memory_space<vmem>> -> memref<104x128xf32, #tpu.memory_space<vmem>>
    %dma_wait3A_348 = arith.constant 0 : i32
    %dma_wait3A_349 = arith.constant 0 : i32
    %dma_wait3A_350 = tpu.memref_slice %dma_wait3A_347[%dma_wait3A_348, %dma_wait3A_349] : memref<104x128xf32, #tpu.memory_space<vmem>> -> memref<104x128xf32, #tpu.memory_space<vmem>>
    tpu.wait_dma2 semaphore(%dma_wait3A_341 : memref<!tpu.dma_semaphore, #tpu.memory_space<semaphore_mem>>) src(%dma_wait3A_350 : memref<104x128xf32, #tpu.memory_space<vmem>>) dst(%dma_wait3A_343 : memref<104x128xf32, #tpu.memory_space<vmem_shared>>)
    %add3A_351 = arith.constant 416 : i32
    %add3A_352 = arith.addi %mul3A_108, %add3A_351 : i32
    %dma_wait3A_353 = arith.constant 2 : i32
    %dma_wait3A_354 = arith.constant 2 : i32
    %dma_wait3A_355 = arith.constant 0 : i32
    %dma_wait3A_356 = arith.constant 0 : i32
    %dma_wait3A_357 = tpu.memref_slice %arg7[%dma_wait3A_353, %dma_wait3A_355, %dma_wait3A_356] : memref<3x104x128xf32, #tpu.memory_space<vmem>> -> memref<1x104x128xf32, #tpu.memory_space<vmem>>
    %dma_wait3A_358 = tpu.memref_squeeze %dma_wait3A_357 : memref<1x104x128xf32, #tpu.memory_space<vmem>> -> memref<104x128xf32, #tpu.memory_space<vmem>>
    %dma_wait3A_359 = arith.constant 0 : i32
    %dma_wait3A_360 = arith.constant 0 : i32
    %dma_wait3A_361 = tpu.memref_slice %dma_wait3A_358[%dma_wait3A_359, %dma_wait3A_360] : memref<104x128xf32, #tpu.memory_space<vmem>> -> memref<104x128xf32, #tpu.memory_space<vmem>>
    %dma_wait3A_362 = arith.constant 0 : i32
    %dma_wait3A_363 = tpu.memref_slice %arg10[%add3A_352, %dma_wait3A_362] : memref<10000x128xf32, #tpu.memory_space<vmem_shared>> -> memref<104x128xf32, #tpu.memory_space<vmem_shared>>
    %dma_wait3A_364 = tpu.memref_slice %arg14[%dma_wait3A_354] : memref<3x!tpu.dma_semaphore, #tpu.memory_space<semaphore_mem>> -> memref<1x!tpu.dma_semaphore, #tpu.memory_space<semaphore_mem>>
    %dma_wait3A_365 = tpu.memref_squeeze %dma_wait3A_364 : memref<1x!tpu.dma_semaphore, #tpu.memory_space<semaphore_mem>> -> memref<!tpu.dma_semaphore, #tpu.memory_space<semaphore_mem>>
    %dma_wait3A_366 = arith.constant 0 : i32
    %dma_wait3A_367 = tpu.memref_slice %arg10[%add3A_352, %dma_wait3A_366] : memref<10000x128xf32, #tpu.memory_space<vmem_shared>> -> memref<104x128xf32, #tpu.memory_space<vmem_shared>>
    %dma_wait3A_368 = arith.constant 0 : i32
    %dma_wait3A_369 = arith.constant 0 : i32
    %dma_wait3A_370 = tpu.memref_slice %arg7[%dma_wait3A_353, %dma_wait3A_368, %dma_wait3A_369] : memref<3x104x128xf32, #tpu.memory_space<vmem>> -> memref<1x104x128xf32, #tpu.memory_space<vmem>>
    %dma_wait3A_371 = tpu.memref_squeeze %dma_wait3A_370 : memref<1x104x128xf32, #tpu.memory_space<vmem>> -> memref<104x128xf32, #tpu.memory_space<vmem>>
    %dma_wait3A_372 = arith.constant 0 : i32
    %dma_wait3A_373 = arith.constant 0 : i32
    %dma_wait3A_374 = tpu.memref_slice %dma_wait3A_371[%dma_wait3A_372, %dma_wait3A_373] : memref<104x128xf32, #tpu.memory_space<vmem>> -> memref<104x128xf32, #tpu.memory_space<vmem>>
    tpu.wait_dma2 semaphore(%dma_wait3A_365 : memref<!tpu.dma_semaphore, #tpu.memory_space<semaphore_mem>>) src(%dma_wait3A_374 : memref<104x128xf32, #tpu.memory_space<vmem>>) dst(%dma_wait3A_367 : memref<104x128xf32, #tpu.memory_space<vmem_shared>>)
    %add3A_375 = arith.constant 520 : i32
    %add3A_376 = arith.addi %mul3A_108, %add3A_375 : i32
    %dma_wait3A_377 = arith.constant 2 : i32
    %dma_wait3A_378 = arith.constant 2 : i32
    %dma_wait3A_379 = arith.constant 0 : i32
    %dma_wait3A_380 = arith.constant 0 : i32
    %dma_wait3A_381 = tpu.memref_slice %arg7[%dma_wait3A_377, %dma_wait3A_379, %dma_wait3A_380] : memref<3x104x128xf32, #tpu.memory_space<vmem>> -> memref<1x104x128xf32, #tpu.memory_space<vmem>>
    %dma_wait3A_382 = tpu.memref_squeeze %dma_wait3A_381 : memref<1x104x128xf32, #tpu.memory_space<vmem>> -> memref<104x128xf32, #tpu.memory_space<vmem>>
    %dma_wait3A_383 = arith.constant 0 : i32
    %dma_wait3A_384 = arith.constant 0 : i32
    %dma_wait3A_385 = tpu.memref_slice %dma_wait3A_382[%dma_wait3A_383, %dma_wait3A_384] : memref<104x128xf32, #tpu.memory_space<vmem>> -> memref<104x128xf32, #tpu.memory_space<vmem>>
    %dma_wait3A_386 = arith.constant 0 : i32
    %dma_wait3A_387 = tpu.memref_slice %arg10[%add3A_376, %dma_wait3A_386] : memref<10000x128xf32, #tpu.memory_space<vmem_shared>> -> memref<104x128xf32, #tpu.memory_space<vmem_shared>>
    %dma_wait3A_388 = tpu.memref_slice %arg14[%dma_wait3A_378] : memref<3x!tpu.dma_semaphore, #tpu.memory_space<semaphore_mem>> -> memref<1x!tpu.dma_semaphore, #tpu.memory_space<semaphore_mem>>
    %dma_wait3A_389 = tpu.memref_squeeze %dma_wait3A_388 : memref<1x!tpu.dma_semaphore, #tpu.memory_space<semaphore_mem>> -> memref<!tpu.dma_semaphore, #tpu.memory_space<semaphore_mem>>
    %dma_wait3A_390 = arith.constant 0 : i32
    %dma_wait3A_391 = tpu.memref_slice %arg10[%add3A_376, %dma_wait3A_390] : memref<10000x128xf32, #tpu.memory_space<vmem_shared>> -> memref<104x128xf32, #tpu.memory_space<vmem_shared>>
    %dma_wait3A_392 = arith.constant 0 : i32
    %dma_wait3A_393 = arith.constant 0 : i32
    %dma_wait3A_394 = tpu.memref_slice %arg7[%dma_wait3A_377, %dma_wait3A_392, %dma_wait3A_393] : memref<3x104x128xf32, #tpu.memory_space<vmem>> -> memref<1x104x128xf32, #tpu.memory_space<vmem>>
    %dma_wait3A_395 = tpu.memref_squeeze %dma_wait3A_394 : memref<1x104x128xf32, #tpu.memory_space<vmem>> -> memref<104x128xf32, #tpu.memory_space<vmem>>
    %dma_wait3A_396 = arith.constant 0 : i32
    %dma_wait3A_397 = arith.constant 0 : i32
    %dma_wait3A_398 = tpu.memref_slice %dma_wait3A_395[%dma_wait3A_396, %dma_wait3A_397] : memref<104x128xf32, #tpu.memory_space<vmem>> -> memref<104x128xf32, #tpu.memory_space<vmem>>
    tpu.wait_dma2 semaphore(%dma_wait3A_389 : memref<!tpu.dma_semaphore, #tpu.memory_space<semaphore_mem>>) src(%dma_wait3A_398 : memref<104x128xf32, #tpu.memory_space<vmem>>) dst(%dma_wait3A_391 : memref<104x128xf32, #tpu.memory_space<vmem_shared>>)
    %eq3A_399 = arith.constant 15 : i32
    %eq3A_400 = arith.cmpi eq, %arg1, %eq3A_399 : i32
    %convert_element_type3A_401 = arith.extui %eq3A_400 : i1 to i32
    %cond3A_402 = arith.constant 0 : i32
    %cond3A_403 = arith.cmpi ne, %convert_element_type3A_401, %cond3A_402 : i32
    scf.if %cond3A_403 {
      %dma_wait3A_439 = arith.constant 2 : i32
      %dma_wait3A_440 = arith.constant 2 : i32
      %dma_wait3A_441 = arith.constant 0 : i32
      %dma_wait3A_442 = arith.constant 0 : i32
      %dma_wait3A_443 = tpu.memref_slice %arg7[%dma_wait3A_439, %dma_wait3A_441, %dma_wait3A_442] : memref<3x104x128xf32, #tpu.memory_space<vmem>> -> memref<1x104x128xf32, #tpu.memory_space<vmem>>
      %dma_wait3A_444 = tpu.memref_squeeze %dma_wait3A_443 : memref<1x104x128xf32, #tpu.memory_space<vmem>> -> memref<104x128xf32, #tpu.memory_space<vmem>>
      %dma_wait3A_445 = arith.constant 0 : i32
      %dma_wait3A_446 = arith.constant 0 : i32
      %dma_wait3A_447 = tpu.memref_slice %dma_wait3A_444[%dma_wait3A_445, %dma_wait3A_446] : memref<104x128xf32, #tpu.memory_space<vmem>> -> memref<16x128xf32, #tpu.memory_space<vmem>>
      %dma_wait3A_448 = arith.constant 9984 : i32
      %dma_wait3A_449 = arith.constant 0 : i32
      %dma_wait3A_450 = tpu.memref_slice %arg10[%dma_wait3A_448, %dma_wait3A_449] : memref<10000x128xf32, #tpu.memory_space<vmem_shared>> -> memref<16x128xf32, #tpu.memory_space<vmem_shared>>
      %dma_wait3A_451 = tpu.memref_slice %arg14[%dma_wait3A_440] : memref<3x!tpu.dma_semaphore, #tpu.memory_space<semaphore_mem>> -> memref<1x!tpu.dma_semaphore, #tpu.memory_space<semaphore_mem>>
      %dma_wait3A_452 = tpu.memref_squeeze %dma_wait3A_451 : memref<1x!tpu.dma_semaphore, #tpu.memory_space<semaphore_mem>> -> memref<!tpu.dma_semaphore, #tpu.memory_space<semaphore_mem>>
      %dma_wait3A_453 = arith.constant 9984 : i32
      %dma_wait3A_454 = arith.constant 0 : i32
      %dma_wait3A_455 = tpu.memref_slice %arg10[%dma_wait3A_453, %dma_wait3A_454] : memref<10000x128xf32, #tpu.memory_space<vmem_shared>> -> memref<16x128xf32, #tpu.memory_space<vmem_shared>>
      %dma_wait3A_456 = arith.constant 0 : i32
      %dma_wait3A_457 = arith.constant 0 : i32
      %dma_wait3A_458 = tpu.memref_slice %arg7[%dma_wait3A_439, %dma_wait3A_456, %dma_wait3A_457] : memref<3x104x128xf32, #tpu.memory_space<vmem>> -> memref<1x104x128xf32, #tpu.memory_space<vmem>>
      %dma_wait3A_459 = tpu.memref_squeeze %dma_wait3A_458 : memref<1x104x128xf32, #tpu.memory_space<vmem>> -> memref<104x128xf32, #tpu.memory_space<vmem>>
      %dma_wait3A_460 = arith.constant 0 : i32
      %dma_wait3A_461 = arith.constant 0 : i32
      %dma_wait3A_462 = tpu.memref_slice %dma_wait3A_459[%dma_wait3A_460, %dma_wait3A_461] : memref<104x128xf32, #tpu.memory_space<vmem>> -> memref<16x128xf32, #tpu.memory_space<vmem>>
      tpu.wait_dma2 semaphore(%dma_wait3A_452 : memref<!tpu.dma_semaphore, #tpu.memory_space<semaphore_mem>>) src(%dma_wait3A_462 : memref<16x128xf32, #tpu.memory_space<vmem>>) dst(%dma_wait3A_455 : memref<16x128xf32, #tpu.memory_space<vmem_shared>>)
    } else {
    }
    %barrier3A = arith.constant 0 : index
    tpu.barrier barrier_id(%barrier3A)
    %scan3A_404 = arith.constant 0 : i32
    %scan3A_405 = arith.constant 0 : i32
    %scan3A_406 = arith.constant 32 : i32
    %scan3A_407 = arith.addi %scan3A_405, %scan3A_406 : i32
    %scan3A_408 = arith.constant 1 : i32
    %scan3A_409 = scf.for %scan3A_439 = %scan3A_405 to %scan3A_407 step %scan3A_408 iter_args(%scan3A_440 = %scan3A_404) -> (i32)  : i32 {
      %mul3A_441 = arith.constant 3 : i32
      %mul3A_442 = arith.muli %scan3A_439, %mul3A_441 : i32
      %add3A_443 = arith.constant 0 : i32
      %add3A_444 = arith.addi %mul3A_442, %add3A_443 : i32
      %mul3A_445 = arith.constant 104 : i32
      %mul3A_446 = arith.muli %add3A_444, %mul3A_445 : i32
      %dma_wait3A_447 = arith.constant 0 : i32
      %dma_wait3A_448 = arith.constant 0 : i32
      %dma_wait3A_449 = arith.constant 0 : i32
      %dma_wait3A_450 = arith.constant 0 : i32
      %dma_wait3A_451 = tpu.memref_slice %arg7[%dma_wait3A_447, %dma_wait3A_449, %dma_wait3A_450] : memref<3x104x128xf32, #tpu.memory_space<vmem>> -> memref<1x104x128xf32, #tpu.memory_space<vmem>>
      %dma_wait3A_452 = tpu.memref_squeeze %dma_wait3A_451 : memref<1x104x128xf32, #tpu.memory_space<vmem>> -> memref<104x128xf32, #tpu.memory_space<vmem>>
      %dma_wait3A_453 = tpu.memref_slice %arg5[%mul3A_446] : memref<9984xi32, #tpu.memory_space<vmem>> -> memref<104xi32, #tpu.memory_space<vmem>>
      %dma_wait3A_454 = arith.constant 0 : i32
      %dma_wait3A_455 = arith.constant 0 : i32
      %dma_wait3A_456 = tpu.memref_slice %arg2[%dma_wait3A_454, %dma_wait3A_455] : memref<10000x128xf32, #tpu.memory_space<hbm>> -> memref<10000x128xf32, #tpu.memory_space<hbm>>
      %dma_wait3A_457 = tpu.memref_slice %arg12[%dma_wait3A_448] : memref<3x!tpu.dma_semaphore, #tpu.memory_space<semaphore_mem>> -> memref<1x!tpu.dma_semaphore, #tpu.memory_space<semaphore_mem>>
      %dma_wait3A_458 = tpu.memref_squeeze %dma_wait3A_457 : memref<1x!tpu.dma_semaphore, #tpu.memory_space<semaphore_mem>> -> memref<!tpu.dma_semaphore, #tpu.memory_space<semaphore_mem>>
      tpu.wait_indirect_dma semaphore(%dma_wait3A_458 : memref<!tpu.dma_semaphore, #tpu.memory_space<semaphore_mem>>) src(%dma_wait3A_456 : memref<10000x128xf32, #tpu.memory_space<hbm>>) dst(%dma_wait3A_452 : memref<104x128xf32, #tpu.memory_space<vmem>>)
      %add3A_459 = arith.constant 320000 : i32
      %add3A_460 = arith.addi %add3A_459, %mul3A_2 : i32
      %mul3A_461 = arith.constant 104 : i32
      %mul3A_462 = arith.muli %add3A_444, %mul3A_461 : i32
      %add3A_463 = arith.addi %add3A_460, %mul3A_462 : i32
      %dma_wait3A_464 = arith.constant 0 : i32
      %dma_wait3A_465 = arith.constant 0 : i32
      %dma_wait3A_466 = arith.constant 0 : i32
      %dma_wait3A_467 = tpu.memref_slice %arg6[%dma_wait3A_464, %dma_wait3A_466] : memref<3x104xi32, #tpu.memory_space<vmem>> -> memref<1x104xi32, #tpu.memory_space<vmem>>
      %dma_wait3A_468 = tpu.memref_squeeze %dma_wait3A_467 : memref<1x104xi32, #tpu.memory_space<vmem>> -> memref<104xi32, #tpu.memory_space<vmem>>
      %dma_wait3A_469 = tpu.memref_slice %arg3[%add3A_463] : memref<640000xi32, #tpu.memory_space<hbm>> -> memref<104xi32, #tpu.memory_space<hbm>>
      %dma_wait3A_470 = tpu.memref_slice %arg13[%dma_wait3A_465] : memref<3x!tpu.dma_semaphore, #tpu.memory_space<semaphore_mem>> -> memref<1x!tpu.dma_semaphore, #tpu.memory_space<semaphore_mem>>
      %dma_wait3A_471 = tpu.memref_squeeze %dma_wait3A_470 : memref<1x!tpu.dma_semaphore, #tpu.memory_space<semaphore_mem>> -> memref<!tpu.dma_semaphore, #tpu.memory_space<semaphore_mem>>
      %dma_wait3A_472 = arith.constant 0 : i32
      %dma_wait3A_473 = tpu.memref_slice %arg6[%dma_wait3A_464, %dma_wait3A_472] : memref<3x104xi32, #tpu.memory_space<vmem>> -> memref<1x104xi32, #tpu.memory_space<vmem>>
      %dma_wait3A_474 = tpu.memref_squeeze %dma_wait3A_473 : memref<1x104xi32, #tpu.memory_space<vmem>> -> memref<104xi32, #tpu.memory_space<vmem>>
      %dma_wait3A_475 = tpu.memref_slice %arg3[%add3A_463] : memref<640000xi32, #tpu.memory_space<hbm>> -> memref<104xi32, #tpu.memory_space<hbm>>
      tpu.wait_dma2 semaphore(%dma_wait3A_471 : memref<!tpu.dma_semaphore, #tpu.memory_space<semaphore_mem>>) src(%dma_wait3A_475 : memref<104xi32, #tpu.memory_space<hbm>>) dst(%dma_wait3A_474 : memref<104xi32, #tpu.memory_space<vmem>>)
      %dma_start3A_476 = arith.constant 0 : i32
      %dma_start3A_477 = arith.constant 0 : i32
      %dma_start3A_478 = arith.constant 0 : i32
      %dma_start3A_479 = arith.constant 0 : i32
      %dma_start3A_480 = arith.constant 0 : i32
      %dma_start3A_481 = tpu.memref_slice %arg7[%dma_start3A_476, %dma_start3A_479, %dma_start3A_480] : memref<3x104x128xf32, #tpu.memory_space<vmem>> -> memref<1x104x128xf32, #tpu.memory_space<vmem>>
      %dma_start3A_482 = tpu.memref_squeeze %dma_start3A_481 : memref<1x104x128xf32, #tpu.memory_space<vmem>> -> memref<104x128xf32, #tpu.memory_space<vmem>>
      %dma_start3A_483 = arith.constant 0 : i32
      %dma_start3A_484 = tpu.memref_slice %arg6[%dma_start3A_477, %dma_start3A_483] : memref<3x104xi32, #tpu.memory_space<vmem>> -> memref<1x104xi32, #tpu.memory_space<vmem>>
      %dma_start3A_485 = tpu.memref_squeeze %dma_start3A_484 : memref<1x104xi32, #tpu.memory_space<vmem>> -> memref<104xi32, #tpu.memory_space<vmem>>
      %dma_start3A_486 = arith.constant 0 : i32
      %dma_start3A_487 = arith.constant 0 : i32
      %dma_start3A_488 = tpu.memref_slice %arg10[%dma_start3A_486, %dma_start3A_487] : memref<10000x128xf32, #tpu.memory_space<vmem_shared>> -> memref<10000x128xf32, #tpu.memory_space<vmem_shared>>
      %dma_start3A_489 = tpu.memref_slice %arg14[%dma_start3A_478] : memref<3x!tpu.dma_semaphore, #tpu.memory_space<semaphore_mem>> -> memref<1x!tpu.dma_semaphore, #tpu.memory_space<semaphore_mem>>
      %dma_start3A_490 = tpu.memref_squeeze %dma_start3A_489 : memref<1x!tpu.dma_semaphore, #tpu.memory_space<semaphore_mem>> -> memref<!tpu.dma_semaphore, #tpu.memory_space<semaphore_mem>>
      tpu.enqueue_indirect_dma source(%dma_start3A_482 : memref<104x128xf32, #tpu.memory_space<vmem>>) target(%dma_start3A_488 : memref<10000x128xf32, #tpu.memory_space<vmem_shared>>) offsets(%dma_start3A_485 : memref<104xi32, #tpu.memory_space<vmem>>) semaphore(%dma_start3A_490 : memref<!tpu.dma_semaphore, #tpu.memory_space<semaphore_mem>>) {add = true}
      %ge3A = arith.constant 1 : i32
      %ge3A_491 = arith.cmpi sge, %add3A_444, %ge3A : i32
      %convert_element_type3A_492 = arith.extui %ge3A_491 : i1 to i32
      %cond3A_493 = arith.constant 0 : i32
      %cond3A_494 = arith.cmpi ne, %convert_element_type3A_492, %cond3A_493 : i32
      scf.if %cond3A_494 {
        %dma_wait3A_627 = arith.constant 2 : i32
        %dma_wait3A_628 = arith.constant 2 : i32
        %dma_wait3A_629 = arith.constant 2 : i32
        %dma_wait3A_630 = arith.constant 0 : i32
        %dma_wait3A_631 = arith.constant 0 : i32
        %dma_wait3A_632 = tpu.memref_slice %arg7[%dma_wait3A_627, %dma_wait3A_630, %dma_wait3A_631] : memref<3x104x128xf32, #tpu.memory_space<vmem>> -> memref<1x104x128xf32, #tpu.memory_space<vmem>>
        %dma_wait3A_633 = tpu.memref_squeeze %dma_wait3A_632 : memref<1x104x128xf32, #tpu.memory_space<vmem>> -> memref<104x128xf32, #tpu.memory_space<vmem>>
        %dma_wait3A_634 = arith.constant 0 : i32
        %dma_wait3A_635 = tpu.memref_slice %arg6[%dma_wait3A_628, %dma_wait3A_634] : memref<3x104xi32, #tpu.memory_space<vmem>> -> memref<1x104xi32, #tpu.memory_space<vmem>>
        %dma_wait3A_636 = tpu.memref_squeeze %dma_wait3A_635 : memref<1x104xi32, #tpu.memory_space<vmem>> -> memref<104xi32, #tpu.memory_space<vmem>>
        %dma_wait3A_637 = arith.constant 0 : i32
        %dma_wait3A_638 = arith.constant 0 : i32
        %dma_wait3A_639 = tpu.memref_slice %arg10[%dma_wait3A_637, %dma_wait3A_638] : memref<10000x128xf32, #tpu.memory_space<vmem_shared>> -> memref<10000x128xf32, #tpu.memory_space<vmem_shared>>
        %dma_wait3A_640 = tpu.memref_slice %arg14[%dma_wait3A_629] : memref<3x!tpu.dma_semaphore, #tpu.memory_space<semaphore_mem>> -> memref<1x!tpu.dma_semaphore, #tpu.memory_space<semaphore_mem>>
        %dma_wait3A_641 = tpu.memref_squeeze %dma_wait3A_640 : memref<1x!tpu.dma_semaphore, #tpu.memory_space<semaphore_mem>> -> memref<!tpu.dma_semaphore, #tpu.memory_space<semaphore_mem>>
        tpu.wait_indirect_dma semaphore(%dma_wait3A_641 : memref<!tpu.dma_semaphore, #tpu.memory_space<semaphore_mem>>) src(%dma_wait3A_633 : memref<104x128xf32, #tpu.memory_space<vmem>>) dst(%dma_wait3A_639 : memref<10000x128xf32, #tpu.memory_space<vmem_shared>>)
      } else {
      }
      %add3A_495 = arith.constant 2 : i32
      %add3A_496 = arith.addi %add3A_444, %add3A_495 : i32
      %lt3A_497 = arith.constant 96 : i32
      %lt3A_498 = arith.cmpi slt, %add3A_496, %lt3A_497 : i32
      %convert_element_type3A_499 = arith.extui %lt3A_498 : i1 to i32
      %cond3A_500 = arith.constant 0 : i32
      %cond3A_501 = arith.cmpi ne, %convert_element_type3A_499, %cond3A_500 : i32
      scf.if %cond3A_501 {
        %add3A_627 = arith.constant 2 : i32
        %add3A_628 = arith.addi %add3A_444, %add3A_627 : i32
        %add3A_629 = arith.constant 320000 : i32
        %add3A_630 = arith.addi %add3A_629, %mul3A_2 : i32
        %mul3A_631 = arith.constant 104 : i32
        %mul3A_632 = arith.muli %add3A_628, %mul3A_631 : i32
        %add3A_633 = arith.addi %add3A_630, %mul3A_632 : i32
        %dma_start3A_634 = arith.constant 2 : i32
        %dma_start3A_635 = arith.constant 2 : i32
        %dma_start3A_636 = arith.constant 0 : i32
        %dma_start3A_637 = tpu.memref_slice %arg6[%dma_start3A_634, %dma_start3A_636] : memref<3x104xi32, #tpu.memory_space<vmem>> -> memref<1x104xi32, #tpu.memory_space<vmem>>
        %dma_start3A_638 = tpu.memref_squeeze %dma_start3A_637 : memref<1x104xi32, #tpu.memory_space<vmem>> -> memref<104xi32, #tpu.memory_space<vmem>>
        %dma_start3A_639 = tpu.memref_slice %arg3[%add3A_633] : memref<640000xi32, #tpu.memory_space<hbm>> -> memref<104xi32, #tpu.memory_space<hbm>>
        %dma_start3A_640 = tpu.memref_slice %arg13[%dma_start3A_635] : memref<3x!tpu.dma_semaphore, #tpu.memory_space<semaphore_mem>> -> memref<1x!tpu.dma_semaphore, #tpu.memory_space<semaphore_mem>>
        %dma_start3A_641 = tpu.memref_squeeze %dma_start3A_640 : memref<1x!tpu.dma_semaphore, #tpu.memory_space<semaphore_mem>> -> memref<!tpu.dma_semaphore, #tpu.memory_space<semaphore_mem>>
        %dma_start3A_642 = arith.constant 0 : i32
        %dma_start3A_643 = tpu.memref_slice %arg6[%dma_start3A_634, %dma_start3A_642] : memref<3x104xi32, #tpu.memory_space<vmem>> -> memref<1x104xi32, #tpu.memory_space<vmem>>
        %dma_start3A_644 = tpu.memref_squeeze %dma_start3A_643 : memref<1x104xi32, #tpu.memory_space<vmem>> -> memref<104xi32, #tpu.memory_space<vmem>>
        %dma_start3A_645 = tpu.memref_slice %arg3[%add3A_633] : memref<640000xi32, #tpu.memory_space<hbm>> -> memref<104xi32, #tpu.memory_space<hbm>>
        tpu.enqueue_dma source(%dma_start3A_645 : memref<104xi32, #tpu.memory_space<hbm>>) target(%dma_start3A_644 : memref<104xi32, #tpu.memory_space<vmem>>) target_semaphore(%dma_start3A_641 : memref<!tpu.dma_semaphore, #tpu.memory_space<semaphore_mem>>)
        %mul3A_646 = arith.constant 104 : i32
        %mul3A_647 = arith.muli %add3A_628, %mul3A_646 : i32
        %dma_start3A_648 = arith.constant 2 : i32
        %dma_start3A_649 = arith.constant 2 : i32
        %dma_start3A_650 = arith.constant 0 : i32
        %dma_start3A_651 = arith.constant 0 : i32
        %dma_start3A_652 = tpu.memref_slice %arg7[%dma_start3A_648, %dma_start3A_650, %dma_start3A_651] : memref<3x104x128xf32, #tpu.memory_space<vmem>> -> memref<1x104x128xf32, #tpu.memory_space<vmem>>
        %dma_start3A_653 = tpu.memref_squeeze %dma_start3A_652 : memref<1x104x128xf32, #tpu.memory_space<vmem>> -> memref<104x128xf32, #tpu.memory_space<vmem>>
        %dma_start3A_654 = arith.constant 0 : i32
        %dma_start3A_655 = arith.constant 0 : i32
        %dma_start3A_656 = tpu.memref_slice %dma_start3A_653[%dma_start3A_654, %dma_start3A_655] : memref<104x128xf32, #tpu.memory_space<vmem>> -> memref<48x128xf32, #tpu.memory_space<vmem>>
        %dma_start3A_657 = tpu.memref_slice %arg5[%mul3A_647] : memref<9984xi32, #tpu.memory_space<vmem>> -> memref<48xi32, #tpu.memory_space<vmem>>
        %dma_start3A_658 = arith.constant 0 : i32
        %dma_start3A_659 = arith.constant 0 : i32
        %dma_start3A_660 = tpu.memref_slice %arg2[%dma_start3A_658, %dma_start3A_659] : memref<10000x128xf32, #tpu.memory_space<hbm>> -> memref<10000x128xf32, #tpu.memory_space<hbm>>
        %dma_start3A_661 = tpu.memref_slice %arg12[%dma_start3A_649] : memref<3x!tpu.dma_semaphore, #tpu.memory_space<semaphore_mem>> -> memref<1x!tpu.dma_semaphore, #tpu.memory_space<semaphore_mem>>
        %dma_start3A_662 = tpu.memref_squeeze %dma_start3A_661 : memref<1x!tpu.dma_semaphore, #tpu.memory_space<semaphore_mem>> -> memref<!tpu.dma_semaphore, #tpu.memory_space<semaphore_mem>>
        tpu.enqueue_indirect_dma source(%dma_start3A_660 : memref<10000x128xf32, #tpu.memory_space<hbm>>) target(%dma_start3A_656 : memref<48x128xf32, #tpu.memory_space<vmem>>) offsets(%dma_start3A_657 : memref<48xi32, #tpu.memory_space<vmem>>) semaphore(%dma_start3A_662 : memref<!tpu.dma_semaphore, #tpu.memory_space<semaphore_mem>>)
        %mul3A_663 = arith.constant 104 : i32
        %mul3A_664 = arith.muli %add3A_628, %mul3A_663 : i32
        %add3A_665 = arith.constant 48 : i32
        %add3A_666 = arith.addi %mul3A_664, %add3A_665 : i32
        %dma_start3A_667 = arith.constant 2 : i32
        %dma_start3A_668 = arith.constant 2 : i32
        %dma_start3A_669 = arith.constant 0 : i32
        %dma_start3A_670 = arith.constant 0 : i32
        %dma_start3A_671 = tpu.memref_slice %arg7[%dma_start3A_667, %dma_start3A_669, %dma_start3A_670] : memref<3x104x128xf32, #tpu.memory_space<vmem>> -> memref<1x104x128xf32, #tpu.memory_space<vmem>>
        %dma_start3A_672 = tpu.memref_squeeze %dma_start3A_671 : memref<1x104x128xf32, #tpu.memory_space<vmem>> -> memref<104x128xf32, #tpu.memory_space<vmem>>
        %dma_start3A_673 = arith.constant 48 : i32
        %dma_start3A_674 = arith.constant 0 : i32
        %dma_start3A_675 = tpu.memref_slice %dma_start3A_672[%dma_start3A_673, %dma_start3A_674] : memref<104x128xf32, #tpu.memory_space<vmem>> -> memref<56x128xf32, #tpu.memory_space<vmem>>
        %dma_start3A_676 = tpu.memref_slice %arg5[%add3A_666] : memref<9984xi32, #tpu.memory_space<vmem>> -> memref<56xi32, #tpu.memory_space<vmem>>
        %dma_start3A_677 = arith.constant 0 : i32
        %dma_start3A_678 = arith.constant 0 : i32
        %dma_start3A_679 = tpu.memref_slice %arg2[%dma_start3A_677, %dma_start3A_678] : memref<10000x128xf32, #tpu.memory_space<hbm>> -> memref<10000x128xf32, #tpu.memory_space<hbm>>
        %dma_start3A_680 = tpu.memref_slice %arg12[%dma_start3A_668] : memref<3x!tpu.dma_semaphore, #tpu.memory_space<semaphore_mem>> -> memref<1x!tpu.dma_semaphore, #tpu.memory_space<semaphore_mem>>
        %dma_start3A_681 = tpu.memref_squeeze %dma_start3A_680 : memref<1x!tpu.dma_semaphore, #tpu.memory_space<semaphore_mem>> -> memref<!tpu.dma_semaphore, #tpu.memory_space<semaphore_mem>>
        tpu.enqueue_indirect_dma source(%dma_start3A_679 : memref<10000x128xf32, #tpu.memory_space<hbm>>) target(%dma_start3A_675 : memref<56x128xf32, #tpu.memory_space<vmem>>) offsets(%dma_start3A_676 : memref<56xi32, #tpu.memory_space<vmem>>) semaphore(%dma_start3A_681 : memref<!tpu.dma_semaphore, #tpu.memory_space<semaphore_mem>>)
      } else {
      }
      %mul3A_502 = arith.constant 3 : i32
      %mul3A_503 = arith.muli %scan3A_439, %mul3A_502 : i32
      %add3A_504 = arith.constant 1 : i32
      %add3A_505 = arith.addi %mul3A_503, %add3A_504 : i32
      %mul3A_506 = arith.constant 104 : i32
      %mul3A_507 = arith.muli %add3A_505, %mul3A_506 : i32
      %dma_wait3A_508 = arith.constant 1 : i32
      %dma_wait3A_509 = arith.constant 1 : i32
      %dma_wait3A_510 = arith.constant 0 : i32
      %dma_wait3A_511 = arith.constant 0 : i32
      %dma_wait3A_512 = tpu.memref_slice %arg7[%dma_wait3A_508, %dma_wait3A_510, %dma_wait3A_511] : memref<3x104x128xf32, #tpu.memory_space<vmem>> -> memref<1x104x128xf32, #tpu.memory_space<vmem>>
      %dma_wait3A_513 = tpu.memref_squeeze %dma_wait3A_512 : memref<1x104x128xf32, #tpu.memory_space<vmem>> -> memref<104x128xf32, #tpu.memory_space<vmem>>
      %dma_wait3A_514 = tpu.memref_slice %arg5[%mul3A_507] : memref<9984xi32, #tpu.memory_space<vmem>> -> memref<104xi32, #tpu.memory_space<vmem>>
      %dma_wait3A_515 = arith.constant 0 : i32
      %dma_wait3A_516 = arith.constant 0 : i32
      %dma_wait3A_517 = tpu.memref_slice %arg2[%dma_wait3A_515, %dma_wait3A_516] : memref<10000x128xf32, #tpu.memory_space<hbm>> -> memref<10000x128xf32, #tpu.memory_space<hbm>>
      %dma_wait3A_518 = tpu.memref_slice %arg12[%dma_wait3A_509] : memref<3x!tpu.dma_semaphore, #tpu.memory_space<semaphore_mem>> -> memref<1x!tpu.dma_semaphore, #tpu.memory_space<semaphore_mem>>
      %dma_wait3A_519 = tpu.memref_squeeze %dma_wait3A_518 : memref<1x!tpu.dma_semaphore, #tpu.memory_space<semaphore_mem>> -> memref<!tpu.dma_semaphore, #tpu.memory_space<semaphore_mem>>
      tpu.wait_indirect_dma semaphore(%dma_wait3A_519 : memref<!tpu.dma_semaphore, #tpu.memory_space<semaphore_mem>>) src(%dma_wait3A_517 : memref<10000x128xf32, #tpu.memory_space<hbm>>) dst(%dma_wait3A_513 : memref<104x128xf32, #tpu.memory_space<vmem>>)
      %add3A_520 = arith.constant 320000 : i32
      %add3A_521 = arith.addi %add3A_520, %mul3A_2 : i32
      %mul3A_522 = arith.constant 104 : i32
      %mul3A_523 = arith.muli %add3A_505, %mul3A_522 : i32
      %add3A_524 = arith.addi %add3A_521, %mul3A_523 : i32
      %dma_wait3A_525 = arith.constant 1 : i32
      %dma_wait3A_526 = arith.constant 1 : i32
      %dma_wait3A_527 = arith.constant 0 : i32
      %dma_wait3A_528 = tpu.memref_slice %arg6[%dma_wait3A_525, %dma_wait3A_527] : memref<3x104xi32, #tpu.memory_space<vmem>> -> memref<1x104xi32, #tpu.memory_space<vmem>>
      %dma_wait3A_529 = tpu.memref_squeeze %dma_wait3A_528 : memref<1x104xi32, #tpu.memory_space<vmem>> -> memref<104xi32, #tpu.memory_space<vmem>>
      %dma_wait3A_530 = tpu.memref_slice %arg3[%add3A_524] : memref<640000xi32, #tpu.memory_space<hbm>> -> memref<104xi32, #tpu.memory_space<hbm>>
      %dma_wait3A_531 = tpu.memref_slice %arg13[%dma_wait3A_526] : memref<3x!tpu.dma_semaphore, #tpu.memory_space<semaphore_mem>> -> memref<1x!tpu.dma_semaphore, #tpu.memory_space<semaphore_mem>>
      %dma_wait3A_532 = tpu.memref_squeeze %dma_wait3A_531 : memref<1x!tpu.dma_semaphore, #tpu.memory_space<semaphore_mem>> -> memref<!tpu.dma_semaphore, #tpu.memory_space<semaphore_mem>>
      %dma_wait3A_533 = arith.constant 0 : i32
      %dma_wait3A_534 = tpu.memref_slice %arg6[%dma_wait3A_525, %dma_wait3A_533] : memref<3x104xi32, #tpu.memory_space<vmem>> -> memref<1x104xi32, #tpu.memory_space<vmem>>
      %dma_wait3A_535 = tpu.memref_squeeze %dma_wait3A_534 : memref<1x104xi32, #tpu.memory_space<vmem>> -> memref<104xi32, #tpu.memory_space<vmem>>
      %dma_wait3A_536 = tpu.memref_slice %arg3[%add3A_524] : memref<640000xi32, #tpu.memory_space<hbm>> -> memref<104xi32, #tpu.memory_space<hbm>>
      tpu.wait_dma2 semaphore(%dma_wait3A_532 : memref<!tpu.dma_semaphore, #tpu.memory_space<semaphore_mem>>) src(%dma_wait3A_536 : memref<104xi32, #tpu.memory_space<hbm>>) dst(%dma_wait3A_535 : memref<104xi32, #tpu.memory_space<vmem>>)
      %dma_start3A_537 = arith.constant 1 : i32
      %dma_start3A_538 = arith.constant 1 : i32
      %dma_start3A_539 = arith.constant 1 : i32
      %dma_start3A_540 = arith.constant 0 : i32
      %dma_start3A_541 = arith.constant 0 : i32
      %dma_start3A_542 = tpu.memref_slice %arg7[%dma_start3A_537, %dma_start3A_540, %dma_start3A_541] : memref<3x104x128xf32, #tpu.memory_space<vmem>> -> memref<1x104x128xf32, #tpu.memory_space<vmem>>
      %dma_start3A_543 = tpu.memref_squeeze %dma_start3A_542 : memref<1x104x128xf32, #tpu.memory_space<vmem>> -> memref<104x128xf32, #tpu.memory_space<vmem>>
      %dma_start3A_544 = arith.constant 0 : i32
      %dma_start3A_545 = tpu.memref_slice %arg6[%dma_start3A_538, %dma_start3A_544] : memref<3x104xi32, #tpu.memory_space<vmem>> -> memref<1x104xi32, #tpu.memory_space<vmem>>
      %dma_start3A_546 = tpu.memref_squeeze %dma_start3A_545 : memref<1x104xi32, #tpu.memory_space<vmem>> -> memref<104xi32, #tpu.memory_space<vmem>>
      %dma_start3A_547 = arith.constant 0 : i32
      %dma_start3A_548 = arith.constant 0 : i32
      %dma_start3A_549 = tpu.memref_slice %arg10[%dma_start3A_547, %dma_start3A_548] : memref<10000x128xf32, #tpu.memory_space<vmem_shared>> -> memref<10000x128xf32, #tpu.memory_space<vmem_shared>>
      %dma_start3A_550 = tpu.memref_slice %arg14[%dma_start3A_539] : memref<3x!tpu.dma_semaphore, #tpu.memory_space<semaphore_mem>> -> memref<1x!tpu.dma_semaphore, #tpu.memory_space<semaphore_mem>>
      %dma_start3A_551 = tpu.memref_squeeze %dma_start3A_550 : memref<1x!tpu.dma_semaphore, #tpu.memory_space<semaphore_mem>> -> memref<!tpu.dma_semaphore, #tpu.memory_space<semaphore_mem>>
      tpu.enqueue_indirect_dma source(%dma_start3A_543 : memref<104x128xf32, #tpu.memory_space<vmem>>) target(%dma_start3A_549 : memref<10000x128xf32, #tpu.memory_space<vmem_shared>>) offsets(%dma_start3A_546 : memref<104xi32, #tpu.memory_space<vmem>>) semaphore(%dma_start3A_551 : memref<!tpu.dma_semaphore, #tpu.memory_space<semaphore_mem>>) {add = true}
      %ge3A_552 = arith.constant 1 : i32
      %ge3A_553 = arith.cmpi sge, %add3A_505, %ge3A_552 : i32
      %convert_element_type3A_554 = arith.extui %ge3A_553 : i1 to i32
      %cond3A_555 = arith.constant 0 : i32
      %cond3A_556 = arith.cmpi ne, %convert_element_type3A_554, %cond3A_555 : i32
      scf.if %cond3A_556 {
        %dma_wait3A_627 = arith.constant 0 : i32
        %dma_wait3A_628 = arith.constant 0 : i32
        %dma_wait3A_629 = arith.constant 0 : i32
        %dma_wait3A_630 = arith.constant 0 : i32
        %dma_wait3A_631 = arith.constant 0 : i32
        %dma_wait3A_632 = tpu.memref_slice %arg7[%dma_wait3A_627, %dma_wait3A_630, %dma_wait3A_631] : memref<3x104x128xf32, #tpu.memory_space<vmem>> -> memref<1x104x128xf32, #tpu.memory_space<vmem>>
        %dma_wait3A_633 = tpu.memref_squeeze %dma_wait3A_632 : memref<1x104x128xf32, #tpu.memory_space<vmem>> -> memref<104x128xf32, #tpu.memory_space<vmem>>
        %dma_wait3A_634 = arith.constant 0 : i32
        %dma_wait3A_635 = tpu.memref_slice %arg6[%dma_wait3A_628, %dma_wait3A_634] : memref<3x104xi32, #tpu.memory_space<vmem>> -> memref<1x104xi32, #tpu.memory_space<vmem>>
        %dma_wait3A_636 = tpu.memref_squeeze %dma_wait3A_635 : memref<1x104xi32, #tpu.memory_space<vmem>> -> memref<104xi32, #tpu.memory_space<vmem>>
        %dma_wait3A_637 = arith.constant 0 : i32
        %dma_wait3A_638 = arith.constant 0 : i32
        %dma_wait3A_639 = tpu.memref_slice %arg10[%dma_wait3A_637, %dma_wait3A_638] : memref<10000x128xf32, #tpu.memory_space<vmem_shared>> -> memref<10000x128xf32, #tpu.memory_space<vmem_shared>>
        %dma_wait3A_640 = tpu.memref_slice %arg14[%dma_wait3A_629] : memref<3x!tpu.dma_semaphore, #tpu.memory_space<semaphore_mem>> -> memref<1x!tpu.dma_semaphore, #tpu.memory_space<semaphore_mem>>
        %dma_wait3A_641 = tpu.memref_squeeze %dma_wait3A_640 : memref<1x!tpu.dma_semaphore, #tpu.memory_space<semaphore_mem>> -> memref<!tpu.dma_semaphore, #tpu.memory_space<semaphore_mem>>
        tpu.wait_indirect_dma semaphore(%dma_wait3A_641 : memref<!tpu.dma_semaphore, #tpu.memory_space<semaphore_mem>>) src(%dma_wait3A_633 : memref<104x128xf32, #tpu.memory_space<vmem>>) dst(%dma_wait3A_639 : memref<10000x128xf32, #tpu.memory_space<vmem_shared>>)
      } else {
      }
      %add3A_557 = arith.constant 2 : i32
      %add3A_558 = arith.addi %add3A_505, %add3A_557 : i32
      %lt3A_559 = arith.constant 96 : i32
      %lt3A_560 = arith.cmpi slt, %add3A_558, %lt3A_559 : i32
      %convert_element_type3A_561 = arith.extui %lt3A_560 : i1 to i32
      %cond3A_562 = arith.constant 0 : i32
      %cond3A_563 = arith.cmpi ne, %convert_element_type3A_561, %cond3A_562 : i32
      scf.if %cond3A_563 {
        %add3A_627 = arith.constant 2 : i32
        %add3A_628 = arith.addi %add3A_505, %add3A_627 : i32
        %add3A_629 = arith.constant 320000 : i32
        %add3A_630 = arith.addi %add3A_629, %mul3A_2 : i32
        %mul3A_631 = arith.constant 104 : i32
        %mul3A_632 = arith.muli %add3A_628, %mul3A_631 : i32
        %add3A_633 = arith.addi %add3A_630, %mul3A_632 : i32
        %dma_start3A_634 = arith.constant 0 : i32
        %dma_start3A_635 = arith.constant 0 : i32
        %dma_start3A_636 = arith.constant 0 : i32
        %dma_start3A_637 = tpu.memref_slice %arg6[%dma_start3A_634, %dma_start3A_636] : memref<3x104xi32, #tpu.memory_space<vmem>> -> memref<1x104xi32, #tpu.memory_space<vmem>>
        %dma_start3A_638 = tpu.memref_squeeze %dma_start3A_637 : memref<1x104xi32, #tpu.memory_space<vmem>> -> memref<104xi32, #tpu.memory_space<vmem>>
        %dma_start3A_639 = tpu.memref_slice %arg3[%add3A_633] : memref<640000xi32, #tpu.memory_space<hbm>> -> memref<104xi32, #tpu.memory_space<hbm>>
        %dma_start3A_640 = tpu.memref_slice %arg13[%dma_start3A_635] : memref<3x!tpu.dma_semaphore, #tpu.memory_space<semaphore_mem>> -> memref<1x!tpu.dma_semaphore, #tpu.memory_space<semaphore_mem>>
        %dma_start3A_641 = tpu.memref_squeeze %dma_start3A_640 : memref<1x!tpu.dma_semaphore, #tpu.memory_space<semaphore_mem>> -> memref<!tpu.dma_semaphore, #tpu.memory_space<semaphore_mem>>
        %dma_start3A_642 = arith.constant 0 : i32
        %dma_start3A_643 = tpu.memref_slice %arg6[%dma_start3A_634, %dma_start3A_642] : memref<3x104xi32, #tpu.memory_space<vmem>> -> memref<1x104xi32, #tpu.memory_space<vmem>>
        %dma_start3A_644 = tpu.memref_squeeze %dma_start3A_643 : memref<1x104xi32, #tpu.memory_space<vmem>> -> memref<104xi32, #tpu.memory_space<vmem>>
        %dma_start3A_645 = tpu.memref_slice %arg3[%add3A_633] : memref<640000xi32, #tpu.memory_space<hbm>> -> memref<104xi32, #tpu.memory_space<hbm>>
        tpu.enqueue_dma source(%dma_start3A_645 : memref<104xi32, #tpu.memory_space<hbm>>) target(%dma_start3A_644 : memref<104xi32, #tpu.memory_space<vmem>>) target_semaphore(%dma_start3A_641 : memref<!tpu.dma_semaphore, #tpu.memory_space<semaphore_mem>>)
        %mul3A_646 = arith.constant 104 : i32
        %mul3A_647 = arith.muli %add3A_628, %mul3A_646 : i32
        %dma_start3A_648 = arith.constant 0 : i32
        %dma_start3A_649 = arith.constant 0 : i32
        %dma_start3A_650 = arith.constant 0 : i32
        %dma_start3A_651 = arith.constant 0 : i32
        %dma_start3A_652 = tpu.memref_slice %arg7[%dma_start3A_648, %dma_start3A_650, %dma_start3A_651] : memref<3x104x128xf32, #tpu.memory_space<vmem>> -> memref<1x104x128xf32, #tpu.memory_space<vmem>>
        %dma_start3A_653 = tpu.memref_squeeze %dma_start3A_652 : memref<1x104x128xf32, #tpu.memory_space<vmem>> -> memref<104x128xf32, #tpu.memory_space<vmem>>
        %dma_start3A_654 = arith.constant 0 : i32
        %dma_start3A_655 = arith.constant 0 : i32
        %dma_start3A_656 = tpu.memref_slice %dma_start3A_653[%dma_start3A_654, %dma_start3A_655] : memref<104x128xf32, #tpu.memory_space<vmem>> -> memref<48x128xf32, #tpu.memory_space<vmem>>
        %dma_start3A_657 = tpu.memref_slice %arg5[%mul3A_647] : memref<9984xi32, #tpu.memory_space<vmem>> -> memref<48xi32, #tpu.memory_space<vmem>>
        %dma_start3A_658 = arith.constant 0 : i32
        %dma_start3A_659 = arith.constant 0 : i32
        %dma_start3A_660 = tpu.memref_slice %arg2[%dma_start3A_658, %dma_start3A_659] : memref<10000x128xf32, #tpu.memory_space<hbm>> -> memref<10000x128xf32, #tpu.memory_space<hbm>>
        %dma_start3A_661 = tpu.memref_slice %arg12[%dma_start3A_649] : memref<3x!tpu.dma_semaphore, #tpu.memory_space<semaphore_mem>> -> memref<1x!tpu.dma_semaphore, #tpu.memory_space<semaphore_mem>>
        %dma_start3A_662 = tpu.memref_squeeze %dma_start3A_661 : memref<1x!tpu.dma_semaphore, #tpu.memory_space<semaphore_mem>> -> memref<!tpu.dma_semaphore, #tpu.memory_space<semaphore_mem>>
        tpu.enqueue_indirect_dma source(%dma_start3A_660 : memref<10000x128xf32, #tpu.memory_space<hbm>>) target(%dma_start3A_656 : memref<48x128xf32, #tpu.memory_space<vmem>>) offsets(%dma_start3A_657 : memref<48xi32, #tpu.memory_space<vmem>>) semaphore(%dma_start3A_662 : memref<!tpu.dma_semaphore, #tpu.memory_space<semaphore_mem>>)
        %mul3A_663 = arith.constant 104 : i32
        %mul3A_664 = arith.muli %add3A_628, %mul3A_663 : i32
        %add3A_665 = arith.constant 48 : i32
        %add3A_666 = arith.addi %mul3A_664, %add3A_665 : i32
        %dma_start3A_667 = arith.constant 0 : i32
        %dma_start3A_668 = arith.constant 0 : i32
        %dma_start3A_669 = arith.constant 0 : i32
        %dma_start3A_670 = arith.constant 0 : i32
        %dma_start3A_671 = tpu.memref_slice %arg7[%dma_start3A_667, %dma_start3A_669, %dma_start3A_670] : memref<3x104x128xf32, #tpu.memory_space<vmem>> -> memref<1x104x128xf32, #tpu.memory_space<vmem>>
        %dma_start3A_672 = tpu.memref_squeeze %dma_start3A_671 : memref<1x104x128xf32, #tpu.memory_space<vmem>> -> memref<104x128xf32, #tpu.memory_space<vmem>>
        %dma_start3A_673 = arith.constant 48 : i32
        %dma_start3A_674 = arith.constant 0 : i32
        %dma_start3A_675 = tpu.memref_slice %dma_start3A_672[%dma_start3A_673, %dma_start3A_674] : memref<104x128xf32, #tpu.memory_space<vmem>> -> memref<56x128xf32, #tpu.memory_space<vmem>>
        %dma_start3A_676 = tpu.memref_slice %arg5[%add3A_666] : memref<9984xi32, #tpu.memory_space<vmem>> -> memref<56xi32, #tpu.memory_space<vmem>>
        %dma_start3A_677 = arith.constant 0 : i32
        %dma_start3A_678 = arith.constant 0 : i32
        %dma_start3A_679 = tpu.memref_slice %arg2[%dma_start3A_677, %dma_start3A_678] : memref<10000x128xf32, #tpu.memory_space<hbm>> -> memref<10000x128xf32, #tpu.memory_space<hbm>>
        %dma_start3A_680 = tpu.memref_slice %arg12[%dma_start3A_668] : memref<3x!tpu.dma_semaphore, #tpu.memory_space<semaphore_mem>> -> memref<1x!tpu.dma_semaphore, #tpu.memory_space<semaphore_mem>>
        %dma_start3A_681 = tpu.memref_squeeze %dma_start3A_680 : memref<1x!tpu.dma_semaphore, #tpu.memory_space<semaphore_mem>> -> memref<!tpu.dma_semaphore, #tpu.memory_space<semaphore_mem>>
        tpu.enqueue_indirect_dma source(%dma_start3A_679 : memref<10000x128xf32, #tpu.memory_space<hbm>>) target(%dma_start3A_675 : memref<56x128xf32, #tpu.memory_space<vmem>>) offsets(%dma_start3A_676 : memref<56xi32, #tpu.memory_space<vmem>>) semaphore(%dma_start3A_681 : memref<!tpu.dma_semaphore, #tpu.memory_space<semaphore_mem>>)
      } else {
      }
      %mul3A_564 = arith.constant 3 : i32
      %mul3A_565 = arith.muli %scan3A_439, %mul3A_564 : i32
      %add3A_566 = arith.constant 2 : i32
      %add3A_567 = arith.addi %mul3A_565, %add3A_566 : i32
      %mul3A_568 = arith.constant 104 : i32
      %mul3A_569 = arith.muli %add3A_567, %mul3A_568 : i32
      %dma_wait3A_570 = arith.constant 2 : i32
      %dma_wait3A_571 = arith.constant 2 : i32
      %dma_wait3A_572 = arith.constant 0 : i32
      %dma_wait3A_573 = arith.constant 0 : i32
      %dma_wait3A_574 = tpu.memref_slice %arg7[%dma_wait3A_570, %dma_wait3A_572, %dma_wait3A_573] : memref<3x104x128xf32, #tpu.memory_space<vmem>> -> memref<1x104x128xf32, #tpu.memory_space<vmem>>
      %dma_wait3A_575 = tpu.memref_squeeze %dma_wait3A_574 : memref<1x104x128xf32, #tpu.memory_space<vmem>> -> memref<104x128xf32, #tpu.memory_space<vmem>>
      %dma_wait3A_576 = tpu.memref_slice %arg5[%mul3A_569] : memref<9984xi32, #tpu.memory_space<vmem>> -> memref<104xi32, #tpu.memory_space<vmem>>
      %dma_wait3A_577 = arith.constant 0 : i32
      %dma_wait3A_578 = arith.constant 0 : i32
      %dma_wait3A_579 = tpu.memref_slice %arg2[%dma_wait3A_577, %dma_wait3A_578] : memref<10000x128xf32, #tpu.memory_space<hbm>> -> memref<10000x128xf32, #tpu.memory_space<hbm>>
      %dma_wait3A_580 = tpu.memref_slice %arg12[%dma_wait3A_571] : memref<3x!tpu.dma_semaphore, #tpu.memory_space<semaphore_mem>> -> memref<1x!tpu.dma_semaphore, #tpu.memory_space<semaphore_mem>>
      %dma_wait3A_581 = tpu.memref_squeeze %dma_wait3A_580 : memref<1x!tpu.dma_semaphore, #tpu.memory_space<semaphore_mem>> -> memref<!tpu.dma_semaphore, #tpu.memory_space<semaphore_mem>>
      tpu.wait_indirect_dma semaphore(%dma_wait3A_581 : memref<!tpu.dma_semaphore, #tpu.memory_space<semaphore_mem>>) src(%dma_wait3A_579 : memref<10000x128xf32, #tpu.memory_space<hbm>>) dst(%dma_wait3A_575 : memref<104x128xf32, #tpu.memory_space<vmem>>)
      %add3A_582 = arith.constant 320000 : i32
      %add3A_583 = arith.addi %add3A_582, %mul3A_2 : i32
      %mul3A_584 = arith.constant 104 : i32
      %mul3A_585 = arith.muli %add3A_567, %mul3A_584 : i32
      %add3A_586 = arith.addi %add3A_583, %mul3A_585 : i32
      %dma_wait3A_587 = arith.constant 2 : i32
      %dma_wait3A_588 = arith.constant 2 : i32
      %dma_wait3A_589 = arith.constant 0 : i32
      %dma_wait3A_590 = tpu.memref_slice %arg6[%dma_wait3A_587, %dma_wait3A_589] : memref<3x104xi32, #tpu.memory_space<vmem>> -> memref<1x104xi32, #tpu.memory_space<vmem>>
      %dma_wait3A_591 = tpu.memref_squeeze %dma_wait3A_590 : memref<1x104xi32, #tpu.memory_space<vmem>> -> memref<104xi32, #tpu.memory_space<vmem>>
      %dma_wait3A_592 = tpu.memref_slice %arg3[%add3A_586] : memref<640000xi32, #tpu.memory_space<hbm>> -> memref<104xi32, #tpu.memory_space<hbm>>
      %dma_wait3A_593 = tpu.memref_slice %arg13[%dma_wait3A_588] : memref<3x!tpu.dma_semaphore, #tpu.memory_space<semaphore_mem>> -> memref<1x!tpu.dma_semaphore, #tpu.memory_space<semaphore_mem>>
      %dma_wait3A_594 = tpu.memref_squeeze %dma_wait3A_593 : memref<1x!tpu.dma_semaphore, #tpu.memory_space<semaphore_mem>> -> memref<!tpu.dma_semaphore, #tpu.memory_space<semaphore_mem>>
      %dma_wait3A_595 = arith.constant 0 : i32
      %dma_wait3A_596 = tpu.memref_slice %arg6[%dma_wait3A_587, %dma_wait3A_595] : memref<3x104xi32, #tpu.memory_space<vmem>> -> memref<1x104xi32, #tpu.memory_space<vmem>>
      %dma_wait3A_597 = tpu.memref_squeeze %dma_wait3A_596 : memref<1x104xi32, #tpu.memory_space<vmem>> -> memref<104xi32, #tpu.memory_space<vmem>>
      %dma_wait3A_598 = tpu.memref_slice %arg3[%add3A_586] : memref<640000xi32, #tpu.memory_space<hbm>> -> memref<104xi32, #tpu.memory_space<hbm>>
      tpu.wait_dma2 semaphore(%dma_wait3A_594 : memref<!tpu.dma_semaphore, #tpu.memory_space<semaphore_mem>>) src(%dma_wait3A_598 : memref<104xi32, #tpu.memory_space<hbm>>) dst(%dma_wait3A_597 : memref<104xi32, #tpu.memory_space<vmem>>)
      %dma_start3A_599 = arith.constant 2 : i32
      %dma_start3A_600 = arith.constant 2 : i32
      %dma_start3A_601 = arith.constant 2 : i32
      %dma_start3A_602 = arith.constant 0 : i32
      %dma_start3A_603 = arith.constant 0 : i32
      %dma_start3A_604 = tpu.memref_slice %arg7[%dma_start3A_599, %dma_start3A_602, %dma_start3A_603] : memref<3x104x128xf32, #tpu.memory_space<vmem>> -> memref<1x104x128xf32, #tpu.memory_space<vmem>>
      %dma_start3A_605 = tpu.memref_squeeze %dma_start3A_604 : memref<1x104x128xf32, #tpu.memory_space<vmem>> -> memref<104x128xf32, #tpu.memory_space<vmem>>
      %dma_start3A_606 = arith.constant 0 : i32
      %dma_start3A_607 = tpu.memref_slice %arg6[%dma_start3A_600, %dma_start3A_606] : memref<3x104xi32, #tpu.memory_space<vmem>> -> memref<1x104xi32, #tpu.memory_space<vmem>>
      %dma_start3A_608 = tpu.memref_squeeze %dma_start3A_607 : memref<1x104xi32, #tpu.memory_space<vmem>> -> memref<104xi32, #tpu.memory_space<vmem>>
      %dma_start3A_609 = arith.constant 0 : i32
      %dma_start3A_610 = arith.constant 0 : i32
      %dma_start3A_611 = tpu.memref_slice %arg10[%dma_start3A_609, %dma_start3A_610] : memref<10000x128xf32, #tpu.memory_space<vmem_shared>> -> memref<10000x128xf32, #tpu.memory_space<vmem_shared>>
      %dma_start3A_612 = tpu.memref_slice %arg14[%dma_start3A_601] : memref<3x!tpu.dma_semaphore, #tpu.memory_space<semaphore_mem>> -> memref<1x!tpu.dma_semaphore, #tpu.memory_space<semaphore_mem>>
      %dma_start3A_613 = tpu.memref_squeeze %dma_start3A_612 : memref<1x!tpu.dma_semaphore, #tpu.memory_space<semaphore_mem>> -> memref<!tpu.dma_semaphore, #tpu.memory_space<semaphore_mem>>
      tpu.enqueue_indirect_dma source(%dma_start3A_605 : memref<104x128xf32, #tpu.memory_space<vmem>>) target(%dma_start3A_611 : memref<10000x128xf32, #tpu.memory_space<vmem_shared>>) offsets(%dma_start3A_608 : memref<104xi32, #tpu.memory_space<vmem>>) semaphore(%dma_start3A_613 : memref<!tpu.dma_semaphore, #tpu.memory_space<semaphore_mem>>) {add = true}
      %ge3A_614 = arith.constant 1 : i32
      %ge3A_615 = arith.cmpi sge, %add3A_567, %ge3A_614 : i32
      %convert_element_type3A_616 = arith.extui %ge3A_615 : i1 to i32
      %cond3A_617 = arith.constant 0 : i32
      %cond3A_618 = arith.cmpi ne, %convert_element_type3A_616, %cond3A_617 : i32
      scf.if %cond3A_618 {
        %dma_wait3A_627 = arith.constant 1 : i32
        %dma_wait3A_628 = arith.constant 1 : i32
        %dma_wait3A_629 = arith.constant 1 : i32
        %dma_wait3A_630 = arith.constant 0 : i32
        %dma_wait3A_631 = arith.constant 0 : i32
        %dma_wait3A_632 = tpu.memref_slice %arg7[%dma_wait3A_627, %dma_wait3A_630, %dma_wait3A_631] : memref<3x104x128xf32, #tpu.memory_space<vmem>> -> memref<1x104x128xf32, #tpu.memory_space<vmem>>
        %dma_wait3A_633 = tpu.memref_squeeze %dma_wait3A_632 : memref<1x104x128xf32, #tpu.memory_space<vmem>> -> memref<104x128xf32, #tpu.memory_space<vmem>>
        %dma_wait3A_634 = arith.constant 0 : i32
        %dma_wait3A_635 = tpu.memref_slice %arg6[%dma_wait3A_628, %dma_wait3A_634] : memref<3x104xi32, #tpu.memory_space<vmem>> -> memref<1x104xi32, #tpu.memory_space<vmem>>
        %dma_wait3A_636 = tpu.memref_squeeze %dma_wait3A_635 : memref<1x104xi32, #tpu.memory_space<vmem>> -> memref<104xi32, #tpu.memory_space<vmem>>
        %dma_wait3A_637 = arith.constant 0 : i32
        %dma_wait3A_638 = arith.constant 0 : i32
        %dma_wait3A_639 = tpu.memref_slice %arg10[%dma_wait3A_637, %dma_wait3A_638] : memref<10000x128xf32, #tpu.memory_space<vmem_shared>> -> memref<10000x128xf32, #tpu.memory_space<vmem_shared>>
        %dma_wait3A_640 = tpu.memref_slice %arg14[%dma_wait3A_629] : memref<3x!tpu.dma_semaphore, #tpu.memory_space<semaphore_mem>> -> memref<1x!tpu.dma_semaphore, #tpu.memory_space<semaphore_mem>>
        %dma_wait3A_641 = tpu.memref_squeeze %dma_wait3A_640 : memref<1x!tpu.dma_semaphore, #tpu.memory_space<semaphore_mem>> -> memref<!tpu.dma_semaphore, #tpu.memory_space<semaphore_mem>>
        tpu.wait_indirect_dma semaphore(%dma_wait3A_641 : memref<!tpu.dma_semaphore, #tpu.memory_space<semaphore_mem>>) src(%dma_wait3A_633 : memref<104x128xf32, #tpu.memory_space<vmem>>) dst(%dma_wait3A_639 : memref<10000x128xf32, #tpu.memory_space<vmem_shared>>)
      } else {
      }
      %add3A_619 = arith.constant 2 : i32
      %add3A_620 = arith.addi %add3A_567, %add3A_619 : i32
      %lt3A_621 = arith.constant 96 : i32
      %lt3A_622 = arith.cmpi slt, %add3A_620, %lt3A_621 : i32
      %convert_element_type3A_623 = arith.extui %lt3A_622 : i1 to i32
      %cond3A_624 = arith.constant 0 : i32
      %cond3A_625 = arith.cmpi ne, %convert_element_type3A_623, %cond3A_624 : i32
      scf.if %cond3A_625 {
        %add3A_627 = arith.constant 2 : i32
        %add3A_628 = arith.addi %add3A_567, %add3A_627 : i32
        %add3A_629 = arith.constant 320000 : i32
        %add3A_630 = arith.addi %add3A_629, %mul3A_2 : i32
        %mul3A_631 = arith.constant 104 : i32
        %mul3A_632 = arith.muli %add3A_628, %mul3A_631 : i32
        %add3A_633 = arith.addi %add3A_630, %mul3A_632 : i32
        %dma_start3A_634 = arith.constant 1 : i32
        %dma_start3A_635 = arith.constant 1 : i32
        %dma_start3A_636 = arith.constant 0 : i32
        %dma_start3A_637 = tpu.memref_slice %arg6[%dma_start3A_634, %dma_start3A_636] : memref<3x104xi32, #tpu.memory_space<vmem>> -> memref<1x104xi32, #tpu.memory_space<vmem>>
        %dma_start3A_638 = tpu.memref_squeeze %dma_start3A_637 : memref<1x104xi32, #tpu.memory_space<vmem>> -> memref<104xi32, #tpu.memory_space<vmem>>
        %dma_start3A_639 = tpu.memref_slice %arg3[%add3A_633] : memref<640000xi32, #tpu.memory_space<hbm>> -> memref<104xi32, #tpu.memory_space<hbm>>
        %dma_start3A_640 = tpu.memref_slice %arg13[%dma_start3A_635] : memref<3x!tpu.dma_semaphore, #tpu.memory_space<semaphore_mem>> -> memref<1x!tpu.dma_semaphore, #tpu.memory_space<semaphore_mem>>
        %dma_start3A_641 = tpu.memref_squeeze %dma_start3A_640 : memref<1x!tpu.dma_semaphore, #tpu.memory_space<semaphore_mem>> -> memref<!tpu.dma_semaphore, #tpu.memory_space<semaphore_mem>>
        %dma_start3A_642 = arith.constant 0 : i32
        %dma_start3A_643 = tpu.memref_slice %arg6[%dma_start3A_634, %dma_start3A_642] : memref<3x104xi32, #tpu.memory_space<vmem>> -> memref<1x104xi32, #tpu.memory_space<vmem>>
        %dma_start3A_644 = tpu.memref_squeeze %dma_start3A_643 : memref<1x104xi32, #tpu.memory_space<vmem>> -> memref<104xi32, #tpu.memory_space<vmem>>
        %dma_start3A_645 = tpu.memref_slice %arg3[%add3A_633] : memref<640000xi32, #tpu.memory_space<hbm>> -> memref<104xi32, #tpu.memory_space<hbm>>
        tpu.enqueue_dma source(%dma_start3A_645 : memref<104xi32, #tpu.memory_space<hbm>>) target(%dma_start3A_644 : memref<104xi32, #tpu.memory_space<vmem>>) target_semaphore(%dma_start3A_641 : memref<!tpu.dma_semaphore, #tpu.memory_space<semaphore_mem>>)
        %mul3A_646 = arith.constant 104 : i32
        %mul3A_647 = arith.muli %add3A_628, %mul3A_646 : i32
        %dma_start3A_648 = arith.constant 1 : i32
        %dma_start3A_649 = arith.constant 1 : i32
        %dma_start3A_650 = arith.constant 0 : i32
        %dma_start3A_651 = arith.constant 0 : i32
        %dma_start3A_652 = tpu.memref_slice %arg7[%dma_start3A_648, %dma_start3A_650, %dma_start3A_651] : memref<3x104x128xf32, #tpu.memory_space<vmem>> -> memref<1x104x128xf32, #tpu.memory_space<vmem>>
        %dma_start3A_653 = tpu.memref_squeeze %dma_start3A_652 : memref<1x104x128xf32, #tpu.memory_space<vmem>> -> memref<104x128xf32, #tpu.memory_space<vmem>>
        %dma_start3A_654 = arith.constant 0 : i32
        %dma_start3A_655 = arith.constant 0 : i32
        %dma_start3A_656 = tpu.memref_slice %dma_start3A_653[%dma_start3A_654, %dma_start3A_655] : memref<104x128xf32, #tpu.memory_space<vmem>> -> memref<48x128xf32, #tpu.memory_space<vmem>>
        %dma_start3A_657 = tpu.memref_slice %arg5[%mul3A_647] : memref<9984xi32, #tpu.memory_space<vmem>> -> memref<48xi32, #tpu.memory_space<vmem>>
        %dma_start3A_658 = arith.constant 0 : i32
        %dma_start3A_659 = arith.constant 0 : i32
        %dma_start3A_660 = tpu.memref_slice %arg2[%dma_start3A_658, %dma_start3A_659] : memref<10000x128xf32, #tpu.memory_space<hbm>> -> memref<10000x128xf32, #tpu.memory_space<hbm>>
        %dma_start3A_661 = tpu.memref_slice %arg12[%dma_start3A_649] : memref<3x!tpu.dma_semaphore, #tpu.memory_space<semaphore_mem>> -> memref<1x!tpu.dma_semaphore, #tpu.memory_space<semaphore_mem>>
        %dma_start3A_662 = tpu.memref_squeeze %dma_start3A_661 : memref<1x!tpu.dma_semaphore, #tpu.memory_space<semaphore_mem>> -> memref<!tpu.dma_semaphore, #tpu.memory_space<semaphore_mem>>
        tpu.enqueue_indirect_dma source(%dma_start3A_660 : memref<10000x128xf32, #tpu.memory_space<hbm>>) target(%dma_start3A_656 : memref<48x128xf32, #tpu.memory_space<vmem>>) offsets(%dma_start3A_657 : memref<48xi32, #tpu.memory_space<vmem>>) semaphore(%dma_start3A_662 : memref<!tpu.dma_semaphore, #tpu.memory_space<semaphore_mem>>)
        %mul3A_663 = arith.constant 104 : i32
        %mul3A_664 = arith.muli %add3A_628, %mul3A_663 : i32
        %add3A_665 = arith.constant 48 : i32
        %add3A_666 = arith.addi %mul3A_664, %add3A_665 : i32
        %dma_start3A_667 = arith.constant 1 : i32
        %dma_start3A_668 = arith.constant 1 : i32
        %dma_start3A_669 = arith.constant 0 : i32
        %dma_start3A_670 = arith.constant 0 : i32
        %dma_start3A_671 = tpu.memref_slice %arg7[%dma_start3A_667, %dma_start3A_669, %dma_start3A_670] : memref<3x104x128xf32, #tpu.memory_space<vmem>> -> memref<1x104x128xf32, #tpu.memory_space<vmem>>
        %dma_start3A_672 = tpu.memref_squeeze %dma_start3A_671 : memref<1x104x128xf32, #tpu.memory_space<vmem>> -> memref<104x128xf32, #tpu.memory_space<vmem>>
        %dma_start3A_673 = arith.constant 48 : i32
        %dma_start3A_674 = arith.constant 0 : i32
        %dma_start3A_675 = tpu.memref_slice %dma_start3A_672[%dma_start3A_673, %dma_start3A_674] : memref<104x128xf32, #tpu.memory_space<vmem>> -> memref<56x128xf32, #tpu.memory_space<vmem>>
        %dma_start3A_676 = tpu.memref_slice %arg5[%add3A_666] : memref<9984xi32, #tpu.memory_space<vmem>> -> memref<56xi32, #tpu.memory_space<vmem>>
        %dma_start3A_677 = arith.constant 0 : i32
        %dma_start3A_678 = arith.constant 0 : i32
        %dma_start3A_679 = tpu.memref_slice %arg2[%dma_start3A_677, %dma_start3A_678] : memref<10000x128xf32, #tpu.memory_space<hbm>> -> memref<10000x128xf32, #tpu.memory_space<hbm>>
        %dma_start3A_680 = tpu.memref_slice %arg12[%dma_start3A_668] : memref<3x!tpu.dma_semaphore, #tpu.memory_space<semaphore_mem>> -> memref<1x!tpu.dma_semaphore, #tpu.memory_space<semaphore_mem>>
        %dma_start3A_681 = tpu.memref_squeeze %dma_start3A_680 : memref<1x!tpu.dma_semaphore, #tpu.memory_space<semaphore_mem>> -> memref<!tpu.dma_semaphore, #tpu.memory_space<semaphore_mem>>
        tpu.enqueue_indirect_dma source(%dma_start3A_679 : memref<10000x128xf32, #tpu.memory_space<hbm>>) target(%dma_start3A_675 : memref<56x128xf32, #tpu.memory_space<vmem>>) offsets(%dma_start3A_676 : memref<56xi32, #tpu.memory_space<vmem>>) semaphore(%dma_start3A_681 : memref<!tpu.dma_semaphore, #tpu.memory_space<semaphore_mem>>)
      } else {
      }
      %scan3A_626 = arith.constant 0 : i32
      scf.yield %scan3A_626 : i32
    }
    %scan3A_410 = arith.constant 32 : i32
    %dma_wait3A_411 = arith.constant 2 : i32
    %dma_wait3A_412 = arith.constant 2 : i32
    %dma_wait3A_413 = arith.constant 2 : i32
    %dma_wait3A_414 = arith.constant 0 : i32
    %dma_wait3A_415 = arith.constant 0 : i32
    %dma_wait3A_416 = tpu.memref_slice %arg7[%dma_wait3A_411, %dma_wait3A_414, %dma_wait3A_415] : memref<3x104x128xf32, #tpu.memory_space<vmem>> -> memref<1x104x128xf32, #tpu.memory_space<vmem>>
    %dma_wait3A_417 = tpu.memref_squeeze %dma_wait3A_416 : memref<1x104x128xf32, #tpu.memory_space<vmem>> -> memref<104x128xf32, #tpu.memory_space<vmem>>
    %dma_wait3A_418 = arith.constant 0 : i32
    %dma_wait3A_419 = tpu.memref_slice %arg6[%dma_wait3A_412, %dma_wait3A_418] : memref<3x104xi32, #tpu.memory_space<vmem>> -> memref<1x104xi32, #tpu.memory_space<vmem>>
    %dma_wait3A_420 = tpu.memref_squeeze %dma_wait3A_419 : memref<1x104xi32, #tpu.memory_space<vmem>> -> memref<104xi32, #tpu.memory_space<vmem>>
    %dma_wait3A_421 = arith.constant 0 : i32
    %dma_wait3A_422 = arith.constant 0 : i32
    %dma_wait3A_423 = tpu.memref_slice %arg10[%dma_wait3A_421, %dma_wait3A_422] : memref<10000x128xf32, #tpu.memory_space<vmem_shared>> -> memref<10000x128xf32, #tpu.memory_space<vmem_shared>>
    %dma_wait3A_424 = tpu.memref_slice %arg14[%dma_wait3A_413] : memref<3x!tpu.dma_semaphore, #tpu.memory_space<semaphore_mem>> -> memref<1x!tpu.dma_semaphore, #tpu.memory_space<semaphore_mem>>
    %dma_wait3A_425 = tpu.memref_squeeze %dma_wait3A_424 : memref<1x!tpu.dma_semaphore, #tpu.memory_space<semaphore_mem>> -> memref<!tpu.dma_semaphore, #tpu.memory_space<semaphore_mem>>
    tpu.wait_indirect_dma semaphore(%dma_wait3A_425 : memref<!tpu.dma_semaphore, #tpu.memory_space<semaphore_mem>>) src(%dma_wait3A_417 : memref<104x128xf32, #tpu.memory_space<vmem>>) dst(%dma_wait3A_423 : memref<10000x128xf32, #tpu.memory_space<vmem_shared>>)
    %lt3A = arith.constant 8 : i32
    %lt3A_426 = arith.cmpi slt, %add3A, %lt3A : i32
    %convert_element_type3A_427 = arith.extui %lt3A_426 : i1 to i32
    %cond3A_428 = arith.constant 0 : i32
    %cond3A_429 = arith.cmpi ne, %convert_element_type3A_427, %cond3A_428 : i32
    scf.if %cond3A_429 {
      %mul3A_439 = arith.constant 64 : i32
      %mul3A_440 = arith.muli %add3A, %mul3A_439 : i32
      %add3A_441 = arith.constant 319488 : i32
      %add3A_442 = arith.addi %add3A_441, %mul3A_440 : i32
      "tpu.region"() ({
        %run_scoped3A_473 = tpu.sem_alloc : memref<!tpu.dma_semaphore, #tpu.memory_space<semaphore_mem>>
        %dma_start3A_474 = tpu.memref_slice %arg3[%add3A_442] : memref<640000xi32, #tpu.memory_space<hbm>> -> memref<64xi32, #tpu.memory_space<hbm>>
        %dma_start3A_475 = tpu.memref_slice %arg3[%add3A_442] : memref<640000xi32, #tpu.memory_space<hbm>> -> memref<64xi32, #tpu.memory_space<hbm>>
        tpu.enqueue_dma source(%dma_start3A_475 : memref<64xi32, #tpu.memory_space<hbm>>) target(%arg8 : memref<64xi32, #tpu.memory_space<vmem>>) target_semaphore(%run_scoped3A_473 : memref<!tpu.dma_semaphore, #tpu.memory_space<semaphore_mem>>)
        %dma_wait3A_476 = tpu.memref_slice %arg3[%add3A_442] : memref<640000xi32, #tpu.memory_space<hbm>> -> memref<64xi32, #tpu.memory_space<hbm>>
        %dma_wait3A_477 = tpu.memref_slice %arg3[%add3A_442] : memref<640000xi32, #tpu.memory_space<hbm>> -> memref<64xi32, #tpu.memory_space<hbm>>
        tpu.wait_dma2 semaphore(%run_scoped3A_473 : memref<!tpu.dma_semaphore, #tpu.memory_space<semaphore_mem>>) src(%dma_wait3A_477 : memref<64xi32, #tpu.memory_space<hbm>>) dst(%arg8 : memref<64xi32, #tpu.memory_space<vmem>>)
        tpu.yield
      }) : () -> ()
      %add3A_443 = arith.constant 320000 : i32
      %add3A_444 = arith.addi %add3A_443, %add3A_442 : i32
      "tpu.region"() ({
        %run_scoped3A_473 = tpu.sem_alloc : memref<!tpu.dma_semaphore, #tpu.memory_space<semaphore_mem>>
        %dma_start3A_474 = tpu.memref_slice %arg3[%add3A_444] : memref<640000xi32, #tpu.memory_space<hbm>> -> memref<64xi32, #tpu.memory_space<hbm>>
        %dma_start3A_475 = tpu.memref_slice %arg3[%add3A_444] : memref<640000xi32, #tpu.memory_space<hbm>> -> memref<64xi32, #tpu.memory_space<hbm>>
        tpu.enqueue_dma source(%dma_start3A_475 : memref<64xi32, #tpu.memory_space<hbm>>) target(%arg9 : memref<64xi32, #tpu.memory_space<vmem>>) target_semaphore(%run_scoped3A_473 : memref<!tpu.dma_semaphore, #tpu.memory_space<semaphore_mem>>)
        %dma_wait3A_476 = tpu.memref_slice %arg3[%add3A_444] : memref<640000xi32, #tpu.memory_space<hbm>> -> memref<64xi32, #tpu.memory_space<hbm>>
        %dma_wait3A_477 = tpu.memref_slice %arg3[%add3A_444] : memref<640000xi32, #tpu.memory_space<hbm>> -> memref<64xi32, #tpu.memory_space<hbm>>
        tpu.wait_dma2 semaphore(%run_scoped3A_473 : memref<!tpu.dma_semaphore, #tpu.memory_space<semaphore_mem>>) src(%dma_wait3A_477 : memref<64xi32, #tpu.memory_space<hbm>>) dst(%arg9 : memref<64xi32, #tpu.memory_space<vmem>>)
        tpu.yield
      }) : () -> ()
      %dma_start3A_445 = arith.constant 0 : i32
      %dma_start3A_446 = arith.constant 0 : i32
      %dma_start3A_447 = arith.constant 0 : i32
      %dma_start3A_448 = arith.constant 0 : i32
      %dma_start3A_449 = tpu.memref_slice %arg7[%dma_start3A_445, %dma_start3A_447, %dma_start3A_448] : memref<3x104x128xf32, #tpu.memory_space<vmem>> -> memref<1x104x128xf32, #tpu.memory_space<vmem>>
      %dma_start3A_450 = tpu.memref_squeeze %dma_start3A_449 : memref<1x104x128xf32, #tpu.memory_space<vmem>> -> memref<104x128xf32, #tpu.memory_space<vmem>>
      %dma_start3A_451 = arith.constant 0 : i32
      %dma_start3A_452 = arith.constant 0 : i32
      %dma_start3A_453 = tpu.memref_slice %dma_start3A_450[%dma_start3A_451, %dma_start3A_452] : memref<104x128xf32, #tpu.memory_space<vmem>> -> memref<64x128xf32, #tpu.memory_space<vmem>>
      %dma_start3A_454 = arith.constant 0 : i32
      %dma_start3A_455 = arith.constant 0 : i32
      %dma_start3A_456 = tpu.memref_slice %arg2[%dma_start3A_454, %dma_start3A_455] : memref<10000x128xf32, #tpu.memory_space<hbm>> -> memref<10000x128xf32, #tpu.memory_space<hbm>>
      %dma_start3A_457 = tpu.memref_slice %arg12[%dma_start3A_446] : memref<3x!tpu.dma_semaphore, #tpu.memory_space<semaphore_mem>> -> memref<1x!tpu.dma_semaphore, #tpu.memory_space<semaphore_mem>>
      %dma_start3A_458 = tpu.memref_squeeze %dma_start3A_457 : memref<1x!tpu.dma_semaphore, #tpu.memory_space<semaphore_mem>> -> memref<!tpu.dma_semaphore, #tpu.memory_space<semaphore_mem>>
      tpu.enqueue_indirect_dma source(%dma_start3A_456 : memref<10000x128xf32, #tpu.memory_space<hbm>>) target(%dma_start3A_453 : memref<64x128xf32, #tpu.memory_space<vmem>>) offsets(%arg8 : memref<64xi32, #tpu.memory_space<vmem>>) semaphore(%dma_start3A_458 : memref<!tpu.dma_semaphore, #tpu.memory_space<semaphore_mem>>)
      %dma_wait3A_459 = arith.constant 0 : i32
      %dma_wait3A_460 = arith.constant 0 : i32
      %dma_wait3A_461 = arith.constant 0 : i32
      %dma_wait3A_462 = arith.constant 0 : i32
      %dma_wait3A_463 = tpu.memref_slice %arg7[%dma_wait3A_459, %dma_wait3A_461, %dma_wait3A_462] : memref<3x104x128xf32, #tpu.memory_space<vmem>> -> memref<1x104x128xf32, #tpu.memory_space<vmem>>
      %dma_wait3A_464 = tpu.memref_squeeze %dma_wait3A_463 : memref<1x104x128xf32, #tpu.memory_space<vmem>> -> memref<104x128xf32, #tpu.memory_space<vmem>>
      %dma_wait3A_465 = arith.constant 0 : i32
      %dma_wait3A_466 = arith.constant 0 : i32
      %dma_wait3A_467 = tpu.memref_slice %dma_wait3A_464[%dma_wait3A_465, %dma_wait3A_466] : memref<104x128xf32, #tpu.memory_space<vmem>> -> memref<64x128xf32, #tpu.memory_space<vmem>>
      %dma_wait3A_468 = arith.constant 0 : i32
      %dma_wait3A_469 = arith.constant 0 : i32
      %dma_wait3A_470 = tpu.memref_slice %arg2[%dma_wait3A_468, %dma_wait3A_469] : memref<10000x128xf32, #tpu.memory_space<hbm>> -> memref<10000x128xf32, #tpu.memory_space<hbm>>
      %dma_wait3A_471 = tpu.memref_slice %arg12[%dma_wait3A_460] : memref<3x!tpu.dma_semaphore, #tpu.memory_space<semaphore_mem>> -> memref<1x!tpu.dma_semaphore, #tpu.memory_space<semaphore_mem>>
      %dma_wait3A_472 = tpu.memref_squeeze %dma_wait3A_471 : memref<1x!tpu.dma_semaphore, #tpu.memory_space<semaphore_mem>> -> memref<!tpu.dma_semaphore, #tpu.memory_space<semaphore_mem>>
      tpu.wait_indirect_dma semaphore(%dma_wait3A_472 : memref<!tpu.dma_semaphore, #tpu.memory_space<semaphore_mem>>) src(%dma_wait3A_470 : memref<10000x128xf32, #tpu.memory_space<hbm>>) dst(%dma_wait3A_467 : memref<64x128xf32, #tpu.memory_space<vmem>>)
      %run_scoped3A = arith.constant 0 : i32
      "tpu.region"() ({
        %run_scoped3A_473 = tpu.sem_alloc : memref<!tpu.dma_semaphore, #tpu.memory_space<semaphore_mem>>
        %dma_start3A_474 = arith.constant 0 : i32
        %dma_start3A_475 = arith.constant 0 : i32
        %dma_start3A_476 = tpu.memref_slice %arg7[%run_scoped3A, %dma_start3A_474, %dma_start3A_475] : memref<3x104x128xf32, #tpu.memory_space<vmem>> -> memref<1x104x128xf32, #tpu.memory_space<vmem>>
        %dma_start3A_477 = tpu.memref_squeeze %dma_start3A_476 : memref<1x104x128xf32, #tpu.memory_space<vmem>> -> memref<104x128xf32, #tpu.memory_space<vmem>>
        %dma_start3A_478 = arith.constant 0 : i32
        %dma_start3A_479 = arith.constant 0 : i32
        %dma_start3A_480 = tpu.memref_slice %dma_start3A_477[%dma_start3A_478, %dma_start3A_479] : memref<104x128xf32, #tpu.memory_space<vmem>> -> memref<64x128xf32, #tpu.memory_space<vmem>>
        %dma_start3A_481 = arith.constant 0 : i32
        %dma_start3A_482 = arith.constant 0 : i32
        %dma_start3A_483 = tpu.memref_slice %arg10[%dma_start3A_481, %dma_start3A_482] : memref<10000x128xf32, #tpu.memory_space<vmem_shared>> -> memref<10000x128xf32, #tpu.memory_space<vmem_shared>>
        tpu.enqueue_indirect_dma source(%dma_start3A_480 : memref<64x128xf32, #tpu.memory_space<vmem>>) target(%dma_start3A_483 : memref<10000x128xf32, #tpu.memory_space<vmem_shared>>) offsets(%arg9 : memref<64xi32, #tpu.memory_space<vmem>>) semaphore(%run_scoped3A_473 : memref<!tpu.dma_semaphore, #tpu.memory_space<semaphore_mem>>) {add = true}
        %dma_wait3A_484 = arith.constant 0 : i32
        %dma_wait3A_485 = arith.constant 0 : i32
        %dma_wait3A_486 = tpu.memref_slice %arg7[%run_scoped3A, %dma_wait3A_484, %dma_wait3A_485] : memref<3x104x128xf32, #tpu.memory_space<vmem>> -> memref<1x104x128xf32, #tpu.memory_space<vmem>>
        %dma_wait3A_487 = tpu.memref_squeeze %dma_wait3A_486 : memref<1x104x128xf32, #tpu.memory_space<vmem>> -> memref<104x128xf32, #tpu.memory_space<vmem>>
        %dma_wait3A_488 = arith.constant 0 : i32
        %dma_wait3A_489 = arith.constant 0 : i32
        %dma_wait3A_490 = tpu.memref_slice %dma_wait3A_487[%dma_wait3A_488, %dma_wait3A_489] : memref<104x128xf32, #tpu.memory_space<vmem>> -> memref<64x128xf32, #tpu.memory_space<vmem>>
        %dma_wait3A_491 = arith.constant 0 : i32
        %dma_wait3A_492 = arith.constant 0 : i32
        %dma_wait3A_493 = tpu.memref_slice %arg10[%dma_wait3A_491, %dma_wait3A_492] : memref<10000x128xf32, #tpu.memory_space<vmem_shared>> -> memref<10000x128xf32, #tpu.memory_space<vmem_shared>>
        tpu.wait_indirect_dma semaphore(%run_scoped3A_473 : memref<!tpu.dma_semaphore, #tpu.memory_space<semaphore_mem>>) src(%dma_wait3A_490 : memref<64x128xf32, #tpu.memory_space<vmem>>) dst(%dma_wait3A_493 : memref<10000x128xf32, #tpu.memory_space<vmem_shared>>)
        tpu.yield
      }) : () -> ()
    } else {
    }
    %barrier3A_430 = arith.constant 0 : index
    tpu.barrier barrier_id(%barrier3A_430)
    %mul3A_431 = arith.constant 10000 : i32
    %mul3A_432 = arith.muli %arg0, %mul3A_431 : i32
    %add3A_433 = arith.addi %mul3A_432, %mul3A_108 : i32
    "tpu.region"() ({
      %run_scoped3A = tpu.sem_alloc : memref<!tpu.dma_semaphore, #tpu.memory_space<semaphore_mem>>
      %dma_start3A_439 = arith.constant 0 : i32
      %dma_start3A_440 = tpu.memref_slice %arg4[%add3A_433, %dma_start3A_439] : memref<20000x128xf32, #tpu.memory_space<hbm>> -> memref<624x128xf32, #tpu.memory_space<hbm>>
      %dma_start3A_441 = arith.constant 0 : i32
      %dma_start3A_442 = tpu.memref_slice %arg10[%mul3A_108, %dma_start3A_441] : memref<10000x128xf32, #tpu.memory_space<vmem_shared>> -> memref<624x128xf32, #tpu.memory_space<vmem_shared>>
      tpu.enqueue_dma source(%dma_start3A_442 : memref<624x128xf32, #tpu.memory_space<vmem_shared>>) target(%dma_start3A_440 : memref<624x128xf32, #tpu.memory_space<hbm>>) target_semaphore(%run_scoped3A : memref<!tpu.dma_semaphore, #tpu.memory_space<semaphore_mem>>)
      %dma_wait3A_443 = arith.constant 0 : i32
      %dma_wait3A_444 = tpu.memref_slice %arg4[%add3A_433, %dma_wait3A_443] : memref<20000x128xf32, #tpu.memory_space<hbm>> -> memref<624x128xf32, #tpu.memory_space<hbm>>
      %dma_wait3A_445 = arith.constant 0 : i32
      %dma_wait3A_446 = tpu.memref_slice %arg10[%mul3A_108, %dma_wait3A_445] : memref<10000x128xf32, #tpu.memory_space<vmem_shared>> -> memref<624x128xf32, #tpu.memory_space<vmem_shared>>
      tpu.wait_dma2 semaphore(%run_scoped3A : memref<!tpu.dma_semaphore, #tpu.memory_space<semaphore_mem>>) src(%dma_wait3A_446 : memref<624x128xf32, #tpu.memory_space<vmem_shared>>) dst(%dma_wait3A_444 : memref<624x128xf32, #tpu.memory_space<hbm>>)
      tpu.yield
    }) : () -> ()
    %eq3A_434 = arith.constant 15 : i32
    %eq3A_435 = arith.cmpi eq, %arg1, %eq3A_434 : i32
    %convert_element_type3A_436 = arith.extui %eq3A_435 : i1 to i32
    %cond3A_437 = arith.constant 0 : i32
    %cond3A_438 = arith.cmpi ne, %convert_element_type3A_436, %cond3A_437 : i32
    scf.if %cond3A_438 {
      %mul3A_439 = arith.constant 10000 : i32
      %mul3A_440 = arith.muli %arg0, %mul3A_439 : i32
      %add3A_441 = arith.constant 9984 : i32
      %add3A_442 = arith.addi %mul3A_440, %add3A_441 : i32
      "tpu.region"() ({
        %run_scoped3A = tpu.sem_alloc : memref<!tpu.dma_semaphore, #tpu.memory_space<semaphore_mem>>
        %dma_start3A_443 = arith.constant 0 : i32
        %dma_start3A_444 = tpu.memref_slice %arg4[%add3A_442, %dma_start3A_443] : memref<20000x128xf32, #tpu.memory_space<hbm>> -> memref<16x128xf32, #tpu.memory_space<hbm>>
        %dma_start3A_445 = arith.constant 9984 : i32
        %dma_start3A_446 = arith.constant 0 : i32
        %dma_start3A_447 = tpu.memref_slice %arg10[%dma_start3A_445, %dma_start3A_446] : memref<10000x128xf32, #tpu.memory_space<vmem_shared>> -> memref<16x128xf32, #tpu.memory_space<vmem_shared>>
        tpu.enqueue_dma source(%dma_start3A_447 : memref<16x128xf32, #tpu.memory_space<vmem_shared>>) target(%dma_start3A_444 : memref<16x128xf32, #tpu.memory_space<hbm>>) target_semaphore(%run_scoped3A : memref<!tpu.dma_semaphore, #tpu.memory_space<semaphore_mem>>)
        %dma_wait3A_448 = arith.constant 0 : i32
        %dma_wait3A_449 = tpu.memref_slice %arg4[%add3A_442, %dma_wait3A_448] : memref<20000x128xf32, #tpu.memory_space<hbm>> -> memref<16x128xf32, #tpu.memory_space<hbm>>
        %dma_wait3A_450 = arith.constant 9984 : i32
        %dma_wait3A_451 = arith.constant 0 : i32
        %dma_wait3A_452 = tpu.memref_slice %arg10[%dma_wait3A_450, %dma_wait3A_451] : memref<10000x128xf32, #tpu.memory_space<vmem_shared>> -> memref<16x128xf32, #tpu.memory_space<vmem_shared>>
        tpu.wait_dma2 semaphore(%run_scoped3A : memref<!tpu.dma_semaphore, #tpu.memory_space<semaphore_mem>>) src(%dma_wait3A_452 : memref<16x128xf32, #tpu.memory_space<vmem_shared>>) dst(%dma_wait3A_449 : memref<16x128xf32, #tpu.memory_space<hbm>>)
        tpu.yield
      }) : () -> ()
    } else {
    }
    return
  }
}

#map = affine_map<(d0, d1) -> (0, 0)>
#map1 = affine_map<(d0, d1) -> (0)>
module attributes {stable_mosaic.version = 14 : i64} {
  func.func @agg(%arg0: i32, %arg1: i32, %arg2: memref<10000x128xf32, #tpu.memory_space<hbm>>, %arg3: memref<640000xi32, #tpu.memory_space<hbm>>, %arg4: memref<20000x128xf32, #tpu.memory_space<hbm>>, %arg5: memref<9984xi32, #tpu.memory_space<vmem>>, %arg6: memref<3x104xi32, #tpu.memory_space<vmem>>, %arg7: memref<3x104x128xf32, #tpu.memory_space<vmem>>, %arg8: memref<64xi32, #tpu.memory_space<vmem>>, %arg9: memref<64xi32, #tpu.memory_space<vmem>>, %arg10: memref<10000x128xf32, #tpu.memory_space<vmem_shared>>, %arg11: memref<!tpu.dma_semaphore, #tpu.memory_space<semaphore_mem>>, %arg12: memref<3x!tpu.dma_semaphore, #tpu.memory_space<semaphore_mem>>, %arg13: memref<3x!tpu.dma_semaphore, #tpu.memory_space<semaphore_mem>>, %arg14: memref<3x!tpu.dma_semaphore, #tpu.memory_space<semaphore_mem>>) attributes {dimension_semantics = [#tpu.dimension_semantics<core_parallel>, #tpu.dimension_semantics<subcore_parallel>], iteration_bounds = array<i64: 2, 16>, scalar_prefetch = 0 : i64, scratch_operands = 10 : i64, tpu.core_type = #tpu.core_type<sc_vector_subcore>, window_params = [{transform_indices = #map}, {transform_indices = #map1}, {transform_indices = #map}]} {
    %mul3A = arith.constant 16 : i32
    %mul3A_0 = arith.muli %arg0, %mul3A : i32
    %add3A = arith.addi %mul3A_0, %arg1 : i32
    %mul3A_1 = arith.constant 9984 : i32
    %mul3A_2 = arith.muli %add3A, %mul3A_1 : i32
    %dma_start3A = tpu.memref_slice %arg3[%mul3A_2] : memref<640000xi32, #tpu.memory_space<hbm>> -> memref<9984xi32, #tpu.memory_space<hbm>>
    %dma_start3A_3 = tpu.memref_slice %arg3[%mul3A_2] : memref<640000xi32, #tpu.memory_space<hbm>> -> memref<9984xi32, #tpu.memory_space<hbm>>
    tpu.enqueue_dma source(%dma_start3A_3 : memref<9984xi32, #tpu.memory_space<hbm>>) target(%arg5 : memref<9984xi32, #tpu.memory_space<vmem>>) target_semaphore(%arg11 : memref<!tpu.dma_semaphore, #tpu.memory_space<semaphore_mem>>)
    %scan3A = arith.constant 0 : i32
    %scan3A_4 = arith.constant 0 : i32
    %scan3A_5 = arith.constant 104 : i32
    %scan3A_6 = arith.addi %scan3A_4, %scan3A_5 : i32
    %scan3A_7 = arith.constant 1 : i32
    %scan3A_8 = scf.for %scan3A_439 = %scan3A_4 to %scan3A_6 step %scan3A_7 iter_args(%scan3A_440 = %scan3A) -> (i32)  : i32 {
      %broadcast_in_dim3A = arith.constant 0.000000e+00 : f32
      %broadcast_in_dim3A_441 = vector.broadcast %broadcast_in_dim3A : f32 to vector<16xf32>
      %swap3A = arith.constant 2 : i32
      %swap3A_442 = arith.index_cast %swap3A : i32 to index
      %swap3A_443 = arith.index_cast %scan3A_439 : i32 to index
      %swap3A_444 = arith.constant 0 : index
      %swap3A_445 = tpu.vector_load %arg7[%swap3A_442, %swap3A_443, %swap3A_444] {strides = array<i32>} : memref<3x104x128xf32, #tpu.memory_space<vmem>>, vector<1x1x16xf32>,
      %swap3A_446 = vector.shape_cast %swap3A_445 : vector<1x1x16xf32> to vector<16xf32>
      %swap3A_447 = vector.shape_cast %broadcast_in_dim3A_441 : vector<16xf32> to vector<1x1x16xf32>
      tpu.vector_store %arg7[%swap3A_442, %swap3A_443, %swap3A_444], %swap3A_447 {strides = array<i32>} : memref<3x104x128xf32, #tpu.memory_space<vmem>>, vector<1x1x16xf32>,
      %broadcast_in_dim3A_448 = arith.constant 0.000000e+00 : f32
      %broadcast_in_dim3A_449 = vector.broadcast %broadcast_in_dim3A_448 : f32 to vector<16xf32>
      %swap3A_450 = arith.constant 2 : i32
      %swap3A_451 = arith.index_cast %swap3A_450 : i32 to index
      %swap3A_452 = arith.index_cast %scan3A_439 : i32 to index
      %swap3A_453 = arith.constant 16 : index
      %swap3A_454 = tpu.vector_load %arg7[%swap3A_451, %swap3A_452, %swap3A_453] {strides = array<i32>} : memref<3x104x128xf32, #tpu.memory_space<vmem>>, vector<1x1x16xf32>,
      %swap3A_455 = vector.shape_cast %swap3A_454 : vector<1x1x16xf32> to vector<16xf32>
      %swap3A_456 = vector.shape_cast %broadcast_in_dim3A_449 : vector<16xf32> to vector<1x1x16xf32>
      tpu.vector_store %arg7[%swap3A_451, %swap3A_452, %swap3A_453], %swap3A_456 {strides = array<i32>} : memref<3x104x128xf32, #tpu.memory_space<vmem>>, vector<1x1x16xf32>,
      %broadcast_in_dim3A_457 = arith.constant 0.000000e+00 : f32
      %broadcast_in_dim3A_458 = vector.broadcast %broadcast_in_dim3A_457 : f32 to vector<16xf32>
      %swap3A_459 = arith.constant 2 : i32
      %swap3A_460 = arith.index_cast %swap3A_459 : i32 to index
      %swap3A_461 = arith.index_cast %scan3A_439 : i32 to index
      %swap3A_462 = arith.constant 32 : index
      %swap3A_463 = tpu.vector_load %arg7[%swap3A_460, %swap3A_461, %swap3A_462] {strides = array<i32>} : memref<3x104x128xf32, #tpu.memory_space<vmem>>, vector<1x1x16xf32>,
      %swap3A_464 = vector.shape_cast %swap3A_463 : vector<1x1x16xf32> to vector<16xf32>
      %swap3A_465 = vector.shape_cast %broadcast_in_dim3A_458 : vector<16xf32> to vector<1x1x16xf32>
      tpu.vector_store %arg7[%swap3A_460, %swap3A_461, %swap3A_462], %swap3A_465 {strides = array<i32>} : memref<3x104x128xf32, #tpu.memory_space<vmem>>, vector<1x1x16xf32>,
      %broadcast_in_dim3A_466 = arith.constant 0.000000e+00 : f32
      %broadcast_in_dim3A_467 = vector.broadcast %broadcast_in_dim3A_466 : f32 to vector<16xf32>
      %swap3A_468 = arith.constant 2 : i32
      %swap3A_469 = arith.index_cast %swap3A_468 : i32 to index
      %swap3A_470 = arith.index_cast %scan3A_439 : i32 to index
      %swap3A_471 = arith.constant 48 : index
      %swap3A_472 = tpu.vector_load %arg7[%swap3A_469, %swap3A_470, %swap3A_471] {strides = array<i32>} : memref<3x104x128xf32, #tpu.memory_space<vmem>>, vector<1x1x16xf32>,
      %swap3A_473 = vector.shape_cast %swap3A_472 : vector<1x1x16xf32> to vector<16xf32>
      %swap3A_474 = vector.shape_cast %broadcast_in_dim3A_467 : vector<16xf32> to vector<1x1x16xf32>
      tpu.vector_store %arg7[%swap3A_469, %swap3A_470, %swap3A_471], %swap3A_474 {strides = array<i32>} : memref<3x104x128xf32, #tpu.memory_space<vmem>>, vector<1x1x16xf32>,
      %broadcast_in_dim3A_475 = arith.constant 0.000000e+00 : f32
      %broadcast_in_dim3A_476 = vector.broadcast %broadcast_in_dim3A_475 : f32 to vector<16xf32>
      %swap3A_477 = arith.constant 2 : i32
      %swap3A_478 = arith.index_cast %swap3A_477 : i32 to index
      %swap3A_479 = arith.index_cast %scan3A_439 : i32 to index
      %swap3A_480 = arith.constant 64 : index
      %swap3A_481 = tpu.vector_load %arg7[%swap3A_478, %swap3A_479, %swap3A_480] {strides = array<i32>} : memref<3x104x128xf32, #tpu.memory_space<vmem>>, vector<1x1x16xf32>,
      %swap3A_482 = vector.shape_cast %swap3A_481 : vector<1x1x16xf32> to vector<16xf32>
      %swap3A_483 = vector.shape_cast %broadcast_in_dim3A_476 : vector<16xf32> to vector<1x1x16xf32>
      tpu.vector_store %arg7[%swap3A_478, %swap3A_479, %swap3A_480], %swap3A_483 {strides = array<i32>} : memref<3x104x128xf32, #tpu.memory_space<vmem>>, vector<1x1x16xf32>,
      %broadcast_in_dim3A_484 = arith.constant 0.000000e+00 : f32
      %broadcast_in_dim3A_485 = vector.broadcast %broadcast_in_dim3A_484 : f32 to vector<16xf32>
      %swap3A_486 = arith.constant 2 : i32
      %swap3A_487 = arith.index_cast %swap3A_486 : i32 to index
      %swap3A_488 = arith.index_cast %scan3A_439 : i32 to index
      %swap3A_489 = arith.constant 80 : index
      %swap3A_490 = tpu.vector_load %arg7[%swap3A_487, %swap3A_488, %swap3A_489] {strides = array<i32>} : memref<3x104x128xf32, #tpu.memory_space<vmem>>, vector<1x1x16xf32>,
      %swap3A_491 = vector.shape_cast %swap3A_490 : vector<1x1x16xf32> to vector<16xf32>
      %swap3A_492 = vector.shape_cast %broadcast_in_dim3A_485 : vector<16xf32> to vector<1x1x16xf32>
      tpu.vector_store %arg7[%swap3A_487, %swap3A_488, %swap3A_489], %swap3A_492 {strides = array<i32>} : memref<3x104x128xf32, #tpu.memory_space<vmem>>, vector<1x1x16xf32>,
      %broadcast_in_dim3A_493 = arith.constant 0.000000e+00 : f32
      %broadcast_in_dim3A_494 = vector.broadcast %broadcast_in_dim3A_493 : f32 to vector<16xf32>
      %swap3A_495 = arith.constant 2 : i32
      %swap3A_496 = arith.index_cast %swap3A_495 : i32 to index
      %swap3A_497 = arith.index_cast %scan3A_439 : i32 to index
      %swap3A_498 = arith.constant 96 : index
      %swap3A_499 = tpu.vector_load %arg7[%swap3A_496, %swap3A_497, %swap3A_498] {strides = array<i32>} : memref<3x104x128xf32, #tpu.memory_space<vmem>>, vector<1x1x16xf32>,
      %swap3A_500 = vector.shape_cast %swap3A_499 : vector<1x1x16xf32> to vector<16xf32>
      %swap3A_501 = vector.shape_cast %broadcast_in_dim3A_494 : vector<16xf32> to vector<1x1x16xf32>
      tpu.vector_store %arg7[%swap3A_496, %swap3A_497, %swap3A_498], %swap3A_501 {strides = array<i32>} : memref<3x104x128xf32, #tpu.memory_space<vmem>>, vector<1x1x16xf32>,
      %broadcast_in_dim3A_502 = arith.constant 0.000000e+00 : f32
      %broadcast_in_dim3A_503 = vector.broadcast %broadcast_in_dim3A_502 : f32 to vector<16xf32>
      %swap3A_504 = arith.constant 2 : i32
      %swap3A_505 = arith.index_cast %swap3A_504 : i32 to index
      %swap3A_506 = arith.index_cast %scan3A_439 : i32 to index
      %swap3A_507 = arith.constant 112 : index
      %swap3A_508 = tpu.vector_load %arg7[%swap3A_505, %swap3A_506, %swap3A_507] {strides = array<i32>} : memref<3x104x128xf32, #tpu.memory_space<vmem>>, vector<1x1x16xf32>,
      %swap3A_509 = vector.shape_cast %swap3A_508 : vector<1x1x16xf32> to vector<16xf32>
      %swap3A_510 = vector.shape_cast %broadcast_in_dim3A_503 : vector<16xf32> to vector<1x1x16xf32>
      tpu.vector_store %arg7[%swap3A_505, %swap3A_506, %swap3A_507], %swap3A_510 {strides = array<i32>} : memref<3x104x128xf32, #tpu.memory_space<vmem>>, vector<1x1x16xf32>,
      %scan3A_511 = arith.constant 0 : i32
      scf.yield %scan3A_511 : i32
    }
    %scan3A_9 = arith.constant 104 : i32
    %dma_wait3A = tpu.memref_slice %arg3[%mul3A_2] : memref<640000xi32, #tpu.memory_space<hbm>> -> memref<9984xi32, #tpu.memory_space<hbm>>
    %dma_wait3A_10 = tpu.memref_slice %arg3[%mul3A_2] : memref<640000xi32, #tpu.memory_space<hbm>> -> memref<9984xi32, #tpu.memory_space<hbm>>
    tpu.wait_dma2 semaphore(%arg11 : memref<!tpu.dma_semaphore, #tpu.memory_space<semaphore_mem>>) src(%dma_wait3A_10 : memref<9984xi32, #tpu.memory_space<hbm>>) dst(%arg5 : memref<9984xi32, #tpu.memory_space<vmem>>)
    %add3A_11 = arith.constant 320000 : i32
    %add3A_12 = arith.addi %add3A_11, %mul3A_2 : i32
    %add3A_13 = arith.constant 0 : i32
    %add3A_14 = arith.addi %add3A_12, %add3A_13 : i32
    %dma_start3A_15 = arith.constant 0 : i32
    %dma_start3A_16 = arith.constant 0 : i32
    %dma_start3A_17 = arith.constant 0 : i32
    %dma_start3A_18 = tpu.memref_slice %arg6[%dma_start3A_15, %dma_start3A_17] : memref<3x104xi32, #tpu.memory_space<vmem>> -> memref<1x104xi32, #tpu.memory_space<vmem>>
    %dma_start3A_19 = tpu.memref_squeeze %dma_start3A_18 : memref<1x104xi32, #tpu.memory_space<vmem>> -> memref<104xi32, #tpu.memory_space<vmem>>
    %dma_start3A_20 = tpu.memref_slice %arg3[%add3A_14] : memref<640000xi32, #tpu.memory_space<hbm>> -> memref<104xi32, #tpu.memory_space<hbm>>
    %dma_start3A_21 = tpu.memref_slice %arg13[%dma_start3A_16] : memref<3x!tpu.dma_semaphore, #tpu.memory_space<semaphore_mem>> -> memref<1x!tpu.dma_semaphore, #tpu.memory_space<semaphore_mem>>
    %dma_start3A_22 = tpu.memref_squeeze %dma_start3A_21 : memref<1x!tpu.dma_semaphore, #tpu.memory_space<semaphore_mem>> -> memref<!tpu.dma_semaphore, #tpu.memory_space<semaphore_mem>>
    %dma_start3A_23 = arith.constant 0 : i32
    %dma_start3A_24 = tpu.memref_slice %arg6[%dma_start3A_15, %dma_start3A_23] : memref<3x104xi32, #tpu.memory_space<vmem>> -> memref<1x104xi32, #tpu.memory_space<vmem>>
    %dma_start3A_25 = tpu.memref_squeeze %dma_start3A_24 : memref<1x104xi32, #tpu.memory_space<vmem>> -> memref<104xi32, #tpu.memory_space<vmem>>
    %dma_start3A_26 = tpu.memref_slice %arg3[%add3A_14] : memref<640000xi32, #tpu.memory_space<hbm>> -> memref<104xi32, #tpu.memory_space<hbm>>
    tpu.enqueue_dma source(%dma_start3A_26 : memref<104xi32, #tpu.memory_space<hbm>>) target(%dma_start3A_25 : memref<104xi32, #tpu.memory_space<vmem>>) target_semaphore(%dma_start3A_22 : memref<!tpu.dma_semaphore, #tpu.memory_space<semaphore_mem>>)
    %dma_start3A_27 = arith.constant 0 : i32
    %dma_start3A_28 = arith.constant 0 : i32
    %dma_start3A_29 = arith.constant 0 : i32
    %dma_start3A_30 = arith.constant 0 : i32
    %dma_start3A_31 = tpu.memref_slice %arg7[%dma_start3A_27, %dma_start3A_29, %dma_start3A_30] : memref<3x104x128xf32, #tpu.memory_space<vmem>> -> memref<1x104x128xf32, #tpu.memory_space<vmem>>
    %dma_start3A_32 = tpu.memref_squeeze %dma_start3A_31 : memref<1x104x128xf32, #tpu.memory_space<vmem>> -> memref<104x128xf32, #tpu.memory_space<vmem>>
    %dma_start3A_33 = arith.constant 0 : i32
    %dma_start3A_34 = arith.constant 0 : i32
    %dma_start3A_35 = tpu.memref_slice %dma_start3A_32[%dma_start3A_33, %dma_start3A_34] : memref<104x128xf32, #tpu.memory_space<vmem>> -> memref<48x128xf32, #tpu.memory_space<vmem>>
    %dma_start3A_36 = arith.constant 0 : i32
    %dma_start3A_37 = tpu.memref_slice %arg5[%dma_start3A_36] : memref<9984xi32, #tpu.memory_space<vmem>> -> memref<48xi32, #tpu.memory_space<vmem>>
    %dma_start3A_38 = arith.constant 0 : i32
    %dma_start3A_39 = arith.constant 0 : i32
    %dma_start3A_40 = tpu.memref_slice %arg2[%dma_start3A_38, %dma_start3A_39] : memref<10000x128xf32, #tpu.memory_space<hbm>> -> memref<10000x128xf32, #tpu.memory_space<hbm>>
    %dma_start3A_41 = tpu.memref_slice %arg12[%dma_start3A_28] : memref<3x!tpu.dma_semaphore, #tpu.memory_space<semaphore_mem>> -> memref<1x!tpu.dma_semaphore, #tpu.memory_space<semaphore_mem>>
    %dma_start3A_42 = tpu.memref_squeeze %dma_start3A_41 : memref<1x!tpu.dma_semaphore, #tpu.memory_space<semaphore_mem>> -> memref<!tpu.dma_semaphore, #tpu.memory_space<semaphore_mem>>
    tpu.enqueue_indirect_dma source(%dma_start3A_40 : memref<10000x128xf32, #tpu.memory_space<hbm>>) target(%dma_start3A_35 : memref<48x128xf32, #tpu.memory_space<vmem>>) offsets(%dma_start3A_37 : memref<48xi32, #tpu.memory_space<vmem>>) semaphore(%dma_start3A_42 : memref<!tpu.dma_semaphore, #tpu.memory_space<semaphore_mem>>)
    %dma_start3A_43 = arith.constant 0 : i32
    %dma_start3A_44 = arith.constant 0 : i32
    %dma_start3A_45 = arith.constant 0 : i32
    %dma_start3A_46 = arith.constant 0 : i32
    %dma_start3A_47 = tpu.memref_slice %arg7[%dma_start3A_43, %dma_start3A_45, %dma_start3A_46] : memref<3x104x128xf32, #tpu.memory_space<vmem>> -> memref<1x104x128xf32, #tpu.memory_space<vmem>>
    %dma_start3A_48 = tpu.memref_squeeze %dma_start3A_47 : memref<1x104x128xf32, #tpu.memory_space<vmem>> -> memref<104x128xf32, #tpu.memory_space<vmem>>
    %dma_start3A_49 = arith.constant 48 : i32
    %dma_start3A_50 = arith.constant 0 : i32
    %dma_start3A_51 = tpu.memref_slice %dma_start3A_48[%dma_start3A_49, %dma_start3A_50] : memref<104x128xf32, #tpu.memory_space<vmem>> -> memref<56x128xf32, #tpu.memory_space<vmem>>
    %dma_start3A_52 = arith.constant 48 : i32
    %dma_start3A_53 = tpu.memref_slice %arg5[%dma_start3A_52] : memref<9984xi32, #tpu.memory_space<vmem>> -> memref<56xi32, #tpu.memory_space<vmem>>
    %dma_start3A_54 = arith.constant 0 : i32
    %dma_start3A_55 = arith.constant 0 : i32
    %dma_start3A_56 = tpu.memref_slice %arg2[%dma_start3A_54, %dma_start3A_55] : memref<10000x128xf32, #tpu.memory_space<hbm>> -> memref<10000x128xf32, #tpu.memory_space<hbm>>
    %dma_start3A_57 = tpu.memref_slice %arg12[%dma_start3A_44] : memref<3x!tpu.dma_semaphore, #tpu.memory_space<semaphore_mem>> -> memref<1x!tpu.dma_semaphore, #tpu.memory_space<semaphore_mem>>
    %dma_start3A_58 = tpu.memref_squeeze %dma_start3A_57 : memref<1x!tpu.dma_semaphore, #tpu.memory_space<semaphore_mem>> -> memref<!tpu.dma_semaphore, #tpu.memory_space<semaphore_mem>>
    tpu.enqueue_indirect_dma source(%dma_start3A_56 : memref<10000x128xf32, #tpu.memory_space<hbm>>) target(%dma_start3A_51 : memref<56x128xf32, #tpu.memory_space<vmem>>) offsets(%dma_start3A_53 : memref<56xi32, #tpu.memory_space<vmem>>) semaphore(%dma_start3A_58 : memref<!tpu.dma_semaphore, #tpu.memory_space<semaphore_mem>>)
    %add3A_59 = arith.constant 320000 : i32
    %add3A_60 = arith.addi %add3A_59, %mul3A_2 : i32
    %add3A_61 = arith.constant 104 : i32
    %add3A_62 = arith.addi %add3A_60, %add3A_61 : i32
    %dma_start3A_63 = arith.constant 1 : i32
    %dma_start3A_64 = arith.constant 1 : i32
    %dma_start3A_65 = arith.constant 0 : i32
    %dma_start3A_66 = tpu.memref_slice %arg6[%dma_start3A_63, %dma_start3A_65] : memref<3x104xi32, #tpu.memory_space<vmem>> -> memref<1x104xi32, #tpu.memory_space<vmem>>
    %dma_start3A_67 = tpu.memref_squeeze %dma_start3A_66 : memref<1x104xi32, #tpu.memory_space<vmem>> -> memref<104xi32, #tpu.memory_space<vmem>>
    %dma_start3A_68 = tpu.memref_slice %arg3[%add3A_62] : memref<640000xi32, #tpu.memory_space<hbm>> -> memref<104xi32, #tpu.memory_space<hbm>>
    %dma_start3A_69 = tpu.memref_slice %arg13[%dma_start3A_64] : memref<3x!tpu.dma_semaphore, #tpu.memory_space<semaphore_mem>> -> memref<1x!tpu.dma_semaphore, #tpu.memory_space<semaphore_mem>>
    %dma_start3A_70 = tpu.memref_squeeze %dma_start3A_69 : memref<1x!tpu.dma_semaphore, #tpu.memory_space<semaphore_mem>> -> memref<!tpu.dma_semaphore, #tpu.memory_space<semaphore_mem>>
    %dma_start3A_71 = arith.constant 0 : i32
    %dma_start3A_72 = tpu.memref_slice %arg6[%dma_start3A_63, %dma_start3A_71] : memref<3x104xi32, #tpu.memory_space<vmem>> -> memref<1x104xi32, #tpu.memory_space<vmem>>
    %dma_start3A_73 = tpu.memref_squeeze %dma_start3A_72 : memref<1x104xi32, #tpu.memory_space<vmem>> -> memref<104xi32, #tpu.memory_space<vmem>>
    %dma_start3A_74 = tpu.memref_slice %arg3[%add3A_62] : memref<640000xi32, #tpu.memory_space<hbm>> -> memref<104xi32, #tpu.memory_space<hbm>>
    tpu.enqueue_dma source(%dma_start3A_74 : memref<104xi32, #tpu.memory_space<hbm>>) target(%dma_start3A_73 : memref<104xi32, #tpu.memory_space<vmem>>) target_semaphore(%dma_start3A_70 : memref<!tpu.dma_semaphore, #tpu.memory_space<semaphore_mem>>)
    %dma_start3A_75 = arith.constant 1 : i32
    %dma_start3A_76 = arith.constant 1 : i32
    %dma_start3A_77 = arith.constant 0 : i32
    %dma_start3A_78 = arith.constant 0 : i32
    %dma_start3A_79 = tpu.memref_slice %arg7[%dma_start3A_75, %dma_start3A_77, %dma_start3A_78] : memref<3x104x128xf32, #tpu.memory_space<vmem>> -> memref<1x104x128xf32, #tpu.memory_space<vmem>>
    %dma_start3A_80 = tpu.memref_squeeze %dma_start3A_79 : memref<1x104x128xf32, #tpu.memory_space<vmem>> -> memref<104x128xf32, #tpu.memory_space<vmem>>
    %dma_start3A_81 = arith.constant 0 : i32
    %dma_start3A_82 = arith.constant 0 : i32
    %dma_start3A_83 = tpu.memref_slice %dma_start3A_80[%dma_start3A_81, %dma_start3A_82] : memref<104x128xf32, #tpu.memory_space<vmem>> -> memref<48x128xf32, #tpu.memory_space<vmem>>
    %dma_start3A_84 = arith.constant 104 : i32
    %dma_start3A_85 = tpu.memref_slice %arg5[%dma_start3A_84] : memref<9984xi32, #tpu.memory_space<vmem>> -> memref<48xi32, #tpu.memory_space<vmem>>
    %dma_start3A_86 = arith.constant 0 : i32
    %dma_start3A_87 = arith.constant 0 : i32
    %dma_start3A_88 = tpu.memref_slice %arg2[%dma_start3A_86, %dma_start3A_87] : memref<10000x128xf32, #tpu.memory_space<hbm>> -> memref<10000x128xf32, #tpu.memory_space<hbm>>
    %dma_start3A_89 = tpu.memref_slice %arg12[%dma_start3A_76] : memref<3x!tpu.dma_semaphore, #tpu.memory_space<semaphore_mem>> -> memref<1x!tpu.dma_semaphore, #tpu.memory_space<semaphore_mem>>
    %dma_start3A_90 = tpu.memref_squeeze %dma_start3A_89 : memref<1x!tpu.dma_semaphore, #tpu.memory_space<semaphore_mem>> -> memref<!tpu.dma_semaphore, #tpu.memory_space<semaphore_mem>>
    tpu.enqueue_indirect_dma source(%dma_start3A_88 : memref<10000x128xf32, #tpu.memory_space<hbm>>) target(%dma_start3A_83 : memref<48x128xf32, #tpu.memory_space<vmem>>) offsets(%dma_start3A_85 : memref<48xi32, #tpu.memory_space<vmem>>) semaphore(%dma_start3A_90 : memref<!tpu.dma_semaphore, #tpu.memory_space<semaphore_mem>>)
    %dma_start3A_91 = arith.constant 1 : i32
    %dma_start3A_92 = arith.constant 1 : i32
    %dma_start3A_93 = arith.constant 0 : i32
    %dma_start3A_94 = arith.constant 0 : i32
    %dma_start3A_95 = tpu.memref_slice %arg7[%dma_start3A_91, %dma_start3A_93, %dma_start3A_94] : memref<3x104x128xf32, #tpu.memory_space<vmem>> -> memref<1x104x128xf32, #tpu.memory_space<vmem>>
    %dma_start3A_96 = tpu.memref_squeeze %dma_start3A_95 : memref<1x104x128xf32, #tpu.memory_space<vmem>> -> memref<104x128xf32, #tpu.memory_space<vmem>>
    %dma_start3A_97 = arith.constant 48 : i32
    %dma_start3A_98 = arith.constant 0 : i32
    %dma_start3A_99 = tpu.memref_slice %dma_start3A_96[%dma_start3A_97, %dma_start3A_98] : memref<104x128xf32, #tpu.memory_space<vmem>> -> memref<56x128xf32, #tpu.memory_space<vmem>>
    %dma_start3A_100 = arith.constant 152 : i32
    %dma_start3A_101 = tpu.memref_slice %arg5[%dma_start3A_100] : memref<9984xi32, #tpu.memory_space<vmem>> -> memref<56xi32, #tpu.memory_space<vmem>>
    %dma_start3A_102 = arith.constant 0 : i32
    %dma_start3A_103 = arith.constant 0 : i32
    %dma_start3A_104 = tpu.memref_slice %arg2[%dma_start3A_102, %dma_start3A_103] : memref<10000x128xf32, #tpu.memory_space<hbm>> -> memref<10000x128xf32, #tpu.memory_space<hbm>>
    %dma_start3A_105 = tpu.memref_slice %arg12[%dma_start3A_92] : memref<3x!tpu.dma_semaphore, #tpu.memory_space<semaphore_mem>> -> memref<1x!tpu.dma_semaphore, #tpu.memory_space<semaphore_mem>>
    %dma_start3A_106 = tpu.memref_squeeze %dma_start3A_105 : memref<1x!tpu.dma_semaphore, #tpu.memory_space<semaphore_mem>> -> memref<!tpu.dma_semaphore, #tpu.memory_space<semaphore_mem>>
    tpu.enqueue_indirect_dma source(%dma_start3A_104 : memref<10000x128xf32, #tpu.memory_space<hbm>>) target(%dma_start3A_99 : memref<56x128xf32, #tpu.memory_space<vmem>>) offsets(%dma_start3A_101 : memref<56xi32, #tpu.memory_space<vmem>>) semaphore(%dma_start3A_106 : memref<!tpu.dma_semaphore, #tpu.memory_space<semaphore_mem>>)
    %mul3A_107 = arith.constant 624 : i32
    %mul3A_108 = arith.muli %arg1, %mul3A_107 : i32
    %add3A_109 = arith.constant 0 : i32
    %add3A_110 = arith.addi %mul3A_108, %add3A_109 : i32
    %dma_start3A_111 = arith.constant 2 : i32
    %dma_start3A_112 = arith.constant 2 : i32
    %dma_start3A_113 = arith.constant 0 : i32
    %dma_start3A_114 = arith.constant 0 : i32
    %dma_start3A_115 = tpu.memref_slice %arg7[%dma_start3A_111, %dma_start3A_113, %dma_start3A_114] : memref<3x104x128xf32, #tpu.memory_space<vmem>> -> memref<1x104x128xf32, #tpu.memory_space<vmem>>
    %dma_start3A_116 = tpu.memref_squeeze %dma_start3A_115 : memref<1x104x128xf32, #tpu.memory_space<vmem>> -> memref<104x128xf32, #tpu.memory_space<vmem>>
    %dma_start3A_117 = arith.constant 0 : i32
    %dma_start3A_118 = arith.constant 0 : i32
    %dma_start3A_119 = tpu.memref_slice %dma_start3A_116[%dma_start3A_117, %dma_start3A_118] : memref<104x128xf32, #tpu.memory_space<vmem>> -> memref<104x128xf32, #tpu.memory_space<vmem>>
    %dma_start3A_120 = arith.constant 0 : i32
    %dma_start3A_121 = tpu.memref_slice %arg10[%add3A_110, %dma_start3A_120] : memref<10000x128xf32, #tpu.memory_space<vmem_shared>> -> memref<104x128xf32, #tpu.memory_space<vmem_shared>>
    %dma_start3A_122 = tpu.memref_slice %arg14[%dma_start3A_112] : memref<3x!tpu.dma_semaphore, #tpu.memory_space<semaphore_mem>> -> memref<1x!tpu.dma_semaphore, #tpu.memory_space<semaphore_mem>>
    %dma_start3A_123 = tpu.memref_squeeze %dma_start3A_122 : memref<1x!tpu.dma_semaphore, #tpu.memory_space<semaphore_mem>> -> memref<!tpu.dma_semaphore, #tpu.memory_space<semaphore_mem>>
    %dma_start3A_124 = arith.constant 0 : i32
    %dma_start3A_125 = tpu.memref_slice %arg10[%add3A_110, %dma_start3A_124] : memref<10000x128xf32, #tpu.memory_space<vmem_shared>> -> memref<104x128xf32, #tpu.memory_space<vmem_shared>>
    %dma_start3A_126 = arith.constant 0 : i32
    %dma_start3A_127 = arith.constant 0 : i32
    %dma_start3A_128 = tpu.memref_slice %arg7[%dma_start3A_111, %dma_start3A_126, %dma_start3A_127] : memref<3x104x128xf32, #tpu.memory_space<vmem>> -> memref<1x104x128xf32, #tpu.memory_space<vmem>>
    %dma_start3A_129 = tpu.memref_squeeze %dma_start3A_128 : memref<1x104x128xf32, #tpu.memory_space<vmem>> -> memref<104x128xf32, #tpu.memory_space<vmem>>
    %dma_start3A_130 = arith.constant 0 : i32
    %dma_start3A_131 = arith.constant 0 : i32
    %dma_start3A_132 = tpu.memref_slice %dma_start3A_129[%dma_start3A_130, %dma_start3A_131] : memref<104x128xf32, #tpu.memory_space<vmem>> -> memref<104x128xf32, #tpu.memory_space<vmem>>
    tpu.enqueue_dma source(%dma_start3A_132 : memref<104x128xf32, #tpu.memory_space<vmem>>) target(%dma_start3A_125 : memref<104x128xf32, #tpu.memory_space<vmem_shared>>) target_semaphore(%dma_start3A_123 : memref<!tpu.dma_semaphore, #tpu.memory_space<semaphore_mem>>)
    %add3A_133 = arith.constant 104 : i32
    %add3A_134 = arith.addi %mul3A_108, %add3A_133 : i32
    %dma_start3A_135 = arith.constant 2 : i32
    %dma_start3A_136 = arith.constant 2 : i32
    %dma_start3A_137 = arith.constant 0 : i32
    %dma_start3A_138 = arith.constant 0 : i32
    %dma_start3A_139 = tpu.memref_slice %arg7[%dma_start3A_135, %dma_start3A_137, %dma_start3A_138] : memref<3x104x128xf32, #tpu.memory_space<vmem>> -> memref<1x104x128xf32, #tpu.memory_space<vmem>>
    %dma_start3A_140 = tpu.memref_squeeze %dma_start3A_139 : memref<1x104x128xf32, #tpu.memory_space<vmem>> -> memref<104x128xf32, #tpu.memory_space<vmem>>
    %dma_start3A_141 = arith.constant 0 : i32
    %dma_start3A_142 = arith.constant 0 : i32
    %dma_start3A_143 = tpu.memref_slice %dma_start3A_140[%dma_start3A_141, %dma_start3A_142] : memref<104x128xf32, #tpu.memory_space<vmem>> -> memref<104x128xf32, #tpu.memory_space<vmem>>
    %dma_start3A_144 = arith.constant 0 : i32
    %dma_start3A_145 = tpu.memref_slice %arg10[%add3A_134, %dma_start3A_144] : memref<10000x128xf32, #tpu.memory_space<vmem_shared>> -> memref<104x128xf32, #tpu.memory_space<vmem_shared>>
    %dma_start3A_146 = tpu.memref_slice %arg14[%dma_start3A_136] : memref<3x!tpu.dma_semaphore, #tpu.memory_space<semaphore_mem>> -> memref<1x!tpu.dma_semaphore, #tpu.memory_space<semaphore_mem>>
    %dma_start3A_147 = tpu.memref_squeeze %dma_start3A_146 : memref<1x!tpu.dma_semaphore, #tpu.memory_space<semaphore_mem>> -> memref<!tpu.dma_semaphore, #tpu.memory_space<semaphore_mem>>
    %dma_start3A_148 = arith.constant 0 : i32
    %dma_start3A_149 = tpu.memref_slice %arg10[%add3A_134, %dma_start3A_148] : memref<10000x128xf32, #tpu.memory_space<vmem_shared>> -> memref<104x128xf32, #tpu.memory_space<vmem_shared>>
    %dma_start3A_150 = arith.constant 0 : i32
    %dma_start3A_151 = arith.constant 0 : i32
    %dma_start3A_152 = tpu.memref_slice %arg7[%dma_start3A_135, %dma_start3A_150, %dma_start3A_151] : memref<3x104x128xf32, #tpu.memory_space<vmem>> -> memref<1x104x128xf32, #tpu.memory_space<vmem>>
    %dma_start3A_153 = tpu.memref_squeeze %dma_start3A_152 : memref<1x104x128xf32, #tpu.memory_space<vmem>> -> memref<104x128xf32, #tpu.memory_space<vmem>>
    %dma_start3A_154 = arith.constant 0 : i32
    %dma_start3A_155 = arith.constant 0 : i32
    %dma_start3A_156 = tpu.memref_slice %dma_start3A_153[%dma_start3A_154, %dma_start3A_155] : memref<104x128xf32, #tpu.memory_space<vmem>> -> memref<104x128xf32, #tpu.memory_space<vmem>>
    tpu.enqueue_dma source(%dma_start3A_156 : memref<104x128xf32, #tpu.memory_space<vmem>>) target(%dma_start3A_149 : memref<104x128xf32, #tpu.memory_space<vmem_shared>>) target_semaphore(%dma_start3A_147 : memref<!tpu.dma_semaphore, #tpu.memory_space<semaphore_mem>>)
    %add3A_157 = arith.constant 208 : i32
    %add3A_158 = arith.addi %mul3A_108, %add3A_157 : i32
    %dma_start3A_159 = arith.constant 2 : i32
    %dma_start3A_160 = arith.constant 2 : i32
    %dma_start3A_161 = arith.constant 0 : i32
    %dma_start3A_162 = arith.constant 0 : i32
    %dma_start3A_163 = tpu.memref_slice %arg7[%dma_start3A_159, %dma_start3A_161, %dma_start3A_162] : memref<3x104x128xf32, #tpu.memory_space<vmem>> -> memref<1x104x128xf32, #tpu.memory_space<vmem>>
    %dma_start3A_164 = tpu.memref_squeeze %dma_start3A_163 : memref<1x104x128xf32, #tpu.memory_space<vmem>> -> memref<104x128xf32, #tpu.memory_space<vmem>>
    %dma_start3A_165 = arith.constant 0 : i32
    %dma_start3A_166 = arith.constant 0 : i32
    %dma_start3A_167 = tpu.memref_slice %dma_start3A_164[%dma_start3A_165, %dma_start3A_166] : memref<104x128xf32, #tpu.memory_space<vmem>> -> memref<104x128xf32, #tpu.memory_space<vmem>>
    %dma_start3A_168 = arith.constant 0 : i32
    %dma_start3A_169 = tpu.memref_slice %arg10[%add3A_158, %dma_start3A_168] : memref<10000x128xf32, #tpu.memory_space<vmem_shared>> -> memref<104x128xf32, #tpu.memory_space<vmem_shared>>
    %dma_start3A_170 = tpu.memref_slice %arg14[%dma_start3A_160] : memref<3x!tpu.dma_semaphore, #tpu.memory_space<semaphore_mem>> -> memref<1x!tpu.dma_semaphore, #tpu.memory_space<semaphore_mem>>
    %dma_start3A_171 = tpu.memref_squeeze %dma_start3A_170 : memref<1x!tpu.dma_semaphore, #tpu.memory_space<semaphore_mem>> -> memref<!tpu.dma_semaphore, #tpu.memory_space<semaphore_mem>>
    %dma_start3A_172 = arith.constant 0 : i32
    %dma_start3A_173 = tpu.memref_slice %arg10[%add3A_158, %dma_start3A_172] : memref<10000x128xf32, #tpu.memory_space<vmem_shared>> -> memref<104x128xf32, #tpu.memory_space<vmem_shared>>
    %dma_start3A_174 = arith.constant 0 : i32
    %dma_start3A_175 = arith.constant 0 : i32
    %dma_start3A_176 = tpu.memref_slice %arg7[%dma_start3A_159, %dma_start3A_174, %dma_start3A_175] : memref<3x104x128xf32, #tpu.memory_space<vmem>> -> memref<1x104x128xf32, #tpu.memory_space<vmem>>
    %dma_start3A_177 = tpu.memref_squeeze %dma_start3A_176 : memref<1x104x128xf32, #tpu.memory_space<vmem>> -> memref<104x128xf32, #tpu.memory_space<vmem>>
    %dma_start3A_178 = arith.constant 0 : i32
    %dma_start3A_179 = arith.constant 0 : i32
    %dma_start3A_180 = tpu.memref_slice %dma_start3A_177[%dma_start3A_178, %dma_start3A_179] : memref<104x128xf32, #tpu.memory_space<vmem>> -> memref<104x128xf32, #tpu.memory_space<vmem>>
    tpu.enqueue_dma source(%dma_start3A_180 : memref<104x128xf32, #tpu.memory_space<vmem>>) target(%dma_start3A_173 : memref<104x128xf32, #tpu.memory_space<vmem_shared>>) target_semaphore(%dma_start3A_171 : memref<!tpu.dma_semaphore, #tpu.memory_space<semaphore_mem>>)
    %add3A_181 = arith.constant 312 : i32
    %add3A_182 = arith.addi %mul3A_108, %add3A_181 : i32
    %dma_start3A_183 = arith.constant 2 : i32
    %dma_start3A_184 = arith.constant 2 : i32
    %dma_start3A_185 = arith.constant 0 : i32
    %dma_start3A_186 = arith.constant 0 : i32
    %dma_start3A_187 = tpu.memref_slice %arg7[%dma_start3A_183, %dma_start3A_185, %dma_start3A_186] : memref<3x104x128xf32, #tpu.memory_space<vmem>> -> memref<1x104x128xf32, #tpu.memory_space<vmem>>
    %dma_start3A_188 = tpu.memref_squeeze %dma_start3A_187 : memref<1x104x128xf32, #tpu.memory_space<vmem>> -> memref<104x128xf32, #tpu.memory_space<vmem>>
    %dma_start3A_189 = arith.constant 0 : i32
    %dma_start3A_190 = arith.constant 0 : i32
    %dma_start3A_191 = tpu.memref_slice %dma_start3A_188[%dma_start3A_189, %dma_start3A_190] : memref<104x128xf32, #tpu.memory_space<vmem>> -> memref<104x128xf32, #tpu.memory_space<vmem>>
    %dma_start3A_192 = arith.constant 0 : i32
    %dma_start3A_193 = tpu.memref_slice %arg10[%add3A_182, %dma_start3A_192] : memref<10000x128xf32, #tpu.memory_space<vmem_shared>> -> memref<104x128xf32, #tpu.memory_space<vmem_shared>>
    %dma_start3A_194 = tpu.memref_slice %arg14[%dma_start3A_184] : memref<3x!tpu.dma_semaphore, #tpu.memory_space<semaphore_mem>> -> memref<1x!tpu.dma_semaphore, #tpu.memory_space<semaphore_mem>>
    %dma_start3A_195 = tpu.memref_squeeze %dma_start3A_194 : memref<1x!tpu.dma_semaphore, #tpu.memory_space<semaphore_mem>> -> memref<!tpu.dma_semaphore, #tpu.memory_space<semaphore_mem>>
    %dma_start3A_196 = arith.constant 0 : i32
    %dma_start3A_197 = tpu.memref_slice %arg10[%add3A_182, %dma_start3A_196] : memref<10000x128xf32, #tpu.memory_space<vmem_shared>> -> memref<104x128xf32, #tpu.memory_space<vmem_shared>>
    %dma_start3A_198 = arith.constant 0 : i32
    %dma_start3A_199 = arith.constant 0 : i32
    %dma_start3A_200 = tpu.memref_slice %arg7[%dma_start3A_183, %dma_start3A_198, %dma_start3A_199] : memref<3x104x128xf32, #tpu.memory_space<vmem>> -> memref<1x104x128xf32, #tpu.memory_space<vmem>>
    %dma_start3A_201 = tpu.memref_squeeze %dma_start3A_200 : memref<1x104x128xf32, #tpu.memory_space<vmem>> -> memref<104x128xf32, #tpu.memory_space<vmem>>
    %dma_start3A_202 = arith.constant 0 : i32
    %dma_start3A_203 = arith.constant 0 : i32
    %dma_start3A_204 = tpu.memref_slice %dma_start3A_201[%dma_start3A_202, %dma_start3A_203] : memref<104x128xf32, #tpu.memory_space<vmem>> -> memref<104x128xf32, #tpu.memory_space<vmem>>
    tpu.enqueue_dma source(%dma_start3A_204 : memref<104x128xf32, #tpu.memory_space<vmem>>) target(%dma_start3A_197 : memref<104x128xf32, #tpu.memory_space<vmem_shared>>) target_semaphore(%dma_start3A_195 : memref<!tpu.dma_semaphore, #tpu.memory_space<semaphore_mem>>)
    %add3A_205 = arith.constant 416 : i32
    %add3A_206 = arith.addi %mul3A_108, %add3A_205 : i32
    %dma_start3A_207 = arith.constant 2 : i32
    %dma_start3A_208 = arith.constant 2 : i32
    %dma_start3A_209 = arith.constant 0 : i32
    %dma_start3A_210 = arith.constant 0 : i32
    %dma_start3A_211 = tpu.memref_slice %arg7[%dma_start3A_207, %dma_start3A_209, %dma_start3A_210] : memref<3x104x128xf32, #tpu.memory_space<vmem>> -> memref<1x104x128xf32, #tpu.memory_space<vmem>>
    %dma_start3A_212 = tpu.memref_squeeze %dma_start3A_211 : memref<1x104x128xf32, #tpu.memory_space<vmem>> -> memref<104x128xf32, #tpu.memory_space<vmem>>
    %dma_start3A_213 = arith.constant 0 : i32
    %dma_start3A_214 = arith.constant 0 : i32
    %dma_start3A_215 = tpu.memref_slice %dma_start3A_212[%dma_start3A_213, %dma_start3A_214] : memref<104x128xf32, #tpu.memory_space<vmem>> -> memref<104x128xf32, #tpu.memory_space<vmem>>
    %dma_start3A_216 = arith.constant 0 : i32
    %dma_start3A_217 = tpu.memref_slice %arg10[%add3A_206, %dma_start3A_216] : memref<10000x128xf32, #tpu.memory_space<vmem_shared>> -> memref<104x128xf32, #tpu.memory_space<vmem_shared>>
    %dma_start3A_218 = tpu.memref_slice %arg14[%dma_start3A_208] : memref<3x!tpu.dma_semaphore, #tpu.memory_space<semaphore_mem>> -> memref<1x!tpu.dma_semaphore, #tpu.memory_space<semaphore_mem>>
    %dma_start3A_219 = tpu.memref_squeeze %dma_start3A_218 : memref<1x!tpu.dma_semaphore, #tpu.memory_space<semaphore_mem>> -> memref<!tpu.dma_semaphore, #tpu.memory_space<semaphore_mem>>
    %dma_start3A_220 = arith.constant 0 : i32
    %dma_start3A_221 = tpu.memref_slice %arg10[%add3A_206, %dma_start3A_220] : memref<10000x128xf32, #tpu.memory_space<vmem_shared>> -> memref<104x128xf32, #tpu.memory_space<vmem_shared>>
    %dma_start3A_222 = arith.constant 0 : i32
    %dma_start3A_223 = arith.constant 0 : i32
    %dma_start3A_224 = tpu.memref_slice %arg7[%dma_start3A_207, %dma_start3A_222, %dma_start3A_223] : memref<3x104x128xf32, #tpu.memory_space<vmem>> -> memref<1x104x128xf32, #tpu.memory_space<vmem>>
    %dma_start3A_225 = tpu.memref_squeeze %dma_start3A_224 : memref<1x104x128xf32, #tpu.memory_space<vmem>> -> memref<104x128xf32, #tpu.memory_space<vmem>>
    %dma_start3A_226 = arith.constant 0 : i32
    %dma_start3A_227 = arith.constant 0 : i32
    %dma_start3A_228 = tpu.memref_slice %dma_start3A_225[%dma_start3A_226, %dma_start3A_227] : memref<104x128xf32, #tpu.memory_space<vmem>> -> memref<104x128xf32, #tpu.memory_space<vmem>>
    tpu.enqueue_dma source(%dma_start3A_228 : memref<104x128xf32, #tpu.memory_space<vmem>>) target(%dma_start3A_221 : memref<104x128xf32, #tpu.memory_space<vmem_shared>>) target_semaphore(%dma_start3A_219 : memref<!tpu.dma_semaphore, #tpu.memory_space<semaphore_mem>>)
    %add3A_229 = arith.constant 520 : i32
    %add3A_230 = arith.addi %mul3A_108, %add3A_229 : i32
    %dma_start3A_231 = arith.constant 2 : i32
    %dma_start3A_232 = arith.constant 2 : i32
    %dma_start3A_233 = arith.constant 0 : i32
    %dma_start3A_234 = arith.constant 0 : i32
    %dma_start3A_235 = tpu.memref_slice %arg7[%dma_start3A_231, %dma_start3A_233, %dma_start3A_234] : memref<3x104x128xf32, #tpu.memory_space<vmem>> -> memref<1x104x128xf32, #tpu.memory_space<vmem>>
    %dma_start3A_236 = tpu.memref_squeeze %dma_start3A_235 : memref<1x104x128xf32, #tpu.memory_space<vmem>> -> memref<104x128xf32, #tpu.memory_space<vmem>>
    %dma_start3A_237 = arith.constant 0 : i32
    %dma_start3A_238 = arith.constant 0 : i32
    %dma_start3A_239 = tpu.memref_slice %dma_start3A_236[%dma_start3A_237, %dma_start3A_238] : memref<104x128xf32, #tpu.memory_space<vmem>> -> memref<104x128xf32, #tpu.memory_space<vmem>>
    %dma_start3A_240 = arith.constant 0 : i32
    %dma_start3A_241 = tpu.memref_slice %arg10[%add3A_230, %dma_start3A_240] : memref<10000x128xf32, #tpu.memory_space<vmem_shared>> -> memref<104x128xf32, #tpu.memory_space<vmem_shared>>
    %dma_start3A_242 = tpu.memref_slice %arg14[%dma_start3A_232] : memref<3x!tpu.dma_semaphore, #tpu.memory_space<semaphore_mem>> -> memref<1x!tpu.dma_semaphore, #tpu.memory_space<semaphore_mem>>
    %dma_start3A_243 = tpu.memref_squeeze %dma_start3A_242 : memref<1x!tpu.dma_semaphore, #tpu.memory_space<semaphore_mem>> -> memref<!tpu.dma_semaphore, #tpu.memory_space<semaphore_mem>>
    %dma_start3A_244 = arith.constant 0 : i32
    %dma_start3A_245 = tpu.memref_slice %arg10[%add3A_230, %dma_start3A_244] : memref<10000x128xf32, #tpu.memory_space<vmem_shared>> -> memref<104x128xf32, #tpu.memory_space<vmem_shared>>
    %dma_start3A_246 = arith.constant 0 : i32
    %dma_start3A_247 = arith.constant 0 : i32
    %dma_start3A_248 = tpu.memref_slice %arg7[%dma_start3A_231, %dma_start3A_246, %dma_start3A_247] : memref<3x104x128xf32, #tpu.memory_space<vmem>> -> memref<1x104x128xf32, #tpu.memory_space<vmem>>
    %dma_start3A_249 = tpu.memref_squeeze %dma_start3A_248 : memref<1x104x128xf32, #tpu.memory_space<vmem>> -> memref<104x128xf32, #tpu.memory_space<vmem>>
    %dma_start3A_250 = arith.constant 0 : i32
    %dma_start3A_251 = arith.constant 0 : i32
    %dma_start3A_252 = tpu.memref_slice %dma_start3A_249[%dma_start3A_250, %dma_start3A_251] : memref<104x128xf32, #tpu.memory_space<vmem>> -> memref<104x128xf32, #tpu.memory_space<vmem>>
    tpu.enqueue_dma source(%dma_start3A_252 : memref<104x128xf32, #tpu.memory_space<vmem>>) target(%dma_start3A_245 : memref<104x128xf32, #tpu.memory_space<vmem_shared>>) target_semaphore(%dma_start3A_243 : memref<!tpu.dma_semaphore, #tpu.memory_space<semaphore_mem>>)
    %eq3A = arith.constant 15 : i32
    %eq3A_253 = arith.cmpi eq, %arg1, %eq3A : i32
    %convert_element_type3A = arith.extui %eq3A_253 : i1 to i32
    %cond3A = arith.constant 0 : i32
    %cond3A_254 = arith.cmpi ne, %convert_element_type3A, %cond3A : i32
    scf.if %cond3A_254 {
      %dma_start3A_439 = arith.constant 2 : i32
      %dma_start3A_440 = arith.constant 2 : i32
      %dma_start3A_441 = arith.constant 0 : i32
      %dma_start3A_442 = arith.constant 0 : i32
      %dma_start3A_443 = tpu.memref_slice %arg7[%dma_start3A_439, %dma_start3A_441, %dma_start3A_442] : memref<3x104x128xf32, #tpu.memory_space<vmem>> -> memref<1x104x128xf32, #tpu.memory_space<vmem>>
      %dma_start3A_444 = tpu.memref_squeeze %dma_start3A_443 : memref<1x104x128xf32, #tpu.memory_space<vmem>> -> memref<104x128xf32, #tpu.memory_space<vmem>>
      %dma_start3A_445 = arith.constant 0 : i32
      %dma_start3A_446 = arith.constant 0 : i32
      %dma_start3A_447 = tpu.memref_slice %dma_start3A_444[%dma_start3A_445, %dma_start3A_446] : memref<104x128xf32, #tpu.memory_space<vmem>> -> memref<16x128xf32, #tpu.memory_space<vmem>>
      %dma_start3A_448 = arith.constant 9984 : i32
      %dma_start3A_449 = arith.constant 0 : i32
      %dma_start3A_450 = tpu.memref_slice %arg10[%dma_start3A_448, %dma_start3A_449] : memref<10000x128xf32, #tpu.memory_space<vmem_shared>> -> memref<16x128xf32, #tpu.memory_space<vmem_shared>>
      %dma_start3A_451 = tpu.memref_slice %arg14[%dma_start3A_440] : memref<3x!tpu.dma_semaphore, #tpu.memory_space<semaphore_mem>> -> memref<1x!tpu.dma_semaphore, #tpu.memory_space<semaphore_mem>>
      %dma_start3A_452 = tpu.memref_squeeze %dma_start3A_451 : memref<1x!tpu.dma_semaphore, #tpu.memory_space<semaphore_mem>> -> memref<!tpu.dma_semaphore, #tpu.memory_space<semaphore_mem>>
      %dma_start3A_453 = arith.constant 9984 : i32
      %dma_start3A_454 = arith.constant 0 : i32
      %dma_start3A_455 = tpu.memref_slice %arg10[%dma_start3A_453, %dma_start3A_454] : memref<10000x128xf32, #tpu.memory_space<vmem_shared>> -> memref<16x128xf32, #tpu.memory_space<vmem_shared>>
      %dma_start3A_456 = arith.constant 0 : i32
      %dma_start3A_457 = arith.constant 0 : i32
      %dma_start3A_458 = tpu.memref_slice %arg7[%dma_start3A_439, %dma_start3A_456, %dma_start3A_457] : memref<3x104x128xf32, #tpu.memory_space<vmem>> -> memref<1x104x128xf32, #tpu.memory_space<vmem>>
      %dma_start3A_459 = tpu.memref_squeeze %dma_start3A_458 : memref<1x104x128xf32, #tpu.memory_space<vmem>> -> memref<104x128xf32, #tpu.memory_space<vmem>>
      %dma_start3A_460 = arith.constant 0 : i32
      %dma_start3A_461 = arith.constant 0 : i32
      %dma_start3A_462 = tpu.memref_slice %dma_start3A_459[%dma_start3A_460, %dma_start3A_461] : memref<104x128xf32, #tpu.memory_space<vmem>> -> memref<16x128xf32, #tpu.memory_space<vmem>>
      tpu.enqueue_dma source(%dma_start3A_462 : memref<16x128xf32, #tpu.memory_space<vmem>>) target(%dma_start3A_455 : memref<16x128xf32, #tpu.memory_space<vmem_shared>>) target_semaphore(%dma_start3A_452 : memref<!tpu.dma_semaphore, #tpu.memory_space<semaphore_mem>>)
    } else {
    }
    %add3A_255 = arith.constant 0 : i32
    %add3A_256 = arith.addi %mul3A_108, %add3A_255 : i32
    %dma_wait3A_257 = arith.constant 2 : i32
    %dma_wait3A_258 = arith.constant 2 : i32
    %dma_wait3A_259 = arith.constant 0 : i32
    %dma_wait3A_260 = arith.constant 0 : i32
    %dma_wait3A_261 = tpu.memref_slice %arg7[%dma_wait3A_257, %dma_wait3A_259, %dma_wait3A_260] : memref<3x104x128xf32, #tpu.memory_space<vmem>> -> memref<1x104x128xf32, #tpu.memory_space<vmem>>
    %dma_wait3A_262 = tpu.memref_squeeze %dma_wait3A_261 : memref<1x104x128xf32, #tpu.memory_space<vmem>> -> memref<104x128xf32, #tpu.memory_space<vmem>>
    %dma_wait3A_263 = arith.constant 0 : i32
    %dma_wait3A_264 = arith.constant 0 : i32
    %dma_wait3A_265 = tpu.memref_slice %dma_wait3A_262[%dma_wait3A_263, %dma_wait3A_264] : memref<104x128xf32, #tpu.memory_space<vmem>> -> memref<104x128xf32, #tpu.memory_space<vmem>>
    %dma_wait3A_266 = arith.constant 0 : i32
    %dma_wait3A_267 = tpu.memref_slice %arg10[%add3A_256, %dma_wait3A_266] : memref<10000x128xf32, #tpu.memory_space<vmem_shared>> -> memref<104x128xf32, #tpu.memory_space<vmem_shared>>
    %dma_wait3A_268 = tpu.memref_slice %arg14[%dma_wait3A_258] : memref<3x!tpu.dma_semaphore, #tpu.memory_space<semaphore_mem>> -> memref<1x!tpu.dma_semaphore, #tpu.memory_space<semaphore_mem>>
    %dma_wait3A_269 = tpu.memref_squeeze %dma_wait3A_268 : memref<1x!tpu.dma_semaphore, #tpu.memory_space<semaphore_mem>> -> memref<!tpu.dma_semaphore, #tpu.memory_space<semaphore_mem>>
    %dma_wait3A_270 = arith.constant 0 : i32
    %dma_wait3A_271 = tpu.memref_slice %arg10[%add3A_256, %dma_wait3A_270] : memref<10000x128xf32, #tpu.memory_space<vmem_shared>> -> memref<104x128xf32, #tpu.memory_space<vmem_shared>>
    %dma_wait3A_272 = arith.constant 0 : i32
    %dma_wait3A_273 = arith.constant 0 : i32
    %dma_wait3A_274 = tpu.memref_slice %arg7[%dma_wait3A_257, %dma_wait3A_272, %dma_wait3A_273] : memref<3x104x128xf32, #tpu.memory_space<vmem>> -> memref<1x104x128xf32, #tpu.memory_space<vmem>>
    %dma_wait3A_275 = tpu.memref_squeeze %dma_wait3A_274 : memref<1x104x128xf32, #tpu.memory_space<vmem>> -> memref<104x128xf32, #tpu.memory_space<vmem>>
    %dma_wait3A_276 = arith.constant 0 : i32
    %dma_wait3A_277 = arith.constant 0 : i32
    %dma_wait3A_278 = tpu.memref_slice %dma_wait3A_275[%dma_wait3A_276, %dma_wait3A_277] : memref<104x128xf32, #tpu.memory_space<vmem>> -> memref<104x128xf32, #tpu.memory_space<vmem>>
    tpu.wait_dma2 semaphore(%dma_wait3A_269 : memref<!tpu.dma_semaphore, #tpu.memory_space<semaphore_mem>>) src(%dma_wait3A_278 : memref<104x128xf32, #tpu.memory_space<vmem>>) dst(%dma_wait3A_271 : memref<104x128xf32, #tpu.memory_space<vmem_shared>>)
    %add3A_279 = arith.constant 104 : i32
    %add3A_280 = arith.addi %mul3A_108, %add3A_279 : i32
    %dma_wait3A_281 = arith.constant 2 : i32
    %dma_wait3A_282 = arith.constant 2 : i32
    %dma_wait3A_283 = arith.constant 0 : i32
    %dma_wait3A_284 = arith.constant 0 : i32
    %dma_wait3A_285 = tpu.memref_slice %arg7[%dma_wait3A_281, %dma_wait3A_283, %dma_wait3A_284] : memref<3x104x128xf32, #tpu.memory_space<vmem>> -> memref<1x104x128xf32, #tpu.memory_space<vmem>>
    %dma_wait3A_286 = tpu.memref_squeeze %dma_wait3A_285 : memref<1x104x128xf32, #tpu.memory_space<vmem>> -> memref<104x128xf32, #tpu.memory_space<vmem>>
    %dma_wait3A_287 = arith.constant 0 : i32
    %dma_wait3A_288 = arith.constant 0 : i32
    %dma_wait3A_289 = tpu.memref_slice %dma_wait3A_286[%dma_wait3A_287, %dma_wait3A_288] : memref<104x128xf32, #tpu.memory_space<vmem>> -> memref<104x128xf32, #tpu.memory_space<vmem>>
    %dma_wait3A_290 = arith.constant 0 : i32
    %dma_wait3A_291 = tpu.memref_slice %arg10[%add3A_280, %dma_wait3A_290] : memref<10000x128xf32, #tpu.memory_space<vmem_shared>> -> memref<104x128xf32, #tpu.memory_space<vmem_shared>>
    %dma_wait3A_292 = tpu.memref_slice %arg14[%dma_wait3A_282] : memref<3x!tpu.dma_semaphore, #tpu.memory_space<semaphore_mem>> -> memref<1x!tpu.dma_semaphore, #tpu.memory_space<semaphore_mem>>
    %dma_wait3A_293 = tpu.memref_squeeze %dma_wait3A_292 : memref<1x!tpu.dma_semaphore, #tpu.memory_space<semaphore_mem>> -> memref<!tpu.dma_semaphore, #tpu.memory_space<semaphore_mem>>
    %dma_wait3A_294 = arith.constant 0 : i32
    %dma_wait3A_295 = tpu.memref_slice %arg10[%add3A_280, %dma_wait3A_294] : memref<10000x128xf32, #tpu.memory_space<vmem_shared>> -> memref<104x128xf32, #tpu.memory_space<vmem_shared>>
    %dma_wait3A_296 = arith.constant 0 : i32
    %dma_wait3A_297 = arith.constant 0 : i32
    %dma_wait3A_298 = tpu.memref_slice %arg7[%dma_wait3A_281, %dma_wait3A_296, %dma_wait3A_297] : memref<3x104x128xf32, #tpu.memory_space<vmem>> -> memref<1x104x128xf32, #tpu.memory_space<vmem>>
    %dma_wait3A_299 = tpu.memref_squeeze %dma_wait3A_298 : memref<1x104x128xf32, #tpu.memory_space<vmem>> -> memref<104x128xf32, #tpu.memory_space<vmem>>
    %dma_wait3A_300 = arith.constant 0 : i32
    %dma_wait3A_301 = arith.constant 0 : i32
    %dma_wait3A_302 = tpu.memref_slice %dma_wait3A_299[%dma_wait3A_300, %dma_wait3A_301] : memref<104x128xf32, #tpu.memory_space<vmem>> -> memref<104x128xf32, #tpu.memory_space<vmem>>
    tpu.wait_dma2 semaphore(%dma_wait3A_293 : memref<!tpu.dma_semaphore, #tpu.memory_space<semaphore_mem>>) src(%dma_wait3A_302 : memref<104x128xf32, #tpu.memory_space<vmem>>) dst(%dma_wait3A_295 : memref<104x128xf32, #tpu.memory_space<vmem_shared>>)
    %add3A_303 = arith.constant 208 : i32
    %add3A_304 = arith.addi %mul3A_108, %add3A_303 : i32
    %dma_wait3A_305 = arith.constant 2 : i32
    %dma_wait3A_306 = arith.constant 2 : i32
    %dma_wait3A_307 = arith.constant 0 : i32
    %dma_wait3A_308 = arith.constant 0 : i32
    %dma_wait3A_309 = tpu.memref_slice %arg7[%dma_wait3A_305, %dma_wait3A_307, %dma_wait3A_308] : memref<3x104x128xf32, #tpu.memory_space<vmem>> -> memref<1x104x128xf32, #tpu.memory_space<vmem>>
    %dma_wait3A_310 = tpu.memref_squeeze %dma_wait3A_309 : memref<1x104x128xf32, #tpu.memory_space<vmem>> -> memref<104x128xf32, #tpu.memory_space<vmem>>
    %dma_wait3A_311 = arith.constant 0 : i32
    %dma_wait3A_312 = arith.constant 0 : i32
    %dma_wait3A_313 = tpu.memref_slice %dma_wait3A_310[%dma_wait3A_311, %dma_wait3A_312] : memref<104x128xf32, #tpu.memory_space<vmem>> -> memref<104x128xf32, #tpu.memory_space<vmem>>
    %dma_wait3A_314 = arith.constant 0 : i32
    %dma_wait3A_315 = tpu.memref_slice %arg10[%add3A_304, %dma_wait3A_314] : memref<10000x128xf32, #tpu.memory_space<vmem_shared>> -> memref<104x128xf32, #tpu.memory_space<vmem_shared>>
    %dma_wait3A_316 = tpu.memref_slice %arg14[%dma_wait3A_306] : memref<3x!tpu.dma_semaphore, #tpu.memory_space<semaphore_mem>> -> memref<1x!tpu.dma_semaphore, #tpu.memory_space<semaphore_mem>>
    %dma_wait3A_317 = tpu.memref_squeeze %dma_wait3A_316 : memref<1x!tpu.dma_semaphore, #tpu.memory_space<semaphore_mem>> -> memref<!tpu.dma_semaphore, #tpu.memory_space<semaphore_mem>>
    %dma_wait3A_318 = arith.constant 0 : i32
    %dma_wait3A_319 = tpu.memref_slice %arg10[%add3A_304, %dma_wait3A_318] : memref<10000x128xf32, #tpu.memory_space<vmem_shared>> -> memref<104x128xf32, #tpu.memory_space<vmem_shared>>
    %dma_wait3A_320 = arith.constant 0 : i32
    %dma_wait3A_321 = arith.constant 0 : i32
    %dma_wait3A_322 = tpu.memref_slice %arg7[%dma_wait3A_305, %dma_wait3A_320, %dma_wait3A_321] : memref<3x104x128xf32, #tpu.memory_space<vmem>> -> memref<1x104x128xf32, #tpu.memory_space<vmem>>
    %dma_wait3A_323 = tpu.memref_squeeze %dma_wait3A_322 : memref<1x104x128xf32, #tpu.memory_space<vmem>> -> memref<104x128xf32, #tpu.memory_space<vmem>>
    %dma_wait3A_324 = arith.constant 0 : i32
    %dma_wait3A_325 = arith.constant 0 : i32
    %dma_wait3A_326 = tpu.memref_slice %dma_wait3A_323[%dma_wait3A_324, %dma_wait3A_325] : memref<104x128xf32, #tpu.memory_space<vmem>> -> memref<104x128xf32, #tpu.memory_space<vmem>>
    tpu.wait_dma2 semaphore(%dma_wait3A_317 : memref<!tpu.dma_semaphore, #tpu.memory_space<semaphore_mem>>) src(%dma_wait3A_326 : memref<104x128xf32, #tpu.memory_space<vmem>>) dst(%dma_wait3A_319 : memref<104x128xf32, #tpu.memory_space<vmem_shared>>)
    %add3A_327 = arith.constant 312 : i32
    %add3A_328 = arith.addi %mul3A_108, %add3A_327 : i32
    %dma_wait3A_329 = arith.constant 2 : i32
    %dma_wait3A_330 = arith.constant 2 : i32
    %dma_wait3A_331 = arith.constant 0 : i32
    %dma_wait3A_332 = arith.constant 0 : i32
    %dma_wait3A_333 = tpu.memref_slice %arg7[%dma_wait3A_329, %dma_wait3A_331, %dma_wait3A_332] : memref<3x104x128xf32, #tpu.memory_space<vmem>> -> memref<1x104x128xf32, #tpu.memory_space<vmem>>
    %dma_wait3A_334 = tpu.memref_squeeze %dma_wait3A_333 : memref<1x104x128xf32, #tpu.memory_space<vmem>> -> memref<104x128xf32, #tpu.memory_space<vmem>>
    %dma_wait3A_335 = arith.constant 0 : i32
    %dma_wait3A_336 = arith.constant 0 : i32
    %dma_wait3A_337 = tpu.memref_slice %dma_wait3A_334[%dma_wait3A_335, %dma_wait3A_336] : memref<104x128xf32, #tpu.memory_space<vmem>> -> memref<104x128xf32, #tpu.memory_space<vmem>>
    %dma_wait3A_338 = arith.constant 0 : i32
    %dma_wait3A_339 = tpu.memref_slice %arg10[%add3A_328, %dma_wait3A_338] : memref<10000x128xf32, #tpu.memory_space<vmem_shared>> -> memref<104x128xf32, #tpu.memory_space<vmem_shared>>
    %dma_wait3A_340 = tpu.memref_slice %arg14[%dma_wait3A_330] : memref<3x!tpu.dma_semaphore, #tpu.memory_space<semaphore_mem>> -> memref<1x!tpu.dma_semaphore, #tpu.memory_space<semaphore_mem>>
    %dma_wait3A_341 = tpu.memref_squeeze %dma_wait3A_340 : memref<1x!tpu.dma_semaphore, #tpu.memory_space<semaphore_mem>> -> memref<!tpu.dma_semaphore, #tpu.memory_space<semaphore_mem>>
    %dma_wait3A_342 = arith.constant 0 : i32
    %dma_wait3A_343 = tpu.memref_slice %arg10[%add3A_328, %dma_wait3A_342] : memref<10000x128xf32, #tpu.memory_space<vmem_shared>> -> memref<104x128xf32, #tpu.memory_space<vmem_shared>>
    %dma_wait3A_344 = arith.constant 0 : i32
    %dma_wait3A_345 = arith.constant 0 : i32
    %dma_wait3A_346 = tpu.memref_slice %arg7[%dma_wait3A_329, %dma_wait3A_344, %dma_wait3A_345] : memref<3x104x128xf32, #tpu.memory_space<vmem>> -> memref<1x104x128xf32, #tpu.memory_space<vmem>>
    %dma_wait3A_347 = tpu.memref_squeeze %dma_wait3A_346 : memref<1x104x128xf32, #tpu.memory_space<vmem>> -> memref<104x128xf32, #tpu.memory_space<vmem>>
    %dma_wait3A_348 = arith.constant 0 : i32
    %dma_wait3A_349 = arith.constant 0 : i32
    %dma_wait3A_350 = tpu.memref_slice %dma_wait3A_347[%dma_wait3A_348, %dma_wait3A_349] : memref<104x128xf32, #tpu.memory_space<vmem>> -> memref<104x128xf32, #tpu.memory_space<vmem>>
    tpu.wait_dma2 semaphore(%dma_wait3A_341 : memref<!tpu.dma_semaphore, #tpu.memory_space<semaphore_mem>>) src(%dma_wait3A_350 : memref<104x128xf32, #tpu.memory_space<vmem>>) dst(%dma_wait3A_343 : memref<104x128xf32, #tpu.memory_space<vmem_shared>>)
    %add3A_351 = arith.constant 416 : i32
    %add3A_352 = arith.addi %mul3A_108, %add3A_351 : i32
    %dma_wait3A_353 = arith.constant 2 : i32
    %dma_wait3A_354 = arith.constant 2 : i32
    %dma_wait3A_355 = arith.constant 0 : i32
    %dma_wait3A_356 = arith.constant 0 : i32
    %dma_wait3A_357 = tpu.memref_slice %arg7[%dma_wait3A_353, %dma_wait3A_355, %dma_wait3A_356] : memref<3x104x128xf32, #tpu.memory_space<vmem>> -> memref<1x104x128xf32, #tpu.memory_space<vmem>>
    %dma_wait3A_358 = tpu.memref_squeeze %dma_wait3A_357 : memref<1x104x128xf32, #tpu.memory_space<vmem>> -> memref<104x128xf32, #tpu.memory_space<vmem>>
    %dma_wait3A_359 = arith.constant 0 : i32
    %dma_wait3A_360 = arith.constant 0 : i32
    %dma_wait3A_361 = tpu.memref_slice %dma_wait3A_358[%dma_wait3A_359, %dma_wait3A_360] : memref<104x128xf32, #tpu.memory_space<vmem>> -> memref<104x128xf32, #tpu.memory_space<vmem>>
    %dma_wait3A_362 = arith.constant 0 : i32
    %dma_wait3A_363 = tpu.memref_slice %arg10[%add3A_352, %dma_wait3A_362] : memref<10000x128xf32, #tpu.memory_space<vmem_shared>> -> memref<104x128xf32, #tpu.memory_space<vmem_shared>>
    %dma_wait3A_364 = tpu.memref_slice %arg14[%dma_wait3A_354] : memref<3x!tpu.dma_semaphore, #tpu.memory_space<semaphore_mem>> -> memref<1x!tpu.dma_semaphore, #tpu.memory_space<semaphore_mem>>
    %dma_wait3A_365 = tpu.memref_squeeze %dma_wait3A_364 : memref<1x!tpu.dma_semaphore, #tpu.memory_space<semaphore_mem>> -> memref<!tpu.dma_semaphore, #tpu.memory_space<semaphore_mem>>
    %dma_wait3A_366 = arith.constant 0 : i32
    %dma_wait3A_367 = tpu.memref_slice %arg10[%add3A_352, %dma_wait3A_366] : memref<10000x128xf32, #tpu.memory_space<vmem_shared>> -> memref<104x128xf32, #tpu.memory_space<vmem_shared>>
    %dma_wait3A_368 = arith.constant 0 : i32
    %dma_wait3A_369 = arith.constant 0 : i32
    %dma_wait3A_370 = tpu.memref_slice %arg7[%dma_wait3A_353, %dma_wait3A_368, %dma_wait3A_369] : memref<3x104x128xf32, #tpu.memory_space<vmem>> -> memref<1x104x128xf32, #tpu.memory_space<vmem>>
    %dma_wait3A_371 = tpu.memref_squeeze %dma_wait3A_370 : memref<1x104x128xf32, #tpu.memory_space<vmem>> -> memref<104x128xf32, #tpu.memory_space<vmem>>
    %dma_wait3A_372 = arith.constant 0 : i32
    %dma_wait3A_373 = arith.constant 0 : i32
    %dma_wait3A_374 = tpu.memref_slice %dma_wait3A_371[%dma_wait3A_372, %dma_wait3A_373] : memref<104x128xf32, #tpu.memory_space<vmem>> -> memref<104x128xf32, #tpu.memory_space<vmem>>
    tpu.wait_dma2 semaphore(%dma_wait3A_365 : memref<!tpu.dma_semaphore, #tpu.memory_space<semaphore_mem>>) src(%dma_wait3A_374 : memref<104x128xf32, #tpu.memory_space<vmem>>) dst(%dma_wait3A_367 : memref<104x128xf32, #tpu.memory_space<vmem_shared>>)
    %add3A_375 = arith.constant 520 : i32
    %add3A_376 = arith.addi %mul3A_108, %add3A_375 : i32
    %dma_wait3A_377 = arith.constant 2 : i32
    %dma_wait3A_378 = arith.constant 2 : i32
    %dma_wait3A_379 = arith.constant 0 : i32
    %dma_wait3A_380 = arith.constant 0 : i32
    %dma_wait3A_381 = tpu.memref_slice %arg7[%dma_wait3A_377, %dma_wait3A_379, %dma_wait3A_380] : memref<3x104x128xf32, #tpu.memory_space<vmem>> -> memref<1x104x128xf32, #tpu.memory_space<vmem>>
    %dma_wait3A_382 = tpu.memref_squeeze %dma_wait3A_381 : memref<1x104x128xf32, #tpu.memory_space<vmem>> -> memref<104x128xf32, #tpu.memory_space<vmem>>
    %dma_wait3A_383 = arith.constant 0 : i32
    %dma_wait3A_384 = arith.constant 0 : i32
    %dma_wait3A_385 = tpu.memref_slice %dma_wait3A_382[%dma_wait3A_383, %dma_wait3A_384] : memref<104x128xf32, #tpu.memory_space<vmem>> -> memref<104x128xf32, #tpu.memory_space<vmem>>
    %dma_wait3A_386 = arith.constant 0 : i32
    %dma_wait3A_387 = tpu.memref_slice %arg10[%add3A_376, %dma_wait3A_386] : memref<10000x128xf32, #tpu.memory_space<vmem_shared>> -> memref<104x128xf32, #tpu.memory_space<vmem_shared>>
    %dma_wait3A_388 = tpu.memref_slice %arg14[%dma_wait3A_378] : memref<3x!tpu.dma_semaphore, #tpu.memory_space<semaphore_mem>> -> memref<1x!tpu.dma_semaphore, #tpu.memory_space<semaphore_mem>>
    %dma_wait3A_389 = tpu.memref_squeeze %dma_wait3A_388 : memref<1x!tpu.dma_semaphore, #tpu.memory_space<semaphore_mem>> -> memref<!tpu.dma_semaphore, #tpu.memory_space<semaphore_mem>>
    %dma_wait3A_390 = arith.constant 0 : i32
    %dma_wait3A_391 = tpu.memref_slice %arg10[%add3A_376, %dma_wait3A_390] : memref<10000x128xf32, #tpu.memory_space<vmem_shared>> -> memref<104x128xf32, #tpu.memory_space<vmem_shared>>
    %dma_wait3A_392 = arith.constant 0 : i32
    %dma_wait3A_393 = arith.constant 0 : i32
    %dma_wait3A_394 = tpu.memref_slice %arg7[%dma_wait3A_377, %dma_wait3A_392, %dma_wait3A_393] : memref<3x104x128xf32, #tpu.memory_space<vmem>> -> memref<1x104x128xf32, #tpu.memory_space<vmem>>
    %dma_wait3A_395 = tpu.memref_squeeze %dma_wait3A_394 : memref<1x104x128xf32, #tpu.memory_space<vmem>> -> memref<104x128xf32, #tpu.memory_space<vmem>>
    %dma_wait3A_396 = arith.constant 0 : i32
    %dma_wait3A_397 = arith.constant 0 : i32
    %dma_wait3A_398 = tpu.memref_slice %dma_wait3A_395[%dma_wait3A_396, %dma_wait3A_397] : memref<104x128xf32, #tpu.memory_space<vmem>> -> memref<104x128xf32, #tpu.memory_space<vmem>>
    tpu.wait_dma2 semaphore(%dma_wait3A_389 : memref<!tpu.dma_semaphore, #tpu.memory_space<semaphore_mem>>) src(%dma_wait3A_398 : memref<104x128xf32, #tpu.memory_space<vmem>>) dst(%dma_wait3A_391 : memref<104x128xf32, #tpu.memory_space<vmem_shared>>)
    %eq3A_399 = arith.constant 15 : i32
    %eq3A_400 = arith.cmpi eq, %arg1, %eq3A_399 : i32
    %convert_element_type3A_401 = arith.extui %eq3A_400 : i1 to i32
    %cond3A_402 = arith.constant 0 : i32
    %cond3A_403 = arith.cmpi ne, %convert_element_type3A_401, %cond3A_402 : i32
    scf.if %cond3A_403 {
      %dma_wait3A_439 = arith.constant 2 : i32
      %dma_wait3A_440 = arith.constant 2 : i32
      %dma_wait3A_441 = arith.constant 0 : i32
      %dma_wait3A_442 = arith.constant 0 : i32
      %dma_wait3A_443 = tpu.memref_slice %arg7[%dma_wait3A_439, %dma_wait3A_441, %dma_wait3A_442] : memref<3x104x128xf32, #tpu.memory_space<vmem>> -> memref<1x104x128xf32, #tpu.memory_space<vmem>>
      %dma_wait3A_444 = tpu.memref_squeeze %dma_wait3A_443 : memref<1x104x128xf32, #tpu.memory_space<vmem>> -> memref<104x128xf32, #tpu.memory_space<vmem>>
      %dma_wait3A_445 = arith.constant 0 : i32
      %dma_wait3A_446 = arith.constant 0 : i32
      %dma_wait3A_447 = tpu.memref_slice %dma_wait3A_444[%dma_wait3A_445, %dma_wait3A_446] : memref<104x128xf32, #tpu.memory_space<vmem>> -> memref<16x128xf32, #tpu.memory_space<vmem>>
      %dma_wait3A_448 = arith.constant 9984 : i32
      %dma_wait3A_449 = arith.constant 0 : i32
      %dma_wait3A_450 = tpu.memref_slice %arg10[%dma_wait3A_448, %dma_wait3A_449] : memref<10000x128xf32, #tpu.memory_space<vmem_shared>> -> memref<16x128xf32, #tpu.memory_space<vmem_shared>>
      %dma_wait3A_451 = tpu.memref_slice %arg14[%dma_wait3A_440] : memref<3x!tpu.dma_semaphore, #tpu.memory_space<semaphore_mem>> -> memref<1x!tpu.dma_semaphore, #tpu.memory_space<semaphore_mem>>
      %dma_wait3A_452 = tpu.memref_squeeze %dma_wait3A_451 : memref<1x!tpu.dma_semaphore, #tpu.memory_space<semaphore_mem>> -> memref<!tpu.dma_semaphore, #tpu.memory_space<semaphore_mem>>
      %dma_wait3A_453 = arith.constant 9984 : i32
      %dma_wait3A_454 = arith.constant 0 : i32
      %dma_wait3A_455 = tpu.memref_slice %arg10[%dma_wait3A_453, %dma_wait3A_454] : memref<10000x128xf32, #tpu.memory_space<vmem_shared>> -> memref<16x128xf32, #tpu.memory_space<vmem_shared>>
      %dma_wait3A_456 = arith.constant 0 : i32
      %dma_wait3A_457 = arith.constant 0 : i32
      %dma_wait3A_458 = tpu.memref_slice %arg7[%dma_wait3A_439, %dma_wait3A_456, %dma_wait3A_457] : memref<3x104x128xf32, #tpu.memory_space<vmem>> -> memref<1x104x128xf32, #tpu.memory_space<vmem>>
      %dma_wait3A_459 = tpu.memref_squeeze %dma_wait3A_458 : memref<1x104x128xf32, #tpu.memory_space<vmem>> -> memref<104x128xf32, #tpu.memory_space<vmem>>
      %dma_wait3A_460 = arith.constant 0 : i32
      %dma_wait3A_461 = arith.constant 0 : i32
      %dma_wait3A_462 = tpu.memref_slice %dma_wait3A_459[%dma_wait3A_460, %dma_wait3A_461] : memref<104x128xf32, #tpu.memory_space<vmem>> -> memref<16x128xf32, #tpu.memory_space<vmem>>
      tpu.wait_dma2 semaphore(%dma_wait3A_452 : memref<!tpu.dma_semaphore, #tpu.memory_space<semaphore_mem>>) src(%dma_wait3A_462 : memref<16x128xf32, #tpu.memory_space<vmem>>) dst(%dma_wait3A_455 : memref<16x128xf32, #tpu.memory_space<vmem_shared>>)
    } else {
    }
    %barrier3A = arith.constant 0 : index
    tpu.barrier barrier_id(%barrier3A)
    %scan3A_404 = arith.constant 0 : i32
    %scan3A_405 = arith.constant 0 : i32
    %scan3A_406 = arith.constant 32 : i32
    %scan3A_407 = arith.addi %scan3A_405, %scan3A_406 : i32
    %scan3A_408 = arith.constant 1 : i32
    %scan3A_409 = scf.for %scan3A_439 = %scan3A_405 to %scan3A_407 step %scan3A_408 iter_args(%scan3A_440 = %scan3A_404) -> (i32)  : i32 {
      %mul3A_441 = arith.constant 3 : i32
      %mul3A_442 = arith.muli %scan3A_439, %mul3A_441 : i32
      %add3A_443 = arith.constant 0 : i32
      %add3A_444 = arith.addi %mul3A_442, %add3A_443 : i32
      %mul3A_445 = arith.constant 104 : i32
      %mul3A_446 = arith.muli %add3A_444, %mul3A_445 : i32
      %dma_wait3A_447 = arith.constant 0 : i32
      %dma_wait3A_448 = arith.constant 0 : i32
      %dma_wait3A_449 = arith.constant 0 : i32
      %dma_wait3A_450 = arith.constant 0 : i32
      %dma_wait3A_451 = tpu.memref_slice %arg7[%dma_wait3A_447, %dma_wait3A_449, %dma_wait3A_450] : memref<3x104x128xf32, #tpu.memory_space<vmem>> -> memref<1x104x128xf32, #tpu.memory_space<vmem>>
      %dma_wait3A_452 = tpu.memref_squeeze %dma_wait3A_451 : memref<1x104x128xf32, #tpu.memory_space<vmem>> -> memref<104x128xf32, #tpu.memory_space<vmem>>
      %dma_wait3A_453 = tpu.memref_slice %arg5[%mul3A_446] : memref<9984xi32, #tpu.memory_space<vmem>> -> memref<104xi32, #tpu.memory_space<vmem>>
      %dma_wait3A_454 = arith.constant 0 : i32
      %dma_wait3A_455 = arith.constant 0 : i32
      %dma_wait3A_456 = tpu.memref_slice %arg2[%dma_wait3A_454, %dma_wait3A_455] : memref<10000x128xf32, #tpu.memory_space<hbm>> -> memref<10000x128xf32, #tpu.memory_space<hbm>>
      %dma_wait3A_457 = tpu.memref_slice %arg12[%dma_wait3A_448] : memref<3x!tpu.dma_semaphore, #tpu.memory_space<semaphore_mem>> -> memref<1x!tpu.dma_semaphore, #tpu.memory_space<semaphore_mem>>
      %dma_wait3A_458 = tpu.memref_squeeze %dma_wait3A_457 : memref<1x!tpu.dma_semaphore, #tpu.memory_space<semaphore_mem>> -> memref<!tpu.dma_semaphore, #tpu.memory_space<semaphore_mem>>
      tpu.wait_indirect_dma semaphore(%dma_wait3A_458 : memref<!tpu.dma_semaphore, #tpu.memory_space<semaphore_mem>>) src(%dma_wait3A_456 : memref<10000x128xf32, #tpu.memory_space<hbm>>) dst(%dma_wait3A_452 : memref<104x128xf32, #tpu.memory_space<vmem>>)
      %add3A_459 = arith.constant 320000 : i32
      %add3A_460 = arith.addi %add3A_459, %mul3A_2 : i32
      %mul3A_461 = arith.constant 104 : i32
      %mul3A_462 = arith.muli %add3A_444, %mul3A_461 : i32
      %add3A_463 = arith.addi %add3A_460, %mul3A_462 : i32
      %dma_wait3A_464 = arith.constant 0 : i32
      %dma_wait3A_465 = arith.constant 0 : i32
      %dma_wait3A_466 = arith.constant 0 : i32
      %dma_wait3A_467 = tpu.memref_slice %arg6[%dma_wait3A_464, %dma_wait3A_466] : memref<3x104xi32, #tpu.memory_space<vmem>> -> memref<1x104xi32, #tpu.memory_space<vmem>>
      %dma_wait3A_468 = tpu.memref_squeeze %dma_wait3A_467 : memref<1x104xi32, #tpu.memory_space<vmem>> -> memref<104xi32, #tpu.memory_space<vmem>>
      %dma_wait3A_469 = tpu.memref_slice %arg3[%add3A_463] : memref<640000xi32, #tpu.memory_space<hbm>> -> memref<104xi32, #tpu.memory_space<hbm>>
      %dma_wait3A_470 = tpu.memref_slice %arg13[%dma_wait3A_465] : memref<3x!tpu.dma_semaphore, #tpu.memory_space<semaphore_mem>> -> memref<1x!tpu.dma_semaphore, #tpu.memory_space<semaphore_mem>>
      %dma_wait3A_471 = tpu.memref_squeeze %dma_wait3A_470 : memref<1x!tpu.dma_semaphore, #tpu.memory_space<semaphore_mem>> -> memref<!tpu.dma_semaphore, #tpu.memory_space<semaphore_mem>>
      %dma_wait3A_472 = arith.constant 0 : i32
      %dma_wait3A_473 = tpu.memref_slice %arg6[%dma_wait3A_464, %dma_wait3A_472] : memref<3x104xi32, #tpu.memory_space<vmem>> -> memref<1x104xi32, #tpu.memory_space<vmem>>
      %dma_wait3A_474 = tpu.memref_squeeze %dma_wait3A_473 : memref<1x104xi32, #tpu.memory_space<vmem>> -> memref<104xi32, #tpu.memory_space<vmem>>
      %dma_wait3A_475 = tpu.memref_slice %arg3[%add3A_463] : memref<640000xi32, #tpu.memory_space<hbm>> -> memref<104xi32, #tpu.memory_space<hbm>>
      tpu.wait_dma2 semaphore(%dma_wait3A_471 : memref<!tpu.dma_semaphore, #tpu.memory_space<semaphore_mem>>) src(%dma_wait3A_475 : memref<104xi32, #tpu.memory_space<hbm>>) dst(%dma_wait3A_474 : memref<104xi32, #tpu.memory_space<vmem>>)
      %dma_start3A_476 = arith.constant 0 : i32
      %dma_start3A_477 = arith.constant 0 : i32
      %dma_start3A_478 = arith.constant 0 : i32
      %dma_start3A_479 = arith.constant 0 : i32
      %dma_start3A_480 = arith.constant 0 : i32
      %dma_start3A_481 = tpu.memref_slice %arg7[%dma_start3A_476, %dma_start3A_479, %dma_start3A_480] : memref<3x104x128xf32, #tpu.memory_space<vmem>> -> memref<1x104x128xf32, #tpu.memory_space<vmem>>
      %dma_start3A_482 = tpu.memref_squeeze %dma_start3A_481 : memref<1x104x128xf32, #tpu.memory_space<vmem>> -> memref<104x128xf32, #tpu.memory_space<vmem>>
      %dma_start3A_483 = arith.constant 0 : i32
      %dma_start3A_484 = tpu.memref_slice %arg6[%dma_start3A_477, %dma_start3A_483] : memref<3x104xi32, #tpu.memory_space<vmem>> -> memref<1x104xi32, #tpu.memory_space<vmem>>
      %dma_start3A_485 = tpu.memref_squeeze %dma_start3A_484 : memref<1x104xi32, #tpu.memory_space<vmem>> -> memref<104xi32, #tpu.memory_space<vmem>>
      %dma_start3A_486 = arith.constant 0 : i32
      %dma_start3A_487 = arith.constant 0 : i32
      %dma_start3A_488 = tpu.memref_slice %arg10[%dma_start3A_486, %dma_start3A_487] : memref<10000x128xf32, #tpu.memory_space<vmem_shared>> -> memref<10000x128xf32, #tpu.memory_space<vmem_shared>>
      %dma_start3A_489 = tpu.memref_slice %arg14[%dma_start3A_478] : memref<3x!tpu.dma_semaphore, #tpu.memory_space<semaphore_mem>> -> memref<1x!tpu.dma_semaphore, #tpu.memory_space<semaphore_mem>>
      %dma_start3A_490 = tpu.memref_squeeze %dma_start3A_489 : memref<1x!tpu.dma_semaphore, #tpu.memory_space<semaphore_mem>> -> memref<!tpu.dma_semaphore, #tpu.memory_space<semaphore_mem>>
      tpu.enqueue_indirect_dma source(%dma_start3A_482 : memref<104x128xf32, #tpu.memory_space<vmem>>) target(%dma_start3A_488 : memref<10000x128xf32, #tpu.memory_space<vmem_shared>>) offsets(%dma_start3A_485 : memref<104xi32, #tpu.memory_space<vmem>>) semaphore(%dma_start3A_490 : memref<!tpu.dma_semaphore, #tpu.memory_space<semaphore_mem>>) {add = true}
      %ge3A = arith.constant 1 : i32
      %ge3A_491 = arith.cmpi sge, %add3A_444, %ge3A : i32
      %convert_element_type3A_492 = arith.extui %ge3A_491 : i1 to i32
      %cond3A_493 = arith.constant 0 : i32
      %cond3A_494 = arith.cmpi ne, %convert_element_type3A_492, %cond3A_493 : i32
      scf.if %cond3A_494 {
        %dma_wait3A_627 = arith.constant 2 : i32
        %dma_wait3A_628 = arith.constant 2 : i32
        %dma_wait3A_629 = arith.constant 2 : i32
        %dma_wait3A_630 = arith.constant 0 : i32
        %dma_wait3A_631 = arith.constant 0 : i32
        %dma_wait3A_632 = tpu.memref_slice %arg7[%dma_wait3A_627, %dma_wait3A_630, %dma_wait3A_631] : memref<3x104x128xf32, #tpu.memory_space<vmem>> -> memref<1x104x128xf32, #tpu.memory_space<vmem>>
        %dma_wait3A_633 = tpu.memref_squeeze %dma_wait3A_632 : memref<1x104x128xf32, #tpu.memory_space<vmem>> -> memref<104x128xf32, #tpu.memory_space<vmem>>
        %dma_wait3A_634 = arith.constant 0 : i32
        %dma_wait3A_635 = tpu.memref_slice %arg6[%dma_wait3A_628, %dma_wait3A_634] : memref<3x104xi32, #tpu.memory_space<vmem>> -> memref<1x104xi32, #tpu.memory_space<vmem>>
        %dma_wait3A_636 = tpu.memref_squeeze %dma_wait3A_635 : memref<1x104xi32, #tpu.memory_space<vmem>> -> memref<104xi32, #tpu.memory_space<vmem>>
        %dma_wait3A_637 = arith.constant 0 : i32
        %dma_wait3A_638 = arith.constant 0 : i32
        %dma_wait3A_639 = tpu.memref_slice %arg10[%dma_wait3A_637, %dma_wait3A_638] : memref<10000x128xf32, #tpu.memory_space<vmem_shared>> -> memref<10000x128xf32, #tpu.memory_space<vmem_shared>>
        %dma_wait3A_640 = tpu.memref_slice %arg14[%dma_wait3A_629] : memref<3x!tpu.dma_semaphore, #tpu.memory_space<semaphore_mem>> -> memref<1x!tpu.dma_semaphore, #tpu.memory_space<semaphore_mem>>
        %dma_wait3A_641 = tpu.memref_squeeze %dma_wait3A_640 : memref<1x!tpu.dma_semaphore, #tpu.memory_space<semaphore_mem>> -> memref<!tpu.dma_semaphore, #tpu.memory_space<semaphore_mem>>
        tpu.wait_indirect_dma semaphore(%dma_wait3A_641 : memref<!tpu.dma_semaphore, #tpu.memory_space<semaphore_mem>>) src(%dma_wait3A_633 : memref<104x128xf32, #tpu.memory_space<vmem>>) dst(%dma_wait3A_639 : memref<10000x128xf32, #tpu.memory_space<vmem_shared>>)
      } else {
      }
      %add3A_495 = arith.constant 2 : i32
      %add3A_496 = arith.addi %add3A_444, %add3A_495 : i32
      %lt3A_497 = arith.constant 96 : i32
      %lt3A_498 = arith.cmpi slt, %add3A_496, %lt3A_497 : i32
      %convert_element_type3A_499 = arith.extui %lt3A_498 : i1 to i32
      %cond3A_500 = arith.constant 0 : i32
      %cond3A_501 = arith.cmpi ne, %convert_element_type3A_499, %cond3A_500 : i32
      scf.if %cond3A_501 {
        %add3A_627 = arith.constant 2 : i32
        %add3A_628 = arith.addi %add3A_444, %add3A_627 : i32
        %add3A_629 = arith.constant 320000 : i32
        %add3A_630 = arith.addi %add3A_629, %mul3A_2 : i32
        %mul3A_631 = arith.constant 104 : i32
        %mul3A_632 = arith.muli %add3A_628, %mul3A_631 : i32
        %add3A_633 = arith.addi %add3A_630, %mul3A_632 : i32
        %dma_start3A_634 = arith.constant 2 : i32
        %dma_start3A_635 = arith.constant 2 : i32
        %dma_start3A_636 = arith.constant 0 : i32
        %dma_start3A_637 = tpu.memref_slice %arg6[%dma_start3A_634, %dma_start3A_636] : memref<3x104xi32, #tpu.memory_space<vmem>> -> memref<1x104xi32, #tpu.memory_space<vmem>>
        %dma_start3A_638 = tpu.memref_squeeze %dma_start3A_637 : memref<1x104xi32, #tpu.memory_space<vmem>> -> memref<104xi32, #tpu.memory_space<vmem>>
        %dma_start3A_639 = tpu.memref_slice %arg3[%add3A_633] : memref<640000xi32, #tpu.memory_space<hbm>> -> memref<104xi32, #tpu.memory_space<hbm>>
        %dma_start3A_640 = tpu.memref_slice %arg13[%dma_start3A_635] : memref<3x!tpu.dma_semaphore, #tpu.memory_space<semaphore_mem>> -> memref<1x!tpu.dma_semaphore, #tpu.memory_space<semaphore_mem>>
        %dma_start3A_641 = tpu.memref_squeeze %dma_start3A_640 : memref<1x!tpu.dma_semaphore, #tpu.memory_space<semaphore_mem>> -> memref<!tpu.dma_semaphore, #tpu.memory_space<semaphore_mem>>
        %dma_start3A_642 = arith.constant 0 : i32
        %dma_start3A_643 = tpu.memref_slice %arg6[%dma_start3A_634, %dma_start3A_642] : memref<3x104xi32, #tpu.memory_space<vmem>> -> memref<1x104xi32, #tpu.memory_space<vmem>>
        %dma_start3A_644 = tpu.memref_squeeze %dma_start3A_643 : memref<1x104xi32, #tpu.memory_space<vmem>> -> memref<104xi32, #tpu.memory_space<vmem>>
        %dma_start3A_645 = tpu.memref_slice %arg3[%add3A_633] : memref<640000xi32, #tpu.memory_space<hbm>> -> memref<104xi32, #tpu.memory_space<hbm>>
        tpu.enqueue_dma source(%dma_start3A_645 : memref<104xi32, #tpu.memory_space<hbm>>) target(%dma_start3A_644 : memref<104xi32, #tpu.memory_space<vmem>>) target_semaphore(%dma_start3A_641 : memref<!tpu.dma_semaphore, #tpu.memory_space<semaphore_mem>>)
        %mul3A_646 = arith.constant 104 : i32
        %mul3A_647 = arith.muli %add3A_628, %mul3A_646 : i32
        %dma_start3A_648 = arith.constant 2 : i32
        %dma_start3A_649 = arith.constant 2 : i32
        %dma_start3A_650 = arith.constant 0 : i32
        %dma_start3A_651 = arith.constant 0 : i32
        %dma_start3A_652 = tpu.memref_slice %arg7[%dma_start3A_648, %dma_start3A_650, %dma_start3A_651] : memref<3x104x128xf32, #tpu.memory_space<vmem>> -> memref<1x104x128xf32, #tpu.memory_space<vmem>>
        %dma_start3A_653 = tpu.memref_squeeze %dma_start3A_652 : memref<1x104x128xf32, #tpu.memory_space<vmem>> -> memref<104x128xf32, #tpu.memory_space<vmem>>
        %dma_start3A_654 = arith.constant 0 : i32
        %dma_start3A_655 = arith.constant 0 : i32
        %dma_start3A_656 = tpu.memref_slice %dma_start3A_653[%dma_start3A_654, %dma_start3A_655] : memref<104x128xf32, #tpu.memory_space<vmem>> -> memref<48x128xf32, #tpu.memory_space<vmem>>
        %dma_start3A_657 = tpu.memref_slice %arg5[%mul3A_647] : memref<9984xi32, #tpu.memory_space<vmem>> -> memref<48xi32, #tpu.memory_space<vmem>>
        %dma_start3A_658 = arith.constant 0 : i32
        %dma_start3A_659 = arith.constant 0 : i32
        %dma_start3A_660 = tpu.memref_slice %arg2[%dma_start3A_658, %dma_start3A_659] : memref<10000x128xf32, #tpu.memory_space<hbm>> -> memref<10000x128xf32, #tpu.memory_space<hbm>>
        %dma_start3A_661 = tpu.memref_slice %arg12[%dma_start3A_649] : memref<3x!tpu.dma_semaphore, #tpu.memory_space<semaphore_mem>> -> memref<1x!tpu.dma_semaphore, #tpu.memory_space<semaphore_mem>>
        %dma_start3A_662 = tpu.memref_squeeze %dma_start3A_661 : memref<1x!tpu.dma_semaphore, #tpu.memory_space<semaphore_mem>> -> memref<!tpu.dma_semaphore, #tpu.memory_space<semaphore_mem>>
        tpu.enqueue_indirect_dma source(%dma_start3A_660 : memref<10000x128xf32, #tpu.memory_space<hbm>>) target(%dma_start3A_656 : memref<48x128xf32, #tpu.memory_space<vmem>>) offsets(%dma_start3A_657 : memref<48xi32, #tpu.memory_space<vmem>>) semaphore(%dma_start3A_662 : memref<!tpu.dma_semaphore, #tpu.memory_space<semaphore_mem>>)
        %mul3A_663 = arith.constant 104 : i32
        %mul3A_664 = arith.muli %add3A_628, %mul3A_663 : i32
        %add3A_665 = arith.constant 48 : i32
        %add3A_666 = arith.addi %mul3A_664, %add3A_665 : i32
        %dma_start3A_667 = arith.constant 2 : i32
        %dma_start3A_668 = arith.constant 2 : i32
        %dma_start3A_669 = arith.constant 0 : i32
        %dma_start3A_670 = arith.constant 0 : i32
        %dma_start3A_671 = tpu.memref_slice %arg7[%dma_start3A_667, %dma_start3A_669, %dma_start3A_670] : memref<3x104x128xf32, #tpu.memory_space<vmem>> -> memref<1x104x128xf32, #tpu.memory_space<vmem>>
        %dma_start3A_672 = tpu.memref_squeeze %dma_start3A_671 : memref<1x104x128xf32, #tpu.memory_space<vmem>> -> memref<104x128xf32, #tpu.memory_space<vmem>>
        %dma_start3A_673 = arith.constant 48 : i32
        %dma_start3A_674 = arith.constant 0 : i32
        %dma_start3A_675 = tpu.memref_slice %dma_start3A_672[%dma_start3A_673, %dma_start3A_674] : memref<104x128xf32, #tpu.memory_space<vmem>> -> memref<56x128xf32, #tpu.memory_space<vmem>>
        %dma_start3A_676 = tpu.memref_slice %arg5[%add3A_666] : memref<9984xi32, #tpu.memory_space<vmem>> -> memref<56xi32, #tpu.memory_space<vmem>>
        %dma_start3A_677 = arith.constant 0 : i32
        %dma_start3A_678 = arith.constant 0 : i32
        %dma_start3A_679 = tpu.memref_slice %arg2[%dma_start3A_677, %dma_start3A_678] : memref<10000x128xf32, #tpu.memory_space<hbm>> -> memref<10000x128xf32, #tpu.memory_space<hbm>>
        %dma_start3A_680 = tpu.memref_slice %arg12[%dma_start3A_668] : memref<3x!tpu.dma_semaphore, #tpu.memory_space<semaphore_mem>> -> memref<1x!tpu.dma_semaphore, #tpu.memory_space<semaphore_mem>>
        %dma_start3A_681 = tpu.memref_squeeze %dma_start3A_680 : memref<1x!tpu.dma_semaphore, #tpu.memory_space<semaphore_mem>> -> memref<!tpu.dma_semaphore, #tpu.memory_space<semaphore_mem>>
        tpu.enqueue_indirect_dma source(%dma_start3A_679 : memref<10000x128xf32, #tpu.memory_space<hbm>>) target(%dma_start3A_675 : memref<56x128xf32, #tpu.memory_space<vmem>>) offsets(%dma_start3A_676 : memref<56xi32, #tpu.memory_space<vmem>>) semaphore(%dma_start3A_681 : memref<!tpu.dma_semaphore, #tpu.memory_space<semaphore_mem>>)
      } else {
      }
      %mul3A_502 = arith.constant 3 : i32
      %mul3A_503 = arith.muli %scan3A_439, %mul3A_502 : i32
      %add3A_504 = arith.constant 1 : i32
      %add3A_505 = arith.addi %mul3A_503, %add3A_504 : i32
      %mul3A_506 = arith.constant 104 : i32
      %mul3A_507 = arith.muli %add3A_505, %mul3A_506 : i32
      %dma_wait3A_508 = arith.constant 1 : i32
      %dma_wait3A_509 = arith.constant 1 : i32
      %dma_wait3A_510 = arith.constant 0 : i32
      %dma_wait3A_511 = arith.constant 0 : i32
      %dma_wait3A_512 = tpu.memref_slice %arg7[%dma_wait3A_508, %dma_wait3A_510, %dma_wait3A_511] : memref<3x104x128xf32, #tpu.memory_space<vmem>> -> memref<1x104x128xf32, #tpu.memory_space<vmem>>
      %dma_wait3A_513 = tpu.memref_squeeze %dma_wait3A_512 : memref<1x104x128xf32, #tpu.memory_space<vmem>> -> memref<104x128xf32, #tpu.memory_space<vmem>>
      %dma_wait3A_514 = tpu.memref_slice %arg5[%mul3A_507] : memref<9984xi32, #tpu.memory_space<vmem>> -> memref<104xi32, #tpu.memory_space<vmem>>
      %dma_wait3A_515 = arith.constant 0 : i32
      %dma_wait3A_516 = arith.constant 0 : i32
      %dma_wait3A_517 = tpu.memref_slice %arg2[%dma_wait3A_515, %dma_wait3A_516] : memref<10000x128xf32, #tpu.memory_space<hbm>> -> memref<10000x128xf32, #tpu.memory_space<hbm>>
      %dma_wait3A_518 = tpu.memref_slice %arg12[%dma_wait3A_509] : memref<3x!tpu.dma_semaphore, #tpu.memory_space<semaphore_mem>> -> memref<1x!tpu.dma_semaphore, #tpu.memory_space<semaphore_mem>>
      %dma_wait3A_519 = tpu.memref_squeeze %dma_wait3A_518 : memref<1x!tpu.dma_semaphore, #tpu.memory_space<semaphore_mem>> -> memref<!tpu.dma_semaphore, #tpu.memory_space<semaphore_mem>>
      tpu.wait_indirect_dma semaphore(%dma_wait3A_519 : memref<!tpu.dma_semaphore, #tpu.memory_space<semaphore_mem>>) src(%dma_wait3A_517 : memref<10000x128xf32, #tpu.memory_space<hbm>>) dst(%dma_wait3A_513 : memref<104x128xf32, #tpu.memory_space<vmem>>)
      %add3A_520 = arith.constant 320000 : i32
      %add3A_521 = arith.addi %add3A_520, %mul3A_2 : i32
      %mul3A_522 = arith.constant 104 : i32
      %mul3A_523 = arith.muli %add3A_505, %mul3A_522 : i32
      %add3A_524 = arith.addi %add3A_521, %mul3A_523 : i32
      %dma_wait3A_525 = arith.constant 1 : i32
      %dma_wait3A_526 = arith.constant 1 : i32
      %dma_wait3A_527 = arith.constant 0 : i32
      %dma_wait3A_528 = tpu.memref_slice %arg6[%dma_wait3A_525, %dma_wait3A_527] : memref<3x104xi32, #tpu.memory_space<vmem>> -> memref<1x104xi32, #tpu.memory_space<vmem>>
      %dma_wait3A_529 = tpu.memref_squeeze %dma_wait3A_528 : memref<1x104xi32, #tpu.memory_space<vmem>> -> memref<104xi32, #tpu.memory_space<vmem>>
      %dma_wait3A_530 = tpu.memref_slice %arg3[%add3A_524] : memref<640000xi32, #tpu.memory_space<hbm>> -> memref<104xi32, #tpu.memory_space<hbm>>
      %dma_wait3A_531 = tpu.memref_slice %arg13[%dma_wait3A_526] : memref<3x!tpu.dma_semaphore, #tpu.memory_space<semaphore_mem>> -> memref<1x!tpu.dma_semaphore, #tpu.memory_space<semaphore_mem>>
      %dma_wait3A_532 = tpu.memref_squeeze %dma_wait3A_531 : memref<1x!tpu.dma_semaphore, #tpu.memory_space<semaphore_mem>> -> memref<!tpu.dma_semaphore, #tpu.memory_space<semaphore_mem>>
      %dma_wait3A_533 = arith.constant 0 : i32
      %dma_wait3A_534 = tpu.memref_slice %arg6[%dma_wait3A_525, %dma_wait3A_533] : memref<3x104xi32, #tpu.memory_space<vmem>> -> memref<1x104xi32, #tpu.memory_space<vmem>>
      %dma_wait3A_535 = tpu.memref_squeeze %dma_wait3A_534 : memref<1x104xi32, #tpu.memory_space<vmem>> -> memref<104xi32, #tpu.memory_space<vmem>>
      %dma_wait3A_536 = tpu.memref_slice %arg3[%add3A_524] : memref<640000xi32, #tpu.memory_space<hbm>> -> memref<104xi32, #tpu.memory_space<hbm>>
      tpu.wait_dma2 semaphore(%dma_wait3A_532 : memref<!tpu.dma_semaphore, #tpu.memory_space<semaphore_mem>>) src(%dma_wait3A_536 : memref<104xi32, #tpu.memory_space<hbm>>) dst(%dma_wait3A_535 : memref<104xi32, #tpu.memory_space<vmem>>)
      %dma_start3A_537 = arith.constant 1 : i32
      %dma_start3A_538 = arith.constant 1 : i32
      %dma_start3A_539 = arith.constant 1 : i32
      %dma_start3A_540 = arith.constant 0 : i32
      %dma_start3A_541 = arith.constant 0 : i32
      %dma_start3A_542 = tpu.memref_slice %arg7[%dma_start3A_537, %dma_start3A_540, %dma_start3A_541] : memref<3x104x128xf32, #tpu.memory_space<vmem>> -> memref<1x104x128xf32, #tpu.memory_space<vmem>>
      %dma_start3A_543 = tpu.memref_squeeze %dma_start3A_542 : memref<1x104x128xf32, #tpu.memory_space<vmem>> -> memref<104x128xf32, #tpu.memory_space<vmem>>
      %dma_start3A_544 = arith.constant 0 : i32
      %dma_start3A_545 = tpu.memref_slice %arg6[%dma_start3A_538, %dma_start3A_544] : memref<3x104xi32, #tpu.memory_space<vmem>> -> memref<1x104xi32, #tpu.memory_space<vmem>>
      %dma_start3A_546 = tpu.memref_squeeze %dma_start3A_545 : memref<1x104xi32, #tpu.memory_space<vmem>> -> memref<104xi32, #tpu.memory_space<vmem>>
      %dma_start3A_547 = arith.constant 0 : i32
      %dma_start3A_548 = arith.constant 0 : i32
      %dma_start3A_549 = tpu.memref_slice %arg10[%dma_start3A_547, %dma_start3A_548] : memref<10000x128xf32, #tpu.memory_space<vmem_shared>> -> memref<10000x128xf32, #tpu.memory_space<vmem_shared>>
      %dma_start3A_550 = tpu.memref_slice %arg14[%dma_start3A_539] : memref<3x!tpu.dma_semaphore, #tpu.memory_space<semaphore_mem>> -> memref<1x!tpu.dma_semaphore, #tpu.memory_space<semaphore_mem>>
      %dma_start3A_551 = tpu.memref_squeeze %dma_start3A_550 : memref<1x!tpu.dma_semaphore, #tpu.memory_space<semaphore_mem>> -> memref<!tpu.dma_semaphore, #tpu.memory_space<semaphore_mem>>
      tpu.enqueue_indirect_dma source(%dma_start3A_543 : memref<104x128xf32, #tpu.memory_space<vmem>>) target(%dma_start3A_549 : memref<10000x128xf32, #tpu.memory_space<vmem_shared>>) offsets(%dma_start3A_546 : memref<104xi32, #tpu.memory_space<vmem>>) semaphore(%dma_start3A_551 : memref<!tpu.dma_semaphore, #tpu.memory_space<semaphore_mem>>) {add = true}
      %ge3A_552 = arith.constant 1 : i32
      %ge3A_553 = arith.cmpi sge, %add3A_505, %ge3A_552 : i32
      %convert_element_type3A_554 = arith.extui %ge3A_553 : i1 to i32
      %cond3A_555 = arith.constant 0 : i32
      %cond3A_556 = arith.cmpi ne, %convert_element_type3A_554, %cond3A_555 : i32
      scf.if %cond3A_556 {
        %dma_wait3A_627 = arith.constant 0 : i32
        %dma_wait3A_628 = arith.constant 0 : i32
        %dma_wait3A_629 = arith.constant 0 : i32
        %dma_wait3A_630 = arith.constant 0 : i32
        %dma_wait3A_631 = arith.constant 0 : i32
        %dma_wait3A_632 = tpu.memref_slice %arg7[%dma_wait3A_627, %dma_wait3A_630, %dma_wait3A_631] : memref<3x104x128xf32, #tpu.memory_space<vmem>> -> memref<1x104x128xf32, #tpu.memory_space<vmem>>
        %dma_wait3A_633 = tpu.memref_squeeze %dma_wait3A_632 : memref<1x104x128xf32, #tpu.memory_space<vmem>> -> memref<104x128xf32, #tpu.memory_space<vmem>>
        %dma_wait3A_634 = arith.constant 0 : i32
        %dma_wait3A_635 = tpu.memref_slice %arg6[%dma_wait3A_628, %dma_wait3A_634] : memref<3x104xi32, #tpu.memory_space<vmem>> -> memref<1x104xi32, #tpu.memory_space<vmem>>
        %dma_wait3A_636 = tpu.memref_squeeze %dma_wait3A_635 : memref<1x104xi32, #tpu.memory_space<vmem>> -> memref<104xi32, #tpu.memory_space<vmem>>
        %dma_wait3A_637 = arith.constant 0 : i32
        %dma_wait3A_638 = arith.constant 0 : i32
        %dma_wait3A_639 = tpu.memref_slice %arg10[%dma_wait3A_637, %dma_wait3A_638] : memref<10000x128xf32, #tpu.memory_space<vmem_shared>> -> memref<10000x128xf32, #tpu.memory_space<vmem_shared>>
        %dma_wait3A_640 = tpu.memref_slice %arg14[%dma_wait3A_629] : memref<3x!tpu.dma_semaphore, #tpu.memory_space<semaphore_mem>> -> memref<1x!tpu.dma_semaphore, #tpu.memory_space<semaphore_mem>>
        %dma_wait3A_641 = tpu.memref_squeeze %dma_wait3A_640 : memref<1x!tpu.dma_semaphore, #tpu.memory_space<semaphore_mem>> -> memref<!tpu.dma_semaphore, #tpu.memory_space<semaphore_mem>>
        tpu.wait_indirect_dma semaphore(%dma_wait3A_641 : memref<!tpu.dma_semaphore, #tpu.memory_space<semaphore_mem>>) src(%dma_wait3A_633 : memref<104x128xf32, #tpu.memory_space<vmem>>) dst(%dma_wait3A_639 : memref<10000x128xf32, #tpu.memory_space<vmem_shared>>)
      } else {
      }
      %add3A_557 = arith.constant 2 : i32
      %add3A_558 = arith.addi %add3A_505, %add3A_557 : i32
      %lt3A_559 = arith.constant 96 : i32
      %lt3A_560 = arith.cmpi slt, %add3A_558, %lt3A_559 : i32
      %convert_element_type3A_561 = arith.extui %lt3A_560 : i1 to i32
      %cond3A_562 = arith.constant 0 : i32
      %cond3A_563 = arith.cmpi ne, %convert_element_type3A_561, %cond3A_562 : i32
      scf.if %cond3A_563 {
        %add3A_627 = arith.constant 2 : i32
        %add3A_628 = arith.addi %add3A_505, %add3A_627 : i32
        %add3A_629 = arith.constant 320000 : i32
        %add3A_630 = arith.addi %add3A_629, %mul3A_2 : i32
        %mul3A_631 = arith.constant 104 : i32
        %mul3A_632 = arith.muli %add3A_628, %mul3A_631 : i32
        %add3A_633 = arith.addi %add3A_630, %mul3A_632 : i32
        %dma_start3A_634 = arith.constant 0 : i32
        %dma_start3A_635 = arith.constant 0 : i32
        %dma_start3A_636 = arith.constant 0 : i32
        %dma_start3A_637 = tpu.memref_slice %arg6[%dma_start3A_634, %dma_start3A_636] : memref<3x104xi32, #tpu.memory_space<vmem>> -> memref<1x104xi32, #tpu.memory_space<vmem>>
        %dma_start3A_638 = tpu.memref_squeeze %dma_start3A_637 : memref<1x104xi32, #tpu.memory_space<vmem>> -> memref<104xi32, #tpu.memory_space<vmem>>
        %dma_start3A_639 = tpu.memref_slice %arg3[%add3A_633] : memref<640000xi32, #tpu.memory_space<hbm>> -> memref<104xi32, #tpu.memory_space<hbm>>
        %dma_start3A_640 = tpu.memref_slice %arg13[%dma_start3A_635] : memref<3x!tpu.dma_semaphore, #tpu.memory_space<semaphore_mem>> -> memref<1x!tpu.dma_semaphore, #tpu.memory_space<semaphore_mem>>
        %dma_start3A_641 = tpu.memref_squeeze %dma_start3A_640 : memref<1x!tpu.dma_semaphore, #tpu.memory_space<semaphore_mem>> -> memref<!tpu.dma_semaphore, #tpu.memory_space<semaphore_mem>>
        %dma_start3A_642 = arith.constant 0 : i32
        %dma_start3A_643 = tpu.memref_slice %arg6[%dma_start3A_634, %dma_start3A_642] : memref<3x104xi32, #tpu.memory_space<vmem>> -> memref<1x104xi32, #tpu.memory_space<vmem>>
        %dma_start3A_644 = tpu.memref_squeeze %dma_start3A_643 : memref<1x104xi32, #tpu.memory_space<vmem>> -> memref<104xi32, #tpu.memory_space<vmem>>
        %dma_start3A_645 = tpu.memref_slice %arg3[%add3A_633] : memref<640000xi32, #tpu.memory_space<hbm>> -> memref<104xi32, #tpu.memory_space<hbm>>
        tpu.enqueue_dma source(%dma_start3A_645 : memref<104xi32, #tpu.memory_space<hbm>>) target(%dma_start3A_644 : memref<104xi32, #tpu.memory_space<vmem>>) target_semaphore(%dma_start3A_641 : memref<!tpu.dma_semaphore, #tpu.memory_space<semaphore_mem>>)
        %mul3A_646 = arith.constant 104 : i32
        %mul3A_647 = arith.muli %add3A_628, %mul3A_646 : i32
        %dma_start3A_648 = arith.constant 0 : i32
        %dma_start3A_649 = arith.constant 0 : i32
        %dma_start3A_650 = arith.constant 0 : i32
        %dma_start3A_651 = arith.constant 0 : i32
        %dma_start3A_652 = tpu.memref_slice %arg7[%dma_start3A_648, %dma_start3A_650, %dma_start3A_651] : memref<3x104x128xf32, #tpu.memory_space<vmem>> -> memref<1x104x128xf32, #tpu.memory_space<vmem>>
        %dma_start3A_653 = tpu.memref_squeeze %dma_start3A_652 : memref<1x104x128xf32, #tpu.memory_space<vmem>> -> memref<104x128xf32, #tpu.memory_space<vmem>>
        %dma_start3A_654 = arith.constant 0 : i32
        %dma_start3A_655 = arith.constant 0 : i32
        %dma_start3A_656 = tpu.memref_slice %dma_start3A_653[%dma_start3A_654, %dma_start3A_655] : memref<104x128xf32, #tpu.memory_space<vmem>> -> memref<48x128xf32, #tpu.memory_space<vmem>>
        %dma_start3A_657 = tpu.memref_slice %arg5[%mul3A_647] : memref<9984xi32, #tpu.memory_space<vmem>> -> memref<48xi32, #tpu.memory_space<vmem>>
        %dma_start3A_658 = arith.constant 0 : i32
        %dma_start3A_659 = arith.constant 0 : i32
        %dma_start3A_660 = tpu.memref_slice %arg2[%dma_start3A_658, %dma_start3A_659] : memref<10000x128xf32, #tpu.memory_space<hbm>> -> memref<10000x128xf32, #tpu.memory_space<hbm>>
        %dma_start3A_661 = tpu.memref_slice %arg12[%dma_start3A_649] : memref<3x!tpu.dma_semaphore, #tpu.memory_space<semaphore_mem>> -> memref<1x!tpu.dma_semaphore, #tpu.memory_space<semaphore_mem>>
        %dma_start3A_662 = tpu.memref_squeeze %dma_start3A_661 : memref<1x!tpu.dma_semaphore, #tpu.memory_space<semaphore_mem>> -> memref<!tpu.dma_semaphore, #tpu.memory_space<semaphore_mem>>
        tpu.enqueue_indirect_dma source(%dma_start3A_660 : memref<10000x128xf32, #tpu.memory_space<hbm>>) target(%dma_start3A_656 : memref<48x128xf32, #tpu.memory_space<vmem>>) offsets(%dma_start3A_657 : memref<48xi32, #tpu.memory_space<vmem>>) semaphore(%dma_start3A_662 : memref<!tpu.dma_semaphore, #tpu.memory_space<semaphore_mem>>)
        %mul3A_663 = arith.constant 104 : i32
        %mul3A_664 = arith.muli %add3A_628, %mul3A_663 : i32
        %add3A_665 = arith.constant 48 : i32
        %add3A_666 = arith.addi %mul3A_664, %add3A_665 : i32
        %dma_start3A_667 = arith.constant 0 : i32
        %dma_start3A_668 = arith.constant 0 : i32
        %dma_start3A_669 = arith.constant 0 : i32
        %dma_start3A_670 = arith.constant 0 : i32
        %dma_start3A_671 = tpu.memref_slice %arg7[%dma_start3A_667, %dma_start3A_669, %dma_start3A_670] : memref<3x104x128xf32, #tpu.memory_space<vmem>> -> memref<1x104x128xf32, #tpu.memory_space<vmem>>
        %dma_start3A_672 = tpu.memref_squeeze %dma_start3A_671 : memref<1x104x128xf32, #tpu.memory_space<vmem>> -> memref<104x128xf32, #tpu.memory_space<vmem>>
        %dma_start3A_673 = arith.constant 48 : i32
        %dma_start3A_674 = arith.constant 0 : i32
        %dma_start3A_675 = tpu.memref_slice %dma_start3A_672[%dma_start3A_673, %dma_start3A_674] : memref<104x128xf32, #tpu.memory_space<vmem>> -> memref<56x128xf32, #tpu.memory_space<vmem>>
        %dma_start3A_676 = tpu.memref_slice %arg5[%add3A_666] : memref<9984xi32, #tpu.memory_space<vmem>> -> memref<56xi32, #tpu.memory_space<vmem>>
        %dma_start3A_677 = arith.constant 0 : i32
        %dma_start3A_678 = arith.constant 0 : i32
        %dma_start3A_679 = tpu.memref_slice %arg2[%dma_start3A_677, %dma_start3A_678] : memref<10000x128xf32, #tpu.memory_space<hbm>> -> memref<10000x128xf32, #tpu.memory_space<hbm>>
        %dma_start3A_680 = tpu.memref_slice %arg12[%dma_start3A_668] : memref<3x!tpu.dma_semaphore, #tpu.memory_space<semaphore_mem>> -> memref<1x!tpu.dma_semaphore, #tpu.memory_space<semaphore_mem>>
        %dma_start3A_681 = tpu.memref_squeeze %dma_start3A_680 : memref<1x!tpu.dma_semaphore, #tpu.memory_space<semaphore_mem>> -> memref<!tpu.dma_semaphore, #tpu.memory_space<semaphore_mem>>
        tpu.enqueue_indirect_dma source(%dma_start3A_679 : memref<10000x128xf32, #tpu.memory_space<hbm>>) target(%dma_start3A_675 : memref<56x128xf32, #tpu.memory_space<vmem>>) offsets(%dma_start3A_676 : memref<56xi32, #tpu.memory_space<vmem>>) semaphore(%dma_start3A_681 : memref<!tpu.dma_semaphore, #tpu.memory_space<semaphore_mem>>)
      } else {
      }
      %mul3A_564 = arith.constant 3 : i32
      %mul3A_565 = arith.muli %scan3A_439, %mul3A_564 : i32
      %add3A_566 = arith.constant 2 : i32
      %add3A_567 = arith.addi %mul3A_565, %add3A_566 : i32
      %mul3A_568 = arith.constant 104 : i32
      %mul3A_569 = arith.muli %add3A_567, %mul3A_568 : i32
      %dma_wait3A_570 = arith.constant 2 : i32
      %dma_wait3A_571 = arith.constant 2 : i32
      %dma_wait3A_572 = arith.constant 0 : i32
      %dma_wait3A_573 = arith.constant 0 : i32
      %dma_wait3A_574 = tpu.memref_slice %arg7[%dma_wait3A_570, %dma_wait3A_572, %dma_wait3A_573] : memref<3x104x128xf32, #tpu.memory_space<vmem>> -> memref<1x104x128xf32, #tpu.memory_space<vmem>>
      %dma_wait3A_575 = tpu.memref_squeeze %dma_wait3A_574 : memref<1x104x128xf32, #tpu.memory_space<vmem>> -> memref<104x128xf32, #tpu.memory_space<vmem>>
      %dma_wait3A_576 = tpu.memref_slice %arg5[%mul3A_569] : memref<9984xi32, #tpu.memory_space<vmem>> -> memref<104xi32, #tpu.memory_space<vmem>>
      %dma_wait3A_577 = arith.constant 0 : i32
      %dma_wait3A_578 = arith.constant 0 : i32
      %dma_wait3A_579 = tpu.memref_slice %arg2[%dma_wait3A_577, %dma_wait3A_578] : memref<10000x128xf32, #tpu.memory_space<hbm>> -> memref<10000x128xf32, #tpu.memory_space<hbm>>
      %dma_wait3A_580 = tpu.memref_slice %arg12[%dma_wait3A_571] : memref<3x!tpu.dma_semaphore, #tpu.memory_space<semaphore_mem>> -> memref<1x!tpu.dma_semaphore, #tpu.memory_space<semaphore_mem>>
      %dma_wait3A_581 = tpu.memref_squeeze %dma_wait3A_580 : memref<1x!tpu.dma_semaphore, #tpu.memory_space<semaphore_mem>> -> memref<!tpu.dma_semaphore, #tpu.memory_space<semaphore_mem>>
      tpu.wait_indirect_dma semaphore(%dma_wait3A_581 : memref<!tpu.dma_semaphore, #tpu.memory_space<semaphore_mem>>) src(%dma_wait3A_579 : memref<10000x128xf32, #tpu.memory_space<hbm>>) dst(%dma_wait3A_575 : memref<104x128xf32, #tpu.memory_space<vmem>>)
      %add3A_582 = arith.constant 320000 : i32
      %add3A_583 = arith.addi %add3A_582, %mul3A_2 : i32
      %mul3A_584 = arith.constant 104 : i32
      %mul3A_585 = arith.muli %add3A_567, %mul3A_584 : i32
      %add3A_586 = arith.addi %add3A_583, %mul3A_585 : i32
      %dma_wait3A_587 = arith.constant 2 : i32
      %dma_wait3A_588 = arith.constant 2 : i32
      %dma_wait3A_589 = arith.constant 0 : i32
      %dma_wait3A_590 = tpu.memref_slice %arg6[%dma_wait3A_587, %dma_wait3A_589] : memref<3x104xi32, #tpu.memory_space<vmem>> -> memref<1x104xi32, #tpu.memory_space<vmem>>
      %dma_wait3A_591 = tpu.memref_squeeze %dma_wait3A_590 : memref<1x104xi32, #tpu.memory_space<vmem>> -> memref<104xi32, #tpu.memory_space<vmem>>
      %dma_wait3A_592 = tpu.memref_slice %arg3[%add3A_586] : memref<640000xi32, #tpu.memory_space<hbm>> -> memref<104xi32, #tpu.memory_space<hbm>>
      %dma_wait3A_593 = tpu.memref_slice %arg13[%dma_wait3A_588] : memref<3x!tpu.dma_semaphore, #tpu.memory_space<semaphore_mem>> -> memref<1x!tpu.dma_semaphore, #tpu.memory_space<semaphore_mem>>
      %dma_wait3A_594 = tpu.memref_squeeze %dma_wait3A_593 : memref<1x!tpu.dma_semaphore, #tpu.memory_space<semaphore_mem>> -> memref<!tpu.dma_semaphore, #tpu.memory_space<semaphore_mem>>
      %dma_wait3A_595 = arith.constant 0 : i32
      %dma_wait3A_596 = tpu.memref_slice %arg6[%dma_wait3A_587, %dma_wait3A_595] : memref<3x104xi32, #tpu.memory_space<vmem>> -> memref<1x104xi32, #tpu.memory_space<vmem>>
      %dma_wait3A_597 = tpu.memref_squeeze %dma_wait3A_596 : memref<1x104xi32, #tpu.memory_space<vmem>> -> memref<104xi32, #tpu.memory_space<vmem>>
      %dma_wait3A_598 = tpu.memref_slice %arg3[%add3A_586] : memref<640000xi32, #tpu.memory_space<hbm>> -> memref<104xi32, #tpu.memory_space<hbm>>
      tpu.wait_dma2 semaphore(%dma_wait3A_594 : memref<!tpu.dma_semaphore, #tpu.memory_space<semaphore_mem>>) src(%dma_wait3A_598 : memref<104xi32, #tpu.memory_space<hbm>>) dst(%dma_wait3A_597 : memref<104xi32, #tpu.memory_space<vmem>>)
      %dma_start3A_599 = arith.constant 2 : i32
      %dma_start3A_600 = arith.constant 2 : i32
      %dma_start3A_601 = arith.constant 2 : i32
      %dma_start3A_602 = arith.constant 0 : i32
      %dma_start3A_603 = arith.constant 0 : i32
      %dma_start3A_604 = tpu.memref_slice %arg7[%dma_start3A_599, %dma_start3A_602, %dma_start3A_603] : memref<3x104x128xf32, #tpu.memory_space<vmem>> -> memref<1x104x128xf32, #tpu.memory_space<vmem>>
      %dma_start3A_605 = tpu.memref_squeeze %dma_start3A_604 : memref<1x104x128xf32, #tpu.memory_space<vmem>> -> memref<104x128xf32, #tpu.memory_space<vmem>>
      %dma_start3A_606 = arith.constant 0 : i32
      %dma_start3A_607 = tpu.memref_slice %arg6[%dma_start3A_600, %dma_start3A_606] : memref<3x104xi32, #tpu.memory_space<vmem>> -> memref<1x104xi32, #tpu.memory_space<vmem>>
      %dma_start3A_608 = tpu.memref_squeeze %dma_start3A_607 : memref<1x104xi32, #tpu.memory_space<vmem>> -> memref<104xi32, #tpu.memory_space<vmem>>
      %dma_start3A_609 = arith.constant 0 : i32
      %dma_start3A_610 = arith.constant 0 : i32
      %dma_start3A_611 = tpu.memref_slice %arg10[%dma_start3A_609, %dma_start3A_610] : memref<10000x128xf32, #tpu.memory_space<vmem_shared>> -> memref<10000x128xf32, #tpu.memory_space<vmem_shared>>
      %dma_start3A_612 = tpu.memref_slice %arg14[%dma_start3A_601] : memref<3x!tpu.dma_semaphore, #tpu.memory_space<semaphore_mem>> -> memref<1x!tpu.dma_semaphore, #tpu.memory_space<semaphore_mem>>
      %dma_start3A_613 = tpu.memref_squeeze %dma_start3A_612 : memref<1x!tpu.dma_semaphore, #tpu.memory_space<semaphore_mem>> -> memref<!tpu.dma_semaphore, #tpu.memory_space<semaphore_mem>>
      tpu.enqueue_indirect_dma source(%dma_start3A_605 : memref<104x128xf32, #tpu.memory_space<vmem>>) target(%dma_start3A_611 : memref<10000x128xf32, #tpu.memory_space<vmem_shared>>) offsets(%dma_start3A_608 : memref<104xi32, #tpu.memory_space<vmem>>) semaphore(%dma_start3A_613 : memref<!tpu.dma_semaphore, #tpu.memory_space<semaphore_mem>>) {add = true}
      %ge3A_614 = arith.constant 1 : i32
      %ge3A_615 = arith.cmpi sge, %add3A_567, %ge3A_614 : i32
      %convert_element_type3A_616 = arith.extui %ge3A_615 : i1 to i32
      %cond3A_617 = arith.constant 0 : i32
      %cond3A_618 = arith.cmpi ne, %convert_element_type3A_616, %cond3A_617 : i32
      scf.if %cond3A_618 {
        %dma_wait3A_627 = arith.constant 1 : i32
        %dma_wait3A_628 = arith.constant 1 : i32
        %dma_wait3A_629 = arith.constant 1 : i32
        %dma_wait3A_630 = arith.constant 0 : i32
        %dma_wait3A_631 = arith.constant 0 : i32
        %dma_wait3A_632 = tpu.memref_slice %arg7[%dma_wait3A_627, %dma_wait3A_630, %dma_wait3A_631] : memref<3x104x128xf32, #tpu.memory_space<vmem>> -> memref<1x104x128xf32, #tpu.memory_space<vmem>>
        %dma_wait3A_633 = tpu.memref_squeeze %dma_wait3A_632 : memref<1x104x128xf32, #tpu.memory_space<vmem>> -> memref<104x128xf32, #tpu.memory_space<vmem>>
        %dma_wait3A_634 = arith.constant 0 : i32
        %dma_wait3A_635 = tpu.memref_slice %arg6[%dma_wait3A_628, %dma_wait3A_634] : memref<3x104xi32, #tpu.memory_space<vmem>> -> memref<1x104xi32, #tpu.memory_space<vmem>>
        %dma_wait3A_636 = tpu.memref_squeeze %dma_wait3A_635 : memref<1x104xi32, #tpu.memory_space<vmem>> -> memref<104xi32, #tpu.memory_space<vmem>>
        %dma_wait3A_637 = arith.constant 0 : i32
        %dma_wait3A_638 = arith.constant 0 : i32
        %dma_wait3A_639 = tpu.memref_slice %arg10[%dma_wait3A_637, %dma_wait3A_638] : memref<10000x128xf32, #tpu.memory_space<vmem_shared>> -> memref<10000x128xf32, #tpu.memory_space<vmem_shared>>
        %dma_wait3A_640 = tpu.memref_slice %arg14[%dma_wait3A_629] : memref<3x!tpu.dma_semaphore, #tpu.memory_space<semaphore_mem>> -> memref<1x!tpu.dma_semaphore, #tpu.memory_space<semaphore_mem>>
        %dma_wait3A_641 = tpu.memref_squeeze %dma_wait3A_640 : memref<1x!tpu.dma_semaphore, #tpu.memory_space<semaphore_mem>> -> memref<!tpu.dma_semaphore, #tpu.memory_space<semaphore_mem>>
        tpu.wait_indirect_dma semaphore(%dma_wait3A_641 : memref<!tpu.dma_semaphore, #tpu.memory_space<semaphore_mem>>) src(%dma_wait3A_633 : memref<104x128xf32, #tpu.memory_space<vmem>>) dst(%dma_wait3A_639 : memref<10000x128xf32, #tpu.memory_space<vmem_shared>>)
      } else {
      }
      %add3A_619 = arith.constant 2 : i32
      %add3A_620 = arith.addi %add3A_567, %add3A_619 : i32
      %lt3A_621 = arith.constant 96 : i32
      %lt3A_622 = arith.cmpi slt, %add3A_620, %lt3A_621 : i32
      %convert_element_type3A_623 = arith.extui %lt3A_622 : i1 to i32
      %cond3A_624 = arith.constant 0 : i32
      %cond3A_625 = arith.cmpi ne, %convert_element_type3A_623, %cond3A_624 : i32
      scf.if %cond3A_625 {
        %add3A_627 = arith.constant 2 : i32
        %add3A_628 = arith.addi %add3A_567, %add3A_627 : i32
        %add3A_629 = arith.constant 320000 : i32
        %add3A_630 = arith.addi %add3A_629, %mul3A_2 : i32
        %mul3A_631 = arith.constant 104 : i32
        %mul3A_632 = arith.muli %add3A_628, %mul3A_631 : i32
        %add3A_633 = arith.addi %add3A_630, %mul3A_632 : i32
        %dma_start3A_634 = arith.constant 1 : i32
        %dma_start3A_635 = arith.constant 1 : i32
        %dma_start3A_636 = arith.constant 0 : i32
        %dma_start3A_637 = tpu.memref_slice %arg6[%dma_start3A_634, %dma_start3A_636] : memref<3x104xi32, #tpu.memory_space<vmem>> -> memref<1x104xi32, #tpu.memory_space<vmem>>
        %dma_start3A_638 = tpu.memref_squeeze %dma_start3A_637 : memref<1x104xi32, #tpu.memory_space<vmem>> -> memref<104xi32, #tpu.memory_space<vmem>>
        %dma_start3A_639 = tpu.memref_slice %arg3[%add3A_633] : memref<640000xi32, #tpu.memory_space<hbm>> -> memref<104xi32, #tpu.memory_space<hbm>>
        %dma_start3A_640 = tpu.memref_slice %arg13[%dma_start3A_635] : memref<3x!tpu.dma_semaphore, #tpu.memory_space<semaphore_mem>> -> memref<1x!tpu.dma_semaphore, #tpu.memory_space<semaphore_mem>>
        %dma_start3A_641 = tpu.memref_squeeze %dma_start3A_640 : memref<1x!tpu.dma_semaphore, #tpu.memory_space<semaphore_mem>> -> memref<!tpu.dma_semaphore, #tpu.memory_space<semaphore_mem>>
        %dma_start3A_642 = arith.constant 0 : i32
        %dma_start3A_643 = tpu.memref_slice %arg6[%dma_start3A_634, %dma_start3A_642] : memref<3x104xi32, #tpu.memory_space<vmem>> -> memref<1x104xi32, #tpu.memory_space<vmem>>
        %dma_start3A_644 = tpu.memref_squeeze %dma_start3A_643 : memref<1x104xi32, #tpu.memory_space<vmem>> -> memref<104xi32, #tpu.memory_space<vmem>>
        %dma_start3A_645 = tpu.memref_slice %arg3[%add3A_633] : memref<640000xi32, #tpu.memory_space<hbm>> -> memref<104xi32, #tpu.memory_space<hbm>>
        tpu.enqueue_dma source(%dma_start3A_645 : memref<104xi32, #tpu.memory_space<hbm>>) target(%dma_start3A_644 : memref<104xi32, #tpu.memory_space<vmem>>) target_semaphore(%dma_start3A_641 : memref<!tpu.dma_semaphore, #tpu.memory_space<semaphore_mem>>)
        %mul3A_646 = arith.constant 104 : i32
        %mul3A_647 = arith.muli %add3A_628, %mul3A_646 : i32
        %dma_start3A_648 = arith.constant 1 : i32
        %dma_start3A_649 = arith.constant 1 : i32
        %dma_start3A_650 = arith.constant 0 : i32
        %dma_start3A_651 = arith.constant 0 : i32
        %dma_start3A_652 = tpu.memref_slice %arg7[%dma_start3A_648, %dma_start3A_650, %dma_start3A_651] : memref<3x104x128xf32, #tpu.memory_space<vmem>> -> memref<1x104x128xf32, #tpu.memory_space<vmem>>
        %dma_start3A_653 = tpu.memref_squeeze %dma_start3A_652 : memref<1x104x128xf32, #tpu.memory_space<vmem>> -> memref<104x128xf32, #tpu.memory_space<vmem>>
        %dma_start3A_654 = arith.constant 0 : i32
        %dma_start3A_655 = arith.constant 0 : i32
        %dma_start3A_656 = tpu.memref_slice %dma_start3A_653[%dma_start3A_654, %dma_start3A_655] : memref<104x128xf32, #tpu.memory_space<vmem>> -> memref<48x128xf32, #tpu.memory_space<vmem>>
        %dma_start3A_657 = tpu.memref_slice %arg5[%mul3A_647] : memref<9984xi32, #tpu.memory_space<vmem>> -> memref<48xi32, #tpu.memory_space<vmem>>
        %dma_start3A_658 = arith.constant 0 : i32
        %dma_start3A_659 = arith.constant 0 : i32
        %dma_start3A_660 = tpu.memref_slice %arg2[%dma_start3A_658, %dma_start3A_659] : memref<10000x128xf32, #tpu.memory_space<hbm>> -> memref<10000x128xf32, #tpu.memory_space<hbm>>
        %dma_start3A_661 = tpu.memref_slice %arg12[%dma_start3A_649] : memref<3x!tpu.dma_semaphore, #tpu.memory_space<semaphore_mem>> -> memref<1x!tpu.dma_semaphore, #tpu.memory_space<semaphore_mem>>
        %dma_start3A_662 = tpu.memref_squeeze %dma_start3A_661 : memref<1x!tpu.dma_semaphore, #tpu.memory_space<semaphore_mem>> -> memref<!tpu.dma_semaphore, #tpu.memory_space<semaphore_mem>>
        tpu.enqueue_indirect_dma source(%dma_start3A_660 : memref<10000x128xf32, #tpu.memory_space<hbm>>) target(%dma_start3A_656 : memref<48x128xf32, #tpu.memory_space<vmem>>) offsets(%dma_start3A_657 : memref<48xi32, #tpu.memory_space<vmem>>) semaphore(%dma_start3A_662 : memref<!tpu.dma_semaphore, #tpu.memory_space<semaphore_mem>>)
        %mul3A_663 = arith.constant 104 : i32
        %mul3A_664 = arith.muli %add3A_628, %mul3A_663 : i32
        %add3A_665 = arith.constant 48 : i32
        %add3A_666 = arith.addi %mul3A_664, %add3A_665 : i32
        %dma_start3A_667 = arith.constant 1 : i32
        %dma_start3A_668 = arith.constant 1 : i32
        %dma_start3A_669 = arith.constant 0 : i32
        %dma_start3A_670 = arith.constant 0 : i32
        %dma_start3A_671 = tpu.memref_slice %arg7[%dma_start3A_667, %dma_start3A_669, %dma_start3A_670] : memref<3x104x128xf32, #tpu.memory_space<vmem>> -> memref<1x104x128xf32, #tpu.memory_space<vmem>>
        %dma_start3A_672 = tpu.memref_squeeze %dma_start3A_671 : memref<1x104x128xf32, #tpu.memory_space<vmem>> -> memref<104x128xf32, #tpu.memory_space<vmem>>
        %dma_start3A_673 = arith.constant 48 : i32
        %dma_start3A_674 = arith.constant 0 : i32
        %dma_start3A_675 = tpu.memref_slice %dma_start3A_672[%dma_start3A_673, %dma_start3A_674] : memref<104x128xf32, #tpu.memory_space<vmem>> -> memref<56x128xf32, #tpu.memory_space<vmem>>
        %dma_start3A_676 = tpu.memref_slice %arg5[%add3A_666] : memref<9984xi32, #tpu.memory_space<vmem>> -> memref<56xi32, #tpu.memory_space<vmem>>
        %dma_start3A_677 = arith.constant 0 : i32
        %dma_start3A_678 = arith.constant 0 : i32
        %dma_start3A_679 = tpu.memref_slice %arg2[%dma_start3A_677, %dma_start3A_678] : memref<10000x128xf32, #tpu.memory_space<hbm>> -> memref<10000x128xf32, #tpu.memory_space<hbm>>
        %dma_start3A_680 = tpu.memref_slice %arg12[%dma_start3A_668] : memref<3x!tpu.dma_semaphore, #tpu.memory_space<semaphore_mem>> -> memref<1x!tpu.dma_semaphore, #tpu.memory_space<semaphore_mem>>
        %dma_start3A_681 = tpu.memref_squeeze %dma_start3A_680 : memref<1x!tpu.dma_semaphore, #tpu.memory_space<semaphore_mem>> -> memref<!tpu.dma_semaphore, #tpu.memory_space<semaphore_mem>>
        tpu.enqueue_indirect_dma source(%dma_start3A_679 : memref<10000x128xf32, #tpu.memory_space<hbm>>) target(%dma_start3A_675 : memref<56x128xf32, #tpu.memory_space<vmem>>) offsets(%dma_start3A_676 : memref<56xi32, #tpu.memory_space<vmem>>) semaphore(%dma_start3A_681 : memref<!tpu.dma_semaphore, #tpu.memory_space<semaphore_mem>>)
      } else {
      }
      %scan3A_626 = arith.constant 0 : i32
      scf.yield %scan3A_626 : i32
    }
    %scan3A_410 = arith.constant 32 : i32
    %dma_wait3A_411 = arith.constant 2 : i32
    %dma_wait3A_412 = arith.constant 2 : i32
    %dma_wait3A_413 = arith.constant 2 : i32
    %dma_wait3A_414 = arith.constant 0 : i32
    %dma_wait3A_415 = arith.constant 0 : i32
    %dma_wait3A_416 = tpu.memref_slice %arg7[%dma_wait3A_411, %dma_wait3A_414, %dma_wait3A_415] : memref<3x104x128xf32, #tpu.memory_space<vmem>> -> memref<1x104x128xf32, #tpu.memory_space<vmem>>
    %dma_wait3A_417 = tpu.memref_squeeze %dma_wait3A_416 : memref<1x104x128xf32, #tpu.memory_space<vmem>> -> memref<104x128xf32, #tpu.memory_space<vmem>>
    %dma_wait3A_418 = arith.constant 0 : i32
    %dma_wait3A_419 = tpu.memref_slice %arg6[%dma_wait3A_412, %dma_wait3A_418] : memref<3x104xi32, #tpu.memory_space<vmem>> -> memref<1x104xi32, #tpu.memory_space<vmem>>
    %dma_wait3A_420 = tpu.memref_squeeze %dma_wait3A_419 : memref<1x104xi32, #tpu.memory_space<vmem>> -> memref<104xi32, #tpu.memory_space<vmem>>
    %dma_wait3A_421 = arith.constant 0 : i32
    %dma_wait3A_422 = arith.constant 0 : i32
    %dma_wait3A_423 = tpu.memref_slice %arg10[%dma_wait3A_421, %dma_wait3A_422] : memref<10000x128xf32, #tpu.memory_space<vmem_shared>> -> memref<10000x128xf32, #tpu.memory_space<vmem_shared>>
    %dma_wait3A_424 = tpu.memref_slice %arg14[%dma_wait3A_413] : memref<3x!tpu.dma_semaphore, #tpu.memory_space<semaphore_mem>> -> memref<1x!tpu.dma_semaphore, #tpu.memory_space<semaphore_mem>>
    %dma_wait3A_425 = tpu.memref_squeeze %dma_wait3A_424 : memref<1x!tpu.dma_semaphore, #tpu.memory_space<semaphore_mem>> -> memref<!tpu.dma_semaphore, #tpu.memory_space<semaphore_mem>>
    tpu.wait_indirect_dma semaphore(%dma_wait3A_425 : memref<!tpu.dma_semaphore, #tpu.memory_space<semaphore_mem>>) src(%dma_wait3A_417 : memref<104x128xf32, #tpu.memory_space<vmem>>) dst(%dma_wait3A_423 : memref<10000x128xf32, #tpu.memory_space<vmem_shared>>)
    %lt3A = arith.constant 8 : i32
    %lt3A_426 = arith.cmpi slt, %add3A, %lt3A : i32
    %convert_element_type3A_427 = arith.extui %lt3A_426 : i1 to i32
    %cond3A_428 = arith.constant 0 : i32
    %cond3A_429 = arith.cmpi ne, %convert_element_type3A_427, %cond3A_428 : i32
    scf.if %cond3A_429 {
      %mul3A_439 = arith.constant 64 : i32
      %mul3A_440 = arith.muli %add3A, %mul3A_439 : i32
      %add3A_441 = arith.constant 319488 : i32
      %add3A_442 = arith.addi %add3A_441, %mul3A_440 : i32
      "tpu.region"() ({
        %run_scoped3A_473 = tpu.sem_alloc : memref<!tpu.dma_semaphore, #tpu.memory_space<semaphore_mem>>
        %dma_start3A_474 = tpu.memref_slice %arg3[%add3A_442] : memref<640000xi32, #tpu.memory_space<hbm>> -> memref<64xi32, #tpu.memory_space<hbm>>
        %dma_start3A_475 = tpu.memref_slice %arg3[%add3A_442] : memref<640000xi32, #tpu.memory_space<hbm>> -> memref<64xi32, #tpu.memory_space<hbm>>
        tpu.enqueue_dma source(%dma_start3A_475 : memref<64xi32, #tpu.memory_space<hbm>>) target(%arg8 : memref<64xi32, #tpu.memory_space<vmem>>) target_semaphore(%run_scoped3A_473 : memref<!tpu.dma_semaphore, #tpu.memory_space<semaphore_mem>>)
        %dma_wait3A_476 = tpu.memref_slice %arg3[%add3A_442] : memref<640000xi32, #tpu.memory_space<hbm>> -> memref<64xi32, #tpu.memory_space<hbm>>
        %dma_wait3A_477 = tpu.memref_slice %arg3[%add3A_442] : memref<640000xi32, #tpu.memory_space<hbm>> -> memref<64xi32, #tpu.memory_space<hbm>>
        tpu.wait_dma2 semaphore(%run_scoped3A_473 : memref<!tpu.dma_semaphore, #tpu.memory_space<semaphore_mem>>) src(%dma_wait3A_477 : memref<64xi32, #tpu.memory_space<hbm>>) dst(%arg8 : memref<64xi32, #tpu.memory_space<vmem>>)
        tpu.yield
      }) : () -> ()
      %add3A_443 = arith.constant 320000 : i32
      %add3A_444 = arith.addi %add3A_443, %add3A_442 : i32
      "tpu.region"() ({
        %run_scoped3A_473 = tpu.sem_alloc : memref<!tpu.dma_semaphore, #tpu.memory_space<semaphore_mem>>
        %dma_start3A_474 = tpu.memref_slice %arg3[%add3A_444] : memref<640000xi32, #tpu.memory_space<hbm>> -> memref<64xi32, #tpu.memory_space<hbm>>
        %dma_start3A_475 = tpu.memref_slice %arg3[%add3A_444] : memref<640000xi32, #tpu.memory_space<hbm>> -> memref<64xi32, #tpu.memory_space<hbm>>
        tpu.enqueue_dma source(%dma_start3A_475 : memref<64xi32, #tpu.memory_space<hbm>>) target(%arg9 : memref<64xi32, #tpu.memory_space<vmem>>) target_semaphore(%run_scoped3A_473 : memref<!tpu.dma_semaphore, #tpu.memory_space<semaphore_mem>>)
        %dma_wait3A_476 = tpu.memref_slice %arg3[%add3A_444] : memref<640000xi32, #tpu.memory_space<hbm>> -> memref<64xi32, #tpu.memory_space<hbm>>
        %dma_wait3A_477 = tpu.memref_slice %arg3[%add3A_444] : memref<640000xi32, #tpu.memory_space<hbm>> -> memref<64xi32, #tpu.memory_space<hbm>>
        tpu.wait_dma2 semaphore(%run_scoped3A_473 : memref<!tpu.dma_semaphore, #tpu.memory_space<semaphore_mem>>) src(%dma_wait3A_477 : memref<64xi32, #tpu.memory_space<hbm>>) dst(%arg9 : memref<64xi32, #tpu.memory_space<vmem>>)
        tpu.yield
      }) : () -> ()
      %dma_start3A_445 = arith.constant 0 : i32
      %dma_start3A_446 = arith.constant 0 : i32
      %dma_start3A_447 = arith.constant 0 : i32
      %dma_start3A_448 = arith.constant 0 : i32
      %dma_start3A_449 = tpu.memref_slice %arg7[%dma_start3A_445, %dma_start3A_447, %dma_start3A_448] : memref<3x104x128xf32, #tpu.memory_space<vmem>> -> memref<1x104x128xf32, #tpu.memory_space<vmem>>
      %dma_start3A_450 = tpu.memref_squeeze %dma_start3A_449 : memref<1x104x128xf32, #tpu.memory_space<vmem>> -> memref<104x128xf32, #tpu.memory_space<vmem>>
      %dma_start3A_451 = arith.constant 0 : i32
      %dma_start3A_452 = arith.constant 0 : i32
      %dma_start3A_453 = tpu.memref_slice %dma_start3A_450[%dma_start3A_451, %dma_start3A_452] : memref<104x128xf32, #tpu.memory_space<vmem>> -> memref<64x128xf32, #tpu.memory_space<vmem>>
      %dma_start3A_454 = arith.constant 0 : i32
      %dma_start3A_455 = arith.constant 0 : i32
      %dma_start3A_456 = tpu.memref_slice %arg2[%dma_start3A_454, %dma_start3A_455] : memref<10000x128xf32, #tpu.memory_space<hbm>> -> memref<10000x128xf32, #tpu.memory_space<hbm>>
      %dma_start3A_457 = tpu.memref_slice %arg12[%dma_start3A_446] : memref<3x!tpu.dma_semaphore, #tpu.memory_space<semaphore_mem>> -> memref<1x!tpu.dma_semaphore, #tpu.memory_space<semaphore_mem>>
      %dma_start3A_458 = tpu.memref_squeeze %dma_start3A_457 : memref<1x!tpu.dma_semaphore, #tpu.memory_space<semaphore_mem>> -> memref<!tpu.dma_semaphore, #tpu.memory_space<semaphore_mem>>
      tpu.enqueue_indirect_dma source(%dma_start3A_456 : memref<10000x128xf32, #tpu.memory_space<hbm>>) target(%dma_start3A_453 : memref<64x128xf32, #tpu.memory_space<vmem>>) offsets(%arg8 : memref<64xi32, #tpu.memory_space<vmem>>) semaphore(%dma_start3A_458 : memref<!tpu.dma_semaphore, #tpu.memory_space<semaphore_mem>>)
      %dma_wait3A_459 = arith.constant 0 : i32
      %dma_wait3A_460 = arith.constant 0 : i32
      %dma_wait3A_461 = arith.constant 0 : i32
      %dma_wait3A_462 = arith.constant 0 : i32
      %dma_wait3A_463 = tpu.memref_slice %arg7[%dma_wait3A_459, %dma_wait3A_461, %dma_wait3A_462] : memref<3x104x128xf32, #tpu.memory_space<vmem>> -> memref<1x104x128xf32, #tpu.memory_space<vmem>>
      %dma_wait3A_464 = tpu.memref_squeeze %dma_wait3A_463 : memref<1x104x128xf32, #tpu.memory_space<vmem>> -> memref<104x128xf32, #tpu.memory_space<vmem>>
      %dma_wait3A_465 = arith.constant 0 : i32
      %dma_wait3A_466 = arith.constant 0 : i32
      %dma_wait3A_467 = tpu.memref_slice %dma_wait3A_464[%dma_wait3A_465, %dma_wait3A_466] : memref<104x128xf32, #tpu.memory_space<vmem>> -> memref<64x128xf32, #tpu.memory_space<vmem>>
      %dma_wait3A_468 = arith.constant 0 : i32
      %dma_wait3A_469 = arith.constant 0 : i32
      %dma_wait3A_470 = tpu.memref_slice %arg2[%dma_wait3A_468, %dma_wait3A_469] : memref<10000x128xf32, #tpu.memory_space<hbm>> -> memref<10000x128xf32, #tpu.memory_space<hbm>>
      %dma_wait3A_471 = tpu.memref_slice %arg12[%dma_wait3A_460] : memref<3x!tpu.dma_semaphore, #tpu.memory_space<semaphore_mem>> -> memref<1x!tpu.dma_semaphore, #tpu.memory_space<semaphore_mem>>
      %dma_wait3A_472 = tpu.memref_squeeze %dma_wait3A_471 : memref<1x!tpu.dma_semaphore, #tpu.memory_space<semaphore_mem>> -> memref<!tpu.dma_semaphore, #tpu.memory_space<semaphore_mem>>
      tpu.wait_indirect_dma semaphore(%dma_wait3A_472 : memref<!tpu.dma_semaphore, #tpu.memory_space<semaphore_mem>>) src(%dma_wait3A_470 : memref<10000x128xf32, #tpu.memory_space<hbm>>) dst(%dma_wait3A_467 : memref<64x128xf32, #tpu.memory_space<vmem>>)
      %run_scoped3A = arith.constant 0 : i32
      "tpu.region"() ({
        %run_scoped3A_473 = tpu.sem_alloc : memref<!tpu.dma_semaphore, #tpu.memory_space<semaphore_mem>>
        %dma_start3A_474 = arith.constant 0 : i32
        %dma_start3A_475 = arith.constant 0 : i32
        %dma_start3A_476 = tpu.memref_slice %arg7[%run_scoped3A, %dma_start3A_474, %dma_start3A_475] : memref<3x104x128xf32, #tpu.memory_space<vmem>> -> memref<1x104x128xf32, #tpu.memory_space<vmem>>
        %dma_start3A_477 = tpu.memref_squeeze %dma_start3A_476 : memref<1x104x128xf32, #tpu.memory_space<vmem>> -> memref<104x128xf32, #tpu.memory_space<vmem>>
        %dma_start3A_478 = arith.constant 0 : i32
        %dma_start3A_479 = arith.constant 0 : i32
        %dma_start3A_480 = tpu.memref_slice %dma_start3A_477[%dma_start3A_478, %dma_start3A_479] : memref<104x128xf32, #tpu.memory_space<vmem>> -> memref<64x128xf32, #tpu.memory_space<vmem>>
        %dma_start3A_481 = arith.constant 0 : i32
        %dma_start3A_482 = arith.constant 0 : i32
        %dma_start3A_483 = tpu.memref_slice %arg10[%dma_start3A_481, %dma_start3A_482] : memref<10000x128xf32, #tpu.memory_space<vmem_shared>> -> memref<10000x128xf32, #tpu.memory_space<vmem_shared>>
        tpu.enqueue_indirect_dma source(%dma_start3A_480 : memref<64x128xf32, #tpu.memory_space<vmem>>) target(%dma_start3A_483 : memref<10000x128xf32, #tpu.memory_space<vmem_shared>>) offsets(%arg9 : memref<64xi32, #tpu.memory_space<vmem>>) semaphore(%run_scoped3A_473 : memref<!tpu.dma_semaphore, #tpu.memory_space<semaphore_mem>>) {add = true}
        %dma_wait3A_484 = arith.constant 0 : i32
        %dma_wait3A_485 = arith.constant 0 : i32
        %dma_wait3A_486 = tpu.memref_slice %arg7[%run_scoped3A, %dma_wait3A_484, %dma_wait3A_485] : memref<3x104x128xf32, #tpu.memory_space<vmem>> -> memref<1x104x128xf32, #tpu.memory_space<vmem>>
        %dma_wait3A_487 = tpu.memref_squeeze %dma_wait3A_486 : memref<1x104x128xf32, #tpu.memory_space<vmem>> -> memref<104x128xf32, #tpu.memory_space<vmem>>
        %dma_wait3A_488 = arith.constant 0 : i32
        %dma_wait3A_489 = arith.constant 0 : i32
        %dma_wait3A_490 = tpu.memref_slice %dma_wait3A_487[%dma_wait3A_488, %dma_wait3A_489] : memref<104x128xf32, #tpu.memory_space<vmem>> -> memref<64x128xf32, #tpu.memory_space<vmem>>
        %dma_wait3A_491 = arith.constant 0 : i32
        %dma_wait3A_492 = arith.constant 0 : i32
        %dma_wait3A_493 = tpu.memref_slice %arg10[%dma_wait3A_491, %dma_wait3A_492] : memref<10000x128xf32, #tpu.memory_space<vmem_shared>> -> memref<10000x128xf32, #tpu.memory_space<vmem_shared>>
        tpu.wait_indirect_dma semaphore(%run_scoped3A_473 : memref<!tpu.dma_semaphore, #tpu.memory_space<semaphore_mem>>) src(%dma_wait3A_490 : memref<64x128xf32, #tpu.memory_space<vmem>>) dst(%dma_wait3A_493 : memref<10000x128xf32, #tpu.memory_space<vmem_shared>>)
        tpu.yield
      }) : () -> ()
    } else {
    }
    %barrier3A_430 = arith.constant 0 : index
    tpu.barrier barrier_id(%barrier3A_430)
    %mul3A_431 = arith.constant 10000 : i32
    %mul3A_432 = arith.muli %arg0, %mul3A_431 : i32
    %add3A_433 = arith.addi %mul3A_432, %mul3A_108 : i32
    "tpu.region"() ({
      %run_scoped3A = tpu.sem_alloc : memref<!tpu.dma_semaphore, #tpu.memory_space<semaphore_mem>>
      %dma_start3A_439 = arith.constant 0 : i32
      %dma_start3A_440 = tpu.memref_slice %arg4[%add3A_433, %dma_start3A_439] : memref<20000x128xf32, #tpu.memory_space<hbm>> -> memref<624x128xf32, #tpu.memory_space<hbm>>
      %dma_start3A_441 = arith.constant 0 : i32
      %dma_start3A_442 = tpu.memref_slice %arg10[%mul3A_108, %dma_start3A_441] : memref<10000x128xf32, #tpu.memory_space<vmem_shared>> -> memref<624x128xf32, #tpu.memory_space<vmem_shared>>
      tpu.enqueue_dma source(%dma_start3A_442 : memref<624x128xf32, #tpu.memory_space<vmem_shared>>) target(%dma_start3A_440 : memref<624x128xf32, #tpu.memory_space<hbm>>) target_semaphore(%run_scoped3A : memref<!tpu.dma_semaphore, #tpu.memory_space<semaphore_mem>>)
      %dma_wait3A_443 = arith.constant 0 : i32
      %dma_wait3A_444 = tpu.memref_slice %arg4[%add3A_433, %dma_wait3A_443] : memref<20000x128xf32, #tpu.memory_space<hbm>> -> memref<624x128xf32, #tpu.memory_space<hbm>>
      %dma_wait3A_445 = arith.constant 0 : i32
      %dma_wait3A_446 = tpu.memref_slice %arg10[%mul3A_108, %dma_wait3A_445] : memref<10000x128xf32, #tpu.memory_space<vmem_shared>> -> memref<624x128xf32, #tpu.memory_space<vmem_shared>>
      tpu.wait_dma2 semaphore(%run_scoped3A : memref<!tpu.dma_semaphore, #tpu.memory_space<semaphore_mem>>) src(%dma_wait3A_446 : memref<624x128xf32, #tpu.memory_space<vmem_shared>>) dst(%dma_wait3A_444 : memref<624x128xf32, #tpu.memory_space<hbm>>)
      tpu.yield
    }) : () -> ()
    %eq3A_434 = arith.constant 15 : i32
    %eq3A_435 = arith.cmpi eq, %arg1, %eq3A_434 : i32
    %convert_element_type3A_436 = arith.extui %eq3A_435 : i1 to i32
    %cond3A_437 = arith.constant 0 : i32
    %cond3A_438 = arith.cmpi ne, %convert_element_type3A_436, %cond3A_437 : i32
    scf.if %cond3A_438 {
      %mul3A_439 = arith.constant 10000 : i32
      %mul3A_440 = arith.muli %arg0, %mul3A_439 : i32
      %add3A_441 = arith.constant 9984 : i32
      %add3A_442 = arith.addi %mul3A_440, %add3A_441 : i32
      "tpu.region"() ({
        %run_scoped3A = tpu.sem_alloc : memref<!tpu.dma_semaphore, #tpu.memory_space<semaphore_mem>>
        %dma_start3A_443 = arith.constant 0 : i32
        %dma_start3A_444 = tpu.memref_slice %arg4[%add3A_442, %dma_start3A_443] : memref<20000x128xf32, #tpu.memory_space<hbm>> -> memref<16x128xf32, #tpu.memory_space<hbm>>
        %dma_start3A_445 = arith.constant 9984 : i32
        %dma_start3A_446 = arith.constant 0 : i32
        %dma_start3A_447 = tpu.memref_slice %arg10[%dma_start3A_445, %dma_start3A_446] : memref<10000x128xf32, #tpu.memory_space<vmem_shared>> -> memref<16x128xf32, #tpu.memory_space<vmem_shared>>
        tpu.enqueue_dma source(%dma_start3A_447 : memref<16x128xf32, #tpu.memory_space<vmem_shared>>) target(%dma_start3A_444 : memref<16x128xf32, #tpu.memory_space<hbm>>) target_semaphore(%run_scoped3A : memref<!tpu.dma_semaphore, #tpu.memory_space<semaphore_mem>>)
        %dma_wait3A_448 = arith.constant 0 : i32
        %dma_wait3A_449 = tpu.memref_slice %arg4[%add3A_442, %dma_wait3A_448] : memref<20000x128xf32, #tpu.memory_space<hbm>> -> memref<16x128xf32, #tpu.memory_space<hbm>>
        %dma_wait3A_450 = arith.constant 9984 : i32
        %dma_wait3A_451 = arith.constant 0 : i32
        %dma_wait3A_452 = tpu.memref_slice %arg10[%dma_wait3A_450, %dma_wait3A_451] : memref<10000x128xf32, #tpu.memory_space<vmem_shared>> -> memref<16x128xf32, #tpu.memory_space<vmem_shared>>
        tpu.wait_dma2 semaphore(%run_scoped3A : memref<!tpu.dma_semaphore, #tpu.memory_space<semaphore_mem>>) src(%dma_wait3A_452 : memref<16x128xf32, #tpu.memory_space<vmem_shared>>) dst(%dma_wait3A_449 : memref<16x128xf32, #tpu.memory_space<hbm>>)
        tpu.yield
      }) : () -> ()
    } else {
    }
    return
  }
}

module attributes {stable_mosaic.version = 14 : i64} {
  func.func @body(%arg0: i32, %arg1: memref<1x1xf32, #tpu.memory_space<smem>>, %arg2: memref<2000x128xf32, #tpu.memory_space<vmem>>, %arg3: memref<2000x128xf32, #tpu.memory_space<vmem>>, %arg4: memref<2000x128xf32, #tpu.memory_space<vmem>>, %arg5: memref<128x128xf32, #tpu.memory_space<vmem>>, %arg6: memref<128x128xf32, #tpu.memory_space<vmem>>, %arg7: memref<1x128xf32, #tpu.memory_space<vmem>>, %arg8: memref<2000x128xf32, #tpu.memory_space<vmem>>) attributes {dimension_semantics = [#tpu.dimension_semantics<arbitrary>], iteration_bounds = array<i64: 5>, scalar_prefetch = 0 : i64, scratch_operands = 0 : i64, tpu.core_type = #tpu.core_type<tc>, window_params = [{transform_indices = @transform_0, window_bounds = array<i64: 1, 1>}, {transform_indices = @transform_1, window_bounds = array<i64: 2000, 128>}, {transform_indices = @transform_2, window_bounds = array<i64: 2000, 128>}, {transform_indices = @transform_3, window_bounds = array<i64: 2000, 128>}, {pipeline_mode = #tpu.pipeline_mode<synchronous>, transform_indices = @transform_4, window_bounds = array<i64: 128, 128>}, {pipeline_mode = #tpu.pipeline_mode<synchronous>, transform_indices = @transform_5, window_bounds = array<i64: 128, 128>}, {pipeline_mode = #tpu.pipeline_mode<synchronous>, transform_indices = @transform_6, window_bounds = array<i64: 1, 128>}, {transform_indices = @transform_7, window_bounds = array<i64: 2000, 128>}]} {
    %get3A = arith.constant 0 : index
    %get3A_0 = arith.constant 0 : index
    %get3A_1 = vector.load %arg5[%get3A, %get3A_0] : memref<128x128xf32, #tpu.memory_space<vmem>>, vector<128x128xf32>
    %get3A_2 = arith.constant 0 : index
    %get3A_3 = arith.constant 0 : index
    %get3A_4 = vector.load %arg6[%get3A_2, %get3A_3] : memref<128x128xf32, #tpu.memory_space<vmem>>, vector<128x128xf32>
    %mul3A = arith.mulf %get3A_1, %get3A_4 : vector<128x128xf32>
    %get3A_5 = arith.constant 0 : index
    %get3A_6 = arith.constant 0 : index
    %get3A_7 = vector.load %arg2[%get3A_5, %get3A_6] : memref<2000x128xf32, #tpu.memory_space<vmem>>, vector<2000x128xf32>
    %get3A_8 = arith.constant 0 : index
    %get3A_9 = arith.constant 0 : index
    %get3A_10 = vector.load %arg3[%get3A_8, %get3A_9] : memref<2000x128xf32, #tpu.memory_space<vmem>>, vector<2000x128xf32>
    %get3A_11 = arith.constant 0 : index
    %get3A_12 = arith.constant 0 : index
    %get3A_13 = vector.load %arg4[%get3A_11, %get3A_12] : memref<2000x128xf32, #tpu.memory_space<vmem>>, vector<2000x128xf32>
    %get3A_14 = arith.constant 0 : index
    %get3A_15 = arith.constant 0 : index
    %get3A_16 = vector.load %arg7[%get3A_14, %get3A_15] : memref<1x128xf32, #tpu.memory_space<vmem>>, vector<1x128xf32>
    %get3A_17 = arith.constant 0 : index
    %get3A_18 = arith.constant 0 : index
    %get3A_19 = memref.load %arg1[%get3A_17, %get3A_18] : memref<1x1xf32, #tpu.memory_space<smem>>
    %add3A = arith.constant 1.000000e+00 : f32
    %add3A_20 = arith.addf %add3A, %get3A_19 : f32
    %mul3A_21 = vector.broadcast %add3A_20 : f32 to vector<2000x128xf32>
    %mul3A_22 = arith.mulf %mul3A_21, %get3A_7 : vector<2000x128xf32>
    %add3A_23 = arith.addf %mul3A_22, %get3A_10 : vector<2000x128xf32>
    %add3A_24 = arith.addf %add3A_23, %get3A_13 : vector<2000x128xf32>
    %dot_general3A = arith.constant dense<0.000000e+00> : vector<2000x128xf32>
    %dot_general3A_25 = tpu.matmul %add3A_24, %mul3A, %dot_general3A {dimension_numbers = #tpu.dot_dimension_numbers<[1], [1], [0], [0], [0, 0, 1, 0], [], []>, transpose_lhs_hint = false} : vector<2000x128xf32>, vector<128x128xf32>, vector<2000x128xf32> -> vector<2000x128xf32>
    %add3A_26 = vector.broadcast %get3A_16 : vector<1x128xf32> to vector<2000x128xf32>
    %add3A_27 = arith.addf %dot_general3A_25, %add3A_26 : vector<2000x128xf32>
    %max3A = arith.constant 0.000000e+00 : f32
    %max3A_28 = vector.broadcast %max3A : f32 to vector<2000x128xf32>
    %max3A_29 = arith.maximumf %add3A_27, %max3A_28 : vector<2000x128xf32>
    %swap3A = arith.constant 0 : index
    %swap3A_30 = arith.constant 0 : index
    %swap3A_31 = vector.load %arg8[%swap3A, %swap3A_30] : memref<2000x128xf32, #tpu.memory_space<vmem>>, vector<2000x128xf32>
    tpu.vector_store %arg8[%swap3A, %swap3A_30], %max3A_29 {strides = array<i32>} : memref<2000x128xf32, #tpu.memory_space<vmem>>, vector<2000x128xf32>,
    return
  }
  func.func @transform_0(%arg0: i32) -> (i32, i32) {
    %c0_i32 = arith.constant 0 : i32
    %c0_i32_0 = arith.constant 0 : i32
    %c0_i32_1 = arith.constant 0 : i32
    return %c0_i32, %c0_i32_0 : i32, i32
  }
  func.func @transform_1(%arg0: i32) -> (i32, i32) {
    %c0_i32 = arith.constant 0 : i32
    %c0_i32_0 = arith.constant 0 : i32
    return %arg0, %c0_i32 : i32, i32
  }
  func.func @transform_2(%arg0: i32) -> (i32, i32) {
    %c0_i32 = arith.constant 0 : i32
    %c0_i32_0 = arith.constant 0 : i32
    return %arg0, %c0_i32 : i32, i32
  }
  func.func @transform_3(%arg0: i32) -> (i32, i32) {
    %add3A = arith.constant 5 : i32
    %add3A_0 = arith.addi %arg0, %add3A : i32
    %c0_i32 = arith.constant 0 : i32
    %c0_i32_1 = arith.constant 0 : i32
    return %add3A_0, %c0_i32 : i32, i32
  }
  func.func @transform_4(%arg0: i32) -> (i32, i32) {
    %c0_i32 = arith.constant 0 : i32
    %c0_i32_0 = arith.constant 0 : i32
    %c0_i32_1 = arith.constant 0 : i32
    return %c0_i32, %c0_i32_0 : i32, i32
  }
  func.func @transform_5(%arg0: i32) -> (i32, i32) {
    %c0_i32 = arith.constant 0 : i32
    %c0_i32_0 = arith.constant 0 : i32
    %c0_i32_1 = arith.constant 0 : i32
    return %c0_i32, %c0_i32_0 : i32, i32
  }
  func.func @transform_6(%arg0: i32) -> (i32, i32) {
    %c0_i32 = arith.constant 0 : i32
    %c0_i32_0 = arith.constant 0 : i32
    %c0_i32_1 = arith.constant 0 : i32
    return %c0_i32, %c0_i32_0 : i32, i32
  }
  func.func @transform_7(%arg0: i32) -> (i32, i32) {
    %c0_i32 = arith.constant 0 : i32
    %c0_i32_0 = arith.constant 0 : i32
    return %arg0, %c0_i32 : i32, i32
  }
}

module attributes {stable_mosaic.version = 14 : i64} {
  func.func @body(%arg0: i32, %arg1: memref<1x1xf32, #tpu.memory_space<smem>>, %arg2: memref<2000x128xf32, #tpu.memory_space<vmem>>, %arg3: memref<2000x128xf32, #tpu.memory_space<vmem>>, %arg4: memref<2000x128xf32, #tpu.memory_space<vmem>>, %arg5: memref<128x128xf32, #tpu.memory_space<vmem>>, %arg6: memref<128x128xf32, #tpu.memory_space<vmem>>, %arg7: memref<1x128xf32, #tpu.memory_space<vmem>>, %arg8: memref<2000x1xi32, #tpu.memory_space<vmem>>, %arg9: memref<10x128xf32, #tpu.memory_space<vmem>>, %arg10: memref<1x10xf32, #tpu.memory_space<vmem>>, %arg11: memref<128x10xf32, #tpu.memory_space<vmem>>, %arg12: memref<128x128xf32, #tpu.memory_space<vmem>>, %arg13: memref<128x128xf32, #tpu.memory_space<vmem>>) attributes {dimension_semantics = [#tpu.dimension_semantics<arbitrary>], iteration_bounds = array<i64: 5>, scalar_prefetch = 0 : i64, scratch_operands = 2 : i64, tpu.core_type = #tpu.core_type<tc>, window_params = [{transform_indices = @transform_0, window_bounds = array<i64: 1, 1>}, {transform_indices = @transform_1, window_bounds = array<i64: 2000, 128>}, {transform_indices = @transform_2, window_bounds = array<i64: 2000, 128>}, {transform_indices = @transform_3, window_bounds = array<i64: 2000, 128>}, {pipeline_mode = #tpu.pipeline_mode<synchronous>, transform_indices = @transform_4, window_bounds = array<i64: 128, 128>}, {pipeline_mode = #tpu.pipeline_mode<synchronous>, transform_indices = @transform_5, window_bounds = array<i64: 128, 128>}, {pipeline_mode = #tpu.pipeline_mode<synchronous>, transform_indices = @transform_6, window_bounds = array<i64: 1, 128>}, {transform_indices = @transform_7, window_bounds = array<i64: 2000, 1>}, {pipeline_mode = #tpu.pipeline_mode<synchronous>, transform_indices = @transform_8, window_bounds = array<i64: 10, 128>}, {pipeline_mode = #tpu.pipeline_mode<synchronous>, transform_indices = @transform_9, window_bounds = array<i64: 1, 10>}, {pipeline_mode = #tpu.pipeline_mode<synchronous>, transform_indices = @transform_10, window_bounds = array<i64: 128, 10>}]} {
    %get3A = arith.constant 0 : index
    %get3A_0 = arith.constant 0 : index
    %get3A_1 = vector.load %arg5[%get3A, %get3A_0] : memref<128x128xf32, #tpu.memory_space<vmem>>, vector<128x128xf32>
    %get3A_2 = arith.constant 0 : index
    %get3A_3 = arith.constant 0 : index
    %get3A_4 = vector.load %arg6[%get3A_2, %get3A_3] : memref<128x128xf32, #tpu.memory_space<vmem>>, vector<128x128xf32>
    %mul3A = arith.mulf %get3A_1, %get3A_4 : vector<128x128xf32>
    %get3A_5 = arith.constant 0 : index
    %get3A_6 = arith.constant 0 : index
    %get3A_7 = vector.load %arg2[%get3A_5, %get3A_6] : memref<2000x128xf32, #tpu.memory_space<vmem>>, vector<2000x128xf32>
    %get3A_8 = arith.constant 0 : index
    %get3A_9 = arith.constant 0 : index
    %get3A_10 = vector.load %arg3[%get3A_8, %get3A_9] : memref<2000x128xf32, #tpu.memory_space<vmem>>, vector<2000x128xf32>
    %get3A_11 = arith.constant 0 : index
    %get3A_12 = arith.constant 0 : index
    %get3A_13 = vector.load %arg4[%get3A_11, %get3A_12] : memref<2000x128xf32, #tpu.memory_space<vmem>>, vector<2000x128xf32>
    %get3A_14 = arith.constant 0 : index
    %get3A_15 = arith.constant 0 : index
    %get3A_16 = vector.load %arg7[%get3A_14, %get3A_15] : memref<1x128xf32, #tpu.memory_space<vmem>>, vector<1x128xf32>
    %get3A_17 = arith.constant 0 : index
    %get3A_18 = arith.constant 0 : index
    %get3A_19 = memref.load %arg1[%get3A_17, %get3A_18] : memref<1x1xf32, #tpu.memory_space<smem>>
    %add3A = arith.constant 1.000000e+00 : f32
    %add3A_20 = arith.addf %add3A, %get3A_19 : f32
    %mul3A_21 = vector.broadcast %add3A_20 : f32 to vector<2000x128xf32>
    %mul3A_22 = arith.mulf %mul3A_21, %get3A_7 : vector<2000x128xf32>
    %add3A_23 = arith.addf %mul3A_22, %get3A_10 : vector<2000x128xf32>
    %add3A_24 = arith.addf %add3A_23, %get3A_13 : vector<2000x128xf32>
    %dot_general3A = arith.constant dense<0.000000e+00> : vector<2000x128xf32>
    %dot_general3A_25 = tpu.matmul %add3A_24, %mul3A, %dot_general3A {dimension_numbers = #tpu.dot_dimension_numbers<[1], [1], [0], [0], [0, 0, 1, 0], [], []>, transpose_lhs_hint = false} : vector<2000x128xf32>, vector<128x128xf32>, vector<2000x128xf32> -> vector<2000x128xf32>
    %add3A_26 = vector.broadcast %get3A_16 : vector<1x128xf32> to vector<2000x128xf32>
    %add3A_27 = arith.addf %dot_general3A_25, %add3A_26 : vector<2000x128xf32>
    %max3A = arith.constant 0.000000e+00 : f32
    %max3A_28 = vector.broadcast %max3A : f32 to vector<2000x128xf32>
    %max3A_29 = arith.maximumf %add3A_27, %max3A_28 : vector<2000x128xf32>
    %iota3A = tpu.iota {dimensions = array<i32: 1>} : vector<2000x128xi32>
    %get3A_30 = arith.constant 0 : index
    %get3A_31 = arith.constant 0 : index
    %get3A_32 = vector.load %arg8[%get3A_30, %get3A_31] : memref<2000x1xi32, #tpu.memory_space<vmem>>, vector<2000x1xi32>
    %eq3A = vector.broadcast %get3A_32 : vector<2000x1xi32> to vector<2000x128xi32>
    %eq3A_33 = arith.cmpi eq, %eq3A, %iota3A : vector<2000x128xi32>
    %convert_element_type3A = arith.extui %eq3A_33 : vector<2000x128xi1> to vector<2000x128xi32>
    %convert_element_type3A_34 = arith.sitofp %convert_element_type3A : vector<2000x128xi32> to vector<2000x128xf32>
    %eq3A_35 = arith.constant 0 : i32
    %eq3A_36 = arith.cmpi eq, %arg0, %eq3A_35 : i32
    %convert_element_type3A_37 = arith.extui %eq3A_36 : i1 to i32
    %cond3A = arith.constant 0 : i32
    %cond3A_38 = arith.cmpi ne, %convert_element_type3A_37, %cond3A : i32
    scf.if %cond3A_38 {
      %broadcast_in_dim3A_62 = arith.constant 0.000000e+00 : f32
      %broadcast_in_dim3A_63 = vector.broadcast %broadcast_in_dim3A_62 : f32 to vector<128x128xf32>
      %swap3A_64 = arith.constant 0 : index
      %swap3A_65 = arith.constant 0 : index
      %swap3A_66 = vector.load %arg12[%swap3A_64, %swap3A_65] : memref<128x128xf32, #tpu.memory_space<vmem>>, vector<128x128xf32>
      tpu.vector_store %arg12[%swap3A_64, %swap3A_65], %broadcast_in_dim3A_63 {strides = array<i32>} : memref<128x128xf32, #tpu.memory_space<vmem>>, vector<128x128xf32>,
      %broadcast_in_dim3A_67 = arith.constant 0.000000e+00 : f32
      %broadcast_in_dim3A_68 = vector.broadcast %broadcast_in_dim3A_67 : f32 to vector<128x128xf32>
      %swap3A_69 = arith.constant 0 : index
      %swap3A_70 = arith.constant 0 : index
      %swap3A_71 = vector.load %arg13[%swap3A_69, %swap3A_70] : memref<128x128xf32, #tpu.memory_space<vmem>>, vector<128x128xf32>
      tpu.vector_store %arg13[%swap3A_69, %swap3A_70], %broadcast_in_dim3A_68 {strides = array<i32>} : memref<128x128xf32, #tpu.memory_space<vmem>>, vector<128x128xf32>,
    } else {
    }
    %get3A_39 = arith.constant 0 : index
    %get3A_40 = arith.constant 0 : index
    %get3A_41 = vector.load %arg12[%get3A_39, %get3A_40] : memref<128x128xf32, #tpu.memory_space<vmem>>, vector<128x128xf32>
    %dot_general3A_42 = arith.constant dense<0.000000e+00> : vector<128x128xf32>
    %dot_general3A_43 = tpu.matmul %convert_element_type3A_34, %max3A_29, %dot_general3A_42 {dimension_numbers = #tpu.dot_dimension_numbers<[0], [0], [1], [1], [0, 1, 1, 1], [], []>, transpose_lhs_hint = false} : vector<2000x128xf32>, vector<2000x128xf32>, vector<128x128xf32> -> vector<128x128xf32>
    %add3A_44 = arith.addf %get3A_41, %dot_general3A_43 : vector<128x128xf32>
    %swap3A = arith.constant 0 : index
    %swap3A_45 = arith.constant 0 : index
    %swap3A_46 = vector.load %arg12[%swap3A, %swap3A_45] : memref<128x128xf32, #tpu.memory_space<vmem>>, vector<128x128xf32>
    tpu.vector_store %arg12[%swap3A, %swap3A_45], %add3A_44 {strides = array<i32>} : memref<128x128xf32, #tpu.memory_space<vmem>>, vector<128x128xf32>,
    %get3A_47 = arith.constant 0 : index
    %get3A_48 = arith.constant 0 : index
    %get3A_49 = vector.load %arg13[%get3A_47, %get3A_48] : memref<128x128xf32, #tpu.memory_space<vmem>>, vector<128x128xf32>
    %broadcast_in_dim3A = arith.constant 1.000000e+00 : f32
    %broadcast_in_dim3A_50 = vector.broadcast %broadcast_in_dim3A : f32 to vector<2000x128xf32>
    %dot_general3A_51 = arith.constant dense<0.000000e+00> : vector<128x128xf32>
    %dot_general3A_52 = tpu.matmul %convert_element_type3A_34, %broadcast_in_dim3A_50, %dot_general3A_51 {dimension_numbers = #tpu.dot_dimension_numbers<[0], [0], [1], [1], [0, 1, 1, 1], [], []>, transpose_lhs_hint = false} : vector<2000x128xf32>, vector<2000x128xf32>, vector<128x128xf32> -> vector<128x128xf32>
    %add3A_53 = arith.addf %get3A_49, %dot_general3A_52 : vector<128x128xf32>
    %swap3A_54 = arith.constant 0 : index
    %swap3A_55 = arith.constant 0 : index
    %swap3A_56 = vector.load %arg13[%swap3A_54, %swap3A_55] : memref<128x128xf32, #tpu.memory_space<vmem>>, vector<128x128xf32>
    tpu.vector_store %arg13[%swap3A_54, %swap3A_55], %add3A_53 {strides = array<i32>} : memref<128x128xf32, #tpu.memory_space<vmem>>, vector<128x128xf32>,
    %eq3A_57 = arith.constant 4 : i32
    %eq3A_58 = arith.cmpi eq, %arg0, %eq3A_57 : i32
    %convert_element_type3A_59 = arith.extui %eq3A_58 : i1 to i32
    %cond3A_60 = arith.constant 0 : i32
    %cond3A_61 = arith.cmpi ne, %convert_element_type3A_59, %cond3A_60 : i32
    scf.if %cond3A_61 {
      %get3A_62 = arith.constant 0 : index
      %get3A_63 = arith.constant 0 : index
      %get3A_64 = vector.load %arg12[%get3A_62, %get3A_63] : memref<128x128xf32, #tpu.memory_space<vmem>>, vector<128x128xf32>
      %get3A_65 = arith.constant 0 : index
      %get3A_66 = arith.constant 0 : index
      %get3A_67 = vector.load %arg13[%get3A_65, %get3A_66] : memref<128x128xf32, #tpu.memory_space<vmem>>, vector<128x128xf32>
      %max3A_68 = arith.constant 1.000000e+00 : f32
      %max3A_69 = vector.broadcast %max3A_68 : f32 to vector<128x128xf32>
      %max3A_70 = arith.maximumf %get3A_67, %max3A_69 : vector<128x128xf32>
      %div3A = arith.divf %get3A_64, %max3A_70 : vector<128x128xf32>
      %get3A_71 = arith.constant 0 : index
      %get3A_72 = arith.constant 0 : index
      %get3A_73 = vector.load %arg9[%get3A_71, %get3A_72] : memref<10x128xf32, #tpu.memory_space<vmem>>, vector<10x128xf32>
      %dot_general3A_74 = arith.constant dense<0.000000e+00> : vector<128x10xf32>
      %dot_general3A_75 = tpu.matmul %div3A, %get3A_73, %dot_general3A_74 {dimension_numbers = #tpu.dot_dimension_numbers<[1], [1], [0], [0], [0, 0, 1, 0], [], []>, transpose_lhs_hint = false} : vector<128x128xf32>, vector<10x128xf32>, vector<128x10xf32> -> vector<128x10xf32>
      %get3A_76 = arith.constant 0 : index
      %get3A_77 = arith.constant 0 : index
      %get3A_78 = vector.load %arg10[%get3A_76, %get3A_77] : memref<1x10xf32, #tpu.memory_space<vmem>>, vector<1x10xf32>
      %add3A_79 = vector.broadcast %get3A_78 : vector<1x10xf32> to vector<128x10xf32>
      %add3A_80 = arith.addf %dot_general3A_75, %add3A_79 : vector<128x10xf32>
      %logistic3A = arith.negf %add3A_80 : vector<128x10xf32>
      %logistic3A_81 = math.exp %logistic3A : vector<128x10xf32>
      %logistic3A_82 = arith.constant 1.000000e+00 : f32
      %logistic3A_83 = vector.broadcast %logistic3A_82 : f32 to vector<128x10xf32>
      %logistic3A_84 = arith.addf %logistic3A_83, %logistic3A_81 : vector<128x10xf32>
      %logistic3A_85 = arith.divf %logistic3A_83, %logistic3A_84 : vector<128x10xf32>
      %swap3A_86 = arith.constant 0 : index
      %swap3A_87 = arith.constant 0 : index
      %swap3A_88 = vector.load %arg11[%swap3A_86, %swap3A_87] : memref<128x10xf32, #tpu.memory_space<vmem>>, vector<128x10xf32>
      tpu.vector_store %arg11[%swap3A_86, %swap3A_87], %logistic3A_85 {strides = array<i32>} : memref<128x10xf32, #tpu.memory_space<vmem>>, vector<128x10xf32>,
    } else {
    }
    return
  }
  func.func @transform_0(%arg0: i32) -> (i32, i32) {
    %c0_i32 = arith.constant 0 : i32
    %c0_i32_0 = arith.constant 0 : i32
    %c0_i32_1 = arith.constant 0 : i32
    return %c0_i32, %c0_i32_0 : i32, i32
  }
  func.func @transform_1(%arg0: i32) -> (i32, i32) {
    %c0_i32 = arith.constant 0 : i32
    %c0_i32_0 = arith.constant 0 : i32
    return %arg0, %c0_i32 : i32, i32
  }
  func.func @transform_2(%arg0: i32) -> (i32, i32) {
    %c0_i32 = arith.constant 0 : i32
    %c0_i32_0 = arith.constant 0 : i32
    return %arg0, %c0_i32 : i32, i32
  }
  func.func @transform_3(%arg0: i32) -> (i32, i32) {
    %add3A = arith.constant 5 : i32
    %add3A_0 = arith.addi %arg0, %add3A : i32
    %c0_i32 = arith.constant 0 : i32
    %c0_i32_1 = arith.constant 0 : i32
    return %add3A_0, %c0_i32 : i32, i32
  }
  func.func @transform_4(%arg0: i32) -> (i32, i32) {
    %c0_i32 = arith.constant 0 : i32
    %c0_i32_0 = arith.constant 0 : i32
    %c0_i32_1 = arith.constant 0 : i32
    return %c0_i32, %c0_i32_0 : i32, i32
  }
  func.func @transform_5(%arg0: i32) -> (i32, i32) {
    %c0_i32 = arith.constant 0 : i32
    %c0_i32_0 = arith.constant 0 : i32
    %c0_i32_1 = arith.constant 0 : i32
    return %c0_i32, %c0_i32_0 : i32, i32
  }
  func.func @transform_6(%arg0: i32) -> (i32, i32) {
    %c0_i32 = arith.constant 0 : i32
    %c0_i32_0 = arith.constant 0 : i32
    %c0_i32_1 = arith.constant 0 : i32
    return %c0_i32, %c0_i32_0 : i32, i32
  }
  func.func @transform_7(%arg0: i32) -> (i32, i32) {
    %c0_i32 = arith.constant 0 : i32
    %c0_i32_0 = arith.constant 0 : i32
    return %arg0, %c0_i32 : i32, i32
  }
  func.func @transform_8(%arg0: i32) -> (i32, i32) {
    %c0_i32 = arith.constant 0 : i32
    %c0_i32_0 = arith.constant 0 : i32
    %c0_i32_1 = arith.constant 0 : i32
    return %c0_i32, %c0_i32_0 : i32, i32
  }
  func.func @transform_9(%arg0: i32) -> (i32, i32) {
    %c0_i32 = arith.constant 0 : i32
    %c0_i32_0 = arith.constant 0 : i32
    %c0_i32_1 = arith.constant 0 : i32
    return %c0_i32, %c0_i32_0 : i32, i32
  }
  func.func @transform_10(%arg0: i32) -> (i32, i32) {
    %c0_i32 = arith.constant 0 : i32
    %c0_i32_0 = arith.constant 0 : i32
    %c0_i32_1 = arith.constant 0 : i32
    return %c0_i32, %c0_i32_0 : i32, i32
  }
}

</mosaic_0001>

<sc_bundles>
// kernel: kernel.6.cloned.1.call-start
scs
__scs_entry_jumppad:
0x0: {  	(pc) =	sbr.rel $0x88, $3  }
0x1: {  	(tag) =	ssettag $0x0;
	lr =	simm.s32 $0x1  }
0x2: {  	[smem:$0x3F95] =	sst lr;
	_ =	strace $0xD0000000  }
0x3: {  	_ = 	snop  }
0x4: {  	_ = 	snop  }
0x5: {  	_ = 	snop  }
0x6: {  	_ = 	snop  }
0x7: {  	_ = 	snop  }
__scs_overlays_trampoline_lowered:
0x8: {  	[smem:$0x3FA4] =	sst s0  }
0x9: {  	[smem:$0x3FA5] =	sst s1  }
0xa: {  	[smem:$0x3FA6] =	sst s2  }
0xb: {  	[smem:$0x3FA7] =	sst s3  }
0xc: {  	[smem:$0x3FA8] =	sst s4  }
0xd: {  	[smem:$0x3FA9] =	sst s5  }
0xe: {  	[smem:$0x3FAA] =	sst s6  }
0xf: {  	[smem:$0x3FAB] =	sst s7  }
0x10: {  	[smem:$0x3FAC] =	sst s8  }
0x11: {  	[smem:$0x3FAD] =	sst s9;
	s0 =	simm.s32 @!p0 $0x0  }
0x12: {  	s1 =	sld [smem:$0x3F93];
	s0 =	simm.s32 @p0 $0x1  }
0x13: {  	[smem:$0x3FAE] =	sst s0;
	s0 =	simm.s32 @!p1 $0x0  }
0x14: {  	s2 =	sld [smem:$0x3F92];
	s0 =	simm.s32 @p1 $0x1  }
0x15: {  	[smem:$0x3FAF] =	sst s0;
	s0 =	simm.s32 @!p2 $0x0  }
0x16: {  	s3 =	sld [smem:$0x3FDB];
	s0 =	simm.s32 @p2 $0x1  }
0x17: {  	s4 =	simm.s32 $0x1BF5;
	[smem:$0x3FB1] =	sst s0  }
0x18: {  	s0 =	sld [smem:$0x3F94];
	_ =	swait.ge [sflag:s4], $0x0  }
0x19: {  	s7 =	sld [smem:$0x3F95]  }
0x1a: {  	s8 =	sadd.s32 $0xFFFFE003, lr  }
0x1b: {  	s9 =	sadd.s32 $0xFFFFFEF7, lr;
	s5 =	simm.s32 $0xFFFFFFFF;
	p2 =	slt.u32 s8, $0xFFFFF086  }
0x1c: {  	p1 =	slt.u32 s9, $0xF7A;
	s5 =	simm.s32 @!p2 $0x0  }
0x1d: {  	s5 =	simm.s32 @p1 $0x1;
	p0 =	seq.s32 s7, s2  }
0x1e: {  	s7 =	smul.u32 @!p0 $0xF7A, s2;
	p2 =	seq.s32 @!p0 s5, $0x0  }
0x1f: {  	s9 =	smul.u32 $0xF7A, s1;
	s8 =	simm.s32 @!p0 $0x1BF5;
	p2 =	por !p2, p0  }
0x20: {  	[sflag:s8] =	ssyncset.s32 @!p0 $0xFFFFF086;
	s6 =	sadd.s32 @!p0 s3, s7;
	s7 =	simm.s32 @!p0 $0x108  }
0x21: {  	s3 =	sadd.s32 s3, s9;
	s6 =	sadd.s32 @!p0 $0x88, s6;
	s7 =	simm.s32 @p2 $0x1082  }
0x22: {  	[simem:s7], [sflag:s8] =	dma.local @!p0 [hbm:s6], $0xF7A  }
0x23: {  	s9 =	sor.u32 $0xD0000000, s2;
	s6 =	simm.s32 $0x108;
	_ =	swait.ge @!p0 [sflag:s8], $0x0  }
0x24: {  	s3 =	sadd.s32 $0x88, s3;
	s6 =	simm.s32 @!p1 $0x1082;
	[sflag:s4] =	ssyncset.s32 $0xFFFFF086  }
0x25: {  	[simem:s6], [sflag:s4] =	dma.local [hbm:s3], $0xF7A  }
0x26: {  	[smem:$0x3F95] =	sst s1;
	(tag) =	ssettag s2;
	_ =	strace s9  }
0x27: {  	s1 =	sld [smem:$0x3FA5]  }
0x28: {  	s2 =	sld [smem:$0x3FA6]  }
0x29: {  	s4 =	sld [smem:$0x3FA8]  }
0x2a: {  	p0 =	seq.s32 s5, $0x0;
	s5 =	sld [smem:$0x3FA9]  }
0x2b: {  	s6 =	sld [smem:$0x3FAA]  }
0x2c: {  	s7 =	sld [smem:$0x3FAB]  }
0x2d: {  	s3 =	simm.s32 $0x108;
	s8 =	sld [smem:$0x3FAC]  }
0x2e: {  	s3 =	simm.s32 @!p0 $0x1082;
	s9 =	sld [smem:$0x3FAD]  }
0x2f: {  	lr =	sadd.s32 s0, s3;
	s0 =	sld [smem:$0x3FA4]  }
0x30: {  	s3 =	sld [smem:$0x3FA7]  }
0x31: {  	[smem:$0x3FB0] =	sst s10  }
0x32: {  	s10 =	sld [smem:$0x3FAE];
	_ =	sdelay $0x3  }
0x33: {  	p0 =	seq.s32 s10, $0x1;
	s10 =	sld [smem:$0x3FB0];
	_ =	sdelay $0x3  }
0x34: {  	[smem:$0x3FB0] =	sst s10  }
0x35: {  	s10 =	sld [smem:$0x3FAF];
	_ =	sdelay $0x3  }
0x36: {  	p1 =	seq.s32 s10, $0x1;
	s10 =	sld [smem:$0x3FB0];
	_ =	sdelay $0x3  }
0x37: {  	[smem:$0x3FB0] =	sst s10  }
0x38: {  	s10 =	sld [smem:$0x3FB1]  }
0x39: {  	_ = 	snop;
	(pc) =	sbr.ind lr, $3  }
0x3a: {  	_ = 	snop  }
0x3b: {  	_ = 	snop  }
0x3c: {  	p2 =	seq.s32 s10, $0x1;
	s10 =	sld [smem:$0x3FB0]  }
0x3d: {  	_ =	shalt  }
0x3e: {  	_ =	shalt  }
0x3f: {  	_ =	shalt  }
0x40: {  	_ =	shalt  }
0x41: {  	_ =	shalt  }
0x42: {  	_ =	shalt  }
0x43: {  	_ =	shalt  }
0x44: {  	_ =	shalt  }
0x45: {  	_ =	shalt  }
0x46: {  	_ =	shalt  }
0x47: {  	_ =	shalt  }
0x48: {  	_ =	shalt  }
0x49: {  	_ =	shalt  }
0x4a: {  	_ =	shalt  }
0x4b: {  	_ =	shalt  }
0x4c: {  	_ =	shalt  }
0x4d: {  	_ =	shalt  }
0x4e: {  	_ =	shalt  }
0x4f: {  	_ =	shalt  }
0x50: {  	_ =	shalt  }
0x51: {  	_ =	shalt  }
0x52: {  	_ =	shalt  }
0x53: {  	_ =	shalt  }
0x54: {  	_ =	shalt  }
0x55: {  	_ =	shalt  }
0x56: {  	_ =	shalt  }
0x57: {  	_ =	shalt  }
0x58: {  	_ =	shalt  }
0x59: {  	_ =	shalt  }
0x5a: {  	_ =	shalt  }
0x5b: {  	_ =	shalt  }
0x5c: {  	_ =	shalt  }
0x5d: {  	_ =	shalt  }
0x5e: {  	_ =	shalt  }
0x5f: {  	_ =	shalt  }
0x60: {  	_ =	shalt  }
0x61: {  	_ =	shalt  }
0x62: {  	_ =	shalt  }
0x63: {  	_ =	shalt  }
0x64: {  	_ =	shalt  }
0x65: {  	_ =	shalt  }
0x66: {  	_ =	shalt  }
0x67: {  	_ =	shalt  }
0x68: {  	_ =	shalt  }
0x69: {  	_ =	shalt  }
0x6a: {  	_ =	shalt  }
0x6b: {  	_ =	shalt  }
0x6c: {  	_ =	shalt  }
0x6d: {  	_ =	shalt  }
0x6e: {  	_ =	shalt  }
0x6f: {  	_ =	shalt  }
0x70: {  	_ =	shalt  }
0x71: {  	_ =	shalt  }
0x72: {  	_ =	shalt  }
0x73: {  	_ =	shalt  }
0x74: {  	_ =	shalt  }
0x75: {  	_ =	shalt  }
0x76: {  	_ =	shalt  }
0x77: {  	_ =	shalt  }
0x78: {  	_ =	shalt  }
0x79: {  	_ =	shalt  }
0x7a: {  	_ =	shalt  }
0x7b: {  	_ =	shalt  }
0x7c: {  	_ =	shalt  }
0x7d: {  	_ =	shalt  }
0x7e: {  	_ =	shalt  }
0x7f: {  	_ =	shalt  }
0x80: {  	_ =	shalt  }
0x81: {  	_ =	shalt  }
0x82: {  	_ =	shalt  }
0x83: {  	_ =	shalt  }
0x84: {  	_ =	shalt  }
0x85: {  	_ =	shalt  }
0x86: {  	_ =	shalt  }
0x87: {  	_ =	shalt  }
.Lfunc_end0:
.L_simem_size_0:
called_computation_lowered:
.L_overlay_start_0:
0x88: {  	s2 =	sld [smem:$0x3FD9]  }
0x89: {  	s3 =	sld [smem:$0x3FFE];
	_ =	sdelay $0x1  }
0x8a: {  	s1 =	srdreg.scid  }
0x8b: {  	s0 =	sand.u32 $0x1, s1  }
0x8c: {  	s17 =	sshll.u32 s0, $0xA;
	s2 =	sadd.s32 s3, s2  }
0x8d: {  	s2 =	sadd.s32 s2, s17  }
0x8e: {  	[smem:$0x3FBC] =	sst s2  }
0x8f: {  	_ = 	snop  }
0x90: {  	s2 =	sld [smem:$0x3FC9];
	(tm) =	ssettm $0x1  }
0x91: {  	s18 =	sld [smem:$0x3FFB];
	_ =	sdelay $0x3  }
0x92: {  	_ =	strace s18  }
0x93: {  	s3 =	sld [smem:$0x3FFC];
	_ =	sdelay $0x3  }
0x94: {  	_ =	strace s3  }
0x95: {  	s3 =	sld [smem:$0x3FFD];
	_ =	sdelay $0x3  }
0x96: {  	_ =	strace s3  }
0x97: {  	_ =	strace $0x8FFFFFFF  }
0x98: {  	s19 =	sld [smem:$0x3FDB];
	_ =	sdelay $0x1  }
0x99: {  	s4 =	simm.s32 $_scs_section_size  }
0x9a: {  	s5 =	simm.s32 $_size__tile_overlayer_lowered;
	s6 =	simm.s32 $_tile_overlayer_lowered  }
0x9b: {  	s22 =	simm.s32 $0x1BFF;
	s21 =	sshll.u32 s6, $0x1;
	s3 =	sadd.s32 s4, s19  }
0x9c: {  	s7 =	simm.s32 $0x0;
	s20 =	sshll.u32 s5, $0x1;
	s5 =	sadd.s32 s21, s3  }
0x9d: {  	[timem:s7], [sflag:s22] =	dma.local [hbm:s5], s20  }
0x9e: {  	_ =	swait.ge [sflag:s22], s20  }
0x9f: {  	s4 =	ssub.s32 $0x0, s20;
	[sflag:s22] =	ssyncset.done $0x0  }
0xa0: {  	[sflag:s22] =	ssyncadd.s32 s4;
	_ =	sdelay $0x1  }
0xa1: {  	s23 =	simm.s32 $0x1B8B  }
0xa2: {  	_ =	swait.ge [sflag:s23], $0x1  }
0xa3: {  	[sflag:s23] =	ssyncset.done $0x0  }
0xa4: {  	s25 =	simm.s32 $0x1B8E;
	s24 =	sld [smem:$0x3FFE];
	[sflag:s23] =	ssyncadd.s32 $0xFFFFFFFF  }
0xa5: {  	s26 =	simm.s32 $execute0_lowered;
	[smem:$0x3FD2] =	sst s25  }
0xa6: {  	s5 =	sshll.u32 s26, $0x1;
	_ =	strace $0x80000046;
	[dreg:$0x1] =	wrdreg $0xFFFFFFFF  }
0xa7: {  	s28 =	simm.s32 $_size_execute0_lowered;
	s3 =	sadd.s32 s3, s5;
	[dreg:$0x0] =	wrdreg $0x0  }
0xa8: {  	s5 =	sshll.u32 s28, $0x1;
	[dreg:$0x2] =	wrdreg s3  }
0xa9: {  	[dreg:$0x3] =	wrdreg s5  }
0xaa: {  	[dreg:$0x4] =	wrdreg $0xC0  }
0xab: {  	_ =	task [dreg:s7], $0x5FFFF  }
0xac: {  	[dreg:$0x1] =	wrdreg $0xFFFFFFFF  }
0xad: {  	[dreg:$0x0] =	wrdreg $0x60  }
0xae: {  	[dreg:$0x2] =	wrdreg s2  }
0xaf: {  	[dreg:$0x3] =	wrdreg s24  }
0xb0: {  	[dreg:$0x4] =	wrdreg $0xC6000  }
0xb1: {  	[dreg:$0x5] =	wrdreg $0x9  }
0xb2: {  	_ =	task.clear_ibuf [dreg:s7], $0x6FFFF;
	_ =	strace $0x90000046  }
0xb3: {  	s29 =	simm.s32 $0x9;
	_ =	strace $0x80000048  }
0xb4: {  	_ =	swait.ge [sflag:s29], $0x1  }
0xb5: {  	[sflag:s29] =	ssyncadd.s32 $0xFFFFFFFF  }
0xb6: {  	_ =	strace $0x90000048  }
0xb7: {  	_ =	sfence  }
0xb8: {  	s30 =	sld [smem:$0x0];
	_ =	sdelay $0x2  }
0xb9: {  	s31 =	sshll.u32 s1, $0xD;
	s1 =	sshrl.u32 s1, $0x2  }
0xba: {  	s3 =	sand.u32 $0x4000, s31;
	s1 =	sadd.s32 s1, s30  }
0xbb: {  	s0 =	sor.u32 s3, s0;
	s1 =	sshll.u32 s1, $0x11  }
0xbc: {  	s0 =	sor.u32 s1, s0  }
0xbd: {  	s0 =	sadd.s32 $0x8F2B, s0  }
0xbe: {  	[sflag:s0] =	ssyncadd.remote.s32 $0x1  }
0xbf: {  	_ =	sfence.sel $0xFFFF  }
0xc0: {  	[dreg:$0x0] =	wrdreg $0xFFFFFFFF;
	(pc) =	sbr.abs _section_cstart, $3  }
0xc1: {  	[dreg:$0x1] =	wrdreg $0xFFFFFFFF  }
0xc2: {  	_ =	task.clear_ibuf [dreg:s7], $0x2FFFF;
	_ =	strace $0x9FFFFFFF  }
0xc3: {  	(tm) =	ssettm $0x7FFFFFFF  }
tec
execute0_lowered:
.L_overlay_start_1:
0x0: {  	(tag) =	ssettag $0x1  }
0x1: {  	s1 =	rddreg [dreg:$0x0]  }
0x2: {  	s0 =	rddreg [dreg:$0x1]  }
0x3: {  	s2 =	rddreg [dreg:$0x2];
	s3 =	srdreg.scid;
	s4 =	simm.s32 $0x0  }
0x4: {  	s14 =	stileid.u32;
	s28 =	simm.s32 $0x2700;
	s29 =	simm.s32 $0x30  }
0x5: {  	s30 =	simm.s32 $0x2900;
	s31 =	simm.s32 $0x38;
	s3 =	sand.u32 $0x1, s3  }
0x6: {  	[smem:$0x7FF] =	sst s4;
	s9 =	sadd.s32 $0x2800, s0;
	s10 =	smul.u32 $0x4E000, s14  }
0x7: {  	s0 =	sadd.s32 $0x16200, s0;
	s24 =	sshll.u32 s14, $0x3;
	s25 =	sadd.s32 $0x138000, s2  }
0x8: {  	p1 =	sne.s32 s14, $0xF;
	s5 =	sshll.u32 s3, $0x4;
	s12 =	smul.u32 $0x138800, s3  }
0x9: {  	_ =	strace $0x80000047;
	s6 =	ssub.s32 $0x2, s3;
	s13 =	smul.u32 $0x27100, s3  }
0xa: {  	s3 =	smul.u32 $0x27000, s3;
	[dreg:$0xd] =	wrdreg s25;
	s5 =	sor.u32 s14, s5  }
0xb: {  	s7 =	sshrl.u32 s6, $0x1;
	s10 =	sshrl.u32 s10, $0x2;
	s8 =	smul.u32 $0x2700, s5  }
0xc: {  	s6 =	ssub.s32 s6, s7;
	s23 =	sadd.s32 s10, s2;
	s10 =	smul.u32 $0x2700, s14  }
0xd: {  	s12 =	sshrl.u32 s12, $0x3;
	s18 =	sadd.s32 $0x3400, s23;
	[dreg:$0x6] =	wrdreg s23  }
0xe: {  	p0 =	sgt.u32 s5, $0x7;
	s19 =	sadd.s32 $0x6800, s23;
	[dreg:$0x8] =	wrdreg s18  }
0xf: {  	s5 =	simm.s32 $0x4;
	s20 =	sadd.s32 $0x9C00, s23;
	[dreg:$0x9] =	wrdreg s19  }
0x10: {  	s21 =	sadd.s32 $0xD000, s23;
	s22 =	sadd.s32 $0x10400, s23;
	[dreg:$0xa] =	wrdreg s20  }
0x11: {  	s6 =	smax.u32 s6, $0x1;
	s15 =	sshrl.u32 s8, $0x3;
	[dreg:$0xb] =	wrdreg s21  }
0x12: {  	s16 =	sadd.s32 $0x4E268, s8;
	[dreg:$0xc] =	wrdreg s22;
	s18 =	sadd.s32 $0x4E338, s8  }
0x13: {  	[dreg:$0x12] =	wrdreg s6;
	s3 =	sadd.s32 s10, s3;
	s8 =	simm.s32 $0x5D00  }
0x14: {  	s15 =	sadd.s32 s9, s15;
	s17 =	sshrl.u32 s16, $0x3;
	s16 =	sadd.s32 s10, s13  }
0x15: {  	s19 =	sadd.s32 $0x4E470, s3;
	s20 =	sadd.s32 $0x4E4D8, s3;
	s3 =	sadd.s32 $0x4E408, s3  }
0x16: {  	s10 =	simm.s32 $0x9100;
	s13 =	simm.s32 $0x5;
	s11 =	sadd.s32 $0x9C40, s15  }
0x17: {  	s7 =	sadd.s32 s9, s17;
	s6 =	sshrl.u32 s20, $0x3;
	[dreg:$0x4] =	wrdreg s15  }
0x18: {  	s22 =	sshrl.u32 s3, $0x3;
	s3 =	simm.s32 $0x2780;
	[dreg:$0x5] =	wrdreg s11  }
0x19: {  	s20 =	simm.s32 $0x7;
	[dreg:$0x7] =	wrdreg s7;
	s21 =	sadd.s32 s6, s9  }
0x1a: {  	s11 =	sadd.s32 s24, s9;
	s24 =	sadd.s32 $0x9C5A, s15;
	[dreg:$0x15] =	wrdreg s21  }
0x1b: {  	s6 =	simm.s32 $0x68;
	s26 =	sadd.s32 $0x9C00, s11;
	[dreg:$0x17] =	wrdreg s24  }
0x1c: {  	s11 =	sadd.s32 $0x13840, s11;
	s21 =	simm.s32 $0x9;
	[dreg:$0xe] =	wrdreg s26  }
0x1d: {  	s24 =	simm.s32 $0x0;
	[dreg:$0xf] =	wrdreg s11;
	s11 =	sadd.s32 s0, s12  }
0x1e: {  	s0 =	sadd.s32 s0, s16;
	s26 =	sadd.s32 $0x9C74, s15;
	s12 =	simm.s32 $0x2  }
0x1f: {  	s15 =	simm.s32 $0x2800;
	s16 =	simm.s32 $0xA900;
	[dreg:$0x10] =	wrdreg s0  }
0x20: {  	s17 =	sadd.s32 $0x27000, s11;
	s0 =	sshrl.u32 s18, $0x3;
	[dreg:$0x18] =	wrdreg s26  }
.Ltmp0:
0x21: {  	s11 =	simm.s32 $0xA;
	s0 =	sadd.s32 s9, s0;
	(pc) =	sbr.rel .LBB2_1-.Ltmp0, $4  }
0x22: {  	s18 =	simm.s32 $0x6;
	[dreg:$0x13] =	wrdreg s0;
	s0 =	sshrl.u32 s19, $0x3  }
0x23: {  	[dreg:$0x11] =	wrdreg s17;
	s17 =	simm.s32 $0x3;
	s0 =	sadd.s32 s0, s9  }
0x24: {  	s19 =	simm.s32 $0x8;
	[dreg:$0x14] =	wrdreg s0;
	s0 =	sadd.s32 s22, s9  }
0x25: {  	v0 =	vimm.f32 $0.0e+00;
	s9 =	simm.s32 $0x7500;
	[dreg:$0x16] =	wrdreg s0;
	s0 =	simm.s32 $0x4100  }
.LBB2_6:
0x26: {  	_ =	swait.ge [sflag:s5], $0x3400  }
0x27: {  	[sflag:s5] =	ssyncset.done $0x0  }
0x28: {  	[sflag:s5] =	ssyncadd.s32 $0xFFFFCC00  }
0x29: {  	_ =	swait.ge [sflag:s20], $0x68  }
0x2a: {  	[sflag:s20] =	ssyncset.done $0x0  }
0x2b: {  	[sflag:s20] =	ssyncadd.s32 $0xFFFFFF98  }
0x2c: {  	[spmem:s2] =	stream.indirect.scatter.add.f32 [tilespmem:s10], [sflag:$0xA], $0x80, s15, s6, $0xb8;
	[tilespmem:$0x1FE80] =	vst v63  }
0x2d: {  	_ =	swait.ge [sflag:s21], $0x3400  }
0x2e: {  	[sflag:s21] =	ssyncset.done $0x0  }
0x2f: {  	[sflag:s21] =	ssyncadd.s32 $0xFFFFCC00  }
0x30: {  	_ =	swait.ge [sflag:s11], $0x3400  }
0x31: {  	s7 =	simm.s32 @!p0 $0x0;
	[sflag:s11] =	ssyncset.done $0x0  }
0x32: {  	s14 =	simm.s32 @!p0 $0xC500;
	s22 =	rddreg [dreg:$0xe];
	[sflag:s11] =	ssyncadd.s32 $0xFFFFCC00  }
0x33: {  	[tilespmem:s14], [sflag:$0xB] =	stream.linear.gather @!p0 [hbm4b:s22+s7], $0x40, $0x38;
	[tilespmem:$0x1FE80] =	vst v63  }
0x34: {  	s22 =	simm.s32 @!p0 $0xB  }
0x35: {  	_ =	swait.ge @!p0 [sflag:s22], $0x40  }
0x36: {  	[sflag:s22] =	ssyncset.done @!p0 $0x0  }
0x37: {  	s23 =	simm.s32 @!p0 $0xC580;
	s25 =	rddreg [dreg:$0xf];
	[sflag:s22] =	ssyncadd.s32 @!p0 $0xFFFFFFC0  }
0x38: {  	[tilespmem:s23], [sflag:$0xB] =	stream.linear.gather @!p0 [hbm4b:s25+s7], $0x40, $0x38;
	[tilespmem:$0x1FE80] =	vst v63  }
0x39: {  	_ =	swait.ge @!p0 [sflag:s22], $0x40  }
0x3a: {  	[sflag:s22] =	ssyncset.done @!p0 $0x0  }
0x3b: {  	s7 =	simm.s32 @!p0 $0x40;
	s25 =	simm.s32 @!p0 $0x2900;
	[sflag:s22] =	ssyncadd.s32 @!p0 $0xFFFFFFC0  }
0x3c: {  	[tilespmem:s25], [sflag:$0x2] =	stream.indirect.gather @!p0 [hbm4b:s1+s7], $0x80, s14, s7, $0xb8;
	[tilespmem:$0x1FE80] =	vst v63  }
0x3d: {  	s14 =	simm.s32 @!p0 $0x2  }
0x3e: {  	_ =	swait.ge @!p0 [sflag:s14], $0x2000  }
0x3f: {  	[sflag:s14] =	ssyncset.done @!p0 $0x0  }
0x40: {  	[sflag:s14] =	ssyncadd.s32 @!p0 $0xFFFFE000  }
0x41: {  	[spmem:s2] =	stream.indirect.scatter.add.f32 @!p0 [tilespmem:s25], [sflag:$0xB], $0x80, s23, s7, $0xb8;
	[tilespmem:$0x1FE80] =	vst v63  }
0x42: {  	_ =	swait.ge @!p0 [sflag:s22], $0x2000  }
0x43: {  	[sflag:s22] =	ssyncset.done @!p0 $0x0  }
0x44: {  	[sflag:s22] =	ssyncadd.s32 @!p0 $0xFFFFE000  }
0x45: {  	s23 =	stileid.u32;
	[bflag:$0x0] =	sbarrier.arrive $0xFFFF  }
0x46: {  	s7 =	sshll.u32 s23, $0x6;
	s23 =	rddreg [dreg:$0x6]  }
0x47: {  	s7 =	sor.u32 $0x1C0B, s7;
	s26 =	rddreg [dreg:$0x10];
	s25 =	sshrl.u32 s23, $0x3  }
0x48: {  	[hbm:s26], [sflag:s7] =	dma.local [spmem:s25], $0x2700  }
0x49: {  	s25 =	simm.s32 $0xB  }
0x4a: {  	_ =	swait.ge [sflag:s25], $0x2700  }
0x4b: {  	[sflag:s25] =	ssyncset.done $0x0  }
0x4c: {  	[sflag:s25] =	ssyncadd.s32 $0xFFFFD900;
	s25 =	rddreg [dreg:$0xd]  }
0x4d: {  	s22 =	rddreg [dreg:$0x11];
	s14 =	sshrl.u32 @!p1 s25, $0x3  }
0x4e: {  	[hbm:s22], [sflag:s7] =	dma.local @!p1 [spmem:s14], $0x100  }
0x4f: {  	s7 =	simm.s32 @!p1 $0xB  }
0x50: {  	_ =	swait.ge @!p1 [sflag:s7], $0x100  }
0x51: {  	s24 =	sadd.s32 $0x1, s24;
	s26 =	rddreg [dreg:$0x12]  }
0x52: {  	p2 =	sne.s32 s24, s26  }
.Ltmp1:
0x53: {  	_ = 	snop;
	(pc) =	sbr.rel @!p2 .LBB2_7-.Ltmp1, $3  }
0x54: {  	_ =	sdelay $0x1  }
0x55: {  	[sflag:s7] =	ssyncset.done @!p1 $0x0  }
0x56: {  	[sflag:s7] =	ssyncadd.s32 @!p1 $0xFFFFFF00  }
.LBB2_1:
0x57: {  	s7 =	rddreg [dreg:$0x4];
	s14 =	simm.s32 $0x0;
	s22 =	simm.s32 $0x200  }
0x58: {  	[tilespmem:s4], [sflag:$0x1] =	stream.linear.gather [hbm4b:s7+s4], $0x2700, $0x38;
	[tilespmem:$0x1FE80] =	vst v63  }
.LBB2_2:
0x59: {  	p2 =	sne.s32 s22, $0xCE00;
	[tilespmem:s14+$0x9170] =	vst v0  }
0x5a: {  	[tilespmem:s14+$0x9100] =	vst v0  }
0x5b: {  	[tilespmem:s14+$0x9110] =	vst v0  }
.Ltmp2:
0x5c: {  	[tilespmem:s14+$0x9120] =	vst v0;
	(pc) =	sbr.rel @p2 .LBB2_2-.Ltmp2, $4  }
0x5d: {  	[tilespmem:s14+$0x9130] =	vst v0  }
0x5e: {  	[tilespmem:s14+$0x9140] =	vst v0  }
0x5f: {  	[tilespmem:s14+$0x9150] =	vst v0  }
0x60: {  	[tilespmem:s14+$0x9160] =	vst v0;
	s14 =	sshra.s32 s22, $0x2;
	s22 =	sadd.s32 $0x200, s22  }
0x61: {  	[tilespmem:s14+$0x9170] =	vst v0  }
0x62: {  	[tilespmem:s14+$0x9100] =	vst v0  }
0x63: {  	[tilespmem:s14+$0x9110] =	vst v0  }
0x64: {  	[tilespmem:s14+$0x9120] =	vst v0  }
0x65: {  	[tilespmem:s14+$0x9130] =	vst v0  }
0x66: {  	[tilespmem:s14+$0x9140] =	vst v0  }
0x67: {  	[tilespmem:s14+$0x9150] =	vst v0  }
0x68: {  	[tilespmem:s14+$0x9160] =	vst v0;
	s7 =	simm.s32 $0x1  }
0x69: {  	_ =	swait.ge [sflag:s7], $0x2700  }
0x6a: {  	[sflag:s7] =	ssyncset.done $0x0  }
0x6b: {  	s26 =	rddreg [dreg:$0x5];
	[sflag:s7] =	ssyncadd.s32 $0xFFFFD900  }
0x6c: {  	[tilespmem:s28], [sflag:$0x5] =	stream.linear.gather [hbm4b:s26+s4], $0x68, $0x38;
	[tilespmem:$0x1FE80] =	vst v63  }
0x6d: {  	_ = 	snop  }
0x6e: {  	[tilespmem:s30], [sflag:$0x2] =	stream.indirect.gather [hbm4b:s1+s29], $0x80, s4, s29, $0xb8;
	[tilespmem:$0x1FE80] =	vst v63  }
0x6f: {  	_ = 	snop  }
0x70: {  	[tilespmem:s0], [sflag:$0x2] =	stream.indirect.gather [hbm4b:s1+s31], $0x80, s29, s31, $0xb8;
	[tilespmem:$0x1FE80] =	vst v63  }
0x71: {  	s14 =	rddreg [dreg:$0x7]  }
0x72: {  	[tilespmem:s3], [sflag:$0x6] =	stream.linear.gather [hbm4b:s14+s4], $0x68, $0x38;
	[tilespmem:$0x1FE80] =	vst v63  }
0x73: {  	_ = 	snop  }
0x74: {  	[tilespmem:s8], [sflag:$0x3] =	stream.indirect.gather [hbm4b:s1+s29], $0x80, s6, s29, $0xb8;
	[tilespmem:$0x1FE80] =	vst v63  }
0x75: {  	s22 =	simm.s32 $0x98  }
0x76: {  	[tilespmem:s9], [sflag:$0x3] =	stream.indirect.gather [hbm4b:s1+s31], $0x80, s22, s31, $0xb8;
	[tilespmem:$0x1FE80] =	vst v63  }
0x77: {  	_ = 	snop  }
0x78: {  	[spmem:s23] =	stream.linear.scatter [tilespmem:s10], [sflag:$0xA], $0x3400, $0x38;
	[tilespmem:$0x1FE80] =	vst v63  }
0x79: {  	s23 =	rddreg [dreg:$0x8]  }
0x7a: {  	[spmem:s23] =	stream.linear.scatter [tilespmem:s10], [sflag:$0xA], $0x3400, $0x38;
	[tilespmem:$0x1FE80] =	vst v63  }
0x7b: {  	s26 =	rddreg [dreg:$0x9]  }
0x7c: {  	[spmem:s26] =	stream.linear.scatter [tilespmem:s10], [sflag:$0xA], $0x3400, $0x38;
	[tilespmem:$0x1FE80] =	vst v63  }
0x7d: {  	s14 =	rddreg [dreg:$0xa]  }
0x7e: {  	[spmem:s14] =	stream.linear.scatter [tilespmem:s10], [sflag:$0xA], $0x3400, $0x38;
	[tilespmem:$0x1FE80] =	vst v63  }
0x7f: {  	s22 =	rddreg [dreg:$0xb]  }
0x80: {  	[spmem:s22] =	stream.linear.scatter [tilespmem:s10], [sflag:$0xA], $0x3400, $0x38;
	[tilespmem:$0x1FE80] =	vst v63  }
0x81: {  	s23 =	rddreg [dreg:$0xc]  }
0x82: {  	[spmem:s23] =	stream.linear.scatter [tilespmem:s10], [sflag:$0xA], $0x3400, $0x38;
	[tilespmem:$0x1FE80] =	vst v63  }
0x83: {  	s14 =	simm.s32 @!p1 $0x9100  }
0x84: {  	[spmem:s25] =	stream.linear.scatter @!p1 [tilespmem:s14], [sflag:$0xA], $0x800, $0x38;
	[tilespmem:$0x1FE80] =	vst v63  }
0x85: {  	_ =	swait.ge [sflag:s11], $0x3400  }
0x86: {  	[sflag:s11] =	ssyncset.done $0x0  }
0x87: {  	[sflag:s11] =	ssyncadd.s32 $0xFFFFCC00  }
0x88: {  	_ =	swait.ge [sflag:s11], $0x3400  }
0x89: {  	[sflag:s11] =	ssyncset.done $0x0  }
0x8a: {  	[sflag:s11] =	ssyncadd.s32 $0xFFFFCC00  }
0x8b: {  	_ =	swait.ge [sflag:s11], $0x3400  }
0x8c: {  	[sflag:s11] =	ssyncset.done $0x0  }
0x8d: {  	[sflag:s11] =	ssyncadd.s32 $0xFFFFCC00  }
0x8e: {  	_ =	swait.ge [sflag:s11], $0x3400  }
0x8f: {  	[sflag:s11] =	ssyncset.done $0x0  }
0x90: {  	[sflag:s11] =	ssyncadd.s32 $0xFFFFCC00  }
0x91: {  	_ =	swait.ge [sflag:s11], $0x3400  }
0x92: {  	[sflag:s11] =	ssyncset.done $0x0  }
0x93: {  	[sflag:s11] =	ssyncadd.s32 $0xFFFFCC00  }
0x94: {  	_ =	swait.ge [sflag:s11], $0x3400  }
0x95: {  	[sflag:s11] =	ssyncset.done $0x0  }
0x96: {  	s14 =	simm.s32 @!p1 $0xA;
	[sflag:s11] =	ssyncadd.s32 $0xFFFFCC00  }
0x97: {  	_ =	swait.ge @!p1 [sflag:s14], $0x800  }
0x98: {  	[sflag:s14] =	ssyncset.done @!p1 $0x0  }
0x99: {  	[sflag:s14] =	ssyncadd.s32 @!p1 $0xFFFFF800  }
0x9a: {  	[bflag:$0x0] =	sbarrier.arrive $0xFFFF  }
0x9b: {  	_ =	swait.ge [sflag:s12], $0x3400  }
0x9c: {  	[sflag:s12] =	ssyncset.done $0x0  }
0x9d: {  	[sflag:s12] =	ssyncadd.s32 $0xFFFFCC00  }
0x9e: {  	_ =	swait.ge [sflag:s13], $0x68  }
0x9f: {  	[sflag:s13] =	ssyncset.done $0x0  }
0xa0: {  	[sflag:s13] =	ssyncadd.s32 $0xFFFFFF98  }
0xa1: {  	[spmem:s2] =	stream.indirect.scatter.add.f32 [tilespmem:s30], [sflag:$0x8], $0x80, s28, s6, $0xb8;
	[tilespmem:$0x1FE80] =	vst v63  }
0xa2: {  	s23 =	simm.s32 $0x0;
	s26 =	rddreg [dreg:$0x17]  }
0xa3: {  	[tilespmem:s15], [sflag:$0x7] =	stream.linear.gather [hbm4b:s26+s23], $0x68, $0x38;
	[tilespmem:$0x1FE80] =	vst v63  }
0xa4: {  	s14 =	simm.s32 $0xD0  }
0xa5: {  	[tilespmem:s10], [sflag:$0x4] =	stream.indirect.gather [hbm4b:s1+s29], $0x80, s14, s29, $0xb8;
	[tilespmem:$0x1FE80] =	vst v63  }
0xa6: {  	s22 =	simm.s32 $0x100  }
0xa7: {  	[tilespmem:s16], [sflag:$0x4] =	stream.indirect.gather [hbm4b:s1+s31], $0x80, s22, s31, $0xb8;
	[tilespmem:$0x1FE80] =	vst v63  }
0xa8: {  	_ =	swait.ge [sflag:s17], $0x3400  }
0xa9: {  	[sflag:s17] =	ssyncset.done $0x0  }
0xaa: {  	[sflag:s17] =	ssyncadd.s32 $0xFFFFCC00  }
0xab: {  	_ =	swait.ge [sflag:s18], $0x68  }
0xac: {  	[sflag:s18] =	ssyncset.done $0x0  }
0xad: {  	[sflag:s18] =	ssyncadd.s32 $0xFFFFFF98  }
0xae: {  	[spmem:s2] =	stream.indirect.scatter.add.f32 [tilespmem:s8], [sflag:$0x9], $0x80, s3, s6, $0xb8;
	[tilespmem:$0x1FE80] =	vst v63  }
0xaf: {  	_ =	swait.ge [sflag:s19], $0x3400  }
0xb0: {  	[sflag:s19] =	ssyncset.done $0x0  }
0xb1: {  	s25 =	rddreg [dreg:$0x13];
	[sflag:s19] =	ssyncadd.s32 $0xFFFFCC00  }
0xb2: {  	[tilespmem:s28], [sflag:$0x5] =	stream.linear.gather [hbm4b:s25+s23], $0x68, $0x38;
	[tilespmem:$0x1FE80] =	vst v63  }
0xb3: {  	s26 =	simm.s32 $0x138  }
0xb4: {  	[tilespmem:s30], [sflag:$0x2] =	stream.indirect.gather [hbm4b:s1+s29], $0x80, s26, s29, $0xb8;
	[tilespmem:$0x1FE80] =	vst v63  }
0xb5: {  	s14 =	simm.s32 $0x168  }
0xb6: {  	[tilespmem:s0], [sflag:$0x2] =	stream.indirect.gather [hbm4b:s1+s31], $0x80, s14, s31, $0xb8;
	[tilespmem:$0x1FE80] =	vst v63  }
0xb7: {  	_ =	swait.ge [sflag:s5], $0x3400  }
0xb8: {  	[sflag:s5] =	ssyncset.done $0x0  }
0xb9: {  	[sflag:s5] =	ssyncadd.s32 $0xFFFFCC00  }
0xba: {  	_ =	swait.ge [sflag:s20], $0x68  }
0xbb: {  	[sflag:s20] =	ssyncset.done $0x0  }
0xbc: {  	[sflag:s20] =	ssyncadd.s32 $0xFFFFFF98  }
0xbd: {  	[spmem:s2] =	stream.indirect.scatter.add.f32 [tilespmem:s10], [sflag:$0xA], $0x80, s15, s6, $0xb8;
	[tilespmem:$0x1FE80] =	vst v63  }
0xbe: {  	_ =	swait.ge [sflag:s21], $0x3400  }
0xbf: {  	[sflag:s21] =	ssyncset.done $0x0  }
0xc0: {  	s22 =	rddreg [dreg:$0x18];
	[sflag:s21] =	ssyncadd.s32 $0xFFFFCC00  }
0xc1: {  	[tilespmem:s3], [sflag:$0x6] =	stream.linear.gather [hbm4b:s22+s23], $0x68, $0x38;
	[tilespmem:$0x1FE80] =	vst v63  }
0xc2: {  	s25 =	simm.s32 $0x1A0;
	s22 =	rddreg [dreg:$0x14]  }
0xc3: {  	[tilespmem:s8], [sflag:$0x3] =	stream.indirect.gather [hbm4b:s1+s29], $0x80, s25, s29, $0xb8;
	[tilespmem:$0x1FE80] =	vst v63  }
0xc4: {  	s26 =	simm.s32 $0x1D0;
	s25 =	rddreg [dreg:$0x16]  }
0xc5: {  	[tilespmem:s9], [sflag:$0x3] =	stream.indirect.gather [hbm4b:s1+s31], $0x80, s26, s31, $0xb8;
	[tilespmem:$0x1FE80] =	vst v63  }
0xc6: {  	s26 =	rddreg [dreg:$0x15]  }
.LBB2_4:
0xc7: {  	_ =	swait.ge [sflag:s12], $0x3400  }
0xc8: {  	[sflag:s12] =	ssyncset.done $0x0  }
0xc9: {  	[sflag:s12] =	ssyncadd.s32 $0xFFFFCC00  }
0xca: {  	_ =	swait.ge [sflag:s13], $0x68  }
0xcb: {  	[sflag:s13] =	ssyncset.done $0x0  }
0xcc: {  	[sflag:s13] =	ssyncadd.s32 $0xFFFFFF98  }
0xcd: {  	[spmem:s2] =	stream.indirect.scatter.add.f32 [tilespmem:s30], [sflag:$0x8], $0x80, s28, s6, $0xb8;
	[tilespmem:$0x1FE80] =	vst v63  }
0xce: {  	_ =	swait.ge [sflag:s11], $0x3400  }
0xcf: {  	[sflag:s11] =	ssyncset.done $0x0  }
0xd0: {  	s14 =	sshra.s32 s23, $0x2;
	[sflag:s11] =	ssyncadd.s32 $0xFFFFCC00  }
0xd1: {  	[tilespmem:s15], [sflag:$0x7] =	stream.linear.gather [hbm4b:s25+s4], $0x68, $0x38;
	[tilespmem:$0x1FE80] =	vst v63  }
0xd2: {  	s7 =	sadd.s32 $0x208, s14  }
0xd3: {  	[tilespmem:s10], [sflag:$0x4] =	stream.indirect.gather [hbm4b:s1+s29], $0x80, s7, s29, $0xb8;
	[tilespmem:$0x1FE80] =	vst v63  }
0xd4: {  	s7 =	sadd.s32 $0x238, s14  }
0xd5: {  	[tilespmem:s16], [sflag:$0x4] =	stream.indirect.gather [hbm4b:s1+s31], $0x80, s7, s31, $0xb8;
	[tilespmem:$0x1FE80] =	vst v63  }
0xd6: {  	_ =	swait.ge [sflag:s17], $0x3400  }
0xd7: {  	[sflag:s17] =	ssyncset.done $0x0  }
0xd8: {  	[sflag:s17] =	ssyncadd.s32 $0xFFFFCC00  }
0xd9: {  	_ =	swait.ge [sflag:s18], $0x68  }
0xda: {  	p2 =	seq.s32 s23, $0x9240;
	[sflag:s18] =	ssyncset.done $0x0  }
.Ltmp3:
0xdb: {  	[sflag:s18] =	ssyncadd.s32 $0xFFFFFF98;
	(pc) =	sbr.rel @p2 .LBB2_6-.Ltmp3, $4  }
0xdc: {  	[spmem:s2] =	stream.indirect.scatter.add.f32 [tilespmem:s8], [sflag:$0x9], $0x80, s3, s6, $0xb8;
	[tilespmem:$0x1FE80] =	vst v63  }
0xdd: {  	_ =	swait.ge [sflag:s19], $0x3400  }
0xde: {  	[sflag:s19] =	ssyncset.done $0x0  }
0xdf: {  	[sflag:s19] =	ssyncadd.s32 $0xFFFFCC00  }
0xe0: {  	[tilespmem:s28], [sflag:$0x5] =	stream.linear.gather [hbm4b:s22+s4], $0x68, $0x38;
	[tilespmem:$0x1FE80] =	vst v63  }
0xe1: {  	s7 =	sadd.s32 $0x270, s14  }
0xe2: {  	[tilespmem:s30], [sflag:$0x2] =	stream.indirect.gather [hbm4b:s1+s29], $0x80, s7, s29, $0xb8;
	[tilespmem:$0x1FE80] =	vst v63  }
0xe3: {  	s7 =	sadd.s32 $0x2A0, s14  }
0xe4: {  	[tilespmem:s0], [sflag:$0x2] =	stream.indirect.gather [hbm4b:s1+s31], $0x80, s7, s31, $0xb8;
	[tilespmem:$0x1FE80] =	vst v63  }
0xe5: {  	_ =	swait.ge [sflag:s5], $0x3400  }
0xe6: {  	[sflag:s5] =	ssyncset.done $0x0  }
0xe7: {  	[sflag:s5] =	ssyncadd.s32 $0xFFFFCC00  }
0xe8: {  	_ =	swait.ge [sflag:s20], $0x68  }
0xe9: {  	[sflag:s20] =	ssyncset.done $0x0  }
0xea: {  	[sflag:s20] =	ssyncadd.s32 $0xFFFFFF98  }
0xeb: {  	[spmem:s2] =	stream.indirect.scatter.add.f32 [tilespmem:s10], [sflag:$0xA], $0x80, s15, s6, $0xb8;
	[tilespmem:$0x1FE80] =	vst v63  }
0xec: {  	_ =	swait.ge [sflag:s21], $0x3400  }
0xed: {  	[sflag:s21] =	ssyncset.done $0x0  }
0xee: {  	[sflag:s21] =	ssyncadd.s32 $0xFFFFCC00  }
0xef: {  	[tilespmem:s3], [sflag:$0x6] =	stream.linear.gather [hbm4b:s26+s4], $0x68, $0x38;
	[tilespmem:$0x1FE80] =	vst v63  }
.Ltmp4:
0xf0: {  	_ = 	snop;
	(pc) =	sbr.rel .LBB2_4-.Ltmp4, $4  }
0xf1: {  	s23 =	sadd.s32 $0x4E0, s23;
	s22 =	sadd.s32 $0x27, s22;
	s7 =	sadd.s32 $0x2D8, s14  }
0xf2: {  	[tilespmem:s8], [sflag:$0x3] =	stream.indirect.gather [hbm4b:s1+s29], $0x80, s7, s29, $0xb8;
	[tilespmem:$0x1FE80] =	vst v63  }
0xf3: {  	s25 =	sadd.s32 $0x27, s25;
	s14 =	sadd.s32 $0x308, s14;
	s26 =	sadd.s32 $0x27, s26  }
0xf4: {  	[tilespmem:s9], [sflag:$0x3] =	stream.indirect.gather [hbm4b:s1+s31], $0x80, s14, s31, $0xb8;
	[tilespmem:$0x1FE80] =	vst v63  }
.LBB2_7:
0xf5: {  	_ =	sfence.sel $0x180000  }
0xf6: {  	[bflag:$0x0] =	sbarrier.arrive $0xFFFF  }
0xf7: {  	_ =	strace $0x90000047  }
0xf8: {  	s0 =	stileid.u32;
	[bflag:$0x2] =	sbarrier.arrive $0xFFFF  }
0xf9: {  	p0 =	sne.s32 s0, $0x0;
	s0 =	rddreg [dreg:$0x3]  }
0xfa: {  	s0 =	sadd.s32 @!p0 $0x100000, s0  }
0xfb: {  	[sflag:s0] =	ssyncadd.tile.s32 @!p0 $0x1;
	_ =	shalt  }
.Lfunc_end2:
_tile_overlayer_lowered:
.L_overlay_start_2:
0xfc: {  	(tag) =	ssettag $0x2  }
0xfd: {  	s0 =	rddreg [dreg:$0x0];
	s2 =	stileid.u32  }
0xfe: {  	s1 =	rddreg [dreg:$0x1];
	p0 =	sne.s32 s2, $0x0  }
0xff: {  	s3 =	rddreg [dreg:$0x2];
	[bflag:$0x3] =	sbarrier.arrive $0xFFFF;
	s2 =	simm.s32 @!p0 $0x1C0B  }
0x100: {  	[timem:s3], [sflag:s2] =	dma.local @!p0 [hbm:s0], s1  }
0x101: {  	s0 =	simm.s32 @!p0 $0xB  }
0x102: {  	_ =	swait.ge @!p0 [sflag:s0], s1  }
0x103: {  	s1 =	ssub.s32 @!p0 $0x0, s1;
	[sflag:s0] =	ssyncset.done @!p0 $0x0  }
0x104: {  	[sflag:s0] =	ssyncadd.s32 @!p0 s1  }
0x105: {  	[bflag:$0x3] =	sbarrier.arrive $0xFFFF  }
0x106: {  	_ =	shalt  }

// kernel: kernel.9.cloned.1.call-start
scs
__scs_entry_jumppad:
0x0: {  	(pc) =	sbr.rel $0x88, $3  }
0x1: {  	(tag) =	ssettag $0x0;
	lr =	simm.s32 $0x1  }
0x2: {  	[smem:$0x3F95] =	sst lr;
	_ =	strace $0xD0000000  }
0x3: {  	_ = 	snop  }
0x4: {  	_ = 	snop  }
0x5: {  	_ = 	snop  }
0x6: {  	_ = 	snop  }
0x7: {  	_ = 	snop  }
__scs_overlays_trampoline_lowered:
0x8: {  	[smem:$0x3FA4] =	sst s0  }
0x9: {  	[smem:$0x3FA5] =	sst s1  }
0xa: {  	[smem:$0x3FA6] =	sst s2  }
0xb: {  	[smem:$0x3FA7] =	sst s3  }
0xc: {  	[smem:$0x3FA8] =	sst s4  }
0xd: {  	[smem:$0x3FA9] =	sst s5  }
0xe: {  	[smem:$0x3FAA] =	sst s6  }
0xf: {  	[smem:$0x3FAB] =	sst s7  }
0x10: {  	[smem:$0x3FAC] =	sst s8  }
0x11: {  	[smem:$0x3FAD] =	sst s9;
	s0 =	simm.s32 @!p0 $0x0  }
0x12: {  	s1 =	sld [smem:$0x3F93];
	s0 =	simm.s32 @p0 $0x1  }
0x13: {  	[smem:$0x3FAE] =	sst s0;
	s0 =	simm.s32 @!p1 $0x0  }
0x14: {  	s2 =	sld [smem:$0x3F92];
	s0 =	simm.s32 @p1 $0x1  }
0x15: {  	[smem:$0x3FAF] =	sst s0;
	s0 =	simm.s32 @!p2 $0x0  }
0x16: {  	s3 =	sld [smem:$0x3FDB];
	s0 =	simm.s32 @p2 $0x1  }
0x17: {  	s4 =	simm.s32 $0x1BF5;
	[smem:$0x3FB1] =	sst s0  }
0x18: {  	s0 =	sld [smem:$0x3F94];
	_ =	swait.ge [sflag:s4], $0x0  }
0x19: {  	s7 =	sld [smem:$0x3F95]  }
0x1a: {  	s8 =	sadd.s32 $0xFFFFE003, lr  }
0x1b: {  	s9 =	sadd.s32 $0xFFFFFEF7, lr;
	s5 =	simm.s32 $0xFFFFFFFF;
	p2 =	slt.u32 s8, $0xFFFFF086  }
0x1c: {  	p1 =	slt.u32 s9, $0xF7A;
	s5 =	simm.s32 @!p2 $0x0  }
0x1d: {  	s5 =	simm.s32 @p1 $0x1;
	p0 =	seq.s32 s7, s2  }
0x1e: {  	s7 =	smul.u32 @!p0 $0xF7A, s2;
	p2 =	seq.s32 @!p0 s5, $0x0  }
0x1f: {  	s9 =	smul.u32 $0xF7A, s1;
	s8 =	simm.s32 @!p0 $0x1BF5;
	p2 =	por !p2, p0  }
0x20: {  	[sflag:s8] =	ssyncset.s32 @!p0 $0xFFFFF086;
	s6 =	sadd.s32 @!p0 s3, s7;
	s7 =	simm.s32 @!p0 $0x108  }
0x21: {  	s3 =	sadd.s32 s3, s9;
	s6 =	sadd.s32 @!p0 $0x88, s6;
	s7 =	simm.s32 @p2 $0x1082  }
0x22: {  	[simem:s7], [sflag:s8] =	dma.local @!p0 [hbm:s6], $0xF7A  }
0x23: {  	s9 =	sor.u32 $0xD0000000, s2;
	s6 =	simm.s32 $0x108;
	_ =	swait.ge @!p0 [sflag:s8], $0x0  }
0x24: {  	s3 =	sadd.s32 $0x88, s3;
	s6 =	simm.s32 @!p1 $0x1082;
	[sflag:s4] =	ssyncset.s32 $0xFFFFF086  }
0x25: {  	[simem:s6], [sflag:s4] =	dma.local [hbm:s3], $0xF7A  }
0x26: {  	[smem:$0x3F95] =	sst s1;
	(tag) =	ssettag s2;
	_ =	strace s9  }
0x27: {  	s1 =	sld [smem:$0x3FA5]  }
0x28: {  	s2 =	sld [smem:$0x3FA6]  }
0x29: {  	s4 =	sld [smem:$0x3FA8]  }
0x2a: {  	p0 =	seq.s32 s5, $0x0;
	s5 =	sld [smem:$0x3FA9]  }
0x2b: {  	s6 =	sld [smem:$0x3FAA]  }
0x2c: {  	s7 =	sld [smem:$0x3FAB]  }
0x2d: {  	s3 =	simm.s32 $0x108;
	s8 =	sld [smem:$0x3FAC]  }
0x2e: {  	s3 =	simm.s32 @!p0 $0x1082;
	s9 =	sld [smem:$0x3FAD]  }
0x2f: {  	lr =	sadd.s32 s0, s3;
	s0 =	sld [smem:$0x3FA4]  }
0x30: {  	s3 =	sld [smem:$0x3FA7]  }
0x31: {  	[smem:$0x3FB0] =	sst s10  }
0x32: {  	s10 =	sld [smem:$0x3FAE];
	_ =	sdelay $0x3  }
0x33: {  	p0 =	seq.s32 s10, $0x1;
	s10 =	sld [smem:$0x3FB0];
	_ =	sdelay $0x3  }
0x34: {  	[smem:$0x3FB0] =	sst s10  }
0x35: {  	s10 =	sld [smem:$0x3FAF];
	_ =	sdelay $0x3  }
0x36: {  	p1 =	seq.s32 s10, $0x1;
	s10 =	sld [smem:$0x3FB0];
	_ =	sdelay $0x3  }
0x37: {  	[smem:$0x3FB0] =	sst s10  }
0x38: {  	s10 =	sld [smem:$0x3FB1]  }
0x39: {  	_ = 	snop;
	(pc) =	sbr.ind lr, $3  }
0x3a: {  	_ = 	snop  }
0x3b: {  	_ = 	snop  }
0x3c: {  	p2 =	seq.s32 s10, $0x1;
	s10 =	sld [smem:$0x3FB0]  }
0x3d: {  	_ =	shalt  }
0x3e: {  	_ =	shalt  }
0x3f: {  	_ =	shalt  }
0x40: {  	_ =	shalt  }
0x41: {  	_ =	shalt  }
0x42: {  	_ =	shalt  }
0x43: {  	_ =	shalt  }
0x44: {  	_ =	shalt  }
0x45: {  	_ =	shalt  }
0x46: {  	_ =	shalt  }
0x47: {  	_ =	shalt  }
0x48: {  	_ =	shalt  }
0x49: {  	_ =	shalt  }
0x4a: {  	_ =	shalt  }
0x4b: {  	_ =	shalt  }
0x4c: {  	_ =	shalt  }
0x4d: {  	_ =	shalt  }
0x4e: {  	_ =	shalt  }
0x4f: {  	_ =	shalt  }
0x50: {  	_ =	shalt  }
0x51: {  	_ =	shalt  }
0x52: {  	_ =	shalt  }
0x53: {  	_ =	shalt  }
0x54: {  	_ =	shalt  }
0x55: {  	_ =	shalt  }
0x56: {  	_ =	shalt  }
0x57: {  	_ =	shalt  }
0x58: {  	_ =	shalt  }
0x59: {  	_ =	shalt  }
0x5a: {  	_ =	shalt  }
0x5b: {  	_ =	shalt  }
0x5c: {  	_ =	shalt  }
0x5d: {  	_ =	shalt  }
0x5e: {  	_ =	shalt  }
0x5f: {  	_ =	shalt  }
0x60: {  	_ =	shalt  }
0x61: {  	_ =	shalt  }
0x62: {  	_ =	shalt  }
0x63: {  	_ =	shalt  }
0x64: {  	_ =	shalt  }
0x65: {  	_ =	shalt  }
0x66: {  	_ =	shalt  }
0x67: {  	_ =	shalt  }
0x68: {  	_ =	shalt  }
0x69: {  	_ =	shalt  }
0x6a: {  	_ =	shalt  }
0x6b: {  	_ =	shalt  }
0x6c: {  	_ =	shalt  }
0x6d: {  	_ =	shalt  }
0x6e: {  	_ =	shalt  }
0x6f: {  	_ =	shalt  }
0x70: {  	_ =	shalt  }
0x71: {  	_ =	shalt  }
0x72: {  	_ =	shalt  }
0x73: {  	_ =	shalt  }
0x74: {  	_ =	shalt  }
0x75: {  	_ =	shalt  }
0x76: {  	_ =	shalt  }
0x77: {  	_ =	shalt  }
0x78: {  	_ =	shalt  }
0x79: {  	_ =	shalt  }
0x7a: {  	_ =	shalt  }
0x7b: {  	_ =	shalt  }
0x7c: {  	_ =	shalt  }
0x7d: {  	_ =	shalt  }
0x7e: {  	_ =	shalt  }
0x7f: {  	_ =	shalt  }
0x80: {  	_ =	shalt  }
0x81: {  	_ =	shalt  }
0x82: {  	_ =	shalt  }
0x83: {  	_ =	shalt  }
0x84: {  	_ =	shalt  }
0x85: {  	_ =	shalt  }
0x86: {  	_ =	shalt  }
0x87: {  	_ =	shalt  }
.Lfunc_end0:
.L_simem_size_0:
called_computation.1_lowered:
.L_overlay_start_0:
0x88: {  	s2 =	sld [smem:$0x3FD9]  }
0x89: {  	s3 =	sld [smem:$0x3FFE];
	_ =	sdelay $0x1  }
0x8a: {  	s1 =	srdreg.scid  }
0x8b: {  	s0 =	sand.u32 $0x1, s1  }
0x8c: {  	s16 =	sshll.u32 s0, $0xA;
	s2 =	sadd.s32 s3, s2  }
0x8d: {  	s2 =	sadd.s32 s2, s16  }
0x8e: {  	[smem:$0x3FBC] =	sst s2  }
0x8f: {  	_ = 	snop  }
0x90: {  	(tm) =	ssettm $0x1  }
0x91: {  	s17 =	sld [smem:$0x3FFB];
	_ =	sdelay $0x3  }
0x92: {  	_ =	strace s17  }
0x93: {  	s2 =	sld [smem:$0x3FFC];
	_ =	sdelay $0x3  }
0x94: {  	_ =	strace s2  }
0x95: {  	s2 =	sld [smem:$0x3FFD];
	_ =	sdelay $0x3  }
0x96: {  	_ =	strace s2  }
0x97: {  	_ =	strace $0x8FFFFFFF  }
0x98: {  	s18 =	sld [smem:$0x3FDB];
	_ =	sdelay $0x1  }
0x99: {  	s19 =	simm.s32 $_scs_section_size  }
0x9a: {  	s4 =	simm.s32 $_size__tile_overlayer_lowered;
	s5 =	simm.s32 $_tile_overlayer_lowered  }
0x9b: {  	s22 =	simm.s32 $0x1BFF;
	s21 =	sshll.u32 s5, $0x1;
	s2 =	sadd.s32 s19, s18  }
0x9c: {  	s6 =	simm.s32 $0x0;
	s20 =	sshll.u32 s4, $0x1;
	s4 =	sadd.s32 s21, s2  }
0x9d: {  	[timem:s6], [sflag:s22] =	dma.local [hbm:s4], s20  }
0x9e: {  	_ =	swait.ge [sflag:s22], s20  }
0x9f: {  	s3 =	ssub.s32 $0x0, s20;
	[sflag:s22] =	ssyncset.done $0x0  }
0xa0: {  	[sflag:s22] =	ssyncadd.s32 s3;
	_ =	sdelay $0x1  }
0xa1: {  	s23 =	simm.s32 $0x1B8B  }
0xa2: {  	_ =	swait.ge [sflag:s23], $0x1  }
0xa3: {  	[sflag:s23] =	ssyncset.done $0x0  }
0xa4: {  	s25 =	simm.s32 $0x1B8E;
	s24 =	sld [smem:$0x3FFE];
	[sflag:s23] =	ssyncadd.s32 $0xFFFFFFFF  }
0xa5: {  	s26 =	simm.s32 $execute0_lowered;
	[smem:$0x3FD2] =	sst s25  }
0xa6: {  	s4 =	sshll.u32 s26, $0x1;
	_ =	strace $0x80000049;
	[dreg:$0x1] =	wrdreg $0xFFFFFFFF  }
0xa7: {  	s28 =	simm.s32 $_size_execute0_lowered;
	s2 =	sadd.s32 s2, s4;
	[dreg:$0x0] =	wrdreg $0x0  }
0xa8: {  	s4 =	sshll.u32 s28, $0x1;
	[dreg:$0x2] =	wrdreg s2  }
0xa9: {  	[dreg:$0x3] =	wrdreg s4  }
0xaa: {  	[dreg:$0x4] =	wrdreg $0xC0  }
0xab: {  	_ =	task [dreg:s6], $0x5FFFF  }
0xac: {  	[dreg:$0x1] =	wrdreg $0xFFFFFFFF  }
0xad: {  	[dreg:$0x0] =	wrdreg $0x60  }
0xae: {  	[dreg:$0x2] =	wrdreg s24  }
0xaf: {  	[dreg:$0x3] =	wrdreg $0xC6000  }
0xb0: {  	[dreg:$0x4] =	wrdreg $0x9  }
0xb1: {  	_ =	task.clear_ibuf [dreg:s6], $0x5FFFF;
	_ =	strace $0x90000049  }
0xb2: {  	s29 =	simm.s32 $0x9;
	_ =	strace $0x8000004B  }
0xb3: {  	_ =	swait.ge [sflag:s29], $0x1  }
0xb4: {  	[sflag:s29] =	ssyncadd.s32 $0xFFFFFFFF  }
0xb5: {  	_ =	strace $0x9000004B  }
0xb6: {  	_ =	sfence  }
0xb7: {  	s30 =	sld [smem:$0x0];
	_ =	sdelay $0x2  }
0xb8: {  	s31 =	sshll.u32 s1, $0xD;
	s1 =	sshrl.u32 s1, $0x2  }
0xb9: {  	s3 =	sand.u32 $0x4000, s31;
	s1 =	sadd.s32 s1, s30  }
0xba: {  	s0 =	sor.u32 s3, s0;
	s1 =	sshll.u32 s1, $0x11  }
0xbb: {  	s0 =	sor.u32 s1, s0  }
0xbc: {  	s0 =	sadd.s32 $0x8F2B, s0  }
0xbd: {  	[sflag:s0] =	ssyncadd.remote.s32 $0x1  }
0xbe: {  	_ =	sfence.sel $0xFFFF  }
0xbf: {  	[dreg:$0x0] =	wrdreg $0xFFFFFFFF;
	(pc) =	sbr.abs _section_cstart, $3  }
0xc0: {  	[dreg:$0x1] =	wrdreg $0xFFFFFFFF  }
0xc1: {  	_ =	task.clear_ibuf [dreg:s6], $0x2FFFF;
	_ =	strace $0x9FFFFFFF  }
0xc2: {  	(tm) =	ssettm $0x7FFFFFFF  }
0xc3: {  	_ =	shalt  }
tec
execute0_lowered:
.L_overlay_start_1:
0x0: {  	(tag) =	ssettag $0x1  }
0x1: {  	s0 =	rddreg [dreg:$0x0]  }
0x2: {  	s1 =	rddreg [dreg:$0x1]  }
0x3: {  	s2 =	srdreg.scid;
	s3 =	simm.s32 $0x0;
	s14 =	stileid.u32  }
0x4: {  	s28 =	simm.s32 $0x2700;
	s29 =	simm.s32 $0x30;
	s30 =	simm.s32 $0x2900  }
0x5: {  	s31 =	simm.s32 $0x38;
	s2 =	sand.u32 $0x1, s2;
	[smem:$0x7FF] =	sst s3  }
0x6: {  	s9 =	sadd.s32 $0x2800, s0;
	s10 =	smul.u32 $0x4E000, s14;
	s24 =	sshll.u32 s14, $0x3  }
0x7: {  	s25 =	sadd.s32 $0x138000, s1;
	p1 =	sne.s32 s14, $0xF;
	s12 =	smul.u32 $0x138800, s2  }
0x8: {  	s4 =	sshll.u32 s2, $0x4;
	_ =	strace $0x8000004A;
	s13 =	smul.u32 $0x27100, s2  }
0x9: {  	s6 =	ssub.s32 $0x2, s2;
	s2 =	smul.u32 $0x27000, s2;
	[dreg:$0xc] =	wrdreg s25  }
0xa: {  	s5 =	sor.u32 s14, s4;
	s4 =	sadd.s32 $0x16200, s0;
	s7 =	sshrl.u32 s6, $0x1  }
0xb: {  	s0 =	sadd.s32 $0x3D400, s0;
	s10 =	sshrl.u32 s10, $0x2;
	s8 =	smul.u32 $0x2700, s5  }
0xc: {  	s6 =	ssub.s32 s6, s7;
	s23 =	sadd.s32 s10, s1;
	s10 =	smul.u32 $0x2700, s14  }
0xd: {  	s12 =	sshrl.u32 s12, $0x3;
	s18 =	sadd.s32 $0x3400, s23;
	[dreg:$0x5] =	wrdreg s23  }
0xe: {  	p0 =	sgt.u32 s5, $0x7;
	s19 =	sadd.s32 $0x6800, s23;
	[dreg:$0x7] =	wrdreg s18  }
0xf: {  	s5 =	simm.s32 $0x4;
	s20 =	sadd.s32 $0x9C00, s23;
	[dreg:$0x8] =	wrdreg s19  }
0x10: {  	s21 =	sadd.s32 $0xD000, s23;
	s22 =	sadd.s32 $0x10400, s23;
	[dreg:$0x9] =	wrdreg s20  }
0x11: {  	s6 =	smax.u32 s6, $0x1;
	s15 =	sshrl.u32 s8, $0x3;
	[dreg:$0xa] =	wrdreg s21  }
0x12: {  	s16 =	sadd.s32 $0x4E268, s8;
	[dreg:$0xb] =	wrdreg s22;
	s18 =	sadd.s32 $0x4E338, s8  }
0x13: {  	[dreg:$0x11] =	wrdreg s6;
	s2 =	sadd.s32 s10, s2;
	s8 =	simm.s32 $0x5D00  }
0x14: {  	s15 =	sadd.s32 s9, s15;
	s17 =	sshrl.u32 s16, $0x3;
	s16 =	sadd.s32 s10, s13  }
0x15: {  	s19 =	sadd.s32 $0x4E470, s2;
	s20 =	sadd.s32 $0x4E4D8, s2;
	s2 =	sadd.s32 $0x4E408, s2  }
0x16: {  	s10 =	simm.s32 $0x9100;
	s13 =	simm.s32 $0x5;
	s11 =	sadd.s32 $0x9C40, s15  }
0x17: {  	s7 =	sadd.s32 s9, s17;
	s6 =	sshrl.u32 s20, $0x3;
	[dreg:$0x3] =	wrdreg s15  }
0x18: {  	s22 =	sshrl.u32 s2, $0x3;
	s2 =	simm.s32 $0x2780;
	[dreg:$0x4] =	wrdreg s11  }
0x19: {  	s20 =	simm.s32 $0x7;
	[dreg:$0x6] =	wrdreg s7;
	s21 =	sadd.s32 s6, s9  }
0x1a: {  	s11 =	sadd.s32 s24, s9;
	s24 =	sadd.s32 $0x9C5A, s15;
	[dreg:$0x14] =	wrdreg s21  }
0x1b: {  	s6 =	simm.s32 $0x68;
	s26 =	sadd.s32 $0x9C00, s11;
	[dreg:$0x16] =	wrdreg s24  }
0x1c: {  	s11 =	sadd.s32 $0x13840, s11;
	s21 =	simm.s32 $0x9;
	[dreg:$0xd] =	wrdreg s26  }
0x1d: {  	s24 =	simm.s32 $0x0;
	[dreg:$0xe] =	wrdreg s11;
	s11 =	sadd.s32 s0, s12  }
0x1e: {  	s0 =	sadd.s32 s0, s16;
	s26 =	sadd.s32 $0x9C74, s15;
	s12 =	simm.s32 $0x2  }
0x1f: {  	s15 =	simm.s32 $0x2800;
	s16 =	simm.s32 $0xA900;
	[dreg:$0xf] =	wrdreg s0  }
0x20: {  	s17 =	sadd.s32 $0x27000, s11;
	s0 =	sshrl.u32 s18, $0x3;
	[dreg:$0x17] =	wrdreg s26  }
.Ltmp0:
0x21: {  	s11 =	simm.s32 $0xA;
	s0 =	sadd.s32 s9, s0;
	(pc) =	sbr.rel .LBB2_1-.Ltmp0, $4  }
0x22: {  	s18 =	simm.s32 $0x6;
	[dreg:$0x12] =	wrdreg s0;
	s0 =	sshrl.u32 s19, $0x3  }
0x23: {  	[dreg:$0x10] =	wrdreg s17;
	s17 =	simm.s32 $0x3;
	s0 =	sadd.s32 s0, s9  }
0x24: {  	s19 =	simm.s32 $0x8;
	[dreg:$0x13] =	wrdreg s0;
	s0 =	sadd.s32 s22, s9  }
0x25: {  	v0 =	vimm.f32 $0.0e+00;
	s9 =	simm.s32 $0x7500;
	[dreg:$0x15] =	wrdreg s0;
	s0 =	simm.s32 $0x4100  }
.LBB2_6:
0x26: {  	_ =	swait.ge [sflag:s5], $0x3400  }
0x27: {  	[sflag:s5] =	ssyncset.done $0x0  }
0x28: {  	[sflag:s5] =	ssyncadd.s32 $0xFFFFCC00  }
0x29: {  	_ =	swait.ge [sflag:s20], $0x68  }
0x2a: {  	[sflag:s20] =	ssyncset.done $0x0  }
0x2b: {  	[sflag:s20] =	ssyncadd.s32 $0xFFFFFF98  }
0x2c: {  	[spmem:s1] =	stream.indirect.scatter.add.f32 [tilespmem:s10], [sflag:$0xA], $0x80, s15, s6, $0xb8;
	[tilespmem:$0x1FE80] =	vst v63  }
0x2d: {  	_ =	swait.ge [sflag:s21], $0x3400  }
0x2e: {  	[sflag:s21] =	ssyncset.done $0x0  }
0x2f: {  	[sflag:s21] =	ssyncadd.s32 $0xFFFFCC00  }
0x30: {  	_ =	swait.ge [sflag:s11], $0x3400  }
0x31: {  	s7 =	simm.s32 @!p0 $0x0;
	[sflag:s11] =	ssyncset.done $0x0  }
0x32: {  	s14 =	simm.s32 @!p0 $0xC500;
	s22 =	rddreg [dreg:$0xd];
	[sflag:s11] =	ssyncadd.s32 $0xFFFFCC00  }
0x33: {  	[tilespmem:s14], [sflag:$0xB] =	stream.linear.gather @!p0 [hbm4b:s22+s7], $0x40, $0x38;
	[tilespmem:$0x1FE80] =	vst v63  }
0x34: {  	s22 =	simm.s32 @!p0 $0xB  }
0x35: {  	_ =	swait.ge @!p0 [sflag:s22], $0x40  }
0x36: {  	[sflag:s22] =	ssyncset.done @!p0 $0x0  }
0x37: {  	s23 =	simm.s32 @!p0 $0xC580;
	s25 =	rddreg [dreg:$0xe];
	[sflag:s22] =	ssyncadd.s32 @!p0 $0xFFFFFFC0  }
0x38: {  	[tilespmem:s23], [sflag:$0xB] =	stream.linear.gather @!p0 [hbm4b:s25+s7], $0x40, $0x38;
	[tilespmem:$0x1FE80] =	vst v63  }
0x39: {  	_ =	swait.ge @!p0 [sflag:s22], $0x40  }
0x3a: {  	[sflag:s22] =	ssyncset.done @!p0 $0x0  }
0x3b: {  	s7 =	simm.s32 @!p0 $0x40;
	s25 =	simm.s32 @!p0 $0x2900;
	[sflag:s22] =	ssyncadd.s32 @!p0 $0xFFFFFFC0  }
0x3c: {  	[tilespmem:s25], [sflag:$0x2] =	stream.indirect.gather @!p0 [hbm4b:s4+s7], $0x80, s14, s7, $0xb8;
	[tilespmem:$0x1FE80] =	vst v63  }
0x3d: {  	s14 =	simm.s32 @!p0 $0x2  }
0x3e: {  	_ =	swait.ge @!p0 [sflag:s14], $0x2000  }
0x3f: {  	[sflag:s14] =	ssyncset.done @!p0 $0x0  }
0x40: {  	[sflag:s14] =	ssyncadd.s32 @!p0 $0xFFFFE000  }
0x41: {  	[spmem:s1] =	stream.indirect.scatter.add.f32 @!p0 [tilespmem:s25], [sflag:$0xB], $0x80, s23, s7, $0xb8;
	[tilespmem:$0x1FE80] =	vst v63  }
0x42: {  	_ =	swait.ge @!p0 [sflag:s22], $0x2000  }
0x43: {  	[sflag:s22] =	ssyncset.done @!p0 $0x0  }
0x44: {  	[sflag:s22] =	ssyncadd.s32 @!p0 $0xFFFFE000  }
0x45: {  	s23 =	stileid.u32;
	[bflag:$0x0] =	sbarrier.arrive $0xFFFF  }
0x46: {  	s7 =	sshll.u32 s23, $0x6;
	s23 =	rddreg [dreg:$0x5]  }
0x47: {  	s7 =	sor.u32 $0x1C0B, s7;
	s26 =	rddreg [dreg:$0xf];
	s25 =	sshrl.u32 s23, $0x3  }
0x48: {  	[hbm:s26], [sflag:s7] =	dma.local [spmem:s25], $0x2700  }
0x49: {  	s25 =	simm.s32 $0xB  }
0x4a: {  	_ =	swait.ge [sflag:s25], $0x2700  }
0x4b: {  	[sflag:s25] =	ssyncset.done $0x0  }
0x4c: {  	[sflag:s25] =	ssyncadd.s32 $0xFFFFD900;
	s25 =	rddreg [dreg:$0xc]  }
0x4d: {  	s22 =	rddreg [dreg:$0x10];
	s14 =	sshrl.u32 @!p1 s25, $0x3  }
0x4e: {  	[hbm:s22], [sflag:s7] =	dma.local @!p1 [spmem:s14], $0x100  }
0x4f: {  	s7 =	simm.s32 @!p1 $0xB  }
0x50: {  	_ =	swait.ge @!p1 [sflag:s7], $0x100  }
0x51: {  	s24 =	sadd.s32 $0x1, s24;
	s26 =	rddreg [dreg:$0x11]  }
0x52: {  	p2 =	sne.s32 s24, s26  }
.Ltmp1:
0x53: {  	_ = 	snop;
	(pc) =	sbr.rel @!p2 .LBB2_7-.Ltmp1, $3  }
0x54: {  	_ =	sdelay $0x1  }
0x55: {  	[sflag:s7] =	ssyncset.done @!p1 $0x0  }
0x56: {  	[sflag:s7] =	ssyncadd.s32 @!p1 $0xFFFFFF00  }
.LBB2_1:
0x57: {  	s7 =	rddreg [dreg:$0x3];
	s14 =	simm.s32 $0x0;
	s22 =	simm.s32 $0x200  }
0x58: {  	[tilespmem:s3], [sflag:$0x1] =	stream.linear.gather [hbm4b:s7+s3], $0x2700, $0x38;
	[tilespmem:$0x1FE80] =	vst v63  }
.LBB2_2:
0x59: {  	p2 =	sne.s32 s22, $0xCE00;
	[tilespmem:s14+$0x9170] =	vst v0  }
0x5a: {  	[tilespmem:s14+$0x9100] =	vst v0  }
0x5b: {  	[tilespmem:s14+$0x9110] =	vst v0  }
.Ltmp2:
0x5c: {  	[tilespmem:s14+$0x9120] =	vst v0;
	(pc) =	sbr.rel @p2 .LBB2_2-.Ltmp2, $4  }
0x5d: {  	[tilespmem:s14+$0x9130] =	vst v0  }
0x5e: {  	[tilespmem:s14+$0x9140] =	vst v0  }
0x5f: {  	[tilespmem:s14+$0x9150] =	vst v0  }
0x60: {  	[tilespmem:s14+$0x9160] =	vst v0;
	s14 =	sshra.s32 s22, $0x2;
	s22 =	sadd.s32 $0x200, s22  }
0x61: {  	[tilespmem:s14+$0x9170] =	vst v0  }
0x62: {  	[tilespmem:s14+$0x9100] =	vst v0  }
0x63: {  	[tilespmem:s14+$0x9110] =	vst v0  }
0x64: {  	[tilespmem:s14+$0x9120] =	vst v0  }
0x65: {  	[tilespmem:s14+$0x9130] =	vst v0  }
0x66: {  	[tilespmem:s14+$0x9140] =	vst v0  }
0x67: {  	[tilespmem:s14+$0x9150] =	vst v0  }
0x68: {  	[tilespmem:s14+$0x9160] =	vst v0;
	s7 =	simm.s32 $0x1  }
0x69: {  	_ =	swait.ge [sflag:s7], $0x2700  }
0x6a: {  	[sflag:s7] =	ssyncset.done $0x0  }
0x6b: {  	s26 =	rddreg [dreg:$0x4];
	[sflag:s7] =	ssyncadd.s32 $0xFFFFD900  }
0x6c: {  	[tilespmem:s28], [sflag:$0x5] =	stream.linear.gather [hbm4b:s26+s3], $0x68, $0x38;
	[tilespmem:$0x1FE80] =	vst v63  }
0x6d: {  	_ = 	snop  }
0x6e: {  	[tilespmem:s30], [sflag:$0x2] =	stream.indirect.gather [hbm4b:s4+s29], $0x80, s3, s29, $0xb8;
	[tilespmem:$0x1FE80] =	vst v63  }
0x6f: {  	_ = 	snop  }
0x70: {  	[tilespmem:s0], [sflag:$0x2] =	stream.indirect.gather [hbm4b:s4+s31], $0x80, s29, s31, $0xb8;
	[tilespmem:$0x1FE80] =	vst v63  }
0x71: {  	s14 =	rddreg [dreg:$0x6]  }
0x72: {  	[tilespmem:s2], [sflag:$0x6] =	stream.linear.gather [hbm4b:s14+s3], $0x68, $0x38;
	[tilespmem:$0x1FE80] =	vst v63  }
0x73: {  	_ = 	snop  }
0x74: {  	[tilespmem:s8], [sflag:$0x3] =	stream.indirect.gather [hbm4b:s4+s29], $0x80, s6, s29, $0xb8;
	[tilespmem:$0x1FE80] =	vst v63  }
0x75: {  	s22 =	simm.s32 $0x98  }
0x76: {  	[tilespmem:s9], [sflag:$0x3] =	stream.indirect.gather [hbm4b:s4+s31], $0x80, s22, s31, $0xb8;
	[tilespmem:$0x1FE80] =	vst v63  }
0x77: {  	_ = 	snop  }
0x78: {  	[spmem:s23] =	stream.linear.scatter [tilespmem:s10], [sflag:$0xA], $0x3400, $0x38;
	[tilespmem:$0x1FE80] =	vst v63  }
0x79: {  	s23 =	rddreg [dreg:$0x7]  }
0x7a: {  	[spmem:s23] =	stream.linear.scatter [tilespmem:s10], [sflag:$0xA], $0x3400, $0x38;
	[tilespmem:$0x1FE80] =	vst v63  }
0x7b: {  	s26 =	rddreg [dreg:$0x8]  }
0x7c: {  	[spmem:s26] =	stream.linear.scatter [tilespmem:s10], [sflag:$0xA], $0x3400, $0x38;
	[tilespmem:$0x1FE80] =	vst v63  }
0x7d: {  	s14 =	rddreg [dreg:$0x9]  }
0x7e: {  	[spmem:s14] =	stream.linear.scatter [tilespmem:s10], [sflag:$0xA], $0x3400, $0x38;
	[tilespmem:$0x1FE80] =	vst v63  }
0x7f: {  	s22 =	rddreg [dreg:$0xa]  }
0x80: {  	[spmem:s22] =	stream.linear.scatter [tilespmem:s10], [sflag:$0xA], $0x3400, $0x38;
	[tilespmem:$0x1FE80] =	vst v63  }
0x81: {  	s23 =	rddreg [dreg:$0xb]  }
0x82: {  	[spmem:s23] =	stream.linear.scatter [tilespmem:s10], [sflag:$0xA], $0x3400, $0x38;
	[tilespmem:$0x1FE80] =	vst v63  }
0x83: {  	s14 =	simm.s32 @!p1 $0x9100  }
0x84: {  	[spmem:s25] =	stream.linear.scatter @!p1 [tilespmem:s14], [sflag:$0xA], $0x800, $0x38;
	[tilespmem:$0x1FE80] =	vst v63  }
0x85: {  	_ =	swait.ge [sflag:s11], $0x3400  }
0x86: {  	[sflag:s11] =	ssyncset.done $0x0  }
0x87: {  	[sflag:s11] =	ssyncadd.s32 $0xFFFFCC00  }
0x88: {  	_ =	swait.ge [sflag:s11], $0x3400  }
0x89: {  	[sflag:s11] =	ssyncset.done $0x0  }
0x8a: {  	[sflag:s11] =	ssyncadd.s32 $0xFFFFCC00  }
0x8b: {  	_ =	swait.ge [sflag:s11], $0x3400  }
0x8c: {  	[sflag:s11] =	ssyncset.done $0x0  }
0x8d: {  	[sflag:s11] =	ssyncadd.s32 $0xFFFFCC00  }
0x8e: {  	_ =	swait.ge [sflag:s11], $0x3400  }
0x8f: {  	[sflag:s11] =	ssyncset.done $0x0  }
0x90: {  	[sflag:s11] =	ssyncadd.s32 $0xFFFFCC00  }
0x91: {  	_ =	swait.ge [sflag:s11], $0x3400  }
0x92: {  	[sflag:s11] =	ssyncset.done $0x0  }
0x93: {  	[sflag:s11] =	ssyncadd.s32 $0xFFFFCC00  }
0x94: {  	_ =	swait.ge [sflag:s11], $0x3400  }
0x95: {  	[sflag:s11] =	ssyncset.done $0x0  }
0x96: {  	s14 =	simm.s32 @!p1 $0xA;
	[sflag:s11] =	ssyncadd.s32 $0xFFFFCC00  }
0x97: {  	_ =	swait.ge @!p1 [sflag:s14], $0x800  }
0x98: {  	[sflag:s14] =	ssyncset.done @!p1 $0x0  }
0x99: {  	[sflag:s14] =	ssyncadd.s32 @!p1 $0xFFFFF800  }
0x9a: {  	[bflag:$0x0] =	sbarrier.arrive $0xFFFF  }
0x9b: {  	_ =	swait.ge [sflag:s12], $0x3400  }
0x9c: {  	[sflag:s12] =	ssyncset.done $0x0  }
0x9d: {  	[sflag:s12] =	ssyncadd.s32 $0xFFFFCC00  }
0x9e: {  	_ =	swait.ge [sflag:s13], $0x68  }
0x9f: {  	[sflag:s13] =	ssyncset.done $0x0  }
0xa0: {  	[sflag:s13] =	ssyncadd.s32 $0xFFFFFF98  }
0xa1: {  	[spmem:s1] =	stream.indirect.scatter.add.f32 [tilespmem:s30], [sflag:$0x8], $0x80, s28, s6, $0xb8;
	[tilespmem:$0x1FE80] =	vst v63  }
0xa2: {  	s23 =	simm.s32 $0x0;
	s26 =	rddreg [dreg:$0x16]  }
0xa3: {  	[tilespmem:s15], [sflag:$0x7] =	stream.linear.gather [hbm4b:s26+s23], $0x68, $0x38;
	[tilespmem:$0x1FE80] =	vst v63  }
0xa4: {  	s14 =	simm.s32 $0xD0  }
0xa5: {  	[tilespmem:s10], [sflag:$0x4] =	stream.indirect.gather [hbm4b:s4+s29], $0x80, s14, s29, $0xb8;
	[tilespmem:$0x1FE80] =	vst v63  }
0xa6: {  	s22 =	simm.s32 $0x100  }
0xa7: {  	[tilespmem:s16], [sflag:$0x4] =	stream.indirect.gather [hbm4b:s4+s31], $0x80, s22, s31, $0xb8;
	[tilespmem:$0x1FE80] =	vst v63  }
0xa8: {  	_ =	swait.ge [sflag:s17], $0x3400  }
0xa9: {  	[sflag:s17] =	ssyncset.done $0x0  }
0xaa: {  	[sflag:s17] =	ssyncadd.s32 $0xFFFFCC00  }
0xab: {  	_ =	swait.ge [sflag:s18], $0x68  }
0xac: {  	[sflag:s18] =	ssyncset.done $0x0  }
0xad: {  	[sflag:s18] =	ssyncadd.s32 $0xFFFFFF98  }
0xae: {  	[spmem:s1] =	stream.indirect.scatter.add.f32 [tilespmem:s8], [sflag:$0x9], $0x80, s2, s6, $0xb8;
	[tilespmem:$0x1FE80] =	vst v63  }
0xaf: {  	_ =	swait.ge [sflag:s19], $0x3400  }
0xb0: {  	[sflag:s19] =	ssyncset.done $0x0  }
0xb1: {  	s25 =	rddreg [dreg:$0x12];
	[sflag:s19] =	ssyncadd.s32 $0xFFFFCC00  }
0xb2: {  	[tilespmem:s28], [sflag:$0x5] =	stream.linear.gather [hbm4b:s25+s23], $0x68, $0x38;
	[tilespmem:$0x1FE80] =	vst v63  }
0xb3: {  	s26 =	simm.s32 $0x138  }
0xb4: {  	[tilespmem:s30], [sflag:$0x2] =	stream.indirect.gather [hbm4b:s4+s29], $0x80, s26, s29, $0xb8;
	[tilespmem:$0x1FE80] =	vst v63  }
0xb5: {  	s14 =	simm.s32 $0x168  }
0xb6: {  	[tilespmem:s0], [sflag:$0x2] =	stream.indirect.gather [hbm4b:s4+s31], $0x80, s14, s31, $0xb8;
	[tilespmem:$0x1FE80] =	vst v63  }
0xb7: {  	_ =	swait.ge [sflag:s5], $0x3400  }
0xb8: {  	[sflag:s5] =	ssyncset.done $0x0  }
0xb9: {  	[sflag:s5] =	ssyncadd.s32 $0xFFFFCC00  }
0xba: {  	_ =	swait.ge [sflag:s20], $0x68  }
0xbb: {  	[sflag:s20] =	ssyncset.done $0x0  }
0xbc: {  	[sflag:s20] =	ssyncadd.s32 $0xFFFFFF98  }
0xbd: {  	[spmem:s1] =	stream.indirect.scatter.add.f32 [tilespmem:s10], [sflag:$0xA], $0x80, s15, s6, $0xb8;
	[tilespmem:$0x1FE80] =	vst v63  }
0xbe: {  	_ =	swait.ge [sflag:s21], $0x3400  }
0xbf: {  	[sflag:s21] =	ssyncset.done $0x0  }
0xc0: {  	s22 =	rddreg [dreg:$0x17];
	[sflag:s21] =	ssyncadd.s32 $0xFFFFCC00  }
0xc1: {  	[tilespmem:s2], [sflag:$0x6] =	stream.linear.gather [hbm4b:s22+s23], $0x68, $0x38;
	[tilespmem:$0x1FE80] =	vst v63  }
0xc2: {  	s25 =	simm.s32 $0x1A0;
	s22 =	rddreg [dreg:$0x13]  }
0xc3: {  	[tilespmem:s8], [sflag:$0x3] =	stream.indirect.gather [hbm4b:s4+s29], $0x80, s25, s29, $0xb8;
	[tilespmem:$0x1FE80] =	vst v63  }
0xc4: {  	s26 =	simm.s32 $0x1D0;
	s25 =	rddreg [dreg:$0x15]  }
0xc5: {  	[tilespmem:s9], [sflag:$0x3] =	stream.indirect.gather [hbm4b:s4+s31], $0x80, s26, s31, $0xb8;
	[tilespmem:$0x1FE80] =	vst v63  }
0xc6: {  	s26 =	rddreg [dreg:$0x14]  }
.LBB2_4:
0xc7: {  	_ =	swait.ge [sflag:s12], $0x3400  }
0xc8: {  	[sflag:s12] =	ssyncset.done $0x0  }
0xc9: {  	[sflag:s12] =	ssyncadd.s32 $0xFFFFCC00  }
0xca: {  	_ =	swait.ge [sflag:s13], $0x68  }
0xcb: {  	[sflag:s13] =	ssyncset.done $0x0  }
0xcc: {  	[sflag:s13] =	ssyncadd.s32 $0xFFFFFF98  }
0xcd: {  	[spmem:s1] =	stream.indirect.scatter.add.f32 [tilespmem:s30], [sflag:$0x8], $0x80, s28, s6, $0xb8;
	[tilespmem:$0x1FE80] =	vst v63  }
0xce: {  	_ =	swait.ge [sflag:s11], $0x3400  }
0xcf: {  	[sflag:s11] =	ssyncset.done $0x0  }
0xd0: {  	s14 =	sshra.s32 s23, $0x2;
	[sflag:s11] =	ssyncadd.s32 $0xFFFFCC00  }
0xd1: {  	[tilespmem:s15], [sflag:$0x7] =	stream.linear.gather [hbm4b:s25+s3], $0x68, $0x38;
	[tilespmem:$0x1FE80] =	vst v63  }
0xd2: {  	s7 =	sadd.s32 $0x208, s14  }
0xd3: {  	[tilespmem:s10], [sflag:$0x4] =	stream.indirect.gather [hbm4b:s4+s29], $0x80, s7, s29, $0xb8;
	[tilespmem:$0x1FE80] =	vst v63  }
0xd4: {  	s7 =	sadd.s32 $0x238, s14  }
0xd5: {  	[tilespmem:s16], [sflag:$0x4] =	stream.indirect.gather [hbm4b:s4+s31], $0x80, s7, s31, $0xb8;
	[tilespmem:$0x1FE80] =	vst v63  }
0xd6: {  	_ =	swait.ge [sflag:s17], $0x3400  }
0xd7: {  	[sflag:s17] =	ssyncset.done $0x0  }
0xd8: {  	[sflag:s17] =	ssyncadd.s32 $0xFFFFCC00  }
0xd9: {  	_ =	swait.ge [sflag:s18], $0x68  }
0xda: {  	p2 =	seq.s32 s23, $0x9240;
	[sflag:s18] =	ssyncset.done $0x0  }
.Ltmp3:
0xdb: {  	[sflag:s18] =	ssyncadd.s32 $0xFFFFFF98;
	(pc) =	sbr.rel @p2 .LBB2_6-.Ltmp3, $4  }
0xdc: {  	[spmem:s1] =	stream.indirect.scatter.add.f32 [tilespmem:s8], [sflag:$0x9], $0x80, s2, s6, $0xb8;
	[tilespmem:$0x1FE80] =	vst v63  }
0xdd: {  	_ =	swait.ge [sflag:s19], $0x3400  }
0xde: {  	[sflag:s19] =	ssyncset.done $0x0  }
0xdf: {  	[sflag:s19] =	ssyncadd.s32 $0xFFFFCC00  }
0xe0: {  	[tilespmem:s28], [sflag:$0x5] =	stream.linear.gather [hbm4b:s22+s3], $0x68, $0x38;
	[tilespmem:$0x1FE80] =	vst v63  }
0xe1: {  	s7 =	sadd.s32 $0x270, s14  }
0xe2: {  	[tilespmem:s30], [sflag:$0x2] =	stream.indirect.gather [hbm4b:s4+s29], $0x80, s7, s29, $0xb8;
	[tilespmem:$0x1FE80] =	vst v63  }
0xe3: {  	s7 =	sadd.s32 $0x2A0, s14  }
0xe4: {  	[tilespmem:s0], [sflag:$0x2] =	stream.indirect.gather [hbm4b:s4+s31], $0x80, s7, s31, $0xb8;
	[tilespmem:$0x1FE80] =	vst v63  }
0xe5: {  	_ =	swait.ge [sflag:s5], $0x3400  }
0xe6: {  	[sflag:s5] =	ssyncset.done $0x0  }
0xe7: {  	[sflag:s5] =	ssyncadd.s32 $0xFFFFCC00  }
0xe8: {  	_ =	swait.ge [sflag:s20], $0x68  }
0xe9: {  	[sflag:s20] =	ssyncset.done $0x0  }
0xea: {  	[sflag:s20] =	ssyncadd.s32 $0xFFFFFF98  }
0xeb: {  	[spmem:s1] =	stream.indirect.scatter.add.f32 [tilespmem:s10], [sflag:$0xA], $0x80, s15, s6, $0xb8;
	[tilespmem:$0x1FE80] =	vst v63  }
0xec: {  	_ =	swait.ge [sflag:s21], $0x3400  }
0xed: {  	[sflag:s21] =	ssyncset.done $0x0  }
0xee: {  	[sflag:s21] =	ssyncadd.s32 $0xFFFFCC00  }
0xef: {  	[tilespmem:s2], [sflag:$0x6] =	stream.linear.gather [hbm4b:s26+s3], $0x68, $0x38;
	[tilespmem:$0x1FE80] =	vst v63  }
.Ltmp4:
0xf0: {  	_ = 	snop;
	(pc) =	sbr.rel .LBB2_4-.Ltmp4, $4  }
0xf1: {  	s23 =	sadd.s32 $0x4E0, s23;
	s22 =	sadd.s32 $0x27, s22;
	s7 =	sadd.s32 $0x2D8, s14  }
0xf2: {  	[tilespmem:s8], [sflag:$0x3] =	stream.indirect.gather [hbm4b:s4+s29], $0x80, s7, s29, $0xb8;
	[tilespmem:$0x1FE80] =	vst v63  }
0xf3: {  	s25 =	sadd.s32 $0x27, s25;
	s14 =	sadd.s32 $0x308, s14;
	s26 =	sadd.s32 $0x27, s26  }
0xf4: {  	[tilespmem:s9], [sflag:$0x3] =	stream.indirect.gather [hbm4b:s4+s31], $0x80, s14, s31, $0xb8;
	[tilespmem:$0x1FE80] =	vst v63  }
.LBB2_7:
0xf5: {  	_ =	sfence.sel $0x180000  }
0xf6: {  	[bflag:$0x0] =	sbarrier.arrive $0xFFFF  }
0xf7: {  	_ =	strace $0x9000004A  }
0xf8: {  	s0 =	stileid.u32;
	[bflag:$0x2] =	sbarrier.arrive $0xFFFF  }
0xf9: {  	p0 =	sne.s32 s0, $0x0;
	s0 =	rddreg [dreg:$0x2]  }
0xfa: {  	s0 =	sadd.s32 @!p0 $0x100000, s0  }
0xfb: {  	[sflag:s0] =	ssyncadd.tile.s32 @!p0 $0x1;
	_ =	shalt  }
.Lfunc_end2:
_tile_overlayer_lowered:
.L_overlay_start_2:
0xfc: {  	(tag) =	ssettag $0x2  }
0xfd: {  	s0 =	rddreg [dreg:$0x0];
	s2 =	stileid.u32  }
0xfe: {  	s1 =	rddreg [dreg:$0x1];
	p0 =	sne.s32 s2, $0x0  }
0xff: {  	s3 =	rddreg [dreg:$0x2];
	[bflag:$0x3] =	sbarrier.arrive $0xFFFF;
	s2 =	simm.s32 @!p0 $0x1C0B  }
0x100: {  	[timem:s3], [sflag:s2] =	dma.local @!p0 [hbm:s0], s1  }
0x101: {  	s0 =	simm.s32 @!p0 $0xB  }
0x102: {  	_ =	swait.ge @!p0 [sflag:s0], s1  }
0x103: {  	s1 =	ssub.s32 @!p0 $0x0, s1;
	[sflag:s0] =	ssyncset.done @!p0 $0x0  }
0x104: {  	[sflag:s0] =	ssyncadd.s32 @!p0 s1  }
0x105: {  	[bflag:$0x3] =	sbarrier.arrive $0xFFFF  }
0x106: {  	_ =	shalt  }

</sc_bundles>
